<compile_context>
chip_gen: v7x
topology: tpu7x:2x2x1
jax: 0.10.2.dev20260603
libtpu: 0.0.44.dev20260713+nightly
codegen_flags: <defaults>
</compile_context>

<pallas_src>
import jax
import jax.numpy as jnp
from jax import lax
from jax.experimental import pallas as pl
from jax.experimental.pallas import tpu as pltpu
from jax.experimental.pallas import tpu_sc as plsc

_BN_EPS = 1e-3
_NUM_CORES = 2
_NUM_SUBCORES = 16
_NW = _NUM_CORES * _NUM_SUBCORES
_BATCH = 16384
_DIM = 32
_TROWS = 8
_BPW = _BATCH // _NW
_GROUP = 16
_NGROUP = _BPW // _GROUP


def _sc_body(users_hbm, items_hbm, user_table, item_table, params_hbm,
             out_hbm, sub_u, sub_i,
             u_tiles, i_tiles, pv, out_v, sem_a, sem_b):
    wid = lax.axis_index("s") * _NUM_CORES + lax.axis_index("c")
    base = wid * _BPW

    pltpu.sync_copy(params_hbm, pv)
    pltpu.sync_copy(users_hbm.at[pl.ds(base, _BPW)], sub_u)
    pltpu.sync_copy(items_hbm.at[pl.ds(base, _BPW)], sub_i)

    def fire(g, par, sem):
        vu = sub_u[pl.ds(g * _GROUP, _GROUP)] >> 3
        vi = sub_i[pl.ds(g * _GROUP, _GROUP)] >> 3
        for j in range(_GROUP):
            pltpu.async_copy(user_table.at[vu[j]], u_tiles.at[par, j], sem)
            pltpu.async_copy(item_table.at[vi[j]], i_tiles.at[par, j], sem)

    def drain(par, sem):
        pltpu.make_async_copy(user_table.at[pl.ds(0, _GROUP)],
                              u_tiles.at[par], sem).wait()
        pltpu.make_async_copy(item_table.at[pl.ds(0, _GROUP)],
                              i_tiles.at[par], sem).wait()



    a_lo = pv[pl.ds(0, 16)]
    a_hi = pv[pl.ds(16, 16)]
    b_lo = pv[pl.ds(32, 16)]
    b_hi = pv[pl.ds(48, 16)]
    c_lo = pv[pl.ds(64, 16)]
    c_hi = pv[pl.ds(80, 16)]
    d_vec = pv[pl.ds(96, 16)]
    lanes = lax.iota(jnp.int32, 16)
    brev = (((lanes & 1) << 3) | ((lanes & 2) << 1)
            | ((lanes & 4) >> 1) | ((lanes & 8) >> 3))

    def perm(v, idx):
        return v.at[idx].get(mode="promise_in_bounds")

    def combine(a, b, x):
        m = (lanes & x) == 0
        return (jnp.where(m, a, perm(b, lanes ^ x))
                + jnp.where(m, perm(a, lanes ^ x), b))

    fire(0, 0, sem_a)

    def group_body(g, carry):
        par = lax.rem(g, 2)

        @pl.when(g + 1 < _NGROUP)
        def _prefetch():
            @pl.when(par == 0)
            def _():
                fire(g + 1, 1, sem_b)

            @pl.when(par == 1)
            def _():
                fire(g + 1, 0, sem_a)

        @pl.when(par == 0)
        def _():
            drain(0, sem_a)

        @pl.when(par == 1)
        def _():
            drain(1, sem_b)

        vs = []
        vsu = sub_u[pl.ds(g * _GROUP, _GROUP)] & 7
        vsi = sub_i[pl.ds(g * _GROUP, _GROUP)] & 7
        for j in range(_GROUP):
            su = vsu[j]
            si = vsi[j]
            u0 = u_tiles[par, j, su, pl.ds(0, 16)]
            u1 = u_tiles[par, j, su, pl.ds(16, 16)]
            i0 = i_tiles[par, j, si, pl.ds(0, 16)]
            i1 = i_tiles[par, j, si, pl.ds(16, 16)]
            vs.append(a_lo * u0 * i0 + b_lo * u0 + c_lo * i0
                      + a_hi * u1 * i1 + b_hi * u1 + c_hi * i1)
        for x in (8, 4, 2, 1):
            vs = [combine(vs[2 * m], vs[2 * m + 1], x)
                  for m in range(len(vs) // 2)]
        out_v[pl.ds(g * _GROUP, _GROUP)] = perm(vs[0], brev) + d_vec
        return carry

    lax.fori_loop(0, _NGROUP, group_body, 0)
    pltpu.sync_copy(out_v, out_hbm.at[pl.ds(base, _BPW)])


@jax.jit
def _mf_sc(users, items, user_table, item_table, params):
    mesh = plsc.VectorSubcoreMesh(core_axis_name="c", subcore_axis_name="s",
                                  num_cores=_NUM_CORES,
                                  num_subcores=_NUM_SUBCORES)
    f = pl.kernel(
        _sc_body,
        out_type=jax.ShapeDtypeStruct((_BATCH,), jnp.float32),
        mesh=mesh,
        compiler_params=pltpu.CompilerParams(use_tc_tiling_on_sc=True),
        scratch_types=[
            pltpu.VMEM((_BPW,), jnp.int32),
            pltpu.VMEM((_BPW,), jnp.int32),
            pltpu.VMEM((2, _GROUP, _TROWS, _DIM), jnp.float32),
            pltpu.VMEM((2, _GROUP, _TROWS, _DIM), jnp.float32),
            pltpu.VMEM((112,), jnp.float32),
            pltpu.VMEM((_BPW,), jnp.float32),
            pltpu.SemaphoreType.DMA,
            pltpu.SemaphoreType.DMA,
        ],
    )
    return f(users, items, user_table, item_table, params)


def kernel(users, items, user_table, item_table, gamma1, beta1, mean1, var1,
           gamma2, beta2, mean2, var2):
    a1 = gamma1 * lax.rsqrt(var1 + _BN_EPS)
    b1 = beta1 - mean1 * a1
    a2 = gamma2 * lax.rsqrt(var2 + _BN_EPS)
    b2 = beta2 - mean2 * a2
    inv = 1.0 / _DIM
    coef_a = a1 * a2 * inv
    coef_b = a1 * b2 * inv
    coef_c = a2 * b1 * inv
    coef_d = jnp.broadcast_to(jnp.sum(b1 * b2) * inv, (16,))
    params = jnp.concatenate([coef_a, coef_b, coef_c, coef_d]).astype(
        jnp.float32)
    ut3 = user_table.reshape(1000000 // _TROWS, _TROWS, _DIM)
    it3 = item_table.reshape(1000000 // _TROWS, _TROWS, _DIM)
    return _mf_sc(users.astype(jnp.int32), items.astype(jnp.int32),
                  ut3, it3, params)

# --- scband reference (transcript-rebuilt; emitter-appended) ---
"""Pipeline reference for scband-mf-15710990368941 (READ-ONLY COPY).

The authoritative reference and input builder live on the scoring server;
editing this copy changes nothing except your own understanding.
"""

import jax, jax.numpy as jnp
import numpy as np

NUM_USER = 1000000
NUM_ITEM = 1000000
EMB_DIM = 32
BATCH = 16384
BN_EPS = 1e-3

def setup_inputs(seed: int = 0) -> dict:
    key = jax.random.key(seed)
    k_users, k_items, k_ut, k_it = jax.random.split(key, 4)
    users = jax.random.randint(k_users, (BATCH,), 0, NUM_USER, dtype=jnp.int64) if jax.config.jax_enable_x64 else jax.random.randint(k_users, (BATCH,), 0, NUM_USER).astype(jnp.int32)
    items = jax.random.randint(k_items, (BATCH,), 0, NUM_ITEM).astype(users.dtype)
    user_table = jax.random.normal(k_ut, (NUM_USER, EMB_DIM), dtype=jnp.float32) * 0.05
    item_table = jax.random.normal(k_it, (NUM_ITEM, EMB_DIM), dtype=jnp.float32) * 0.05
    gamma1 = jnp.ones((EMB_DIM,), dtype=jnp.float32)
    beta1 = jnp.zeros((EMB_DIM,), dtype=jnp.float32)
    mean1 = jnp.zeros((EMB_DIM,), dtype=jnp.float32)
    var1 = jnp.ones((EMB_DIM,), dtype=jnp.float32)
    gamma2 = jnp.ones((EMB_DIM,), dtype=jnp.float32)
    beta2 = jnp.zeros((EMB_DIM,), dtype=jnp.float32)
    mean2 = jnp.zeros((EMB_DIM,), dtype=jnp.float32)
    var2 = jnp.ones((EMB_DIM,), dtype=jnp.float32)
    return {"users": users, "items": items, "user_table": user_table, "item_table": item_table,
            "gamma1": gamma1, "beta1": beta1, "mean1": mean1, "var1": var1,
            "gamma2": gamma2, "beta2": beta2, "mean2": mean2, "var2": var2}

def _bn(x, gamma, beta, mean, var):
    return gamma * (x - mean) * jax.lax.rsqrt(var + BN_EPS) + beta

def reference(users, items, user_table, item_table, gamma1, beta1, mean1, var1, gamma2, beta2, mean2, var2):
    user_emb = jnp.take(user_table, users, axis=0)
    user_emb = _bn(user_emb, gamma1, beta1, mean1, var1)
    item_emb = jnp.take(item_table, items, axis=0)
    item_emb = _bn(item_emb, gamma2, beta2, mean2, var2)
    sim = jnp.multiply(user_emb, item_emb)
    sim = jnp.mean(sim, axis=-1)
    return sim

if __name__ == "__main__":
    import jax
    _d = setup_inputs()
    print(jax.jit(kernel)(*tuple(_d.values())))

</pallas_src>

<mosaic_0001>
#map = affine_map<(d0, d1) -> (0)>
#map1 = affine_map<(d0, d1) -> (0, 0, 0)>
module attributes {stable_mosaic.version = 14 : i64} {
  func.func @_sc_body(%arg0: i32, %arg1: i32, %arg2: memref<16384xi32, #tpu.memory_space<hbm>>, %arg3: memref<16384xi32, #tpu.memory_space<hbm>>, %arg4: memref<125000x8x32xf32, #tpu.memory_space<hbm>>, %arg5: memref<125000x8x32xf32, #tpu.memory_space<hbm>>, %arg6: memref<112xf32, #tpu.memory_space<hbm>>, %arg7: memref<16384xf32, #tpu.memory_space<hbm>>, %arg8: memref<512xi32, #tpu.memory_space<vmem>>, %arg9: memref<512xi32, #tpu.memory_space<vmem>>, %arg10: memref<2x16x8x32xf32, #tpu.memory_space<vmem>>, %arg11: memref<2x16x8x32xf32, #tpu.memory_space<vmem>>, %arg12: memref<112xf32, #tpu.memory_space<vmem>>, %arg13: memref<512xf32, #tpu.memory_space<vmem>>, %arg14: memref<!tpu.dma_semaphore, #tpu.memory_space<semaphore_mem>>, %arg15: memref<!tpu.dma_semaphore, #tpu.memory_space<semaphore_mem>>) attributes {dimension_semantics = [#tpu.dimension_semantics<core_parallel>, #tpu.dimension_semantics<subcore_parallel>], iteration_bounds = array<i64: 2, 16>, scalar_prefetch = 0 : i64, scratch_operands = 8 : i64, tpu.core_type = #tpu.core_type<sc_vector_subcore>, window_params = [{transform_indices = #map}, {transform_indices = #map}, {transform_indices = #map1}, {transform_indices = #map1}, {transform_indices = #map}, {transform_indices = #map}]} {
    %mul3A = arith.constant 2 : i32
    %mul3A_0 = arith.muli %arg1, %mul3A : i32
    %add3A = arith.addi %mul3A_0, %arg0 : i32
    %mul3A_1 = arith.constant 512 : i32
    %mul3A_2 = arith.muli %add3A, %mul3A_1 : i32
    "tpu.region"() ({
      %run_scoped3A = tpu.sem_alloc : memref<!tpu.dma_semaphore, #tpu.memory_space<semaphore_mem>>
      tpu.enqueue_dma source(%arg6 : memref<112xf32, #tpu.memory_space<hbm>>) target(%arg12 : memref<112xf32, #tpu.memory_space<vmem>>) target_semaphore(%run_scoped3A : memref<!tpu.dma_semaphore, #tpu.memory_space<semaphore_mem>>)
      tpu.wait_dma2 semaphore(%run_scoped3A : memref<!tpu.dma_semaphore, #tpu.memory_space<semaphore_mem>>) src(%arg6 : memref<112xf32, #tpu.memory_space<hbm>>) dst(%arg12 : memref<112xf32, #tpu.memory_space<vmem>>)
      tpu.yield
    }) : () -> ()
    "tpu.region"() ({
      %run_scoped3A = tpu.sem_alloc : memref<!tpu.dma_semaphore, #tpu.memory_space<semaphore_mem>>
      %dma_start3A_700 = tpu.memref_slice %arg2[%mul3A_2] : memref<16384xi32, #tpu.memory_space<hbm>> -> memref<512xi32, #tpu.memory_space<hbm>>
      %dma_start3A_701 = tpu.memref_slice %arg2[%mul3A_2] : memref<16384xi32, #tpu.memory_space<hbm>> -> memref<512xi32, #tpu.memory_space<hbm>>
      tpu.enqueue_dma source(%dma_start3A_701 : memref<512xi32, #tpu.memory_space<hbm>>) target(%arg8 : memref<512xi32, #tpu.memory_space<vmem>>) target_semaphore(%run_scoped3A : memref<!tpu.dma_semaphore, #tpu.memory_space<semaphore_mem>>)
      %dma_wait3A = tpu.memref_slice %arg2[%mul3A_2] : memref<16384xi32, #tpu.memory_space<hbm>> -> memref<512xi32, #tpu.memory_space<hbm>>
      %dma_wait3A_702 = tpu.memref_slice %arg2[%mul3A_2] : memref<16384xi32, #tpu.memory_space<hbm>> -> memref<512xi32, #tpu.memory_space<hbm>>
      tpu.wait_dma2 semaphore(%run_scoped3A : memref<!tpu.dma_semaphore, #tpu.memory_space<semaphore_mem>>) src(%dma_wait3A_702 : memref<512xi32, #tpu.memory_space<hbm>>) dst(%arg8 : memref<512xi32, #tpu.memory_space<vmem>>)
      tpu.yield
    }) : () -> ()
    "tpu.region"() ({
      %run_scoped3A = tpu.sem_alloc : memref<!tpu.dma_semaphore, #tpu.memory_space<semaphore_mem>>
      %dma_start3A_700 = tpu.memref_slice %arg3[%mul3A_2] : memref<16384xi32, #tpu.memory_space<hbm>> -> memref<512xi32, #tpu.memory_space<hbm>>
      %dma_start3A_701 = tpu.memref_slice %arg3[%mul3A_2] : memref<16384xi32, #tpu.memory_space<hbm>> -> memref<512xi32, #tpu.memory_space<hbm>>
      tpu.enqueue_dma source(%dma_start3A_701 : memref<512xi32, #tpu.memory_space<hbm>>) target(%arg9 : memref<512xi32, #tpu.memory_space<vmem>>) target_semaphore(%run_scoped3A : memref<!tpu.dma_semaphore, #tpu.memory_space<semaphore_mem>>)
      %dma_wait3A = tpu.memref_slice %arg3[%mul3A_2] : memref<16384xi32, #tpu.memory_space<hbm>> -> memref<512xi32, #tpu.memory_space<hbm>>
      %dma_wait3A_702 = tpu.memref_slice %arg3[%mul3A_2] : memref<16384xi32, #tpu.memory_space<hbm>> -> memref<512xi32, #tpu.memory_space<hbm>>
      tpu.wait_dma2 semaphore(%run_scoped3A : memref<!tpu.dma_semaphore, #tpu.memory_space<semaphore_mem>>) src(%dma_wait3A_702 : memref<512xi32, #tpu.memory_space<hbm>>) dst(%arg9 : memref<512xi32, #tpu.memory_space<vmem>>)
      tpu.yield
    }) : () -> ()
    %get3A = arith.constant 0 : index
    %get3A_3 = tpu.vector_load %arg12[%get3A] {strides = array<i32>} : memref<112xf32, #tpu.memory_space<vmem>>, vector<16xf32>,
    %get3A_4 = vector.shape_cast %get3A_3 : vector<16xf32> to vector<16xf32>
    %get3A_5 = arith.constant 16 : index
    %get3A_6 = tpu.vector_load %arg12[%get3A_5] {strides = array<i32>} : memref<112xf32, #tpu.memory_space<vmem>>, vector<16xf32>,
    %get3A_7 = vector.shape_cast %get3A_6 : vector<16xf32> to vector<16xf32>
    %get3A_8 = arith.constant 32 : index
    %get3A_9 = tpu.vector_load %arg12[%get3A_8] {strides = array<i32>} : memref<112xf32, #tpu.memory_space<vmem>>, vector<16xf32>,
    %get3A_10 = vector.shape_cast %get3A_9 : vector<16xf32> to vector<16xf32>
    %get3A_11 = arith.constant 48 : index
    %get3A_12 = tpu.vector_load %arg12[%get3A_11] {strides = array<i32>} : memref<112xf32, #tpu.memory_space<vmem>>, vector<16xf32>,
    %get3A_13 = vector.shape_cast %get3A_12 : vector<16xf32> to vector<16xf32>
    %get3A_14 = arith.constant 64 : index
    %get3A_15 = tpu.vector_load %arg12[%get3A_14] {strides = array<i32>} : memref<112xf32, #tpu.memory_space<vmem>>, vector<16xf32>,
    %get3A_16 = vector.shape_cast %get3A_15 : vector<16xf32> to vector<16xf32>
    %get3A_17 = arith.constant 80 : index
    %get3A_18 = tpu.vector_load %arg12[%get3A_17] {strides = array<i32>} : memref<112xf32, #tpu.memory_space<vmem>>, vector<16xf32>,
    %get3A_19 = vector.shape_cast %get3A_18 : vector<16xf32> to vector<16xf32>
    %get3A_20 = arith.constant 96 : index
    %get3A_21 = tpu.vector_load %arg12[%get3A_20] {strides = array<i32>} : memref<112xf32, #tpu.memory_space<vmem>>, vector<16xf32>,
    %get3A_22 = vector.shape_cast %get3A_21 : vector<16xf32> to vector<16xf32>
    %iota3A = tpu.iota {dimensions = array<i32: 0>} : vector<16xi32>
    %and3A = arith.constant 1 : i32
    %and3A_23 = vector.broadcast %and3A : i32 to vector<16xi32>
    %and3A_24 = arith.andi %iota3A, %and3A_23 : vector<16xi32>
    %shift_left3A = arith.constant 3 : i32
    %shift_left3A_25 = vector.broadcast %shift_left3A : i32 to vector<16xi32>
    %shift_left3A_26 = arith.shli %and3A_24, %shift_left3A_25 : vector<16xi32>
    %and3A_27 = arith.constant 2 : i32
    %and3A_28 = vector.broadcast %and3A_27 : i32 to vector<16xi32>
    %and3A_29 = arith.andi %iota3A, %and3A_28 : vector<16xi32>
    %shift_left3A_30 = arith.constant 1 : i32
    %shift_left3A_31 = vector.broadcast %shift_left3A_30 : i32 to vector<16xi32>
    %shift_left3A_32 = arith.shli %and3A_29, %shift_left3A_31 : vector<16xi32>
    %or3A = arith.ori %shift_left3A_26, %shift_left3A_32 : vector<16xi32>
    %and3A_33 = arith.constant 4 : i32
    %and3A_34 = vector.broadcast %and3A_33 : i32 to vector<16xi32>
    %and3A_35 = arith.andi %iota3A, %and3A_34 : vector<16xi32>
    %shift_right_arithmetic3A = arith.constant 1 : i32
    %shift_right_arithmetic3A_36 = vector.broadcast %shift_right_arithmetic3A : i32 to vector<16xi32>
    %shift_right_arithmetic3A_37 = arith.shrsi %and3A_35, %shift_right_arithmetic3A_36 : vector<16xi32>
    %or3A_38 = arith.ori %or3A, %shift_right_arithmetic3A_37 : vector<16xi32>
    %and3A_39 = arith.constant 8 : i32
    %and3A_40 = vector.broadcast %and3A_39 : i32 to vector<16xi32>
    %and3A_41 = arith.andi %iota3A, %and3A_40 : vector<16xi32>
    %shift_right_arithmetic3A_42 = arith.constant 3 : i32
    %shift_right_arithmetic3A_43 = vector.broadcast %shift_right_arithmetic3A_42 : i32 to vector<16xi32>
    %shift_right_arithmetic3A_44 = arith.shrsi %and3A_41, %shift_right_arithmetic3A_43 : vector<16xi32>
    %or3A_45 = arith.ori %or3A_38, %shift_right_arithmetic3A_44 : vector<16xi32>
    %get3A_46 = arith.constant 0 : index
    %get3A_47 = tpu.vector_load %arg8[%get3A_46] {strides = array<i32>} : memref<512xi32, #tpu.memory_space<vmem>>, vector<16xi32>,
    %get3A_48 = vector.shape_cast %get3A_47 : vector<16xi32> to vector<16xi32>
    %shift_right_arithmetic3A_49 = arith.constant 3 : i32
    %shift_right_arithmetic3A_50 = vector.broadcast %shift_right_arithmetic3A_49 : i32 to vector<16xi32>
    %shift_right_arithmetic3A_51 = arith.shrsi %get3A_48, %shift_right_arithmetic3A_50 : vector<16xi32>
    %get3A_52 = arith.constant 0 : index
    %get3A_53 = tpu.vector_load %arg9[%get3A_52] {strides = array<i32>} : memref<512xi32, #tpu.memory_space<vmem>>, vector<16xi32>,
    %get3A_54 = vector.shape_cast %get3A_53 : vector<16xi32> to vector<16xi32>
    %shift_right_arithmetic3A_55 = arith.constant 3 : i32
    %shift_right_arithmetic3A_56 = vector.broadcast %shift_right_arithmetic3A_55 : i32 to vector<16xi32>
    %shift_right_arithmetic3A_57 = arith.shrsi %get3A_54, %shift_right_arithmetic3A_56 : vector<16xi32>
    %slice3A = vector.extract_strided_slice %shift_right_arithmetic3A_51 {offsets = [0], sizes = [1], strides = [1]} : vector<16xi32> to vector<1xi32>
    %squeeze3A = vector.extract %slice3A[0] : i32 from vector<1xi32>
    %dma_start3A = arith.constant 0 : i32
    %dma_start3A_58 = arith.constant 0 : i32
    %dma_start3A_59 = arith.constant 0 : i32
    %dma_start3A_60 = arith.constant 0 : i32
    %dma_start3A_61 = tpu.memref_slice %arg10[%dma_start3A, %dma_start3A_58, %dma_start3A_59, %dma_start3A_60] : memref<2x16x8x32xf32, #tpu.memory_space<vmem>> -> memref<1x1x8x32xf32, #tpu.memory_space<vmem>>
    %dma_start3A_62 = tpu.memref_squeeze %dma_start3A_61 : memref<1x1x8x32xf32, #tpu.memory_space<vmem>> -> memref<8x32xf32, #tpu.memory_space<vmem>>
    %dma_start3A_63 = arith.constant 0 : i32
    %dma_start3A_64 = arith.constant 0 : i32
    %dma_start3A_65 = tpu.memref_slice %arg4[%squeeze3A, %dma_start3A_63, %dma_start3A_64] : memref<125000x8x32xf32, #tpu.memory_space<hbm>> -> memref<1x8x32xf32, #tpu.memory_space<hbm>>
    %dma_start3A_66 = tpu.memref_squeeze %dma_start3A_65 : memref<1x8x32xf32, #tpu.memory_space<hbm>> -> memref<8x32xf32, #tpu.memory_space<hbm>>
    %dma_start3A_67 = arith.constant 0 : i32
    %dma_start3A_68 = arith.constant 0 : i32
    %dma_start3A_69 = tpu.memref_slice %arg10[%dma_start3A, %dma_start3A_58, %dma_start3A_67, %dma_start3A_68] : memref<2x16x8x32xf32, #tpu.memory_space<vmem>> -> memref<1x1x8x32xf32, #tpu.memory_space<vmem>>
    %dma_start3A_70 = tpu.memref_squeeze %dma_start3A_69 : memref<1x1x8x32xf32, #tpu.memory_space<vmem>> -> memref<8x32xf32, #tpu.memory_space<vmem>>
    %dma_start3A_71 = arith.constant 0 : i32
    %dma_start3A_72 = arith.constant 0 : i32
    %dma_start3A_73 = tpu.memref_slice %arg4[%squeeze3A, %dma_start3A_71, %dma_start3A_72] : memref<125000x8x32xf32, #tpu.memory_space<hbm>> -> memref<1x8x32xf32, #tpu.memory_space<hbm>>
    %dma_start3A_74 = tpu.memref_squeeze %dma_start3A_73 : memref<1x8x32xf32, #tpu.memory_space<hbm>> -> memref<8x32xf32, #tpu.memory_space<hbm>>
    tpu.enqueue_dma source(%dma_start3A_74 : memref<8x32xf32, #tpu.memory_space<hbm>>) target(%dma_start3A_70 : memref<8x32xf32, #tpu.memory_space<vmem>>) target_semaphore(%arg14 : memref<!tpu.dma_semaphore, #tpu.memory_space<semaphore_mem>>)
    %slice3A_75 = vector.extract_strided_slice %shift_right_arithmetic3A_57 {offsets = [0], sizes = [1], strides = [1]} : vector<16xi32> to vector<1xi32>
    %squeeze3A_76 = vector.extract %slice3A_75[0] : i32 from vector<1xi32>
    %dma_start3A_77 = arith.constant 0 : i32
    %dma_start3A_78 = arith.constant 0 : i32
    %dma_start3A_79 = arith.constant 0 : i32
    %dma_start3A_80 = arith.constant 0 : i32
    %dma_start3A_81 = tpu.memref_slice %arg11[%dma_start3A_77, %dma_start3A_78, %dma_start3A_79, %dma_start3A_80] : memref<2x16x8x32xf32, #tpu.memory_space<vmem>> -> memref<1x1x8x32xf32, #tpu.memory_space<vmem>>
    %dma_start3A_82 = tpu.memref_squeeze %dma_start3A_81 : memref<1x1x8x32xf32, #tpu.memory_space<vmem>> -> memref<8x32xf32, #tpu.memory_space<vmem>>
    %dma_start3A_83 = arith.constant 0 : i32
    %dma_start3A_84 = arith.constant 0 : i32
    %dma_start3A_85 = tpu.memref_slice %arg5[%squeeze3A_76, %dma_start3A_83, %dma_start3A_84] : memref<125000x8x32xf32, #tpu.memory_space<hbm>> -> memref<1x8x32xf32, #tpu.memory_space<hbm>>
    %dma_start3A_86 = tpu.memref_squeeze %dma_start3A_85 : memref<1x8x32xf32, #tpu.memory_space<hbm>> -> memref<8x32xf32, #tpu.memory_space<hbm>>
    %dma_start3A_87 = arith.constant 0 : i32
    %dma_start3A_88 = arith.constant 0 : i32
    %dma_start3A_89 = tpu.memref_slice %arg11[%dma_start3A_77, %dma_start3A_78, %dma_start3A_87, %dma_start3A_88] : memref<2x16x8x32xf32, #tpu.memory_space<vmem>> -> memref<1x1x8x32xf32, #tpu.memory_space<vmem>>
    %dma_start3A_90 = tpu.memref_squeeze %dma_start3A_89 : memref<1x1x8x32xf32, #tpu.memory_space<vmem>> -> memref<8x32xf32, #tpu.memory_space<vmem>>
    %dma_start3A_91 = arith.constant 0 : i32
    %dma_start3A_92 = arith.constant 0 : i32
    %dma_start3A_93 = tpu.memref_slice %arg5[%squeeze3A_76, %dma_start3A_91, %dma_start3A_92] : memref<125000x8x32xf32, #tpu.memory_space<hbm>> -> memref<1x8x32xf32, #tpu.memory_space<hbm>>
    %dma_start3A_94 = tpu.memref_squeeze %dma_start3A_93 : memref<1x8x32xf32, #tpu.memory_space<hbm>> -> memref<8x32xf32, #tpu.memory_space<hbm>>
    tpu.enqueue_dma source(%dma_start3A_94 : memref<8x32xf32, #tpu.memory_space<hbm>>) target(%dma_start3A_90 : memref<8x32xf32, #tpu.memory_space<vmem>>) target_semaphore(%arg14 : memref<!tpu.dma_semaphore, #tpu.memory_space<semaphore_mem>>)
    %slice3A_95 = vector.extract_strided_slice %shift_right_arithmetic3A_51 {offsets = [1], sizes = [1], strides = [1]} : vector<16xi32> to vector<1xi32>
    %squeeze3A_96 = vector.extract %slice3A_95[0] : i32 from vector<1xi32>
    %dma_start3A_97 = arith.constant 0 : i32
    %dma_start3A_98 = arith.constant 1 : i32
    %dma_start3A_99 = arith.constant 0 : i32
    %dma_start3A_100 = arith.constant 0 : i32
    %dma_start3A_101 = tpu.memref_slice %arg10[%dma_start3A_97, %dma_start3A_98, %dma_start3A_99, %dma_start3A_100] : memref<2x16x8x32xf32, #tpu.memory_space<vmem>> -> memref<1x1x8x32xf32, #tpu.memory_space<vmem>>
    %dma_start3A_102 = tpu.memref_squeeze %dma_start3A_101 : memref<1x1x8x32xf32, #tpu.memory_space<vmem>> -> memref<8x32xf32, #tpu.memory_space<vmem>>
    %dma_start3A_103 = arith.constant 0 : i32
    %dma_start3A_104 = arith.constant 0 : i32
    %dma_start3A_105 = tpu.memref_slice %arg4[%squeeze3A_96, %dma_start3A_103, %dma_start3A_104] : memref<125000x8x32xf32, #tpu.memory_space<hbm>> -> memref<1x8x32xf32, #tpu.memory_space<hbm>>
    %dma_start3A_106 = tpu.memref_squeeze %dma_start3A_105 : memref<1x8x32xf32, #tpu.memory_space<hbm>> -> memref<8x32xf32, #tpu.memory_space<hbm>>
    %dma_start3A_107 = arith.constant 0 : i32
    %dma_start3A_108 = arith.constant 0 : i32
    %dma_start3A_109 = tpu.memref_slice %arg10[%dma_start3A_97, %dma_start3A_98, %dma_start3A_107, %dma_start3A_108] : memref<2x16x8x32xf32, #tpu.memory_space<vmem>> -> memref<1x1x8x32xf32, #tpu.memory_space<vmem>>
    %dma_start3A_110 = tpu.memref_squeeze %dma_start3A_109 : memref<1x1x8x32xf32, #tpu.memory_space<vmem>> -> memref<8x32xf32, #tpu.memory_space<vmem>>
    %dma_start3A_111 = arith.constant 0 : i32
    %dma_start3A_112 = arith.constant 0 : i32
    %dma_start3A_113 = tpu.memref_slice %arg4[%squeeze3A_96, %dma_start3A_111, %dma_start3A_112] : memref<125000x8x32xf32, #tpu.memory_space<hbm>> -> memref<1x8x32xf32, #tpu.memory_space<hbm>>
    %dma_start3A_114 = tpu.memref_squeeze %dma_start3A_113 : memref<1x8x32xf32, #tpu.memory_space<hbm>> -> memref<8x32xf32, #tpu.memory_space<hbm>>
    tpu.enqueue_dma source(%dma_start3A_114 : memref<8x32xf32, #tpu.memory_space<hbm>>) target(%dma_start3A_110 : memref<8x32xf32, #tpu.memory_space<vmem>>) target_semaphore(%arg14 : memref<!tpu.dma_semaphore, #tpu.memory_space<semaphore_mem>>)
    %slice3A_115 = vector.extract_strided_slice %shift_right_arithmetic3A_57 {offsets = [1], sizes = [1], strides = [1]} : vector<16xi32> to vector<1xi32>
    %squeeze3A_116 = vector.extract %slice3A_115[0] : i32 from vector<1xi32>
    %dma_start3A_117 = arith.constant 0 : i32
    %dma_start3A_118 = arith.constant 1 : i32
    %dma_start3A_119 = arith.constant 0 : i32
    %dma_start3A_120 = arith.constant 0 : i32
    %dma_start3A_121 = tpu.memref_slice %arg11[%dma_start3A_117, %dma_start3A_118, %dma_start3A_119, %dma_start3A_120] : memref<2x16x8x32xf32, #tpu.memory_space<vmem>> -> memref<1x1x8x32xf32, #tpu.memory_space<vmem>>
    %dma_start3A_122 = tpu.memref_squeeze %dma_start3A_121 : memref<1x1x8x32xf32, #tpu.memory_space<vmem>> -> memref<8x32xf32, #tpu.memory_space<vmem>>
    %dma_start3A_123 = arith.constant 0 : i32
    %dma_start3A_124 = arith.constant 0 : i32
    %dma_start3A_125 = tpu.memref_slice %arg5[%squeeze3A_116, %dma_start3A_123, %dma_start3A_124] : memref<125000x8x32xf32, #tpu.memory_space<hbm>> -> memref<1x8x32xf32, #tpu.memory_space<hbm>>
    %dma_start3A_126 = tpu.memref_squeeze %dma_start3A_125 : memref<1x8x32xf32, #tpu.memory_space<hbm>> -> memref<8x32xf32, #tpu.memory_space<hbm>>
    %dma_start3A_127 = arith.constant 0 : i32
    %dma_start3A_128 = arith.constant 0 : i32
    %dma_start3A_129 = tpu.memref_slice %arg11[%dma_start3A_117, %dma_start3A_118, %dma_start3A_127, %dma_start3A_128] : memref<2x16x8x32xf32, #tpu.memory_space<vmem>> -> memref<1x1x8x32xf32, #tpu.memory_space<vmem>>
    %dma_start3A_130 = tpu.memref_squeeze %dma_start3A_129 : memref<1x1x8x32xf32, #tpu.memory_space<vmem>> -> memref<8x32xf32, #tpu.memory_space<vmem>>
    %dma_start3A_131 = arith.constant 0 : i32
    %dma_start3A_132 = arith.constant 0 : i32
    %dma_start3A_133 = tpu.memref_slice %arg5[%squeeze3A_116, %dma_start3A_131, %dma_start3A_132] : memref<125000x8x32xf32, #tpu.memory_space<hbm>> -> memref<1x8x32xf32, #tpu.memory_space<hbm>>
    %dma_start3A_134 = tpu.memref_squeeze %dma_start3A_133 : memref<1x8x32xf32, #tpu.memory_space<hbm>> -> memref<8x32xf32, #tpu.memory_space<hbm>>
    tpu.enqueue_dma source(%dma_start3A_134 : memref<8x32xf32, #tpu.memory_space<hbm>>) target(%dma_start3A_130 : memref<8x32xf32, #tpu.memory_space<vmem>>) target_semaphore(%arg14 : memref<!tpu.dma_semaphore, #tpu.memory_space<semaphore_mem>>)
    %slice3A_135 = vector.extract_strided_slice %shift_right_arithmetic3A_51 {offsets = [2], sizes = [1], strides = [1]} : vector<16xi32> to vector<1xi32>
    %squeeze3A_136 = vector.extract %slice3A_135[0] : i32 from vector<1xi32>
    %dma_start3A_137 = arith.constant 0 : i32
    %dma_start3A_138 = arith.constant 2 : i32
    %dma_start3A_139 = arith.constant 0 : i32
    %dma_start3A_140 = arith.constant 0 : i32
    %dma_start3A_141 = tpu.memref_slice %arg10[%dma_start3A_137, %dma_start3A_138, %dma_start3A_139, %dma_start3A_140] : memref<2x16x8x32xf32, #tpu.memory_space<vmem>> -> memref<1x1x8x32xf32, #tpu.memory_space<vmem>>
    %dma_start3A_142 = tpu.memref_squeeze %dma_start3A_141 : memref<1x1x8x32xf32, #tpu.memory_space<vmem>> -> memref<8x32xf32, #tpu.memory_space<vmem>>
    %dma_start3A_143 = arith.constant 0 : i32
    %dma_start3A_144 = arith.constant 0 : i32
    %dma_start3A_145 = tpu.memref_slice %arg4[%squeeze3A_136, %dma_start3A_143, %dma_start3A_144] : memref<125000x8x32xf32, #tpu.memory_space<hbm>> -> memref<1x8x32xf32, #tpu.memory_space<hbm>>
    %dma_start3A_146 = tpu.memref_squeeze %dma_start3A_145 : memref<1x8x32xf32, #tpu.memory_space<hbm>> -> memref<8x32xf32, #tpu.memory_space<hbm>>
    %dma_start3A_147 = arith.constant 0 : i32
    %dma_start3A_148 = arith.constant 0 : i32
    %dma_start3A_149 = tpu.memref_slice %arg10[%dma_start3A_137, %dma_start3A_138, %dma_start3A_147, %dma_start3A_148] : memref<2x16x8x32xf32, #tpu.memory_space<vmem>> -> memref<1x1x8x32xf32, #tpu.memory_space<vmem>>
    %dma_start3A_150 = tpu.memref_squeeze %dma_start3A_149 : memref<1x1x8x32xf32, #tpu.memory_space<vmem>> -> memref<8x32xf32, #tpu.memory_space<vmem>>
    %dma_start3A_151 = arith.constant 0 : i32
    %dma_start3A_152 = arith.constant 0 : i32
    %dma_start3A_153 = tpu.memref_slice %arg4[%squeeze3A_136, %dma_start3A_151, %dma_start3A_152] : memref<125000x8x32xf32, #tpu.memory_space<hbm>> -> memref<1x8x32xf32, #tpu.memory_space<hbm>>
    %dma_start3A_154 = tpu.memref_squeeze %dma_start3A_153 : memref<1x8x32xf32, #tpu.memory_space<hbm>> -> memref<8x32xf32, #tpu.memory_space<hbm>>
    tpu.enqueue_dma source(%dma_start3A_154 : memref<8x32xf32, #tpu.memory_space<hbm>>) target(%dma_start3A_150 : memref<8x32xf32, #tpu.memory_space<vmem>>) target_semaphore(%arg14 : memref<!tpu.dma_semaphore, #tpu.memory_space<semaphore_mem>>)
    %slice3A_155 = vector.extract_strided_slice %shift_right_arithmetic3A_57 {offsets = [2], sizes = [1], strides = [1]} : vector<16xi32> to vector<1xi32>
    %squeeze3A_156 = vector.extract %slice3A_155[0] : i32 from vector<1xi32>
    %dma_start3A_157 = arith.constant 0 : i32
    %dma_start3A_158 = arith.constant 2 : i32
    %dma_start3A_159 = arith.constant 0 : i32
    %dma_start3A_160 = arith.constant 0 : i32
    %dma_start3A_161 = tpu.memref_slice %arg11[%dma_start3A_157, %dma_start3A_158, %dma_start3A_159, %dma_start3A_160] : memref<2x16x8x32xf32, #tpu.memory_space<vmem>> -> memref<1x1x8x32xf32, #tpu.memory_space<vmem>>
    %dma_start3A_162 = tpu.memref_squeeze %dma_start3A_161 : memref<1x1x8x32xf32, #tpu.memory_space<vmem>> -> memref<8x32xf32, #tpu.memory_space<vmem>>
    %dma_start3A_163 = arith.constant 0 : i32
    %dma_start3A_164 = arith.constant 0 : i32
    %dma_start3A_165 = tpu.memref_slice %arg5[%squeeze3A_156, %dma_start3A_163, %dma_start3A_164] : memref<125000x8x32xf32, #tpu.memory_space<hbm>> -> memref<1x8x32xf32, #tpu.memory_space<hbm>>
    %dma_start3A_166 = tpu.memref_squeeze %dma_start3A_165 : memref<1x8x32xf32, #tpu.memory_space<hbm>> -> memref<8x32xf32, #tpu.memory_space<hbm>>
    %dma_start3A_167 = arith.constant 0 : i32
    %dma_start3A_168 = arith.constant 0 : i32
    %dma_start3A_169 = tpu.memref_slice %arg11[%dma_start3A_157, %dma_start3A_158, %dma_start3A_167, %dma_start3A_168] : memref<2x16x8x32xf32, #tpu.memory_space<vmem>> -> memref<1x1x8x32xf32, #tpu.memory_space<vmem>>
    %dma_start3A_170 = tpu.memref_squeeze %dma_start3A_169 : memref<1x1x8x32xf32, #tpu.memory_space<vmem>> -> memref<8x32xf32, #tpu.memory_space<vmem>>
    %dma_start3A_171 = arith.constant 0 : i32
    %dma_start3A_172 = arith.constant 0 : i32
    %dma_start3A_173 = tpu.memref_slice %arg5[%squeeze3A_156, %dma_start3A_171, %dma_start3A_172] : memref<125000x8x32xf32, #tpu.memory_space<hbm>> -> memref<1x8x32xf32, #tpu.memory_space<hbm>>
    %dma_start3A_174 = tpu.memref_squeeze %dma_start3A_173 : memref<1x8x32xf32, #tpu.memory_space<hbm>> -> memref<8x32xf32, #tpu.memory_space<hbm>>
    tpu.enqueue_dma source(%dma_start3A_174 : memref<8x32xf32, #tpu.memory_space<hbm>>) target(%dma_start3A_170 : memref<8x32xf32, #tpu.memory_space<vmem>>) target_semaphore(%arg14 : memref<!tpu.dma_semaphore, #tpu.memory_space<semaphore_mem>>)
    %slice3A_175 = vector.extract_strided_slice %shift_right_arithmetic3A_51 {offsets = [3], sizes = [1], strides = [1]} : vector<16xi32> to vector<1xi32>
    %squeeze3A_176 = vector.extract %slice3A_175[0] : i32 from vector<1xi32>
    %dma_start3A_177 = arith.constant 0 : i32
    %dma_start3A_178 = arith.constant 3 : i32
    %dma_start3A_179 = arith.constant 0 : i32
    %dma_start3A_180 = arith.constant 0 : i32
    %dma_start3A_181 = tpu.memref_slice %arg10[%dma_start3A_177, %dma_start3A_178, %dma_start3A_179, %dma_start3A_180] : memref<2x16x8x32xf32, #tpu.memory_space<vmem>> -> memref<1x1x8x32xf32, #tpu.memory_space<vmem>>
    %dma_start3A_182 = tpu.memref_squeeze %dma_start3A_181 : memref<1x1x8x32xf32, #tpu.memory_space<vmem>> -> memref<8x32xf32, #tpu.memory_space<vmem>>
    %dma_start3A_183 = arith.constant 0 : i32
    %dma_start3A_184 = arith.constant 0 : i32
    %dma_start3A_185 = tpu.memref_slice %arg4[%squeeze3A_176, %dma_start3A_183, %dma_start3A_184] : memref<125000x8x32xf32, #tpu.memory_space<hbm>> -> memref<1x8x32xf32, #tpu.memory_space<hbm>>
    %dma_start3A_186 = tpu.memref_squeeze %dma_start3A_185 : memref<1x8x32xf32, #tpu.memory_space<hbm>> -> memref<8x32xf32, #tpu.memory_space<hbm>>
    %dma_start3A_187 = arith.constant 0 : i32
    %dma_start3A_188 = arith.constant 0 : i32
    %dma_start3A_189 = tpu.memref_slice %arg10[%dma_start3A_177, %dma_start3A_178, %dma_start3A_187, %dma_start3A_188] : memref<2x16x8x32xf32, #tpu.memory_space<vmem>> -> memref<1x1x8x32xf32, #tpu.memory_space<vmem>>
    %dma_start3A_190 = tpu.memref_squeeze %dma_start3A_189 : memref<1x1x8x32xf32, #tpu.memory_space<vmem>> -> memref<8x32xf32, #tpu.memory_space<vmem>>
    %dma_start3A_191 = arith.constant 0 : i32
    %dma_start3A_192 = arith.constant 0 : i32
    %dma_start3A_193 = tpu.memref_slice %arg4[%squeeze3A_176, %dma_start3A_191, %dma_start3A_192] : memref<125000x8x32xf32, #tpu.memory_space<hbm>> -> memref<1x8x32xf32, #tpu.memory_space<hbm>>
    %dma_start3A_194 = tpu.memref_squeeze %dma_start3A_193 : memref<1x8x32xf32, #tpu.memory_space<hbm>> -> memref<8x32xf32, #tpu.memory_space<hbm>>
    tpu.enqueue_dma source(%dma_start3A_194 : memref<8x32xf32, #tpu.memory_space<hbm>>) target(%dma_start3A_190 : memref<8x32xf32, #tpu.memory_space<vmem>>) target_semaphore(%arg14 : memref<!tpu.dma_semaphore, #tpu.memory_space<semaphore_mem>>)
    %slice3A_195 = vector.extract_strided_slice %shift_right_arithmetic3A_57 {offsets = [3], sizes = [1], strides = [1]} : vector<16xi32> to vector<1xi32>
    %squeeze3A_196 = vector.extract %slice3A_195[0] : i32 from vector<1xi32>
    %dma_start3A_197 = arith.constant 0 : i32
    %dma_start3A_198 = arith.constant 3 : i32
    %dma_start3A_199 = arith.constant 0 : i32
    %dma_start3A_200 = arith.constant 0 : i32
    %dma_start3A_201 = tpu.memref_slice %arg11[%dma_start3A_197, %dma_start3A_198, %dma_start3A_199, %dma_start3A_200] : memref<2x16x8x32xf32, #tpu.memory_space<vmem>> -> memref<1x1x8x32xf32, #tpu.memory_space<vmem>>
    %dma_start3A_202 = tpu.memref_squeeze %dma_start3A_201 : memref<1x1x8x32xf32, #tpu.memory_space<vmem>> -> memref<8x32xf32, #tpu.memory_space<vmem>>
    %dma_start3A_203 = arith.constant 0 : i32
    %dma_start3A_204 = arith.constant 0 : i32
    %dma_start3A_205 = tpu.memref_slice %arg5[%squeeze3A_196, %dma_start3A_203, %dma_start3A_204] : memref<125000x8x32xf32, #tpu.memory_space<hbm>> -> memref<1x8x32xf32, #tpu.memory_space<hbm>>
    %dma_start3A_206 = tpu.memref_squeeze %dma_start3A_205 : memref<1x8x32xf32, #tpu.memory_space<hbm>> -> memref<8x32xf32, #tpu.memory_space<hbm>>
    %dma_start3A_207 = arith.constant 0 : i32
    %dma_start3A_208 = arith.constant 0 : i32
    %dma_start3A_209 = tpu.memref_slice %arg11[%dma_start3A_197, %dma_start3A_198, %dma_start3A_207, %dma_start3A_208] : memref<2x16x8x32xf32, #tpu.memory_space<vmem>> -> memref<1x1x8x32xf32, #tpu.memory_space<vmem>>
    %dma_start3A_210 = tpu.memref_squeeze %dma_start3A_209 : memref<1x1x8x32xf32, #tpu.memory_space<vmem>> -> memref<8x32xf32, #tpu.memory_space<vmem>>
    %dma_start3A_211 = arith.constant 0 : i32
    %dma_start3A_212 = arith.constant 0 : i32
    %dma_start3A_213 = tpu.memref_slice %arg5[%squeeze3A_196, %dma_start3A_211, %dma_start3A_212] : memref<125000x8x32xf32, #tpu.memory_space<hbm>> -> memref<1x8x32xf32, #tpu.memory_space<hbm>>
    %dma_start3A_214 = tpu.memref_squeeze %dma_start3A_213 : memref<1x8x32xf32, #tpu.memory_space<hbm>> -> memref<8x32xf32, #tpu.memory_space<hbm>>
    tpu.enqueue_dma source(%dma_start3A_214 : memref<8x32xf32, #tpu.memory_space<hbm>>) target(%dma_start3A_210 : memref<8x32xf32, #tpu.memory_space<vmem>>) target_semaphore(%arg14 : memref<!tpu.dma_semaphore, #tpu.memory_space<semaphore_mem>>)
    %slice3A_215 = vector.extract_strided_slice %shift_right_arithmetic3A_51 {offsets = [4], sizes = [1], strides = [1]} : vector<16xi32> to vector<1xi32>
    %squeeze3A_216 = vector.extract %slice3A_215[0] : i32 from vector<1xi32>
    %dma_start3A_217 = arith.constant 0 : i32
    %dma_start3A_218 = arith.constant 4 : i32
    %dma_start3A_219 = arith.constant 0 : i32
    %dma_start3A_220 = arith.constant 0 : i32
    %dma_start3A_221 = tpu.memref_slice %arg10[%dma_start3A_217, %dma_start3A_218, %dma_start3A_219, %dma_start3A_220] : memref<2x16x8x32xf32, #tpu.memory_space<vmem>> -> memref<1x1x8x32xf32, #tpu.memory_space<vmem>>
    %dma_start3A_222 = tpu.memref_squeeze %dma_start3A_221 : memref<1x1x8x32xf32, #tpu.memory_space<vmem>> -> memref<8x32xf32, #tpu.memory_space<vmem>>
    %dma_start3A_223 = arith.constant 0 : i32
    %dma_start3A_224 = arith.constant 0 : i32
    %dma_start3A_225 = tpu.memref_slice %arg4[%squeeze3A_216, %dma_start3A_223, %dma_start3A_224] : memref<125000x8x32xf32, #tpu.memory_space<hbm>> -> memref<1x8x32xf32, #tpu.memory_space<hbm>>
    %dma_start3A_226 = tpu.memref_squeeze %dma_start3A_225 : memref<1x8x32xf32, #tpu.memory_space<hbm>> -> memref<8x32xf32, #tpu.memory_space<hbm>>
    %dma_start3A_227 = arith.constant 0 : i32
    %dma_start3A_228 = arith.constant 0 : i32
    %dma_start3A_229 = tpu.memref_slice %arg10[%dma_start3A_217, %dma_start3A_218, %dma_start3A_227, %dma_start3A_228] : memref<2x16x8x32xf32, #tpu.memory_space<vmem>> -> memref<1x1x8x32xf32, #tpu.memory_space<vmem>>
    %dma_start3A_230 = tpu.memref_squeeze %dma_start3A_229 : memref<1x1x8x32xf32, #tpu.memory_space<vmem>> -> memref<8x32xf32, #tpu.memory_space<vmem>>
    %dma_start3A_231 = arith.constant 0 : i32
    %dma_start3A_232 = arith.constant 0 : i32
    %dma_start3A_233 = tpu.memref_slice %arg4[%squeeze3A_216, %dma_start3A_231, %dma_start3A_232] : memref<125000x8x32xf32, #tpu.memory_space<hbm>> -> memref<1x8x32xf32, #tpu.memory_space<hbm>>
    %dma_start3A_234 = tpu.memref_squeeze %dma_start3A_233 : memref<1x8x32xf32, #tpu.memory_space<hbm>> -> memref<8x32xf32, #tpu.memory_space<hbm>>
    tpu.enqueue_dma source(%dma_start3A_234 : memref<8x32xf32, #tpu.memory_space<hbm>>) target(%dma_start3A_230 : memref<8x32xf32, #tpu.memory_space<vmem>>) target_semaphore(%arg14 : memref<!tpu.dma_semaphore, #tpu.memory_space<semaphore_mem>>)
    %slice3A_235 = vector.extract_strided_slice %shift_right_arithmetic3A_57 {offsets = [4], sizes = [1], strides = [1]} : vector<16xi32> to vector<1xi32>
    %squeeze3A_236 = vector.extract %slice3A_235[0] : i32 from vector<1xi32>
    %dma_start3A_237 = arith.constant 0 : i32
    %dma_start3A_238 = arith.constant 4 : i32
    %dma_start3A_239 = arith.constant 0 : i32
    %dma_start3A_240 = arith.constant 0 : i32
    %dma_start3A_241 = tpu.memref_slice %arg11[%dma_start3A_237, %dma_start3A_238, %dma_start3A_239, %dma_start3A_240] : memref<2x16x8x32xf32, #tpu.memory_space<vmem>> -> memref<1x1x8x32xf32, #tpu.memory_space<vmem>>
    %dma_start3A_242 = tpu.memref_squeeze %dma_start3A_241 : memref<1x1x8x32xf32, #tpu.memory_space<vmem>> -> memref<8x32xf32, #tpu.memory_space<vmem>>
    %dma_start3A_243 = arith.constant 0 : i32
    %dma_start3A_244 = arith.constant 0 : i32
    %dma_start3A_245 = tpu.memref_slice %arg5[%squeeze3A_236, %dma_start3A_243, %dma_start3A_244] : memref<125000x8x32xf32, #tpu.memory_space<hbm>> -> memref<1x8x32xf32, #tpu.memory_space<hbm>>
    %dma_start3A_246 = tpu.memref_squeeze %dma_start3A_245 : memref<1x8x32xf32, #tpu.memory_space<hbm>> -> memref<8x32xf32, #tpu.memory_space<hbm>>
    %dma_start3A_247 = arith.constant 0 : i32
    %dma_start3A_248 = arith.constant 0 : i32
    %dma_start3A_249 = tpu.memref_slice %arg11[%dma_start3A_237, %dma_start3A_238, %dma_start3A_247, %dma_start3A_248] : memref<2x16x8x32xf32, #tpu.memory_space<vmem>> -> memref<1x1x8x32xf32, #tpu.memory_space<vmem>>
    %dma_start3A_250 = tpu.memref_squeeze %dma_start3A_249 : memref<1x1x8x32xf32, #tpu.memory_space<vmem>> -> memref<8x32xf32, #tpu.memory_space<vmem>>
    %dma_start3A_251 = arith.constant 0 : i32
    %dma_start3A_252 = arith.constant 0 : i32
    %dma_start3A_253 = tpu.memref_slice %arg5[%squeeze3A_236, %dma_start3A_251, %dma_start3A_252] : memref<125000x8x32xf32, #tpu.memory_space<hbm>> -> memref<1x8x32xf32, #tpu.memory_space<hbm>>
    %dma_start3A_254 = tpu.memref_squeeze %dma_start3A_253 : memref<1x8x32xf32, #tpu.memory_space<hbm>> -> memref<8x32xf32, #tpu.memory_space<hbm>>
    tpu.enqueue_dma source(%dma_start3A_254 : memref<8x32xf32, #tpu.memory_space<hbm>>) target(%dma_start3A_250 : memref<8x32xf32, #tpu.memory_space<vmem>>) target_semaphore(%arg14 : memref<!tpu.dma_semaphore, #tpu.memory_space<semaphore_mem>>)
    %slice3A_255 = vector.extract_strided_slice %shift_right_arithmetic3A_51 {offsets = [5], sizes = [1], strides = [1]} : vector<16xi32> to vector<1xi32>
    %squeeze3A_256 = vector.extract %slice3A_255[0] : i32 from vector<1xi32>
    %dma_start3A_257 = arith.constant 0 : i32
    %dma_start3A_258 = arith.constant 5 : i32
    %dma_start3A_259 = arith.constant 0 : i32
    %dma_start3A_260 = arith.constant 0 : i32
    %dma_start3A_261 = tpu.memref_slice %arg10[%dma_start3A_257, %dma_start3A_258, %dma_start3A_259, %dma_start3A_260] : memref<2x16x8x32xf32, #tpu.memory_space<vmem>> -> memref<1x1x8x32xf32, #tpu.memory_space<vmem>>
    %dma_start3A_262 = tpu.memref_squeeze %dma_start3A_261 : memref<1x1x8x32xf32, #tpu.memory_space<vmem>> -> memref<8x32xf32, #tpu.memory_space<vmem>>
    %dma_start3A_263 = arith.constant 0 : i32
    %dma_start3A_264 = arith.constant 0 : i32
    %dma_start3A_265 = tpu.memref_slice %arg4[%squeeze3A_256, %dma_start3A_263, %dma_start3A_264] : memref<125000x8x32xf32, #tpu.memory_space<hbm>> -> memref<1x8x32xf32, #tpu.memory_space<hbm>>
    %dma_start3A_266 = tpu.memref_squeeze %dma_start3A_265 : memref<1x8x32xf32, #tpu.memory_space<hbm>> -> memref<8x32xf32, #tpu.memory_space<hbm>>
    %dma_start3A_267 = arith.constant 0 : i32
    %dma_start3A_268 = arith.constant 0 : i32
    %dma_start3A_269 = tpu.memref_slice %arg10[%dma_start3A_257, %dma_start3A_258, %dma_start3A_267, %dma_start3A_268] : memref<2x16x8x32xf32, #tpu.memory_space<vmem>> -> memref<1x1x8x32xf32, #tpu.memory_space<vmem>>
    %dma_start3A_270 = tpu.memref_squeeze %dma_start3A_269 : memref<1x1x8x32xf32, #tpu.memory_space<vmem>> -> memref<8x32xf32, #tpu.memory_space<vmem>>
    %dma_start3A_271 = arith.constant 0 : i32
    %dma_start3A_272 = arith.constant 0 : i32
    %dma_start3A_273 = tpu.memref_slice %arg4[%squeeze3A_256, %dma_start3A_271, %dma_start3A_272] : memref<125000x8x32xf32, #tpu.memory_space<hbm>> -> memref<1x8x32xf32, #tpu.memory_space<hbm>>
    %dma_start3A_274 = tpu.memref_squeeze %dma_start3A_273 : memref<1x8x32xf32, #tpu.memory_space<hbm>> -> memref<8x32xf32, #tpu.memory_space<hbm>>
    tpu.enqueue_dma source(%dma_start3A_274 : memref<8x32xf32, #tpu.memory_space<hbm>>) target(%dma_start3A_270 : memref<8x32xf32, #tpu.memory_space<vmem>>) target_semaphore(%arg14 : memref<!tpu.dma_semaphore, #tpu.memory_space<semaphore_mem>>)
    %slice3A_275 = vector.extract_strided_slice %shift_right_arithmetic3A_57 {offsets = [5], sizes = [1], strides = [1]} : vector<16xi32> to vector<1xi32>
    %squeeze3A_276 = vector.extract %slice3A_275[0] : i32 from vector<1xi32>
    %dma_start3A_277 = arith.constant 0 : i32
    %dma_start3A_278 = arith.constant 5 : i32
    %dma_start3A_279 = arith.constant 0 : i32
    %dma_start3A_280 = arith.constant 0 : i32
    %dma_start3A_281 = tpu.memref_slice %arg11[%dma_start3A_277, %dma_start3A_278, %dma_start3A_279, %dma_start3A_280] : memref<2x16x8x32xf32, #tpu.memory_space<vmem>> -> memref<1x1x8x32xf32, #tpu.memory_space<vmem>>
    %dma_start3A_282 = tpu.memref_squeeze %dma_start3A_281 : memref<1x1x8x32xf32, #tpu.memory_space<vmem>> -> memref<8x32xf32, #tpu.memory_space<vmem>>
    %dma_start3A_283 = arith.constant 0 : i32
    %dma_start3A_284 = arith.constant 0 : i32
    %dma_start3A_285 = tpu.memref_slice %arg5[%squeeze3A_276, %dma_start3A_283, %dma_start3A_284] : memref<125000x8x32xf32, #tpu.memory_space<hbm>> -> memref<1x8x32xf32, #tpu.memory_space<hbm>>
    %dma_start3A_286 = tpu.memref_squeeze %dma_start3A_285 : memref<1x8x32xf32, #tpu.memory_space<hbm>> -> memref<8x32xf32, #tpu.memory_space<hbm>>
    %dma_start3A_287 = arith.constant 0 : i32
    %dma_start3A_288 = arith.constant 0 : i32
    %dma_start3A_289 = tpu.memref_slice %arg11[%dma_start3A_277, %dma_start3A_278, %dma_start3A_287, %dma_start3A_288] : memref<2x16x8x32xf32, #tpu.memory_space<vmem>> -> memref<1x1x8x32xf32, #tpu.memory_space<vmem>>
    %dma_start3A_290 = tpu.memref_squeeze %dma_start3A_289 : memref<1x1x8x32xf32, #tpu.memory_space<vmem>> -> memref<8x32xf32, #tpu.memory_space<vmem>>
    %dma_start3A_291 = arith.constant 0 : i32
    %dma_start3A_292 = arith.constant 0 : i32
    %dma_start3A_293 = tpu.memref_slice %arg5[%squeeze3A_276, %dma_start3A_291, %dma_start3A_292] : memref<125000x8x32xf32, #tpu.memory_space<hbm>> -> memref<1x8x32xf32, #tpu.memory_space<hbm>>
    %dma_start3A_294 = tpu.memref_squeeze %dma_start3A_293 : memref<1x8x32xf32, #tpu.memory_space<hbm>> -> memref<8x32xf32, #tpu.memory_space<hbm>>
    tpu.enqueue_dma source(%dma_start3A_294 : memref<8x32xf32, #tpu.memory_space<hbm>>) target(%dma_start3A_290 : memref<8x32xf32, #tpu.memory_space<vmem>>) target_semaphore(%arg14 : memref<!tpu.dma_semaphore, #tpu.memory_space<semaphore_mem>>)
    %slice3A_295 = vector.extract_strided_slice %shift_right_arithmetic3A_51 {offsets = [6], sizes = [1], strides = [1]} : vector<16xi32> to vector<1xi32>
    %squeeze3A_296 = vector.extract %slice3A_295[0] : i32 from vector<1xi32>
    %dma_start3A_297 = arith.constant 0 : i32
    %dma_start3A_298 = arith.constant 6 : i32
    %dma_start3A_299 = arith.constant 0 : i32
    %dma_start3A_300 = arith.constant 0 : i32
    %dma_start3A_301 = tpu.memref_slice %arg10[%dma_start3A_297, %dma_start3A_298, %dma_start3A_299, %dma_start3A_300] : memref<2x16x8x32xf32, #tpu.memory_space<vmem>> -> memref<1x1x8x32xf32, #tpu.memory_space<vmem>>
    %dma_start3A_302 = tpu.memref_squeeze %dma_start3A_301 : memref<1x1x8x32xf32, #tpu.memory_space<vmem>> -> memref<8x32xf32, #tpu.memory_space<vmem>>
    %dma_start3A_303 = arith.constant 0 : i32
    %dma_start3A_304 = arith.constant 0 : i32
    %dma_start3A_305 = tpu.memref_slice %arg4[%squeeze3A_296, %dma_start3A_303, %dma_start3A_304] : memref<125000x8x32xf32, #tpu.memory_space<hbm>> -> memref<1x8x32xf32, #tpu.memory_space<hbm>>
    %dma_start3A_306 = tpu.memref_squeeze %dma_start3A_305 : memref<1x8x32xf32, #tpu.memory_space<hbm>> -> memref<8x32xf32, #tpu.memory_space<hbm>>
    %dma_start3A_307 = arith.constant 0 : i32
    %dma_start3A_308 = arith.constant 0 : i32
    %dma_start3A_309 = tpu.memref_slice %arg10[%dma_start3A_297, %dma_start3A_298, %dma_start3A_307, %dma_start3A_308] : memref<2x16x8x32xf32, #tpu.memory_space<vmem>> -> memref<1x1x8x32xf32, #tpu.memory_space<vmem>>
    %dma_start3A_310 = tpu.memref_squeeze %dma_start3A_309 : memref<1x1x8x32xf32, #tpu.memory_space<vmem>> -> memref<8x32xf32, #tpu.memory_space<vmem>>
    %dma_start3A_311 = arith.constant 0 : i32
    %dma_start3A_312 = arith.constant 0 : i32
    %dma_start3A_313 = tpu.memref_slice %arg4[%squeeze3A_296, %dma_start3A_311, %dma_start3A_312] : memref<125000x8x32xf32, #tpu.memory_space<hbm>> -> memref<1x8x32xf32, #tpu.memory_space<hbm>>
    %dma_start3A_314 = tpu.memref_squeeze %dma_start3A_313 : memref<1x8x32xf32, #tpu.memory_space<hbm>> -> memref<8x32xf32, #tpu.memory_space<hbm>>
    tpu.enqueue_dma source(%dma_start3A_314 : memref<8x32xf32, #tpu.memory_space<hbm>>) target(%dma_start3A_310 : memref<8x32xf32, #tpu.memory_space<vmem>>) target_semaphore(%arg14 : memref<!tpu.dma_semaphore, #tpu.memory_space<semaphore_mem>>)
    %slice3A_315 = vector.extract_strided_slice %shift_right_arithmetic3A_57 {offsets = [6], sizes = [1], strides = [1]} : vector<16xi32> to vector<1xi32>
    %squeeze3A_316 = vector.extract %slice3A_315[0] : i32 from vector<1xi32>
    %dma_start3A_317 = arith.constant 0 : i32
    %dma_start3A_318 = arith.constant 6 : i32
    %dma_start3A_319 = arith.constant 0 : i32
    %dma_start3A_320 = arith.constant 0 : i32
    %dma_start3A_321 = tpu.memref_slice %arg11[%dma_start3A_317, %dma_start3A_318, %dma_start3A_319, %dma_start3A_320] : memref<2x16x8x32xf32, #tpu.memory_space<vmem>> -> memref<1x1x8x32xf32, #tpu.memory_space<vmem>>
    %dma_start3A_322 = tpu.memref_squeeze %dma_start3A_321 : memref<1x1x8x32xf32, #tpu.memory_space<vmem>> -> memref<8x32xf32, #tpu.memory_space<vmem>>
    %dma_start3A_323 = arith.constant 0 : i32
    %dma_start3A_324 = arith.constant 0 : i32
    %dma_start3A_325 = tpu.memref_slice %arg5[%squeeze3A_316, %dma_start3A_323, %dma_start3A_324] : memref<125000x8x32xf32, #tpu.memory_space<hbm>> -> memref<1x8x32xf32, #tpu.memory_space<hbm>>
    %dma_start3A_326 = tpu.memref_squeeze %dma_start3A_325 : memref<1x8x32xf32, #tpu.memory_space<hbm>> -> memref<8x32xf32, #tpu.memory_space<hbm>>
    %dma_start3A_327 = arith.constant 0 : i32
    %dma_start3A_328 = arith.constant 0 : i32
    %dma_start3A_329 = tpu.memref_slice %arg11[%dma_start3A_317, %dma_start3A_318, %dma_start3A_327, %dma_start3A_328] : memref<2x16x8x32xf32, #tpu.memory_space<vmem>> -> memref<1x1x8x32xf32, #tpu.memory_space<vmem>>
    %dma_start3A_330 = tpu.memref_squeeze %dma_start3A_329 : memref<1x1x8x32xf32, #tpu.memory_space<vmem>> -> memref<8x32xf32, #tpu.memory_space<vmem>>
    %dma_start3A_331 = arith.constant 0 : i32
    %dma_start3A_332 = arith.constant 0 : i32
    %dma_start3A_333 = tpu.memref_slice %arg5[%squeeze3A_316, %dma_start3A_331, %dma_start3A_332] : memref<125000x8x32xf32, #tpu.memory_space<hbm>> -> memref<1x8x32xf32, #tpu.memory_space<hbm>>
    %dma_start3A_334 = tpu.memref_squeeze %dma_start3A_333 : memref<1x8x32xf32, #tpu.memory_space<hbm>> -> memref<8x32xf32, #tpu.memory_space<hbm>>
    tpu.enqueue_dma source(%dma_start3A_334 : memref<8x32xf32, #tpu.memory_space<hbm>>) target(%dma_start3A_330 : memref<8x32xf32, #tpu.memory_space<vmem>>) target_semaphore(%arg14 : memref<!tpu.dma_semaphore, #tpu.memory_space<semaphore_mem>>)
    %slice3A_335 = vector.extract_strided_slice %shift_right_arithmetic3A_51 {offsets = [7], sizes = [1], strides = [1]} : vector<16xi32> to vector<1xi32>
    %squeeze3A_336 = vector.extract %slice3A_335[0] : i32 from vector<1xi32>
    %dma_start3A_337 = arith.constant 0 : i32
    %dma_start3A_338 = arith.constant 7 : i32
    %dma_start3A_339 = arith.constant 0 : i32
    %dma_start3A_340 = arith.constant 0 : i32
    %dma_start3A_341 = tpu.memref_slice %arg10[%dma_start3A_337, %dma_start3A_338, %dma_start3A_339, %dma_start3A_340] : memref<2x16x8x32xf32, #tpu.memory_space<vmem>> -> memref<1x1x8x32xf32, #tpu.memory_space<vmem>>
    %dma_start3A_342 = tpu.memref_squeeze %dma_start3A_341 : memref<1x1x8x32xf32, #tpu.memory_space<vmem>> -> memref<8x32xf32, #tpu.memory_space<vmem>>
    %dma_start3A_343 = arith.constant 0 : i32
    %dma_start3A_344 = arith.constant 0 : i32
    %dma_start3A_345 = tpu.memref_slice %arg4[%squeeze3A_336, %dma_start3A_343, %dma_start3A_344] : memref<125000x8x32xf32, #tpu.memory_space<hbm>> -> memref<1x8x32xf32, #tpu.memory_space<hbm>>
    %dma_start3A_346 = tpu.memref_squeeze %dma_start3A_345 : memref<1x8x32xf32, #tpu.memory_space<hbm>> -> memref<8x32xf32, #tpu.memory_space<hbm>>
    %dma_start3A_347 = arith.constant 0 : i32
    %dma_start3A_348 = arith.constant 0 : i32
    %dma_start3A_349 = tpu.memref_slice %arg10[%dma_start3A_337, %dma_start3A_338, %dma_start3A_347, %dma_start3A_348] : memref<2x16x8x32xf32, #tpu.memory_space<vmem>> -> memref<1x1x8x32xf32, #tpu.memory_space<vmem>>
    %dma_start3A_350 = tpu.memref_squeeze %dma_start3A_349 : memref<1x1x8x32xf32, #tpu.memory_space<vmem>> -> memref<8x32xf32, #tpu.memory_space<vmem>>
    %dma_start3A_351 = arith.constant 0 : i32
    %dma_start3A_352 = arith.constant 0 : i32
    %dma_start3A_353 = tpu.memref_slice %arg4[%squeeze3A_336, %dma_start3A_351, %dma_start3A_352] : memref<125000x8x32xf32, #tpu.memory_space<hbm>> -> memref<1x8x32xf32, #tpu.memory_space<hbm>>
    %dma_start3A_354 = tpu.memref_squeeze %dma_start3A_353 : memref<1x8x32xf32, #tpu.memory_space<hbm>> -> memref<8x32xf32, #tpu.memory_space<hbm>>
    tpu.enqueue_dma source(%dma_start3A_354 : memref<8x32xf32, #tpu.memory_space<hbm>>) target(%dma_start3A_350 : memref<8x32xf32, #tpu.memory_space<vmem>>) target_semaphore(%arg14 : memref<!tpu.dma_semaphore, #tpu.memory_space<semaphore_mem>>)
    %slice3A_355 = vector.extract_strided_slice %shift_right_arithmetic3A_57 {offsets = [7], sizes = [1], strides = [1]} : vector<16xi32> to vector<1xi32>
    %squeeze3A_356 = vector.extract %slice3A_355[0] : i32 from vector<1xi32>
    %dma_start3A_357 = arith.constant 0 : i32
    %dma_start3A_358 = arith.constant 7 : i32
    %dma_start3A_359 = arith.constant 0 : i32
    %dma_start3A_360 = arith.constant 0 : i32
    %dma_start3A_361 = tpu.memref_slice %arg11[%dma_start3A_357, %dma_start3A_358, %dma_start3A_359, %dma_start3A_360] : memref<2x16x8x32xf32, #tpu.memory_space<vmem>> -> memref<1x1x8x32xf32, #tpu.memory_space<vmem>>
    %dma_start3A_362 = tpu.memref_squeeze %dma_start3A_361 : memref<1x1x8x32xf32, #tpu.memory_space<vmem>> -> memref<8x32xf32, #tpu.memory_space<vmem>>
    %dma_start3A_363 = arith.constant 0 : i32
    %dma_start3A_364 = arith.constant 0 : i32
    %dma_start3A_365 = tpu.memref_slice %arg5[%squeeze3A_356, %dma_start3A_363, %dma_start3A_364] : memref<125000x8x32xf32, #tpu.memory_space<hbm>> -> memref<1x8x32xf32, #tpu.memory_space<hbm>>
    %dma_start3A_366 = tpu.memref_squeeze %dma_start3A_365 : memref<1x8x32xf32, #tpu.memory_space<hbm>> -> memref<8x32xf32, #tpu.memory_space<hbm>>
    %dma_start3A_367 = arith.constant 0 : i32
    %dma_start3A_368 = arith.constant 0 : i32
    %dma_start3A_369 = tpu.memref_slice %arg11[%dma_start3A_357, %dma_start3A_358, %dma_start3A_367, %dma_start3A_368] : memref<2x16x8x32xf32, #tpu.memory_space<vmem>> -> memref<1x1x8x32xf32, #tpu.memory_space<vmem>>
    %dma_start3A_370 = tpu.memref_squeeze %dma_start3A_369 : memref<1x1x8x32xf32, #tpu.memory_space<vmem>> -> memref<8x32xf32, #tpu.memory_space<vmem>>
    %dma_start3A_371 = arith.constant 0 : i32
    %dma_start3A_372 = arith.constant 0 : i32
    %dma_start3A_373 = tpu.memref_slice %arg5[%squeeze3A_356, %dma_start3A_371, %dma_start3A_372] : memref<125000x8x32xf32, #tpu.memory_space<hbm>> -> memref<1x8x32xf32, #tpu.memory_space<hbm>>
    %dma_start3A_374 = tpu.memref_squeeze %dma_start3A_373 : memref<1x8x32xf32, #tpu.memory_space<hbm>> -> memref<8x32xf32, #tpu.memory_space<hbm>>
    tpu.enqueue_dma source(%dma_start3A_374 : memref<8x32xf32, #tpu.memory_space<hbm>>) target(%dma_start3A_370 : memref<8x32xf32, #tpu.memory_space<vmem>>) target_semaphore(%arg14 : memref<!tpu.dma_semaphore, #tpu.memory_space<semaphore_mem>>)
    %slice3A_375 = vector.extract_strided_slice %shift_right_arithmetic3A_51 {offsets = [8], sizes = [1], strides = [1]} : vector<16xi32> to vector<1xi32>
    %squeeze3A_376 = vector.extract %slice3A_375[0] : i32 from vector<1xi32>
    %dma_start3A_377 = arith.constant 0 : i32
    %dma_start3A_378 = arith.constant 8 : i32
    %dma_start3A_379 = arith.constant 0 : i32
    %dma_start3A_380 = arith.constant 0 : i32
    %dma_start3A_381 = tpu.memref_slice %arg10[%dma_start3A_377, %dma_start3A_378, %dma_start3A_379, %dma_start3A_380] : memref<2x16x8x32xf32, #tpu.memory_space<vmem>> -> memref<1x1x8x32xf32, #tpu.memory_space<vmem>>
    %dma_start3A_382 = tpu.memref_squeeze %dma_start3A_381 : memref<1x1x8x32xf32, #tpu.memory_space<vmem>> -> memref<8x32xf32, #tpu.memory_space<vmem>>
    %dma_start3A_383 = arith.constant 0 : i32
    %dma_start3A_384 = arith.constant 0 : i32
    %dma_start3A_385 = tpu.memref_slice %arg4[%squeeze3A_376, %dma_start3A_383, %dma_start3A_384] : memref<125000x8x32xf32, #tpu.memory_space<hbm>> -> memref<1x8x32xf32, #tpu.memory_space<hbm>>
    %dma_start3A_386 = tpu.memref_squeeze %dma_start3A_385 : memref<1x8x32xf32, #tpu.memory_space<hbm>> -> memref<8x32xf32, #tpu.memory_space<hbm>>
    %dma_start3A_387 = arith.constant 0 : i32
    %dma_start3A_388 = arith.constant 0 : i32
    %dma_start3A_389 = tpu.memref_slice %arg10[%dma_start3A_377, %dma_start3A_378, %dma_start3A_387, %dma_start3A_388] : memref<2x16x8x32xf32, #tpu.memory_space<vmem>> -> memref<1x1x8x32xf32, #tpu.memory_space<vmem>>
    %dma_start3A_390 = tpu.memref_squeeze %dma_start3A_389 : memref<1x1x8x32xf32, #tpu.memory_space<vmem>> -> memref<8x32xf32, #tpu.memory_space<vmem>>
    %dma_start3A_391 = arith.constant 0 : i32
    %dma_start3A_392 = arith.constant 0 : i32
    %dma_start3A_393 = tpu.memref_slice %arg4[%squeeze3A_376, %dma_start3A_391, %dma_start3A_392] : memref<125000x8x32xf32, #tpu.memory_space<hbm>> -> memref<1x8x32xf32, #tpu.memory_space<hbm>>
    %dma_start3A_394 = tpu.memref_squeeze %dma_start3A_393 : memref<1x8x32xf32, #tpu.memory_space<hbm>> -> memref<8x32xf32, #tpu.memory_space<hbm>>
    tpu.enqueue_dma source(%dma_start3A_394 : memref<8x32xf32, #tpu.memory_space<hbm>>) target(%dma_start3A_390 : memref<8x32xf32, #tpu.memory_space<vmem>>) target_semaphore(%arg14 : memref<!tpu.dma_semaphore, #tpu.memory_space<semaphore_mem>>)
    %slice3A_395 = vector.extract_strided_slice %shift_right_arithmetic3A_57 {offsets = [8], sizes = [1], strides = [1]} : vector<16xi32> to vector<1xi32>
    %squeeze3A_396 = vector.extract %slice3A_395[0] : i32 from vector<1xi32>
    %dma_start3A_397 = arith.constant 0 : i32
    %dma_start3A_398 = arith.constant 8 : i32
    %dma_start3A_399 = arith.constant 0 : i32
    %dma_start3A_400 = arith.constant 0 : i32
    %dma_start3A_401 = tpu.memref_slice %arg11[%dma_start3A_397, %dma_start3A_398, %dma_start3A_399, %dma_start3A_400] : memref<2x16x8x32xf32, #tpu.memory_space<vmem>> -> memref<1x1x8x32xf32, #tpu.memory_space<vmem>>
    %dma_start3A_402 = tpu.memref_squeeze %dma_start3A_401 : memref<1x1x8x32xf32, #tpu.memory_space<vmem>> -> memref<8x32xf32, #tpu.memory_space<vmem>>
    %dma_start3A_403 = arith.constant 0 : i32
    %dma_start3A_404 = arith.constant 0 : i32
    %dma_start3A_405 = tpu.memref_slice %arg5[%squeeze3A_396, %dma_start3A_403, %dma_start3A_404] : memref<125000x8x32xf32, #tpu.memory_space<hbm>> -> memref<1x8x32xf32, #tpu.memory_space<hbm>>
    %dma_start3A_406 = tpu.memref_squeeze %dma_start3A_405 : memref<1x8x32xf32, #tpu.memory_space<hbm>> -> memref<8x32xf32, #tpu.memory_space<hbm>>
    %dma_start3A_407 = arith.constant 0 : i32
    %dma_start3A_408 = arith.constant 0 : i32
    %dma_start3A_409 = tpu.memref_slice %arg11[%dma_start3A_397, %dma_start3A_398, %dma_start3A_407, %dma_start3A_408] : memref<2x16x8x32xf32, #tpu.memory_space<vmem>> -> memref<1x1x8x32xf32, #tpu.memory_space<vmem>>
    %dma_start3A_410 = tpu.memref_squeeze %dma_start3A_409 : memref<1x1x8x32xf32, #tpu.memory_space<vmem>> -> memref<8x32xf32, #tpu.memory_space<vmem>>
    %dma_start3A_411 = arith.constant 0 : i32
    %dma_start3A_412 = arith.constant 0 : i32
    %dma_start3A_413 = tpu.memref_slice %arg5[%squeeze3A_396, %dma_start3A_411, %dma_start3A_412] : memref<125000x8x32xf32, #tpu.memory_space<hbm>> -> memref<1x8x32xf32, #tpu.memory_space<hbm>>
    %dma_start3A_414 = tpu.memref_squeeze %dma_start3A_413 : memref<1x8x32xf32, #tpu.memory_space<hbm>> -> memref<8x32xf32, #tpu.memory_space<hbm>>
    tpu.enqueue_dma source(%dma_start3A_414 : memref<8x32xf32, #tpu.memory_space<hbm>>) target(%dma_start3A_410 : memref<8x32xf32, #tpu.memory_space<vmem>>) target_semaphore(%arg14 : memref<!tpu.dma_semaphore, #tpu.memory_space<semaphore_mem>>)
    %slice3A_415 = vector.extract_strided_slice %shift_right_arithmetic3A_51 {offsets = [9], sizes = [1], strides = [1]} : vector<16xi32> to vector<1xi32>
    %squeeze3A_416 = vector.extract %slice3A_415[0] : i32 from vector<1xi32>
    %dma_start3A_417 = arith.constant 0 : i32
    %dma_start3A_418 = arith.constant 9 : i32
    %dma_start3A_419 = arith.constant 0 : i32
    %dma_start3A_420 = arith.constant 0 : i32
    %dma_start3A_421 = tpu.memref_slice %arg10[%dma_start3A_417, %dma_start3A_418, %dma_start3A_419, %dma_start3A_420] : memref<2x16x8x32xf32, #tpu.memory_space<vmem>> -> memref<1x1x8x32xf32, #tpu.memory_space<vmem>>
    %dma_start3A_422 = tpu.memref_squeeze %dma_start3A_421 : memref<1x1x8x32xf32, #tpu.memory_space<vmem>> -> memref<8x32xf32, #tpu.memory_space<vmem>>
    %dma_start3A_423 = arith.constant 0 : i32
    %dma_start3A_424 = arith.constant 0 : i32
    %dma_start3A_425 = tpu.memref_slice %arg4[%squeeze3A_416, %dma_start3A_423, %dma_start3A_424] : memref<125000x8x32xf32, #tpu.memory_space<hbm>> -> memref<1x8x32xf32, #tpu.memory_space<hbm>>
    %dma_start3A_426 = tpu.memref_squeeze %dma_start3A_425 : memref<1x8x32xf32, #tpu.memory_space<hbm>> -> memref<8x32xf32, #tpu.memory_space<hbm>>
    %dma_start3A_427 = arith.constant 0 : i32
    %dma_start3A_428 = arith.constant 0 : i32
    %dma_start3A_429 = tpu.memref_slice %arg10[%dma_start3A_417, %dma_start3A_418, %dma_start3A_427, %dma_start3A_428] : memref<2x16x8x32xf32, #tpu.memory_space<vmem>> -> memref<1x1x8x32xf32, #tpu.memory_space<vmem>>
    %dma_start3A_430 = tpu.memref_squeeze %dma_start3A_429 : memref<1x1x8x32xf32, #tpu.memory_space<vmem>> -> memref<8x32xf32, #tpu.memory_space<vmem>>
    %dma_start3A_431 = arith.constant 0 : i32
    %dma_start3A_432 = arith.constant 0 : i32
    %dma_start3A_433 = tpu.memref_slice %arg4[%squeeze3A_416, %dma_start3A_431, %dma_start3A_432] : memref<125000x8x32xf32, #tpu.memory_space<hbm>> -> memref<1x8x32xf32, #tpu.memory_space<hbm>>
    %dma_start3A_434 = tpu.memref_squeeze %dma_start3A_433 : memref<1x8x32xf32, #tpu.memory_space<hbm>> -> memref<8x32xf32, #tpu.memory_space<hbm>>
    tpu.enqueue_dma source(%dma_start3A_434 : memref<8x32xf32, #tpu.memory_space<hbm>>) target(%dma_start3A_430 : memref<8x32xf32, #tpu.memory_space<vmem>>) target_semaphore(%arg14 : memref<!tpu.dma_semaphore, #tpu.memory_space<semaphore_mem>>)
    %slice3A_435 = vector.extract_strided_slice %shift_right_arithmetic3A_57 {offsets = [9], sizes = [1], strides = [1]} : vector<16xi32> to vector<1xi32>
    %squeeze3A_436 = vector.extract %slice3A_435[0] : i32 from vector<1xi32>
    %dma_start3A_437 = arith.constant 0 : i32
    %dma_start3A_438 = arith.constant 9 : i32
    %dma_start3A_439 = arith.constant 0 : i32
    %dma_start3A_440 = arith.constant 0 : i32
    %dma_start3A_441 = tpu.memref_slice %arg11[%dma_start3A_437, %dma_start3A_438, %dma_start3A_439, %dma_start3A_440] : memref<2x16x8x32xf32, #tpu.memory_space<vmem>> -> memref<1x1x8x32xf32, #tpu.memory_space<vmem>>
    %dma_start3A_442 = tpu.memref_squeeze %dma_start3A_441 : memref<1x1x8x32xf32, #tpu.memory_space<vmem>> -> memref<8x32xf32, #tpu.memory_space<vmem>>
    %dma_start3A_443 = arith.constant 0 : i32
    %dma_start3A_444 = arith.constant 0 : i32
    %dma_start3A_445 = tpu.memref_slice %arg5[%squeeze3A_436, %dma_start3A_443, %dma_start3A_444] : memref<125000x8x32xf32, #tpu.memory_space<hbm>> -> memref<1x8x32xf32, #tpu.memory_space<hbm>>
    %dma_start3A_446 = tpu.memref_squeeze %dma_start3A_445 : memref<1x8x32xf32, #tpu.memory_space<hbm>> -> memref<8x32xf32, #tpu.memory_space<hbm>>
    %dma_start3A_447 = arith.constant 0 : i32
    %dma_start3A_448 = arith.constant 0 : i32
    %dma_start3A_449 = tpu.memref_slice %arg11[%dma_start3A_437, %dma_start3A_438, %dma_start3A_447, %dma_start3A_448] : memref<2x16x8x32xf32, #tpu.memory_space<vmem>> -> memref<1x1x8x32xf32, #tpu.memory_space<vmem>>
    %dma_start3A_450 = tpu.memref_squeeze %dma_start3A_449 : memref<1x1x8x32xf32, #tpu.memory_space<vmem>> -> memref<8x32xf32, #tpu.memory_space<vmem>>
    %dma_start3A_451 = arith.constant 0 : i32
    %dma_start3A_452 = arith.constant 0 : i32
    %dma_start3A_453 = tpu.memref_slice %arg5[%squeeze3A_436, %dma_start3A_451, %dma_start3A_452] : memref<125000x8x32xf32, #tpu.memory_space<hbm>> -> memref<1x8x32xf32, #tpu.memory_space<hbm>>
    %dma_start3A_454 = tpu.memref_squeeze %dma_start3A_453 : memref<1x8x32xf32, #tpu.memory_space<hbm>> -> memref<8x32xf32, #tpu.memory_space<hbm>>
    tpu.enqueue_dma source(%dma_start3A_454 : memref<8x32xf32, #tpu.memory_space<hbm>>) target(%dma_start3A_450 : memref<8x32xf32, #tpu.memory_space<vmem>>) target_semaphore(%arg14 : memref<!tpu.dma_semaphore, #tpu.memory_space<semaphore_mem>>)
    %slice3A_455 = vector.extract_strided_slice %shift_right_arithmetic3A_51 {offsets = [10], sizes = [1], strides = [1]} : vector<16xi32> to vector<1xi32>
    %squeeze3A_456 = vector.extract %slice3A_455[0] : i32 from vector<1xi32>
    %dma_start3A_457 = arith.constant 0 : i32
    %dma_start3A_458 = arith.constant 10 : i32
    %dma_start3A_459 = arith.constant 0 : i32
    %dma_start3A_460 = arith.constant 0 : i32
    %dma_start3A_461 = tpu.memref_slice %arg10[%dma_start3A_457, %dma_start3A_458, %dma_start3A_459, %dma_start3A_460] : memref<2x16x8x32xf32, #tpu.memory_space<vmem>> -> memref<1x1x8x32xf32, #tpu.memory_space<vmem>>
    %dma_start3A_462 = tpu.memref_squeeze %dma_start3A_461 : memref<1x1x8x32xf32, #tpu.memory_space<vmem>> -> memref<8x32xf32, #tpu.memory_space<vmem>>
    %dma_start3A_463 = arith.constant 0 : i32
    %dma_start3A_464 = arith.constant 0 : i32
    %dma_start3A_465 = tpu.memref_slice %arg4[%squeeze3A_456, %dma_start3A_463, %dma_start3A_464] : memref<125000x8x32xf32, #tpu.memory_space<hbm>> -> memref<1x8x32xf32, #tpu.memory_space<hbm>>
    %dma_start3A_466 = tpu.memref_squeeze %dma_start3A_465 : memref<1x8x32xf32, #tpu.memory_space<hbm>> -> memref<8x32xf32, #tpu.memory_space<hbm>>
    %dma_start3A_467 = arith.constant 0 : i32
    %dma_start3A_468 = arith.constant 0 : i32
    %dma_start3A_469 = tpu.memref_slice %arg10[%dma_start3A_457, %dma_start3A_458, %dma_start3A_467, %dma_start3A_468] : memref<2x16x8x32xf32, #tpu.memory_space<vmem>> -> memref<1x1x8x32xf32, #tpu.memory_space<vmem>>
    %dma_start3A_470 = tpu.memref_squeeze %dma_start3A_469 : memref<1x1x8x32xf32, #tpu.memory_space<vmem>> -> memref<8x32xf32, #tpu.memory_space<vmem>>
    %dma_start3A_471 = arith.constant 0 : i32
    %dma_start3A_472 = arith.constant 0 : i32
    %dma_start3A_473 = tpu.memref_slice %arg4[%squeeze3A_456, %dma_start3A_471, %dma_start3A_472] : memref<125000x8x32xf32, #tpu.memory_space<hbm>> -> memref<1x8x32xf32, #tpu.memory_space<hbm>>
    %dma_start3A_474 = tpu.memref_squeeze %dma_start3A_473 : memref<1x8x32xf32, #tpu.memory_space<hbm>> -> memref<8x32xf32, #tpu.memory_space<hbm>>
    tpu.enqueue_dma source(%dma_start3A_474 : memref<8x32xf32, #tpu.memory_space<hbm>>) target(%dma_start3A_470 : memref<8x32xf32, #tpu.memory_space<vmem>>) target_semaphore(%arg14 : memref<!tpu.dma_semaphore, #tpu.memory_space<semaphore_mem>>)
    %slice3A_475 = vector.extract_strided_slice %shift_right_arithmetic3A_57 {offsets = [10], sizes = [1], strides = [1]} : vector<16xi32> to vector<1xi32>
    %squeeze3A_476 = vector.extract %slice3A_475[0] : i32 from vector<1xi32>
    %dma_start3A_477 = arith.constant 0 : i32
    %dma_start3A_478 = arith.constant 10 : i32
    %dma_start3A_479 = arith.constant 0 : i32
    %dma_start3A_480 = arith.constant 0 : i32
    %dma_start3A_481 = tpu.memref_slice %arg11[%dma_start3A_477, %dma_start3A_478, %dma_start3A_479, %dma_start3A_480] : memref<2x16x8x32xf32, #tpu.memory_space<vmem>> -> memref<1x1x8x32xf32, #tpu.memory_space<vmem>>
    %dma_start3A_482 = tpu.memref_squeeze %dma_start3A_481 : memref<1x1x8x32xf32, #tpu.memory_space<vmem>> -> memref<8x32xf32, #tpu.memory_space<vmem>>
    %dma_start3A_483 = arith.constant 0 : i32
    %dma_start3A_484 = arith.constant 0 : i32
    %dma_start3A_485 = tpu.memref_slice %arg5[%squeeze3A_476, %dma_start3A_483, %dma_start3A_484] : memref<125000x8x32xf32, #tpu.memory_space<hbm>> -> memref<1x8x32xf32, #tpu.memory_space<hbm>>
    %dma_start3A_486 = tpu.memref_squeeze %dma_start3A_485 : memref<1x8x32xf32, #tpu.memory_space<hbm>> -> memref<8x32xf32, #tpu.memory_space<hbm>>
    %dma_start3A_487 = arith.constant 0 : i32
    %dma_start3A_488 = arith.constant 0 : i32
    %dma_start3A_489 = tpu.memref_slice %arg11[%dma_start3A_477, %dma_start3A_478, %dma_start3A_487, %dma_start3A_488] : memref<2x16x8x32xf32, #tpu.memory_space<vmem>> -> memref<1x1x8x32xf32, #tpu.memory_space<vmem>>
    %dma_start3A_490 = tpu.memref_squeeze %dma_start3A_489 : memref<1x1x8x32xf32, #tpu.memory_space<vmem>> -> memref<8x32xf32, #tpu.memory_space<vmem>>
    %dma_start3A_491 = arith.constant 0 : i32
    %dma_start3A_492 = arith.constant 0 : i32
    %dma_start3A_493 = tpu.memref_slice %arg5[%squeeze3A_476, %dma_start3A_491, %dma_start3A_492] : memref<125000x8x32xf32, #tpu.memory_space<hbm>> -> memref<1x8x32xf32, #tpu.memory_space<hbm>>
    %dma_start3A_494 = tpu.memref_squeeze %dma_start3A_493 : memref<1x8x32xf32, #tpu.memory_space<hbm>> -> memref<8x32xf32, #tpu.memory_space<hbm>>
    tpu.enqueue_dma source(%dma_start3A_494 : memref<8x32xf32, #tpu.memory_space<hbm>>) target(%dma_start3A_490 : memref<8x32xf32, #tpu.memory_space<vmem>>) target_semaphore(%arg14 : memref<!tpu.dma_semaphore, #tpu.memory_space<semaphore_mem>>)
    %slice3A_495 = vector.extract_strided_slice %shift_right_arithmetic3A_51 {offsets = [11], sizes = [1], strides = [1]} : vector<16xi32> to vector<1xi32>
    %squeeze3A_496 = vector.extract %slice3A_495[0] : i32 from vector<1xi32>
    %dma_start3A_497 = arith.constant 0 : i32
    %dma_start3A_498 = arith.constant 11 : i32
    %dma_start3A_499 = arith.constant 0 : i32
    %dma_start3A_500 = arith.constant 0 : i32
    %dma_start3A_501 = tpu.memref_slice %arg10[%dma_start3A_497, %dma_start3A_498, %dma_start3A_499, %dma_start3A_500] : memref<2x16x8x32xf32, #tpu.memory_space<vmem>> -> memref<1x1x8x32xf32, #tpu.memory_space<vmem>>
    %dma_start3A_502 = tpu.memref_squeeze %dma_start3A_501 : memref<1x1x8x32xf32, #tpu.memory_space<vmem>> -> memref<8x32xf32, #tpu.memory_space<vmem>>
    %dma_start3A_503 = arith.constant 0 : i32
    %dma_start3A_504 = arith.constant 0 : i32
    %dma_start3A_505 = tpu.memref_slice %arg4[%squeeze3A_496, %dma_start3A_503, %dma_start3A_504] : memref<125000x8x32xf32, #tpu.memory_space<hbm>> -> memref<1x8x32xf32, #tpu.memory_space<hbm>>
    %dma_start3A_506 = tpu.memref_squeeze %dma_start3A_505 : memref<1x8x32xf32, #tpu.memory_space<hbm>> -> memref<8x32xf32, #tpu.memory_space<hbm>>
    %dma_start3A_507 = arith.constant 0 : i32
    %dma_start3A_508 = arith.constant 0 : i32
    %dma_start3A_509 = tpu.memref_slice %arg10[%dma_start3A_497, %dma_start3A_498, %dma_start3A_507, %dma_start3A_508] : memref<2x16x8x32xf32, #tpu.memory_space<vmem>> -> memref<1x1x8x32xf32, #tpu.memory_space<vmem>>
    %dma_start3A_510 = tpu.memref_squeeze %dma_start3A_509 : memref<1x1x8x32xf32, #tpu.memory_space<vmem>> -> memref<8x32xf32, #tpu.memory_space<vmem>>
    %dma_start3A_511 = arith.constant 0 : i32
    %dma_start3A_512 = arith.constant 0 : i32
    %dma_start3A_513 = tpu.memref_slice %arg4[%squeeze3A_496, %dma_start3A_511, %dma_start3A_512] : memref<125000x8x32xf32, #tpu.memory_space<hbm>> -> memref<1x8x32xf32, #tpu.memory_space<hbm>>
    %dma_start3A_514 = tpu.memref_squeeze %dma_start3A_513 : memref<1x8x32xf32, #tpu.memory_space<hbm>> -> memref<8x32xf32, #tpu.memory_space<hbm>>
    tpu.enqueue_dma source(%dma_start3A_514 : memref<8x32xf32, #tpu.memory_space<hbm>>) target(%dma_start3A_510 : memref<8x32xf32, #tpu.memory_space<vmem>>) target_semaphore(%arg14 : memref<!tpu.dma_semaphore, #tpu.memory_space<semaphore_mem>>)
    %slice3A_515 = vector.extract_strided_slice %shift_right_arithmetic3A_57 {offsets = [11], sizes = [1], strides = [1]} : vector<16xi32> to vector<1xi32>
    %squeeze3A_516 = vector.extract %slice3A_515[0] : i32 from vector<1xi32>
    %dma_start3A_517 = arith.constant 0 : i32
    %dma_start3A_518 = arith.constant 11 : i32
    %dma_start3A_519 = arith.constant 0 : i32
    %dma_start3A_520 = arith.constant 0 : i32
    %dma_start3A_521 = tpu.memref_slice %arg11[%dma_start3A_517, %dma_start3A_518, %dma_start3A_519, %dma_start3A_520] : memref<2x16x8x32xf32, #tpu.memory_space<vmem>> -> memref<1x1x8x32xf32, #tpu.memory_space<vmem>>
    %dma_start3A_522 = tpu.memref_squeeze %dma_start3A_521 : memref<1x1x8x32xf32, #tpu.memory_space<vmem>> -> memref<8x32xf32, #tpu.memory_space<vmem>>
    %dma_start3A_523 = arith.constant 0 : i32
    %dma_start3A_524 = arith.constant 0 : i32
    %dma_start3A_525 = tpu.memref_slice %arg5[%squeeze3A_516, %dma_start3A_523, %dma_start3A_524] : memref<125000x8x32xf32, #tpu.memory_space<hbm>> -> memref<1x8x32xf32, #tpu.memory_space<hbm>>
    %dma_start3A_526 = tpu.memref_squeeze %dma_start3A_525 : memref<1x8x32xf32, #tpu.memory_space<hbm>> -> memref<8x32xf32, #tpu.memory_space<hbm>>
    %dma_start3A_527 = arith.constant 0 : i32
    %dma_start3A_528 = arith.constant 0 : i32
    %dma_start3A_529 = tpu.memref_slice %arg11[%dma_start3A_517, %dma_start3A_518, %dma_start3A_527, %dma_start3A_528] : memref<2x16x8x32xf32, #tpu.memory_space<vmem>> -> memref<1x1x8x32xf32, #tpu.memory_space<vmem>>
    %dma_start3A_530 = tpu.memref_squeeze %dma_start3A_529 : memref<1x1x8x32xf32, #tpu.memory_space<vmem>> -> memref<8x32xf32, #tpu.memory_space<vmem>>
    %dma_start3A_531 = arith.constant 0 : i32
    %dma_start3A_532 = arith.constant 0 : i32
    %dma_start3A_533 = tpu.memref_slice %arg5[%squeeze3A_516, %dma_start3A_531, %dma_start3A_532] : memref<125000x8x32xf32, #tpu.memory_space<hbm>> -> memref<1x8x32xf32, #tpu.memory_space<hbm>>
    %dma_start3A_534 = tpu.memref_squeeze %dma_start3A_533 : memref<1x8x32xf32, #tpu.memory_space<hbm>> -> memref<8x32xf32, #tpu.memory_space<hbm>>
    tpu.enqueue_dma source(%dma_start3A_534 : memref<8x32xf32, #tpu.memory_space<hbm>>) target(%dma_start3A_530 : memref<8x32xf32, #tpu.memory_space<vmem>>) target_semaphore(%arg14 : memref<!tpu.dma_semaphore, #tpu.memory_space<semaphore_mem>>)
    %slice3A_535 = vector.extract_strided_slice %shift_right_arithmetic3A_51 {offsets = [12], sizes = [1], strides = [1]} : vector<16xi32> to vector<1xi32>
    %squeeze3A_536 = vector.extract %slice3A_535[0] : i32 from vector<1xi32>
    %dma_start3A_537 = arith.constant 0 : i32
    %dma_start3A_538 = arith.constant 12 : i32
    %dma_start3A_539 = arith.constant 0 : i32
    %dma_start3A_540 = arith.constant 0 : i32
    %dma_start3A_541 = tpu.memref_slice %arg10[%dma_start3A_537, %dma_start3A_538, %dma_start3A_539, %dma_start3A_540] : memref<2x16x8x32xf32, #tpu.memory_space<vmem>> -> memref<1x1x8x32xf32, #tpu.memory_space<vmem>>
    %dma_start3A_542 = tpu.memref_squeeze %dma_start3A_541 : memref<1x1x8x32xf32, #tpu.memory_space<vmem>> -> memref<8x32xf32, #tpu.memory_space<vmem>>
    %dma_start3A_543 = arith.constant 0 : i32
    %dma_start3A_544 = arith.constant 0 : i32
    %dma_start3A_545 = tpu.memref_slice %arg4[%squeeze3A_536, %dma_start3A_543, %dma_start3A_544] : memref<125000x8x32xf32, #tpu.memory_space<hbm>> -> memref<1x8x32xf32, #tpu.memory_space<hbm>>
    %dma_start3A_546 = tpu.memref_squeeze %dma_start3A_545 : memref<1x8x32xf32, #tpu.memory_space<hbm>> -> memref<8x32xf32, #tpu.memory_space<hbm>>
    %dma_start3A_547 = arith.constant 0 : i32
    %dma_start3A_548 = arith.constant 0 : i32
    %dma_start3A_549 = tpu.memref_slice %arg10[%dma_start3A_537, %dma_start3A_538, %dma_start3A_547, %dma_start3A_548] : memref<2x16x8x32xf32, #tpu.memory_space<vmem>> -> memref<1x1x8x32xf32, #tpu.memory_space<vmem>>
    %dma_start3A_550 = tpu.memref_squeeze %dma_start3A_549 : memref<1x1x8x32xf32, #tpu.memory_space<vmem>> -> memref<8x32xf32, #tpu.memory_space<vmem>>
    %dma_start3A_551 = arith.constant 0 : i32
    %dma_start3A_552 = arith.constant 0 : i32
    %dma_start3A_553 = tpu.memref_slice %arg4[%squeeze3A_536, %dma_start3A_551, %dma_start3A_552] : memref<125000x8x32xf32, #tpu.memory_space<hbm>> -> memref<1x8x32xf32, #tpu.memory_space<hbm>>
    %dma_start3A_554 = tpu.memref_squeeze %dma_start3A_553 : memref<1x8x32xf32, #tpu.memory_space<hbm>> -> memref<8x32xf32, #tpu.memory_space<hbm>>
    tpu.enqueue_dma source(%dma_start3A_554 : memref<8x32xf32, #tpu.memory_space<hbm>>) target(%dma_start3A_550 : memref<8x32xf32, #tpu.memory_space<vmem>>) target_semaphore(%arg14 : memref<!tpu.dma_semaphore, #tpu.memory_space<semaphore_mem>>)
    %slice3A_555 = vector.extract_strided_slice %shift_right_arithmetic3A_57 {offsets = [12], sizes = [1], strides = [1]} : vector<16xi32> to vector<1xi32>
    %squeeze3A_556 = vector.extract %slice3A_555[0] : i32 from vector<1xi32>
    %dma_start3A_557 = arith.constant 0 : i32
    %dma_start3A_558 = arith.constant 12 : i32
    %dma_start3A_559 = arith.constant 0 : i32
    %dma_start3A_560 = arith.constant 0 : i32
    %dma_start3A_561 = tpu.memref_slice %arg11[%dma_start3A_557, %dma_start3A_558, %dma_start3A_559, %dma_start3A_560] : memref<2x16x8x32xf32, #tpu.memory_space<vmem>> -> memref<1x1x8x32xf32, #tpu.memory_space<vmem>>
    %dma_start3A_562 = tpu.memref_squeeze %dma_start3A_561 : memref<1x1x8x32xf32, #tpu.memory_space<vmem>> -> memref<8x32xf32, #tpu.memory_space<vmem>>
    %dma_start3A_563 = arith.constant 0 : i32
    %dma_start3A_564 = arith.constant 0 : i32
    %dma_start3A_565 = tpu.memref_slice %arg5[%squeeze3A_556, %dma_start3A_563, %dma_start3A_564] : memref<125000x8x32xf32, #tpu.memory_space<hbm>> -> memref<1x8x32xf32, #tpu.memory_space<hbm>>
    %dma_start3A_566 = tpu.memref_squeeze %dma_start3A_565 : memref<1x8x32xf32, #tpu.memory_space<hbm>> -> memref<8x32xf32, #tpu.memory_space<hbm>>
    %dma_start3A_567 = arith.constant 0 : i32
    %dma_start3A_568 = arith.constant 0 : i32
    %dma_start3A_569 = tpu.memref_slice %arg11[%dma_start3A_557, %dma_start3A_558, %dma_start3A_567, %dma_start3A_568] : memref<2x16x8x32xf32, #tpu.memory_space<vmem>> -> memref<1x1x8x32xf32, #tpu.memory_space<vmem>>
    %dma_start3A_570 = tpu.memref_squeeze %dma_start3A_569 : memref<1x1x8x32xf32, #tpu.memory_space<vmem>> -> memref<8x32xf32, #tpu.memory_space<vmem>>
    %dma_start3A_571 = arith.constant 0 : i32
    %dma_start3A_572 = arith.constant 0 : i32
    %dma_start3A_573 = tpu.memref_slice %arg5[%squeeze3A_556, %dma_start3A_571, %dma_start3A_572] : memref<125000x8x32xf32, #tpu.memory_space<hbm>> -> memref<1x8x32xf32, #tpu.memory_space<hbm>>
    %dma_start3A_574 = tpu.memref_squeeze %dma_start3A_573 : memref<1x8x32xf32, #tpu.memory_space<hbm>> -> memref<8x32xf32, #tpu.memory_space<hbm>>
    tpu.enqueue_dma source(%dma_start3A_574 : memref<8x32xf32, #tpu.memory_space<hbm>>) target(%dma_start3A_570 : memref<8x32xf32, #tpu.memory_space<vmem>>) target_semaphore(%arg14 : memref<!tpu.dma_semaphore, #tpu.memory_space<semaphore_mem>>)
    %slice3A_575 = vector.extract_strided_slice %shift_right_arithmetic3A_51 {offsets = [13], sizes = [1], strides = [1]} : vector<16xi32> to vector<1xi32>
    %squeeze3A_576 = vector.extract %slice3A_575[0] : i32 from vector<1xi32>
    %dma_start3A_577 = arith.constant 0 : i32
    %dma_start3A_578 = arith.constant 13 : i32
    %dma_start3A_579 = arith.constant 0 : i32
    %dma_start3A_580 = arith.constant 0 : i32
    %dma_start3A_581 = tpu.memref_slice %arg10[%dma_start3A_577, %dma_start3A_578, %dma_start3A_579, %dma_start3A_580] : memref<2x16x8x32xf32, #tpu.memory_space<vmem>> -> memref<1x1x8x32xf32, #tpu.memory_space<vmem>>
    %dma_start3A_582 = tpu.memref_squeeze %dma_start3A_581 : memref<1x1x8x32xf32, #tpu.memory_space<vmem>> -> memref<8x32xf32, #tpu.memory_space<vmem>>
    %dma_start3A_583 = arith.constant 0 : i32
    %dma_start3A_584 = arith.constant 0 : i32
    %dma_start3A_585 = tpu.memref_slice %arg4[%squeeze3A_576, %dma_start3A_583, %dma_start3A_584] : memref<125000x8x32xf32, #tpu.memory_space<hbm>> -> memref<1x8x32xf32, #tpu.memory_space<hbm>>
    %dma_start3A_586 = tpu.memref_squeeze %dma_start3A_585 : memref<1x8x32xf32, #tpu.memory_space<hbm>> -> memref<8x32xf32, #tpu.memory_space<hbm>>
    %dma_start3A_587 = arith.constant 0 : i32
    %dma_start3A_588 = arith.constant 0 : i32
    %dma_start3A_589 = tpu.memref_slice %arg10[%dma_start3A_577, %dma_start3A_578, %dma_start3A_587, %dma_start3A_588] : memref<2x16x8x32xf32, #tpu.memory_space<vmem>> -> memref<1x1x8x32xf32, #tpu.memory_space<vmem>>
    %dma_start3A_590 = tpu.memref_squeeze %dma_start3A_589 : memref<1x1x8x32xf32, #tpu.memory_space<vmem>> -> memref<8x32xf32, #tpu.memory_space<vmem>>
    %dma_start3A_591 = arith.constant 0 : i32
    %dma_start3A_592 = arith.constant 0 : i32
    %dma_start3A_593 = tpu.memref_slice %arg4[%squeeze3A_576, %dma_start3A_591, %dma_start3A_592] : memref<125000x8x32xf32, #tpu.memory_space<hbm>> -> memref<1x8x32xf32, #tpu.memory_space<hbm>>
    %dma_start3A_594 = tpu.memref_squeeze %dma_start3A_593 : memref<1x8x32xf32, #tpu.memory_space<hbm>> -> memref<8x32xf32, #tpu.memory_space<hbm>>
    tpu.enqueue_dma source(%dma_start3A_594 : memref<8x32xf32, #tpu.memory_space<hbm>>) target(%dma_start3A_590 : memref<8x32xf32, #tpu.memory_space<vmem>>) target_semaphore(%arg14 : memref<!tpu.dma_semaphore, #tpu.memory_space<semaphore_mem>>)
    %slice3A_595 = vector.extract_strided_slice %shift_right_arithmetic3A_57 {offsets = [13], sizes = [1], strides = [1]} : vector<16xi32> to vector<1xi32>
    %squeeze3A_596 = vector.extract %slice3A_595[0] : i32 from vector<1xi32>
    %dma_start3A_597 = arith.constant 0 : i32
    %dma_start3A_598 = arith.constant 13 : i32
    %dma_start3A_599 = arith.constant 0 : i32
    %dma_start3A_600 = arith.constant 0 : i32
    %dma_start3A_601 = tpu.memref_slice %arg11[%dma_start3A_597, %dma_start3A_598, %dma_start3A_599, %dma_start3A_600] : memref<2x16x8x32xf32, #tpu.memory_space<vmem>> -> memref<1x1x8x32xf32, #tpu.memory_space<vmem>>
    %dma_start3A_602 = tpu.memref_squeeze %dma_start3A_601 : memref<1x1x8x32xf32, #tpu.memory_space<vmem>> -> memref<8x32xf32, #tpu.memory_space<vmem>>
    %dma_start3A_603 = arith.constant 0 : i32
    %dma_start3A_604 = arith.constant 0 : i32
    %dma_start3A_605 = tpu.memref_slice %arg5[%squeeze3A_596, %dma_start3A_603, %dma_start3A_604] : memref<125000x8x32xf32, #tpu.memory_space<hbm>> -> memref<1x8x32xf32, #tpu.memory_space<hbm>>
    %dma_start3A_606 = tpu.memref_squeeze %dma_start3A_605 : memref<1x8x32xf32, #tpu.memory_space<hbm>> -> memref<8x32xf32, #tpu.memory_space<hbm>>
    %dma_start3A_607 = arith.constant 0 : i32
    %dma_start3A_608 = arith.constant 0 : i32
    %dma_start3A_609 = tpu.memref_slice %arg11[%dma_start3A_597, %dma_start3A_598, %dma_start3A_607, %dma_start3A_608] : memref<2x16x8x32xf32, #tpu.memory_space<vmem>> -> memref<1x1x8x32xf32, #tpu.memory_space<vmem>>
    %dma_start3A_610 = tpu.memref_squeeze %dma_start3A_609 : memref<1x1x8x32xf32, #tpu.memory_space<vmem>> -> memref<8x32xf32, #tpu.memory_space<vmem>>
    %dma_start3A_611 = arith.constant 0 : i32
    %dma_start3A_612 = arith.constant 0 : i32
    %dma_start3A_613 = tpu.memref_slice %arg5[%squeeze3A_596, %dma_start3A_611, %dma_start3A_612] : memref<125000x8x32xf32, #tpu.memory_space<hbm>> -> memref<1x8x32xf32, #tpu.memory_space<hbm>>
    %dma_start3A_614 = tpu.memref_squeeze %dma_start3A_613 : memref<1x8x32xf32, #tpu.memory_space<hbm>> -> memref<8x32xf32, #tpu.memory_space<hbm>>
    tpu.enqueue_dma source(%dma_start3A_614 : memref<8x32xf32, #tpu.memory_space<hbm>>) target(%dma_start3A_610 : memref<8x32xf32, #tpu.memory_space<vmem>>) target_semaphore(%arg14 : memref<!tpu.dma_semaphore, #tpu.memory_space<semaphore_mem>>)
    %slice3A_615 = vector.extract_strided_slice %shift_right_arithmetic3A_51 {offsets = [14], sizes = [1], strides = [1]} : vector<16xi32> to vector<1xi32>
    %squeeze3A_616 = vector.extract %slice3A_615[0] : i32 from vector<1xi32>
    %dma_start3A_617 = arith.constant 0 : i32
    %dma_start3A_618 = arith.constant 14 : i32
    %dma_start3A_619 = arith.constant 0 : i32
    %dma_start3A_620 = arith.constant 0 : i32
    %dma_start3A_621 = tpu.memref_slice %arg10[%dma_start3A_617, %dma_start3A_618, %dma_start3A_619, %dma_start3A_620] : memref<2x16x8x32xf32, #tpu.memory_space<vmem>> -> memref<1x1x8x32xf32, #tpu.memory_space<vmem>>
    %dma_start3A_622 = tpu.memref_squeeze %dma_start3A_621 : memref<1x1x8x32xf32, #tpu.memory_space<vmem>> -> memref<8x32xf32, #tpu.memory_space<vmem>>
    %dma_start3A_623 = arith.constant 0 : i32
    %dma_start3A_624 = arith.constant 0 : i32
    %dma_start3A_625 = tpu.memref_slice %arg4[%squeeze3A_616, %dma_start3A_623, %dma_start3A_624] : memref<125000x8x32xf32, #tpu.memory_space<hbm>> -> memref<1x8x32xf32, #tpu.memory_space<hbm>>
    %dma_start3A_626 = tpu.memref_squeeze %dma_start3A_625 : memref<1x8x32xf32, #tpu.memory_space<hbm>> -> memref<8x32xf32, #tpu.memory_space<hbm>>
    %dma_start3A_627 = arith.constant 0 : i32
    %dma_start3A_628 = arith.constant 0 : i32
    %dma_start3A_629 = tpu.memref_slice %arg10[%dma_start3A_617, %dma_start3A_618, %dma_start3A_627, %dma_start3A_628] : memref<2x16x8x32xf32, #tpu.memory_space<vmem>> -> memref<1x1x8x32xf32, #tpu.memory_space<vmem>>
    %dma_start3A_630 = tpu.memref_squeeze %dma_start3A_629 : memref<1x1x8x32xf32, #tpu.memory_space<vmem>> -> memref<8x32xf32, #tpu.memory_space<vmem>>
    %dma_start3A_631 = arith.constant 0 : i32
    %dma_start3A_632 = arith.constant 0 : i32
    %dma_start3A_633 = tpu.memref_slice %arg4[%squeeze3A_616, %dma_start3A_631, %dma_start3A_632] : memref<125000x8x32xf32, #tpu.memory_space<hbm>> -> memref<1x8x32xf32, #tpu.memory_space<hbm>>
    %dma_start3A_634 = tpu.memref_squeeze %dma_start3A_633 : memref<1x8x32xf32, #tpu.memory_space<hbm>> -> memref<8x32xf32, #tpu.memory_space<hbm>>
    tpu.enqueue_dma source(%dma_start3A_634 : memref<8x32xf32, #tpu.memory_space<hbm>>) target(%dma_start3A_630 : memref<8x32xf32, #tpu.memory_space<vmem>>) target_semaphore(%arg14 : memref<!tpu.dma_semaphore, #tpu.memory_space<semaphore_mem>>)
    %slice3A_635 = vector.extract_strided_slice %shift_right_arithmetic3A_57 {offsets = [14], sizes = [1], strides = [1]} : vector<16xi32> to vector<1xi32>
    %squeeze3A_636 = vector.extract %slice3A_635[0] : i32 from vector<1xi32>
    %dma_start3A_637 = arith.constant 0 : i32
    %dma_start3A_638 = arith.constant 14 : i32
    %dma_start3A_639 = arith.constant 0 : i32
    %dma_start3A_640 = arith.constant 0 : i32
    %dma_start3A_641 = tpu.memref_slice %arg11[%dma_start3A_637, %dma_start3A_638, %dma_start3A_639, %dma_start3A_640] : memref<2x16x8x32xf32, #tpu.memory_space<vmem>> -> memref<1x1x8x32xf32, #tpu.memory_space<vmem>>
    %dma_start3A_642 = tpu.memref_squeeze %dma_start3A_641 : memref<1x1x8x32xf32, #tpu.memory_space<vmem>> -> memref<8x32xf32, #tpu.memory_space<vmem>>
    %dma_start3A_643 = arith.constant 0 : i32
    %dma_start3A_644 = arith.constant 0 : i32
    %dma_start3A_645 = tpu.memref_slice %arg5[%squeeze3A_636, %dma_start3A_643, %dma_start3A_644] : memref<125000x8x32xf32, #tpu.memory_space<hbm>> -> memref<1x8x32xf32, #tpu.memory_space<hbm>>
    %dma_start3A_646 = tpu.memref_squeeze %dma_start3A_645 : memref<1x8x32xf32, #tpu.memory_space<hbm>> -> memref<8x32xf32, #tpu.memory_space<hbm>>
    %dma_start3A_647 = arith.constant 0 : i32
    %dma_start3A_648 = arith.constant 0 : i32
    %dma_start3A_649 = tpu.memref_slice %arg11[%dma_start3A_637, %dma_start3A_638, %dma_start3A_647, %dma_start3A_648] : memref<2x16x8x32xf32, #tpu.memory_space<vmem>> -> memref<1x1x8x32xf32, #tpu.memory_space<vmem>>
    %dma_start3A_650 = tpu.memref_squeeze %dma_start3A_649 : memref<1x1x8x32xf32, #tpu.memory_space<vmem>> -> memref<8x32xf32, #tpu.memory_space<vmem>>
    %dma_start3A_651 = arith.constant 0 : i32
    %dma_start3A_652 = arith.constant 0 : i32
    %dma_start3A_653 = tpu.memref_slice %arg5[%squeeze3A_636, %dma_start3A_651, %dma_start3A_652] : memref<125000x8x32xf32, #tpu.memory_space<hbm>> -> memref<1x8x32xf32, #tpu.memory_space<hbm>>
    %dma_start3A_654 = tpu.memref_squeeze %dma_start3A_653 : memref<1x8x32xf32, #tpu.memory_space<hbm>> -> memref<8x32xf32, #tpu.memory_space<hbm>>
    tpu.enqueue_dma source(%dma_start3A_654 : memref<8x32xf32, #tpu.memory_space<hbm>>) target(%dma_start3A_650 : memref<8x32xf32, #tpu.memory_space<vmem>>) target_semaphore(%arg14 : memref<!tpu.dma_semaphore, #tpu.memory_space<semaphore_mem>>)
    %slice3A_655 = vector.extract_strided_slice %shift_right_arithmetic3A_51 {offsets = [15], sizes = [1], strides = [1]} : vector<16xi32> to vector<1xi32>
    %squeeze3A_656 = vector.extract %slice3A_655[0] : i32 from vector<1xi32>
    %dma_start3A_657 = arith.constant 0 : i32
    %dma_start3A_658 = arith.constant 15 : i32
    %dma_start3A_659 = arith.constant 0 : i32
    %dma_start3A_660 = arith.constant 0 : i32
    %dma_start3A_661 = tpu.memref_slice %arg10[%dma_start3A_657, %dma_start3A_658, %dma_start3A_659, %dma_start3A_660] : memref<2x16x8x32xf32, #tpu.memory_space<vmem>> -> memref<1x1x8x32xf32, #tpu.memory_space<vmem>>
    %dma_start3A_662 = tpu.memref_squeeze %dma_start3A_661 : memref<1x1x8x32xf32, #tpu.memory_space<vmem>> -> memref<8x32xf32, #tpu.memory_space<vmem>>
    %dma_start3A_663 = arith.constant 0 : i32
    %dma_start3A_664 = arith.constant 0 : i32
    %dma_start3A_665 = tpu.memref_slice %arg4[%squeeze3A_656, %dma_start3A_663, %dma_start3A_664] : memref<125000x8x32xf32, #tpu.memory_space<hbm>> -> memref<1x8x32xf32, #tpu.memory_space<hbm>>
    %dma_start3A_666 = tpu.memref_squeeze %dma_start3A_665 : memref<1x8x32xf32, #tpu.memory_space<hbm>> -> memref<8x32xf32, #tpu.memory_space<hbm>>
    %dma_start3A_667 = arith.constant 0 : i32
    %dma_start3A_668 = arith.constant 0 : i32
    %dma_start3A_669 = tpu.memref_slice %arg10[%dma_start3A_657, %dma_start3A_658, %dma_start3A_667, %dma_start3A_668] : memref<2x16x8x32xf32, #tpu.memory_space<vmem>> -> memref<1x1x8x32xf32, #tpu.memory_space<vmem>>
    %dma_start3A_670 = tpu.memref_squeeze %dma_start3A_669 : memref<1x1x8x32xf32, #tpu.memory_space<vmem>> -> memref<8x32xf32, #tpu.memory_space<vmem>>
    %dma_start3A_671 = arith.constant 0 : i32
    %dma_start3A_672 = arith.constant 0 : i32
    %dma_start3A_673 = tpu.memref_slice %arg4[%squeeze3A_656, %dma_start3A_671, %dma_start3A_672] : memref<125000x8x32xf32, #tpu.memory_space<hbm>> -> memref<1x8x32xf32, #tpu.memory_space<hbm>>
    %dma_start3A_674 = tpu.memref_squeeze %dma_start3A_673 : memref<1x8x32xf32, #tpu.memory_space<hbm>> -> memref<8x32xf32, #tpu.memory_space<hbm>>
    tpu.enqueue_dma source(%dma_start3A_674 : memref<8x32xf32, #tpu.memory_space<hbm>>) target(%dma_start3A_670 : memref<8x32xf32, #tpu.memory_space<vmem>>) target_semaphore(%arg14 : memref<!tpu.dma_semaphore, #tpu.memory_space<semaphore_mem>>)
    %slice3A_675 = vector.extract_strided_slice %shift_right_arithmetic3A_57 {offsets = [15], sizes = [1], strides = [1]} : vector<16xi32> to vector<1xi32>
    %squeeze3A_676 = vector.extract %slice3A_675[0] : i32 from vector<1xi32>
    %dma_start3A_677 = arith.constant 0 : i32
    %dma_start3A_678 = arith.constant 15 : i32
    %dma_start3A_679 = arith.constant 0 : i32
    %dma_start3A_680 = arith.constant 0 : i32
    %dma_start3A_681 = tpu.memref_slice %arg11[%dma_start3A_677, %dma_start3A_678, %dma_start3A_679, %dma_start3A_680] : memref<2x16x8x32xf32, #tpu.memory_space<vmem>> -> memref<1x1x8x32xf32, #tpu.memory_space<vmem>>
    %dma_start3A_682 = tpu.memref_squeeze %dma_start3A_681 : memref<1x1x8x32xf32, #tpu.memory_space<vmem>> -> memref<8x32xf32, #tpu.memory_space<vmem>>
    %dma_start3A_683 = arith.constant 0 : i32
    %dma_start3A_684 = arith.constant 0 : i32
    %dma_start3A_685 = tpu.memref_slice %arg5[%squeeze3A_676, %dma_start3A_683, %dma_start3A_684] : memref<125000x8x32xf32, #tpu.memory_space<hbm>> -> memref<1x8x32xf32, #tpu.memory_space<hbm>>
    %dma_start3A_686 = tpu.memref_squeeze %dma_start3A_685 : memref<1x8x32xf32, #tpu.memory_space<hbm>> -> memref<8x32xf32, #tpu.memory_space<hbm>>
    %dma_start3A_687 = arith.constant 0 : i32
    %dma_start3A_688 = arith.constant 0 : i32
    %dma_start3A_689 = tpu.memref_slice %arg11[%dma_start3A_677, %dma_start3A_678, %dma_start3A_687, %dma_start3A_688] : memref<2x16x8x32xf32, #tpu.memory_space<vmem>> -> memref<1x1x8x32xf32, #tpu.memory_space<vmem>>
    %dma_start3A_690 = tpu.memref_squeeze %dma_start3A_689 : memref<1x1x8x32xf32, #tpu.memory_space<vmem>> -> memref<8x32xf32, #tpu.memory_space<vmem>>
    %dma_start3A_691 = arith.constant 0 : i32
    %dma_start3A_692 = arith.constant 0 : i32
    %dma_start3A_693 = tpu.memref_slice %arg5[%squeeze3A_676, %dma_start3A_691, %dma_start3A_692] : memref<125000x8x32xf32, #tpu.memory_space<hbm>> -> memref<1x8x32xf32, #tpu.memory_space<hbm>>
    %dma_start3A_694 = tpu.memref_squeeze %dma_start3A_693 : memref<1x8x32xf32, #tpu.memory_space<hbm>> -> memref<8x32xf32, #tpu.memory_space<hbm>>
    tpu.enqueue_dma source(%dma_start3A_694 : memref<8x32xf32, #tpu.memory_space<hbm>>) target(%dma_start3A_690 : memref<8x32xf32, #tpu.memory_space<vmem>>) target_semaphore(%arg14 : memref<!tpu.dma_semaphore, #tpu.memory_space<semaphore_mem>>)
    %scan3A = arith.constant 0 : i32
    %scan3A_695 = arith.constant 0 : i32
    %scan3A_696 = arith.constant 32 : i32
    %scan3A_697 = arith.addi %scan3A_695, %scan3A_696 : i32
    %scan3A_698 = arith.constant 1 : i32
    scf.for %scan3A_700 = %scan3A_695 to %scan3A_697 step %scan3A_698  : i32 {
      %rem3A = arith.constant 2 : i32
      %rem3A_701 = arith.remsi %scan3A_700, %rem3A : i32
      %add3A_702 = arith.constant 1 : i32
      %add3A_703 = arith.addi %scan3A_700, %add3A_702 : i32
      %lt3A = arith.constant 32 : i32
      %lt3A_704 = arith.cmpi slt, %add3A_703, %lt3A : i32
      %convert_element_type3A = arith.extui %lt3A_704 : i1 to i32
      %cond3A = arith.constant 0 : i32
      %cond3A_705 = arith.cmpi ne, %convert_element_type3A, %cond3A : i32
      scf.if %cond3A_705 {
        %eq3A_1988 = arith.constant 0 : i32
        %eq3A_1989 = arith.cmpi eq, %rem3A_701, %eq3A_1988 : i32
        %convert_element_type3A_1990 = arith.extui %eq3A_1989 : i1 to i32
        %cond3A_1991 = arith.constant 0 : i32
        %cond3A_1992 = arith.cmpi ne, %convert_element_type3A_1990, %cond3A_1991 : i32
        scf.if %cond3A_1992 {
          %add3A_1998 = arith.constant 1 : i32
          %add3A_1999 = arith.addi %scan3A_700, %add3A_1998 : i32
          %mul3A_2000 = arith.constant 16 : i32
          %mul3A_2001 = arith.muli %add3A_1999, %mul3A_2000 : i32
          %get3A_2002 = arith.index_cast %mul3A_2001 : i32 to index
          %get3A_2003 = tpu.vector_load %arg8[%get3A_2002] {strides = array<i32>} : memref<512xi32, #tpu.memory_space<vmem>>, vector<16xi32>,
          %get3A_2004 = vector.shape_cast %get3A_2003 : vector<16xi32> to vector<16xi32>
          %shift_right_arithmetic3A_2005 = arith.constant 3 : i32
          %shift_right_arithmetic3A_2006 = vector.broadcast %shift_right_arithmetic3A_2005 : i32 to vector<16xi32>
          %shift_right_arithmetic3A_2007 = arith.shrsi %get3A_2004, %shift_right_arithmetic3A_2006 : vector<16xi32>
          %mul3A_2008 = arith.constant 16 : i32
          %mul3A_2009 = arith.muli %add3A_1999, %mul3A_2008 : i32
          %get3A_2010 = arith.index_cast %mul3A_2009 : i32 to index
          %get3A_2011 = tpu.vector_load %arg9[%get3A_2010] {strides = array<i32>} : memref<512xi32, #tpu.memory_space<vmem>>, vector<16xi32>,
          %get3A_2012 = vector.shape_cast %get3A_2011 : vector<16xi32> to vector<16xi32>
          %shift_right_arithmetic3A_2013 = arith.constant 3 : i32
          %shift_right_arithmetic3A_2014 = vector.broadcast %shift_right_arithmetic3A_2013 : i32 to vector<16xi32>
          %shift_right_arithmetic3A_2015 = arith.shrsi %get3A_2012, %shift_right_arithmetic3A_2014 : vector<16xi32>
          %slice3A_2016 = vector.extract_strided_slice %shift_right_arithmetic3A_2007 {offsets = [0], sizes = [1], strides = [1]} : vector<16xi32> to vector<1xi32>
          %squeeze3A_2017 = vector.extract %slice3A_2016[0] : i32 from vector<1xi32>
          %dma_start3A_2018 = arith.constant 1 : i32
          %dma_start3A_2019 = arith.constant 0 : i32
          %dma_start3A_2020 = arith.constant 0 : i32
          %dma_start3A_2021 = arith.constant 0 : i32
          %dma_start3A_2022 = tpu.memref_slice %arg10[%dma_start3A_2018, %dma_start3A_2019, %dma_start3A_2020, %dma_start3A_2021] : memref<2x16x8x32xf32, #tpu.memory_space<vmem>> -> memref<1x1x8x32xf32, #tpu.memory_space<vmem>>
          %dma_start3A_2023 = tpu.memref_squeeze %dma_start3A_2022 : memref<1x1x8x32xf32, #tpu.memory_space<vmem>> -> memref<8x32xf32, #tpu.memory_space<vmem>>
          %dma_start3A_2024 = arith.constant 0 : i32
          %dma_start3A_2025 = arith.constant 0 : i32
          %dma_start3A_2026 = tpu.memref_slice %arg4[%squeeze3A_2017, %dma_start3A_2024, %dma_start3A_2025] : memref<125000x8x32xf32, #tpu.memory_space<hbm>> -> memref<1x8x32xf32, #tpu.memory_space<hbm>>
          %dma_start3A_2027 = tpu.memref_squeeze %dma_start3A_2026 : memref<1x8x32xf32, #tpu.memory_space<hbm>> -> memref<8x32xf32, #tpu.memory_space<hbm>>
          %dma_start3A_2028 = arith.constant 0 : i32
          %dma_start3A_2029 = arith.constant 0 : i32
          %dma_start3A_2030 = tpu.memref_slice %arg10[%dma_start3A_2018, %dma_start3A_2019, %dma_start3A_2028, %dma_start3A_2029] : memref<2x16x8x32xf32, #tpu.memory_space<vmem>> -> memref<1x1x8x32xf32, #tpu.memory_space<vmem>>
          %dma_start3A_2031 = tpu.memref_squeeze %dma_start3A_2030 : memref<1x1x8x32xf32, #tpu.memory_space<vmem>> -> memref<8x32xf32, #tpu.memory_space<vmem>>
          %dma_start3A_2032 = arith.constant 0 : i32
          %dma_start3A_2033 = arith.constant 0 : i32
          %dma_start3A_2034 = tpu.memref_slice %arg4[%squeeze3A_2017, %dma_start3A_2032, %dma_start3A_2033] : memref<125000x8x32xf32, #tpu.memory_space<hbm>> -> memref<1x8x32xf32, #tpu.memory_space<hbm>>
          %dma_start3A_2035 = tpu.memref_squeeze %dma_start3A_2034 : memref<1x8x32xf32, #tpu.memory_space<hbm>> -> memref<8x32xf32, #tpu.memory_space<hbm>>
          tpu.enqueue_dma source(%dma_start3A_2035 : memref<8x32xf32, #tpu.memory_space<hbm>>) target(%dma_start3A_2031 : memref<8x32xf32, #tpu.memory_space<vmem>>) target_semaphore(%arg15 : memref<!tpu.dma_semaphore, #tpu.memory_space<semaphore_mem>>)
          %slice3A_2036 = vector.extract_strided_slice %shift_right_arithmetic3A_2015 {offsets = [0], sizes = [1], strides = [1]} : vector<16xi32> to vector<1xi32>
          %squeeze3A_2037 = vector.extract %slice3A_2036[0] : i32 from vector<1xi32>
          %dma_start3A_2038 = arith.constant 1 : i32
          %dma_start3A_2039 = arith.constant 0 : i32
          %dma_start3A_2040 = arith.constant 0 : i32
          %dma_start3A_2041 = arith.constant 0 : i32
          %dma_start3A_2042 = tpu.memref_slice %arg11[%dma_start3A_2038, %dma_start3A_2039, %dma_start3A_2040, %dma_start3A_2041] : memref<2x16x8x32xf32, #tpu.memory_space<vmem>> -> memref<1x1x8x32xf32, #tpu.memory_space<vmem>>
          %dma_start3A_2043 = tpu.memref_squeeze %dma_start3A_2042 : memref<1x1x8x32xf32, #tpu.memory_space<vmem>> -> memref<8x32xf32, #tpu.memory_space<vmem>>
          %dma_start3A_2044 = arith.constant 0 : i32
          %dma_start3A_2045 = arith.constant 0 : i32
          %dma_start3A_2046 = tpu.memref_slice %arg5[%squeeze3A_2037, %dma_start3A_2044, %dma_start3A_2045] : memref<125000x8x32xf32, #tpu.memory_space<hbm>> -> memref<1x8x32xf32, #tpu.memory_space<hbm>>
          %dma_start3A_2047 = tpu.memref_squeeze %dma_start3A_2046 : memref<1x8x32xf32, #tpu.memory_space<hbm>> -> memref<8x32xf32, #tpu.memory_space<hbm>>
          %dma_start3A_2048 = arith.constant 0 : i32
          %dma_start3A_2049 = arith.constant 0 : i32
          %dma_start3A_2050 = tpu.memref_slice %arg11[%dma_start3A_2038, %dma_start3A_2039, %dma_start3A_2048, %dma_start3A_2049] : memref<2x16x8x32xf32, #tpu.memory_space<vmem>> -> memref<1x1x8x32xf32, #tpu.memory_space<vmem>>
          %dma_start3A_2051 = tpu.memref_squeeze %dma_start3A_2050 : memref<1x1x8x32xf32, #tpu.memory_space<vmem>> -> memref<8x32xf32, #tpu.memory_space<vmem>>
          %dma_start3A_2052 = arith.constant 0 : i32
          %dma_start3A_2053 = arith.constant 0 : i32
          %dma_start3A_2054 = tpu.memref_slice %arg5[%squeeze3A_2037, %dma_start3A_2052, %dma_start3A_2053] : memref<125000x8x32xf32, #tpu.memory_space<hbm>> -> memref<1x8x32xf32, #tpu.memory_space<hbm>>
          %dma_start3A_2055 = tpu.memref_squeeze %dma_start3A_2054 : memref<1x8x32xf32, #tpu.memory_space<hbm>> -> memref<8x32xf32, #tpu.memory_space<hbm>>
          tpu.enqueue_dma source(%dma_start3A_2055 : memref<8x32xf32, #tpu.memory_space<hbm>>) target(%dma_start3A_2051 : memref<8x32xf32, #tpu.memory_space<vmem>>) target_semaphore(%arg15 : memref<!tpu.dma_semaphore, #tpu.memory_space<semaphore_mem>>)
          %slice3A_2056 = vector.extract_strided_slice %shift_right_arithmetic3A_2007 {offsets = [1], sizes = [1], strides = [1]} : vector<16xi32> to vector<1xi32>
          %squeeze3A_2057 = vector.extract %slice3A_2056[0] : i32 from vector<1xi32>
          %dma_start3A_2058 = arith.constant 1 : i32
          %dma_start3A_2059 = arith.constant 1 : i32
          %dma_start3A_2060 = arith.constant 0 : i32
          %dma_start3A_2061 = arith.constant 0 : i32
          %dma_start3A_2062 = tpu.memref_slice %arg10[%dma_start3A_2058, %dma_start3A_2059, %dma_start3A_2060, %dma_start3A_2061] : memref<2x16x8x32xf32, #tpu.memory_space<vmem>> -> memref<1x1x8x32xf32, #tpu.memory_space<vmem>>
          %dma_start3A_2063 = tpu.memref_squeeze %dma_start3A_2062 : memref<1x1x8x32xf32, #tpu.memory_space<vmem>> -> memref<8x32xf32, #tpu.memory_space<vmem>>
          %dma_start3A_2064 = arith.constant 0 : i32
          %dma_start3A_2065 = arith.constant 0 : i32
          %dma_start3A_2066 = tpu.memref_slice %arg4[%squeeze3A_2057, %dma_start3A_2064, %dma_start3A_2065] : memref<125000x8x32xf32, #tpu.memory_space<hbm>> -> memref<1x8x32xf32, #tpu.memory_space<hbm>>
          %dma_start3A_2067 = tpu.memref_squeeze %dma_start3A_2066 : memref<1x8x32xf32, #tpu.memory_space<hbm>> -> memref<8x32xf32, #tpu.memory_space<hbm>>
          %dma_start3A_2068 = arith.constant 0 : i32
          %dma_start3A_2069 = arith.constant 0 : i32
          %dma_start3A_2070 = tpu.memref_slice %arg10[%dma_start3A_2058, %dma_start3A_2059, %dma_start3A_2068, %dma_start3A_2069] : memref<2x16x8x32xf32, #tpu.memory_space<vmem>> -> memref<1x1x8x32xf32, #tpu.memory_space<vmem>>
          %dma_start3A_2071 = tpu.memref_squeeze %dma_start3A_2070 : memref<1x1x8x32xf32, #tpu.memory_space<vmem>> -> memref<8x32xf32, #tpu.memory_space<vmem>>
          %dma_start3A_2072 = arith.constant 0 : i32
          %dma_start3A_2073 = arith.constant 0 : i32
          %dma_start3A_2074 = tpu.memref_slice %arg4[%squeeze3A_2057, %dma_start3A_2072, %dma_start3A_2073] : memref<125000x8x32xf32, #tpu.memory_space<hbm>> -> memref<1x8x32xf32, #tpu.memory_space<hbm>>
          %dma_start3A_2075 = tpu.memref_squeeze %dma_start3A_2074 : memref<1x8x32xf32, #tpu.memory_space<hbm>> -> memref<8x32xf32, #tpu.memory_space<hbm>>
          tpu.enqueue_dma source(%dma_start3A_2075 : memref<8x32xf32, #tpu.memory_space<hbm>>) target(%dma_start3A_2071 : memref<8x32xf32, #tpu.memory_space<vmem>>) target_semaphore(%arg15 : memref<!tpu.dma_semaphore, #tpu.memory_space<semaphore_mem>>)
          %slice3A_2076 = vector.extract_strided_slice %shift_right_arithmetic3A_2015 {offsets = [1], sizes = [1], strides = [1]} : vector<16xi32> to vector<1xi32>
          %squeeze3A_2077 = vector.extract %slice3A_2076[0] : i32 from vector<1xi32>
          %dma_start3A_2078 = arith.constant 1 : i32
          %dma_start3A_2079 = arith.constant 1 : i32
          %dma_start3A_2080 = arith.constant 0 : i32
          %dma_start3A_2081 = arith.constant 0 : i32
          %dma_start3A_2082 = tpu.memref_slice %arg11[%dma_start3A_2078, %dma_start3A_2079, %dma_start3A_2080, %dma_start3A_2081] : memref<2x16x8x32xf32, #tpu.memory_space<vmem>> -> memref<1x1x8x32xf32, #tpu.memory_space<vmem>>
          %dma_start3A_2083 = tpu.memref_squeeze %dma_start3A_2082 : memref<1x1x8x32xf32, #tpu.memory_space<vmem>> -> memref<8x32xf32, #tpu.memory_space<vmem>>
          %dma_start3A_2084 = arith.constant 0 : i32
          %dma_start3A_2085 = arith.constant 0 : i32
          %dma_start3A_2086 = tpu.memref_slice %arg5[%squeeze3A_2077, %dma_start3A_2084, %dma_start3A_2085] : memref<125000x8x32xf32, #tpu.memory_space<hbm>> -> memref<1x8x32xf32, #tpu.memory_space<hbm>>
          %dma_start3A_2087 = tpu.memref_squeeze %dma_start3A_2086 : memref<1x8x32xf32, #tpu.memory_space<hbm>> -> memref<8x32xf32, #tpu.memory_space<hbm>>
          %dma_start3A_2088 = arith.constant 0 : i32
          %dma_start3A_2089 = arith.constant 0 : i32
          %dma_start3A_2090 = tpu.memref_slice %arg11[%dma_start3A_2078, %dma_start3A_2079, %dma_start3A_2088, %dma_start3A_2089] : memref<2x16x8x32xf32, #tpu.memory_space<vmem>> -> memref<1x1x8x32xf32, #tpu.memory_space<vmem>>
          %dma_start3A_2091 = tpu.memref_squeeze %dma_start3A_2090 : memref<1x1x8x32xf32, #tpu.memory_space<vmem>> -> memref<8x32xf32, #tpu.memory_space<vmem>>
          %dma_start3A_2092 = arith.constant 0 : i32
          %dma_start3A_2093 = arith.constant 0 : i32
          %dma_start3A_2094 = tpu.memref_slice %arg5[%squeeze3A_2077, %dma_start3A_2092, %dma_start3A_2093] : memref<125000x8x32xf32, #tpu.memory_space<hbm>> -> memref<1x8x32xf32, #tpu.memory_space<hbm>>
          %dma_start3A_2095 = tpu.memref_squeeze %dma_start3A_2094 : memref<1x8x32xf32, #tpu.memory_space<hbm>> -> memref<8x32xf32, #tpu.memory_space<hbm>>
          tpu.enqueue_dma source(%dma_start3A_2095 : memref<8x32xf32, #tpu.memory_space<hbm>>) target(%dma_start3A_2091 : memref<8x32xf32, #tpu.memory_space<vmem>>) target_semaphore(%arg15 : memref<!tpu.dma_semaphore, #tpu.memory_space<semaphore_mem>>)
          %slice3A_2096 = vector.extract_strided_slice %shift_right_arithmetic3A_2007 {offsets = [2], sizes = [1], strides = [1]} : vector<16xi32> to vector<1xi32>
          %squeeze3A_2097 = vector.extract %slice3A_2096[0] : i32 from vector<1xi32>
          %dma_start3A_2098 = arith.constant 1 : i32
          %dma_start3A_2099 = arith.constant 2 : i32
          %dma_start3A_2100 = arith.constant 0 : i32
          %dma_start3A_2101 = arith.constant 0 : i32
          %dma_start3A_2102 = tpu.memref_slice %arg10[%dma_start3A_2098, %dma_start3A_2099, %dma_start3A_2100, %dma_start3A_2101] : memref<2x16x8x32xf32, #tpu.memory_space<vmem>> -> memref<1x1x8x32xf32, #tpu.memory_space<vmem>>
          %dma_start3A_2103 = tpu.memref_squeeze %dma_start3A_2102 : memref<1x1x8x32xf32, #tpu.memory_space<vmem>> -> memref<8x32xf32, #tpu.memory_space<vmem>>
          %dma_start3A_2104 = arith.constant 0 : i32
          %dma_start3A_2105 = arith.constant 0 : i32
          %dma_start3A_2106 = tpu.memref_slice %arg4[%squeeze3A_2097, %dma_start3A_2104, %dma_start3A_2105] : memref<125000x8x32xf32, #tpu.memory_space<hbm>> -> memref<1x8x32xf32, #tpu.memory_space<hbm>>
          %dma_start3A_2107 = tpu.memref_squeeze %dma_start3A_2106 : memref<1x8x32xf32, #tpu.memory_space<hbm>> -> memref<8x32xf32, #tpu.memory_space<hbm>>
          %dma_start3A_2108 = arith.constant 0 : i32
          %dma_start3A_2109 = arith.constant 0 : i32
          %dma_start3A_2110 = tpu.memref_slice %arg10[%dma_start3A_2098, %dma_start3A_2099, %dma_start3A_2108, %dma_start3A_2109] : memref<2x16x8x32xf32, #tpu.memory_space<vmem>> -> memref<1x1x8x32xf32, #tpu.memory_space<vmem>>
          %dma_start3A_2111 = tpu.memref_squeeze %dma_start3A_2110 : memref<1x1x8x32xf32, #tpu.memory_space<vmem>> -> memref<8x32xf32, #tpu.memory_space<vmem>>
          %dma_start3A_2112 = arith.constant 0 : i32
          %dma_start3A_2113 = arith.constant 0 : i32
          %dma_start3A_2114 = tpu.memref_slice %arg4[%squeeze3A_2097, %dma_start3A_2112, %dma_start3A_2113] : memref<125000x8x32xf32, #tpu.memory_space<hbm>> -> memref<1x8x32xf32, #tpu.memory_space<hbm>>
          %dma_start3A_2115 = tpu.memref_squeeze %dma_start3A_2114 : memref<1x8x32xf32, #tpu.memory_space<hbm>> -> memref<8x32xf32, #tpu.memory_space<hbm>>
          tpu.enqueue_dma source(%dma_start3A_2115 : memref<8x32xf32, #tpu.memory_space<hbm>>) target(%dma_start3A_2111 : memref<8x32xf32, #tpu.memory_space<vmem>>) target_semaphore(%arg15 : memref<!tpu.dma_semaphore, #tpu.memory_space<semaphore_mem>>)
          %slice3A_2116 = vector.extract_strided_slice %shift_right_arithmetic3A_2015 {offsets = [2], sizes = [1], strides = [1]} : vector<16xi32> to vector<1xi32>
          %squeeze3A_2117 = vector.extract %slice3A_2116[0] : i32 from vector<1xi32>
          %dma_start3A_2118 = arith.constant 1 : i32
          %dma_start3A_2119 = arith.constant 2 : i32
          %dma_start3A_2120 = arith.constant 0 : i32
          %dma_start3A_2121 = arith.constant 0 : i32
          %dma_start3A_2122 = tpu.memref_slice %arg11[%dma_start3A_2118, %dma_start3A_2119, %dma_start3A_2120, %dma_start3A_2121] : memref<2x16x8x32xf32, #tpu.memory_space<vmem>> -> memref<1x1x8x32xf32, #tpu.memory_space<vmem>>
          %dma_start3A_2123 = tpu.memref_squeeze %dma_start3A_2122 : memref<1x1x8x32xf32, #tpu.memory_space<vmem>> -> memref<8x32xf32, #tpu.memory_space<vmem>>
          %dma_start3A_2124 = arith.constant 0 : i32
          %dma_start3A_2125 = arith.constant 0 : i32
          %dma_start3A_2126 = tpu.memref_slice %arg5[%squeeze3A_2117, %dma_start3A_2124, %dma_start3A_2125] : memref<125000x8x32xf32, #tpu.memory_space<hbm>> -> memref<1x8x32xf32, #tpu.memory_space<hbm>>
          %dma_start3A_2127 = tpu.memref_squeeze %dma_start3A_2126 : memref<1x8x32xf32, #tpu.memory_space<hbm>> -> memref<8x32xf32, #tpu.memory_space<hbm>>
          %dma_start3A_2128 = arith.constant 0 : i32
          %dma_start3A_2129 = arith.constant 0 : i32
          %dma_start3A_2130 = tpu.memref_slice %arg11[%dma_start3A_2118, %dma_start3A_2119, %dma_start3A_2128, %dma_start3A_2129] : memref<2x16x8x32xf32, #tpu.memory_space<vmem>> -> memref<1x1x8x32xf32, #tpu.memory_space<vmem>>
          %dma_start3A_2131 = tpu.memref_squeeze %dma_start3A_2130 : memref<1x1x8x32xf32, #tpu.memory_space<vmem>> -> memref<8x32xf32, #tpu.memory_space<vmem>>
          %dma_start3A_2132 = arith.constant 0 : i32
          %dma_start3A_2133 = arith.constant 0 : i32
          %dma_start3A_2134 = tpu.memref_slice %arg5[%squeeze3A_2117, %dma_start3A_2132, %dma_start3A_2133] : memref<125000x8x32xf32, #tpu.memory_space<hbm>> -> memref<1x8x32xf32, #tpu.memory_space<hbm>>
          %dma_start3A_2135 = tpu.memref_squeeze %dma_start3A_2134 : memref<1x8x32xf32, #tpu.memory_space<hbm>> -> memref<8x32xf32, #tpu.memory_space<hbm>>
          tpu.enqueue_dma source(%dma_start3A_2135 : memref<8x32xf32, #tpu.memory_space<hbm>>) target(%dma_start3A_2131 : memref<8x32xf32, #tpu.memory_space<vmem>>) target_semaphore(%arg15 : memref<!tpu.dma_semaphore, #tpu.memory_space<semaphore_mem>>)
          %slice3A_2136 = vector.extract_strided_slice %shift_right_arithmetic3A_2007 {offsets = [3], sizes = [1], strides = [1]} : vector<16xi32> to vector<1xi32>
          %squeeze3A_2137 = vector.extract %slice3A_2136[0] : i32 from vector<1xi32>
          %dma_start3A_2138 = arith.constant 1 : i32
          %dma_start3A_2139 = arith.constant 3 : i32
          %dma_start3A_2140 = arith.constant 0 : i32
          %dma_start3A_2141 = arith.constant 0 : i32
          %dma_start3A_2142 = tpu.memref_slice %arg10[%dma_start3A_2138, %dma_start3A_2139, %dma_start3A_2140, %dma_start3A_2141] : memref<2x16x8x32xf32, #tpu.memory_space<vmem>> -> memref<1x1x8x32xf32, #tpu.memory_space<vmem>>
          %dma_start3A_2143 = tpu.memref_squeeze %dma_start3A_2142 : memref<1x1x8x32xf32, #tpu.memory_space<vmem>> -> memref<8x32xf32, #tpu.memory_space<vmem>>
          %dma_start3A_2144 = arith.constant 0 : i32
          %dma_start3A_2145 = arith.constant 0 : i32
          %dma_start3A_2146 = tpu.memref_slice %arg4[%squeeze3A_2137, %dma_start3A_2144, %dma_start3A_2145] : memref<125000x8x32xf32, #tpu.memory_space<hbm>> -> memref<1x8x32xf32, #tpu.memory_space<hbm>>
          %dma_start3A_2147 = tpu.memref_squeeze %dma_start3A_2146 : memref<1x8x32xf32, #tpu.memory_space<hbm>> -> memref<8x32xf32, #tpu.memory_space<hbm>>
          %dma_start3A_2148 = arith.constant 0 : i32
          %dma_start3A_2149 = arith.constant 0 : i32
          %dma_start3A_2150 = tpu.memref_slice %arg10[%dma_start3A_2138, %dma_start3A_2139, %dma_start3A_2148, %dma_start3A_2149] : memref<2x16x8x32xf32, #tpu.memory_space<vmem>> -> memref<1x1x8x32xf32, #tpu.memory_space<vmem>>
          %dma_start3A_2151 = tpu.memref_squeeze %dma_start3A_2150 : memref<1x1x8x32xf32, #tpu.memory_space<vmem>> -> memref<8x32xf32, #tpu.memory_space<vmem>>
          %dma_start3A_2152 = arith.constant 0 : i32
          %dma_start3A_2153 = arith.constant 0 : i32
          %dma_start3A_2154 = tpu.memref_slice %arg4[%squeeze3A_2137, %dma_start3A_2152, %dma_start3A_2153] : memref<125000x8x32xf32, #tpu.memory_space<hbm>> -> memref<1x8x32xf32, #tpu.memory_space<hbm>>
          %dma_start3A_2155 = tpu.memref_squeeze %dma_start3A_2154 : memref<1x8x32xf32, #tpu.memory_space<hbm>> -> memref<8x32xf32, #tpu.memory_space<hbm>>
          tpu.enqueue_dma source(%dma_start3A_2155 : memref<8x32xf32, #tpu.memory_space<hbm>>) target(%dma_start3A_2151 : memref<8x32xf32, #tpu.memory_space<vmem>>) target_semaphore(%arg15 : memref<!tpu.dma_semaphore, #tpu.memory_space<semaphore_mem>>)
          %slice3A_2156 = vector.extract_strided_slice %shift_right_arithmetic3A_2015 {offsets = [3], sizes = [1], strides = [1]} : vector<16xi32> to vector<1xi32>
          %squeeze3A_2157 = vector.extract %slice3A_2156[0] : i32 from vector<1xi32>
          %dma_start3A_2158 = arith.constant 1 : i32
          %dma_start3A_2159 = arith.constant 3 : i32
          %dma_start3A_2160 = arith.constant 0 : i32
          %dma_start3A_2161 = arith.constant 0 : i32
          %dma_start3A_2162 = tpu.memref_slice %arg11[%dma_start3A_2158, %dma_start3A_2159, %dma_start3A_2160, %dma_start3A_2161] : memref<2x16x8x32xf32, #tpu.memory_space<vmem>> -> memref<1x1x8x32xf32, #tpu.memory_space<vmem>>
          %dma_start3A_2163 = tpu.memref_squeeze %dma_start3A_2162 : memref<1x1x8x32xf32, #tpu.memory_space<vmem>> -> memref<8x32xf32, #tpu.memory_space<vmem>>
          %dma_start3A_2164 = arith.constant 0 : i32
          %dma_start3A_2165 = arith.constant 0 : i32
          %dma_start3A_2166 = tpu.memref_slice %arg5[%squeeze3A_2157, %dma_start3A_2164, %dma_start3A_2165] : memref<125000x8x32xf32, #tpu.memory_space<hbm>> -> memref<1x8x32xf32, #tpu.memory_space<hbm>>
          %dma_start3A_2167 = tpu.memref_squeeze %dma_start3A_2166 : memref<1x8x32xf32, #tpu.memory_space<hbm>> -> memref<8x32xf32, #tpu.memory_space<hbm>>
          %dma_start3A_2168 = arith.constant 0 : i32
          %dma_start3A_2169 = arith.constant 0 : i32
          %dma_start3A_2170 = tpu.memref_slice %arg11[%dma_start3A_2158, %dma_start3A_2159, %dma_start3A_2168, %dma_start3A_2169] : memref<2x16x8x32xf32, #tpu.memory_space<vmem>> -> memref<1x1x8x32xf32, #tpu.memory_space<vmem>>
          %dma_start3A_2171 = tpu.memref_squeeze %dma_start3A_2170 : memref<1x1x8x32xf32, #tpu.memory_space<vmem>> -> memref<8x32xf32, #tpu.memory_space<vmem>>
          %dma_start3A_2172 = arith.constant 0 : i32
          %dma_start3A_2173 = arith.constant 0 : i32
          %dma_start3A_2174 = tpu.memref_slice %arg5[%squeeze3A_2157, %dma_start3A_2172, %dma_start3A_2173] : memref<125000x8x32xf32, #tpu.memory_space<hbm>> -> memref<1x8x32xf32, #tpu.memory_space<hbm>>
          %dma_start3A_2175 = tpu.memref_squeeze %dma_start3A_2174 : memref<1x8x32xf32, #tpu.memory_space<hbm>> -> memref<8x32xf32, #tpu.memory_space<hbm>>
          tpu.enqueue_dma source(%dma_start3A_2175 : memref<8x32xf32, #tpu.memory_space<hbm>>) target(%dma_start3A_2171 : memref<8x32xf32, #tpu.memory_space<vmem>>) target_semaphore(%arg15 : memref<!tpu.dma_semaphore, #tpu.memory_space<semaphore_mem>>)
          %slice3A_2176 = vector.extract_strided_slice %shift_right_arithmetic3A_2007 {offsets = [4], sizes = [1], strides = [1]} : vector<16xi32> to vector<1xi32>
          %squeeze3A_2177 = vector.extract %slice3A_2176[0] : i32 from vector<1xi32>
          %dma_start3A_2178 = arith.constant 1 : i32
          %dma_start3A_2179 = arith.constant 4 : i32
          %dma_start3A_2180 = arith.constant 0 : i32
          %dma_start3A_2181 = arith.constant 0 : i32
          %dma_start3A_2182 = tpu.memref_slice %arg10[%dma_start3A_2178, %dma_start3A_2179, %dma_start3A_2180, %dma_start3A_2181] : memref<2x16x8x32xf32, #tpu.memory_space<vmem>> -> memref<1x1x8x32xf32, #tpu.memory_space<vmem>>
          %dma_start3A_2183 = tpu.memref_squeeze %dma_start3A_2182 : memref<1x1x8x32xf32, #tpu.memory_space<vmem>> -> memref<8x32xf32, #tpu.memory_space<vmem>>
          %dma_start3A_2184 = arith.constant 0 : i32
          %dma_start3A_2185 = arith.constant 0 : i32
          %dma_start3A_2186 = tpu.memref_slice %arg4[%squeeze3A_2177, %dma_start3A_2184, %dma_start3A_2185] : memref<125000x8x32xf32, #tpu.memory_space<hbm>> -> memref<1x8x32xf32, #tpu.memory_space<hbm>>
          %dma_start3A_2187 = tpu.memref_squeeze %dma_start3A_2186 : memref<1x8x32xf32, #tpu.memory_space<hbm>> -> memref<8x32xf32, #tpu.memory_space<hbm>>
          %dma_start3A_2188 = arith.constant 0 : i32
          %dma_start3A_2189 = arith.constant 0 : i32
          %dma_start3A_2190 = tpu.memref_slice %arg10[%dma_start3A_2178, %dma_start3A_2179, %dma_start3A_2188, %dma_start3A_2189] : memref<2x16x8x32xf32, #tpu.memory_space<vmem>> -> memref<1x1x8x32xf32, #tpu.memory_space<vmem>>
          %dma_start3A_2191 = tpu.memref_squeeze %dma_start3A_2190 : memref<1x1x8x32xf32, #tpu.memory_space<vmem>> -> memref<8x32xf32, #tpu.memory_space<vmem>>
          %dma_start3A_2192 = arith.constant 0 : i32
          %dma_start3A_2193 = arith.constant 0 : i32
          %dma_start3A_2194 = tpu.memref_slice %arg4[%squeeze3A_2177, %dma_start3A_2192, %dma_start3A_2193] : memref<125000x8x32xf32, #tpu.memory_space<hbm>> -> memref<1x8x32xf32, #tpu.memory_space<hbm>>
          %dma_start3A_2195 = tpu.memref_squeeze %dma_start3A_2194 : memref<1x8x32xf32, #tpu.memory_space<hbm>> -> memref<8x32xf32, #tpu.memory_space<hbm>>
          tpu.enqueue_dma source(%dma_start3A_2195 : memref<8x32xf32, #tpu.memory_space<hbm>>) target(%dma_start3A_2191 : memref<8x32xf32, #tpu.memory_space<vmem>>) target_semaphore(%arg15 : memref<!tpu.dma_semaphore, #tpu.memory_space<semaphore_mem>>)
          %slice3A_2196 = vector.extract_strided_slice %shift_right_arithmetic3A_2015 {offsets = [4], sizes = [1], strides = [1]} : vector<16xi32> to vector<1xi32>
          %squeeze3A_2197 = vector.extract %slice3A_2196[0] : i32 from vector<1xi32>
          %dma_start3A_2198 = arith.constant 1 : i32
          %dma_start3A_2199 = arith.constant 4 : i32
          %dma_start3A_2200 = arith.constant 0 : i32
          %dma_start3A_2201 = arith.constant 0 : i32
          %dma_start3A_2202 = tpu.memref_slice %arg11[%dma_start3A_2198, %dma_start3A_2199, %dma_start3A_2200, %dma_start3A_2201] : memref<2x16x8x32xf32, #tpu.memory_space<vmem>> -> memref<1x1x8x32xf32, #tpu.memory_space<vmem>>
          %dma_start3A_2203 = tpu.memref_squeeze %dma_start3A_2202 : memref<1x1x8x32xf32, #tpu.memory_space<vmem>> -> memref<8x32xf32, #tpu.memory_space<vmem>>
          %dma_start3A_2204 = arith.constant 0 : i32
          %dma_start3A_2205 = arith.constant 0 : i32
          %dma_start3A_2206 = tpu.memref_slice %arg5[%squeeze3A_2197, %dma_start3A_2204, %dma_start3A_2205] : memref<125000x8x32xf32, #tpu.memory_space<hbm>> -> memref<1x8x32xf32, #tpu.memory_space<hbm>>
          %dma_start3A_2207 = tpu.memref_squeeze %dma_start3A_2206 : memref<1x8x32xf32, #tpu.memory_space<hbm>> -> memref<8x32xf32, #tpu.memory_space<hbm>>
          %dma_start3A_2208 = arith.constant 0 : i32
          %dma_start3A_2209 = arith.constant 0 : i32
          %dma_start3A_2210 = tpu.memref_slice %arg11[%dma_start3A_2198, %dma_start3A_2199, %dma_start3A_2208, %dma_start3A_2209] : memref<2x16x8x32xf32, #tpu.memory_space<vmem>> -> memref<1x1x8x32xf32, #tpu.memory_space<vmem>>
          %dma_start3A_2211 = tpu.memref_squeeze %dma_start3A_2210 : memref<1x1x8x32xf32, #tpu.memory_space<vmem>> -> memref<8x32xf32, #tpu.memory_space<vmem>>
          %dma_start3A_2212 = arith.constant 0 : i32
          %dma_start3A_2213 = arith.constant 0 : i32
          %dma_start3A_2214 = tpu.memref_slice %arg5[%squeeze3A_2197, %dma_start3A_2212, %dma_start3A_2213] : memref<125000x8x32xf32, #tpu.memory_space<hbm>> -> memref<1x8x32xf32, #tpu.memory_space<hbm>>
          %dma_start3A_2215 = tpu.memref_squeeze %dma_start3A_2214 : memref<1x8x32xf32, #tpu.memory_space<hbm>> -> memref<8x32xf32, #tpu.memory_space<hbm>>
          tpu.enqueue_dma source(%dma_start3A_2215 : memref<8x32xf32, #tpu.memory_space<hbm>>) target(%dma_start3A_2211 : memref<8x32xf32, #tpu.memory_space<vmem>>) target_semaphore(%arg15 : memref<!tpu.dma_semaphore, #tpu.memory_space<semaphore_mem>>)
          %slice3A_2216 = vector.extract_strided_slice %shift_right_arithmetic3A_2007 {offsets = [5], sizes = [1], strides = [1]} : vector<16xi32> to vector<1xi32>
          %squeeze3A_2217 = vector.extract %slice3A_2216[0] : i32 from vector<1xi32>
          %dma_start3A_2218 = arith.constant 1 : i32
          %dma_start3A_2219 = arith.constant 5 : i32
          %dma_start3A_2220 = arith.constant 0 : i32
          %dma_start3A_2221 = arith.constant 0 : i32
          %dma_start3A_2222 = tpu.memref_slice %arg10[%dma_start3A_2218, %dma_start3A_2219, %dma_start3A_2220, %dma_start3A_2221] : memref<2x16x8x32xf32, #tpu.memory_space<vmem>> -> memref<1x1x8x32xf32, #tpu.memory_space<vmem>>
          %dma_start3A_2223 = tpu.memref_squeeze %dma_start3A_2222 : memref<1x1x8x32xf32, #tpu.memory_space<vmem>> -> memref<8x32xf32, #tpu.memory_space<vmem>>
          %dma_start3A_2224 = arith.constant 0 : i32
          %dma_start3A_2225 = arith.constant 0 : i32
          %dma_start3A_2226 = tpu.memref_slice %arg4[%squeeze3A_2217, %dma_start3A_2224, %dma_start3A_2225] : memref<125000x8x32xf32, #tpu.memory_space<hbm>> -> memref<1x8x32xf32, #tpu.memory_space<hbm>>
          %dma_start3A_2227 = tpu.memref_squeeze %dma_start3A_2226 : memref<1x8x32xf32, #tpu.memory_space<hbm>> -> memref<8x32xf32, #tpu.memory_space<hbm>>
          %dma_start3A_2228 = arith.constant 0 : i32
          %dma_start3A_2229 = arith.constant 0 : i32
          %dma_start3A_2230 = tpu.memref_slice %arg10[%dma_start3A_2218, %dma_start3A_2219, %dma_start3A_2228, %dma_start3A_2229] : memref<2x16x8x32xf32, #tpu.memory_space<vmem>> -> memref<1x1x8x32xf32, #tpu.memory_space<vmem>>
          %dma_start3A_2231 = tpu.memref_squeeze %dma_start3A_2230 : memref<1x1x8x32xf32, #tpu.memory_space<vmem>> -> memref<8x32xf32, #tpu.memory_space<vmem>>
          %dma_start3A_2232 = arith.constant 0 : i32
          %dma_start3A_2233 = arith.constant 0 : i32
          %dma_start3A_2234 = tpu.memref_slice %arg4[%squeeze3A_2217, %dma_start3A_2232, %dma_start3A_2233] : memref<125000x8x32xf32, #tpu.memory_space<hbm>> -> memref<1x8x32xf32, #tpu.memory_space<hbm>>
          %dma_start3A_2235 = tpu.memref_squeeze %dma_start3A_2234 : memref<1x8x32xf32, #tpu.memory_space<hbm>> -> memref<8x32xf32, #tpu.memory_space<hbm>>
          tpu.enqueue_dma source(%dma_start3A_2235 : memref<8x32xf32, #tpu.memory_space<hbm>>) target(%dma_start3A_2231 : memref<8x32xf32, #tpu.memory_space<vmem>>) target_semaphore(%arg15 : memref<!tpu.dma_semaphore, #tpu.memory_space<semaphore_mem>>)
          %slice3A_2236 = vector.extract_strided_slice %shift_right_arithmetic3A_2015 {offsets = [5], sizes = [1], strides = [1]} : vector<16xi32> to vector<1xi32>
          %squeeze3A_2237 = vector.extract %slice3A_2236[0] : i32 from vector<1xi32>
          %dma_start3A_2238 = arith.constant 1 : i32
          %dma_start3A_2239 = arith.constant 5 : i32
          %dma_start3A_2240 = arith.constant 0 : i32
          %dma_start3A_2241 = arith.constant 0 : i32
          %dma_start3A_2242 = tpu.memref_slice %arg11[%dma_start3A_2238, %dma_start3A_2239, %dma_start3A_2240, %dma_start3A_2241] : memref<2x16x8x32xf32, #tpu.memory_space<vmem>> -> memref<1x1x8x32xf32, #tpu.memory_space<vmem>>
          %dma_start3A_2243 = tpu.memref_squeeze %dma_start3A_2242 : memref<1x1x8x32xf32, #tpu.memory_space<vmem>> -> memref<8x32xf32, #tpu.memory_space<vmem>>
          %dma_start3A_2244 = arith.constant 0 : i32
          %dma_start3A_2245 = arith.constant 0 : i32
          %dma_start3A_2246 = tpu.memref_slice %arg5[%squeeze3A_2237, %dma_start3A_2244, %dma_start3A_2245] : memref<125000x8x32xf32, #tpu.memory_space<hbm>> -> memref<1x8x32xf32, #tpu.memory_space<hbm>>
          %dma_start3A_2247 = tpu.memref_squeeze %dma_start3A_2246 : memref<1x8x32xf32, #tpu.memory_space<hbm>> -> memref<8x32xf32, #tpu.memory_space<hbm>>
          %dma_start3A_2248 = arith.constant 0 : i32
          %dma_start3A_2249 = arith.constant 0 : i32
          %dma_start3A_2250 = tpu.memref_slice %arg11[%dma_start3A_2238, %dma_start3A_2239, %dma_start3A_2248, %dma_start3A_2249] : memref<2x16x8x32xf32, #tpu.memory_space<vmem>> -> memref<1x1x8x32xf32, #tpu.memory_space<vmem>>
          %dma_start3A_2251 = tpu.memref_squeeze %dma_start3A_2250 : memref<1x1x8x32xf32, #tpu.memory_space<vmem>> -> memref<8x32xf32, #tpu.memory_space<vmem>>
          %dma_start3A_2252 = arith.constant 0 : i32
          %dma_start3A_2253 = arith.constant 0 : i32
          %dma_start3A_2254 = tpu.memref_slice %arg5[%squeeze3A_2237, %dma_start3A_2252, %dma_start3A_2253] : memref<125000x8x32xf32, #tpu.memory_space<hbm>> -> memref<1x8x32xf32, #tpu.memory_space<hbm>>
          %dma_start3A_2255 = tpu.memref_squeeze %dma_start3A_2254 : memref<1x8x32xf32, #tpu.memory_space<hbm>> -> memref<8x32xf32, #tpu.memory_space<hbm>>
          tpu.enqueue_dma source(%dma_start3A_2255 : memref<8x32xf32, #tpu.memory_space<hbm>>) target(%dma_start3A_2251 : memref<8x32xf32, #tpu.memory_space<vmem>>) target_semaphore(%arg15 : memref<!tpu.dma_semaphore, #tpu.memory_space<semaphore_mem>>)
          %slice3A_2256 = vector.extract_strided_slice %shift_right_arithmetic3A_2007 {offsets = [6], sizes = [1], strides = [1]} : vector<16xi32> to vector<1xi32>
          %squeeze3A_2257 = vector.extract %slice3A_2256[0] : i32 from vector<1xi32>
          %dma_start3A_2258 = arith.constant 1 : i32
          %dma_start3A_2259 = arith.constant 6 : i32
          %dma_start3A_2260 = arith.constant 0 : i32
          %dma_start3A_2261 = arith.constant 0 : i32
          %dma_start3A_2262 = tpu.memref_slice %arg10[%dma_start3A_2258, %dma_start3A_2259, %dma_start3A_2260, %dma_start3A_2261] : memref<2x16x8x32xf32, #tpu.memory_space<vmem>> -> memref<1x1x8x32xf32, #tpu.memory_space<vmem>>
          %dma_start3A_2263 = tpu.memref_squeeze %dma_start3A_2262 : memref<1x1x8x32xf32, #tpu.memory_space<vmem>> -> memref<8x32xf32, #tpu.memory_space<vmem>>
          %dma_start3A_2264 = arith.constant 0 : i32
          %dma_start3A_2265 = arith.constant 0 : i32
          %dma_start3A_2266 = tpu.memref_slice %arg4[%squeeze3A_2257, %dma_start3A_2264, %dma_start3A_2265] : memref<125000x8x32xf32, #tpu.memory_space<hbm>> -> memref<1x8x32xf32, #tpu.memory_space<hbm>>
          %dma_start3A_2267 = tpu.memref_squeeze %dma_start3A_2266 : memref<1x8x32xf32, #tpu.memory_space<hbm>> -> memref<8x32xf32, #tpu.memory_space<hbm>>
          %dma_start3A_2268 = arith.constant 0 : i32
          %dma_start3A_2269 = arith.constant 0 : i32
          %dma_start3A_2270 = tpu.memref_slice %arg10[%dma_start3A_2258, %dma_start3A_2259, %dma_start3A_2268, %dma_start3A_2269] : memref<2x16x8x32xf32, #tpu.memory_space<vmem>> -> memref<1x1x8x32xf32, #tpu.memory_space<vmem>>
          %dma_start3A_2271 = tpu.memref_squeeze %dma_start3A_2270 : memref<1x1x8x32xf32, #tpu.memory_space<vmem>> -> memref<8x32xf32, #tpu.memory_space<vmem>>
          %dma_start3A_2272 = arith.constant 0 : i32
          %dma_start3A_2273 = arith.constant 0 : i32
          %dma_start3A_2274 = tpu.memref_slice %arg4[%squeeze3A_2257, %dma_start3A_2272, %dma_start3A_2273] : memref<125000x8x32xf32, #tpu.memory_space<hbm>> -> memref<1x8x32xf32, #tpu.memory_space<hbm>>
          %dma_start3A_2275 = tpu.memref_squeeze %dma_start3A_2274 : memref<1x8x32xf32, #tpu.memory_space<hbm>> -> memref<8x32xf32, #tpu.memory_space<hbm>>
          tpu.enqueue_dma source(%dma_start3A_2275 : memref<8x32xf32, #tpu.memory_space<hbm>>) target(%dma_start3A_2271 : memref<8x32xf32, #tpu.memory_space<vmem>>) target_semaphore(%arg15 : memref<!tpu.dma_semaphore, #tpu.memory_space<semaphore_mem>>)
          %slice3A_2276 = vector.extract_strided_slice %shift_right_arithmetic3A_2015 {offsets = [6], sizes = [1], strides = [1]} : vector<16xi32> to vector<1xi32>
          %squeeze3A_2277 = vector.extract %slice3A_2276[0] : i32 from vector<1xi32>
          %dma_start3A_2278 = arith.constant 1 : i32
          %dma_start3A_2279 = arith.constant 6 : i32
          %dma_start3A_2280 = arith.constant 0 : i32
          %dma_start3A_2281 = arith.constant 0 : i32
          %dma_start3A_2282 = tpu.memref_slice %arg11[%dma_start3A_2278, %dma_start3A_2279, %dma_start3A_2280, %dma_start3A_2281] : memref<2x16x8x32xf32, #tpu.memory_space<vmem>> -> memref<1x1x8x32xf32, #tpu.memory_space<vmem>>
          %dma_start3A_2283 = tpu.memref_squeeze %dma_start3A_2282 : memref<1x1x8x32xf32, #tpu.memory_space<vmem>> -> memref<8x32xf32, #tpu.memory_space<vmem>>
          %dma_start3A_2284 = arith.constant 0 : i32
          %dma_start3A_2285 = arith.constant 0 : i32
          %dma_start3A_2286 = tpu.memref_slice %arg5[%squeeze3A_2277, %dma_start3A_2284, %dma_start3A_2285] : memref<125000x8x32xf32, #tpu.memory_space<hbm>> -> memref<1x8x32xf32, #tpu.memory_space<hbm>>
          %dma_start3A_2287 = tpu.memref_squeeze %dma_start3A_2286 : memref<1x8x32xf32, #tpu.memory_space<hbm>> -> memref<8x32xf32, #tpu.memory_space<hbm>>
          %dma_start3A_2288 = arith.constant 0 : i32
          %dma_start3A_2289 = arith.constant 0 : i32
          %dma_start3A_2290 = tpu.memref_slice %arg11[%dma_start3A_2278, %dma_start3A_2279, %dma_start3A_2288, %dma_start3A_2289] : memref<2x16x8x32xf32, #tpu.memory_space<vmem>> -> memref<1x1x8x32xf32, #tpu.memory_space<vmem>>
          %dma_start3A_2291 = tpu.memref_squeeze %dma_start3A_2290 : memref<1x1x8x32xf32, #tpu.memory_space<vmem>> -> memref<8x32xf32, #tpu.memory_space<vmem>>
          %dma_start3A_2292 = arith.constant 0 : i32
          %dma_start3A_2293 = arith.constant 0 : i32
          %dma_start3A_2294 = tpu.memref_slice %arg5[%squeeze3A_2277, %dma_start3A_2292, %dma_start3A_2293] : memref<125000x8x32xf32, #tpu.memory_space<hbm>> -> memref<1x8x32xf32, #tpu.memory_space<hbm>>
          %dma_start3A_2295 = tpu.memref_squeeze %dma_start3A_2294 : memref<1x8x32xf32, #tpu.memory_space<hbm>> -> memref<8x32xf32, #tpu.memory_space<hbm>>
          tpu.enqueue_dma source(%dma_start3A_2295 : memref<8x32xf32, #tpu.memory_space<hbm>>) target(%dma_start3A_2291 : memref<8x32xf32, #tpu.memory_space<vmem>>) target_semaphore(%arg15 : memref<!tpu.dma_semaphore, #tpu.memory_space<semaphore_mem>>)
          %slice3A_2296 = vector.extract_strided_slice %shift_right_arithmetic3A_2007 {offsets = [7], sizes = [1], strides = [1]} : vector<16xi32> to vector<1xi32>
          %squeeze3A_2297 = vector.extract %slice3A_2296[0] : i32 from vector<1xi32>
          %dma_start3A_2298 = arith.constant 1 : i32
          %dma_start3A_2299 = arith.constant 7 : i32
          %dma_start3A_2300 = arith.constant 0 : i32
          %dma_start3A_2301 = arith.constant 0 : i32
          %dma_start3A_2302 = tpu.memref_slice %arg10[%dma_start3A_2298, %dma_start3A_2299, %dma_start3A_2300, %dma_start3A_2301] : memref<2x16x8x32xf32, #tpu.memory_space<vmem>> -> memref<1x1x8x32xf32, #tpu.memory_space<vmem>>
          %dma_start3A_2303 = tpu.memref_squeeze %dma_start3A_2302 : memref<1x1x8x32xf32, #tpu.memory_space<vmem>> -> memref<8x32xf32, #tpu.memory_space<vmem>>
          %dma_start3A_2304 = arith.constant 0 : i32
          %dma_start3A_2305 = arith.constant 0 : i32
          %dma_start3A_2306 = tpu.memref_slice %arg4[%squeeze3A_2297, %dma_start3A_2304, %dma_start3A_2305] : memref<125000x8x32xf32, #tpu.memory_space<hbm>> -> memref<1x8x32xf32, #tpu.memory_space<hbm>>
          %dma_start3A_2307 = tpu.memref_squeeze %dma_start3A_2306 : memref<1x8x32xf32, #tpu.memory_space<hbm>> -> memref<8x32xf32, #tpu.memory_space<hbm>>
          %dma_start3A_2308 = arith.constant 0 : i32
          %dma_start3A_2309 = arith.constant 0 : i32
          %dma_start3A_2310 = tpu.memref_slice %arg10[%dma_start3A_2298, %dma_start3A_2299, %dma_start3A_2308, %dma_start3A_2309] : memref<2x16x8x32xf32, #tpu.memory_space<vmem>> -> memref<1x1x8x32xf32, #tpu.memory_space<vmem>>
          %dma_start3A_2311 = tpu.memref_squeeze %dma_start3A_2310 : memref<1x1x8x32xf32, #tpu.memory_space<vmem>> -> memref<8x32xf32, #tpu.memory_space<vmem>>
          %dma_start3A_2312 = arith.constant 0 : i32
          %dma_start3A_2313 = arith.constant 0 : i32
          %dma_start3A_2314 = tpu.memref_slice %arg4[%squeeze3A_2297, %dma_start3A_2312, %dma_start3A_2313] : memref<125000x8x32xf32, #tpu.memory_space<hbm>> -> memref<1x8x32xf32, #tpu.memory_space<hbm>>
          %dma_start3A_2315 = tpu.memref_squeeze %dma_start3A_2314 : memref<1x8x32xf32, #tpu.memory_space<hbm>> -> memref<8x32xf32, #tpu.memory_space<hbm>>
          tpu.enqueue_dma source(%dma_start3A_2315 : memref<8x32xf32, #tpu.memory_space<hbm>>) target(%dma_start3A_2311 : memref<8x32xf32, #tpu.memory_space<vmem>>) target_semaphore(%arg15 : memref<!tpu.dma_semaphore, #tpu.memory_space<semaphore_mem>>)
          %slice3A_2316 = vector.extract_strided_slice %shift_right_arithmetic3A_2015 {offsets = [7], sizes = [1], strides = [1]} : vector<16xi32> to vector<1xi32>
          %squeeze3A_2317 = vector.extract %slice3A_2316[0] : i32 from vector<1xi32>
          %dma_start3A_2318 = arith.constant 1 : i32
          %dma_start3A_2319 = arith.constant 7 : i32
          %dma_start3A_2320 = arith.constant 0 : i32
          %dma_start3A_2321 = arith.constant 0 : i32
          %dma_start3A_2322 = tpu.memref_slice %arg11[%dma_start3A_2318, %dma_start3A_2319, %dma_start3A_2320, %dma_start3A_2321] : memref<2x16x8x32xf32, #tpu.memory_space<vmem>> -> memref<1x1x8x32xf32, #tpu.memory_space<vmem>>
          %dma_start3A_2323 = tpu.memref_squeeze %dma_start3A_2322 : memref<1x1x8x32xf32, #tpu.memory_space<vmem>> -> memref<8x32xf32, #tpu.memory_space<vmem>>
          %dma_start3A_2324 = arith.constant 0 : i32
          %dma_start3A_2325 = arith.constant 0 : i32
          %dma_start3A_2326 = tpu.memref_slice %arg5[%squeeze3A_2317, %dma_start3A_2324, %dma_start3A_2325] : memref<125000x8x32xf32, #tpu.memory_space<hbm>> -> memref<1x8x32xf32, #tpu.memory_space<hbm>>
          %dma_start3A_2327 = tpu.memref_squeeze %dma_start3A_2326 : memref<1x8x32xf32, #tpu.memory_space<hbm>> -> memref<8x32xf32, #tpu.memory_space<hbm>>
          %dma_start3A_2328 = arith.constant 0 : i32
          %dma_start3A_2329 = arith.constant 0 : i32
          %dma_start3A_2330 = tpu.memref_slice %arg11[%dma_start3A_2318, %dma_start3A_2319, %dma_start3A_2328, %dma_start3A_2329] : memref<2x16x8x32xf32, #tpu.memory_space<vmem>> -> memref<1x1x8x32xf32, #tpu.memory_space<vmem>>
          %dma_start3A_2331 = tpu.memref_squeeze %dma_start3A_2330 : memref<1x1x8x32xf32, #tpu.memory_space<vmem>> -> memref<8x32xf32, #tpu.memory_space<vmem>>
          %dma_start3A_2332 = arith.constant 0 : i32
          %dma_start3A_2333 = arith.constant 0 : i32
          %dma_start3A_2334 = tpu.memref_slice %arg5[%squeeze3A_2317, %dma_start3A_2332, %dma_start3A_2333] : memref<125000x8x32xf32, #tpu.memory_space<hbm>> -> memref<1x8x32xf32, #tpu.memory_space<hbm>>
          %dma_start3A_2335 = tpu.memref_squeeze %dma_start3A_2334 : memref<1x8x32xf32, #tpu.memory_space<hbm>> -> memref<8x32xf32, #tpu.memory_space<hbm>>
          tpu.enqueue_dma source(%dma_start3A_2335 : memref<8x32xf32, #tpu.memory_space<hbm>>) target(%dma_start3A_2331 : memref<8x32xf32, #tpu.memory_space<vmem>>) target_semaphore(%arg15 : memref<!tpu.dma_semaphore, #tpu.memory_space<semaphore_mem>>)
          %slice3A_2336 = vector.extract_strided_slice %shift_right_arithmetic3A_2007 {offsets = [8], sizes = [1], strides = [1]} : vector<16xi32> to vector<1xi32>
          %squeeze3A_2337 = vector.extract %slice3A_2336[0] : i32 from vector<1xi32>
          %dma_start3A_2338 = arith.constant 1 : i32
          %dma_start3A_2339 = arith.constant 8 : i32
          %dma_start3A_2340 = arith.constant 0 : i32
          %dma_start3A_2341 = arith.constant 0 : i32
          %dma_start3A_2342 = tpu.memref_slice %arg10[%dma_start3A_2338, %dma_start3A_2339, %dma_start3A_2340, %dma_start3A_2341] : memref<2x16x8x32xf32, #tpu.memory_space<vmem>> -> memref<1x1x8x32xf32, #tpu.memory_space<vmem>>
          %dma_start3A_2343 = tpu.memref_squeeze %dma_start3A_2342 : memref<1x1x8x32xf32, #tpu.memory_space<vmem>> -> memref<8x32xf32, #tpu.memory_space<vmem>>
          %dma_start3A_2344 = arith.constant 0 : i32
          %dma_start3A_2345 = arith.constant 0 : i32
          %dma_start3A_2346 = tpu.memref_slice %arg4[%squeeze3A_2337, %dma_start3A_2344, %dma_start3A_2345] : memref<125000x8x32xf32, #tpu.memory_space<hbm>> -> memref<1x8x32xf32, #tpu.memory_space<hbm>>
          %dma_start3A_2347 = tpu.memref_squeeze %dma_start3A_2346 : memref<1x8x32xf32, #tpu.memory_space<hbm>> -> memref<8x32xf32, #tpu.memory_space<hbm>>
          %dma_start3A_2348 = arith.constant 0 : i32
          %dma_start3A_2349 = arith.constant 0 : i32
          %dma_start3A_2350 = tpu.memref_slice %arg10[%dma_start3A_2338, %dma_start3A_2339, %dma_start3A_2348, %dma_start3A_2349] : memref<2x16x8x32xf32, #tpu.memory_space<vmem>> -> memref<1x1x8x32xf32, #tpu.memory_space<vmem>>
          %dma_start3A_2351 = tpu.memref_squeeze %dma_start3A_2350 : memref<1x1x8x32xf32, #tpu.memory_space<vmem>> -> memref<8x32xf32, #tpu.memory_space<vmem>>
          %dma_start3A_2352 = arith.constant 0 : i32
          %dma_start3A_2353 = arith.constant 0 : i32
          %dma_start3A_2354 = tpu.memref_slice %arg4[%squeeze3A_2337, %dma_start3A_2352, %dma_start3A_2353] : memref<125000x8x32xf32, #tpu.memory_space<hbm>> -> memref<1x8x32xf32, #tpu.memory_space<hbm>>
          %dma_start3A_2355 = tpu.memref_squeeze %dma_start3A_2354 : memref<1x8x32xf32, #tpu.memory_space<hbm>> -> memref<8x32xf32, #tpu.memory_space<hbm>>
          tpu.enqueue_dma source(%dma_start3A_2355 : memref<8x32xf32, #tpu.memory_space<hbm>>) target(%dma_start3A_2351 : memref<8x32xf32, #tpu.memory_space<vmem>>) target_semaphore(%arg15 : memref<!tpu.dma_semaphore, #tpu.memory_space<semaphore_mem>>)
          %slice3A_2356 = vector.extract_strided_slice %shift_right_arithmetic3A_2015 {offsets = [8], sizes = [1], strides = [1]} : vector<16xi32> to vector<1xi32>
          %squeeze3A_2357 = vector.extract %slice3A_2356[0] : i32 from vector<1xi32>
          %dma_start3A_2358 = arith.constant 1 : i32
          %dma_start3A_2359 = arith.constant 8 : i32
          %dma_start3A_2360 = arith.constant 0 : i32
          %dma_start3A_2361 = arith.constant 0 : i32
          %dma_start3A_2362 = tpu.memref_slice %arg11[%dma_start3A_2358, %dma_start3A_2359, %dma_start3A_2360, %dma_start3A_2361] : memref<2x16x8x32xf32, #tpu.memory_space<vmem>> -> memref<1x1x8x32xf32, #tpu.memory_space<vmem>>
          %dma_start3A_2363 = tpu.memref_squeeze %dma_start3A_2362 : memref<1x1x8x32xf32, #tpu.memory_space<vmem>> -> memref<8x32xf32, #tpu.memory_space<vmem>>
          %dma_start3A_2364 = arith.constant 0 : i32
          %dma_start3A_2365 = arith.constant 0 : i32
          %dma_start3A_2366 = tpu.memref_slice %arg5[%squeeze3A_2357, %dma_start3A_2364, %dma_start3A_2365] : memref<125000x8x32xf32, #tpu.memory_space<hbm>> -> memref<1x8x32xf32, #tpu.memory_space<hbm>>
          %dma_start3A_2367 = tpu.memref_squeeze %dma_start3A_2366 : memref<1x8x32xf32, #tpu.memory_space<hbm>> -> memref<8x32xf32, #tpu.memory_space<hbm>>
          %dma_start3A_2368 = arith.constant 0 : i32
          %dma_start3A_2369 = arith.constant 0 : i32
          %dma_start3A_2370 = tpu.memref_slice %arg11[%dma_start3A_2358, %dma_start3A_2359, %dma_start3A_2368, %dma_start3A_2369] : memref<2x16x8x32xf32, #tpu.memory_space<vmem>> -> memref<1x1x8x32xf32, #tpu.memory_space<vmem>>
          %dma_start3A_2371 = tpu.memref_squeeze %dma_start3A_2370 : memref<1x1x8x32xf32, #tpu.memory_space<vmem>> -> memref<8x32xf32, #tpu.memory_space<vmem>>
          %dma_start3A_2372 = arith.constant 0 : i32
          %dma_start3A_2373 = arith.constant 0 : i32
          %dma_start3A_2374 = tpu.memref_slice %arg5[%squeeze3A_2357, %dma_start3A_2372, %dma_start3A_2373] : memref<125000x8x32xf32, #tpu.memory_space<hbm>> -> memref<1x8x32xf32, #tpu.memory_space<hbm>>
          %dma_start3A_2375 = tpu.memref_squeeze %dma_start3A_2374 : memref<1x8x32xf32, #tpu.memory_space<hbm>> -> memref<8x32xf32, #tpu.memory_space<hbm>>
          tpu.enqueue_dma source(%dma_start3A_2375 : memref<8x32xf32, #tpu.memory_space<hbm>>) target(%dma_start3A_2371 : memref<8x32xf32, #tpu.memory_space<vmem>>) target_semaphore(%arg15 : memref<!tpu.dma_semaphore, #tpu.memory_space<semaphore_mem>>)
          %slice3A_2376 = vector.extract_strided_slice %shift_right_arithmetic3A_2007 {offsets = [9], sizes = [1], strides = [1]} : vector<16xi32> to vector<1xi32>
          %squeeze3A_2377 = vector.extract %slice3A_2376[0] : i32 from vector<1xi32>
          %dma_start3A_2378 = arith.constant 1 : i32
          %dma_start3A_2379 = arith.constant 9 : i32
          %dma_start3A_2380 = arith.constant 0 : i32
          %dma_start3A_2381 = arith.constant 0 : i32
          %dma_start3A_2382 = tpu.memref_slice %arg10[%dma_start3A_2378, %dma_start3A_2379, %dma_start3A_2380, %dma_start3A_2381] : memref<2x16x8x32xf32, #tpu.memory_space<vmem>> -> memref<1x1x8x32xf32, #tpu.memory_space<vmem>>
          %dma_start3A_2383 = tpu.memref_squeeze %dma_start3A_2382 : memref<1x1x8x32xf32, #tpu.memory_space<vmem>> -> memref<8x32xf32, #tpu.memory_space<vmem>>
          %dma_start3A_2384 = arith.constant 0 : i32
          %dma_start3A_2385 = arith.constant 0 : i32
          %dma_start3A_2386 = tpu.memref_slice %arg4[%squeeze3A_2377, %dma_start3A_2384, %dma_start3A_2385] : memref<125000x8x32xf32, #tpu.memory_space<hbm>> -> memref<1x8x32xf32, #tpu.memory_space<hbm>>
          %dma_start3A_2387 = tpu.memref_squeeze %dma_start3A_2386 : memref<1x8x32xf32, #tpu.memory_space<hbm>> -> memref<8x32xf32, #tpu.memory_space<hbm>>
          %dma_start3A_2388 = arith.constant 0 : i32
          %dma_start3A_2389 = arith.constant 0 : i32
          %dma_start3A_2390 = tpu.memref_slice %arg10[%dma_start3A_2378, %dma_start3A_2379, %dma_start3A_2388, %dma_start3A_2389] : memref<2x16x8x32xf32, #tpu.memory_space<vmem>> -> memref<1x1x8x32xf32, #tpu.memory_space<vmem>>
          %dma_start3A_2391 = tpu.memref_squeeze %dma_start3A_2390 : memref<1x1x8x32xf32, #tpu.memory_space<vmem>> -> memref<8x32xf32, #tpu.memory_space<vmem>>
          %dma_start3A_2392 = arith.constant 0 : i32
          %dma_start3A_2393 = arith.constant 0 : i32
          %dma_start3A_2394 = tpu.memref_slice %arg4[%squeeze3A_2377, %dma_start3A_2392, %dma_start3A_2393] : memref<125000x8x32xf32, #tpu.memory_space<hbm>> -> memref<1x8x32xf32, #tpu.memory_space<hbm>>
          %dma_start3A_2395 = tpu.memref_squeeze %dma_start3A_2394 : memref<1x8x32xf32, #tpu.memory_space<hbm>> -> memref<8x32xf32, #tpu.memory_space<hbm>>
          tpu.enqueue_dma source(%dma_start3A_2395 : memref<8x32xf32, #tpu.memory_space<hbm>>) target(%dma_start3A_2391 : memref<8x32xf32, #tpu.memory_space<vmem>>) target_semaphore(%arg15 : memref<!tpu.dma_semaphore, #tpu.memory_space<semaphore_mem>>)
          %slice3A_2396 = vector.extract_strided_slice %shift_right_arithmetic3A_2015 {offsets = [9], sizes = [1], strides = [1]} : vector<16xi32> to vector<1xi32>
          %squeeze3A_2397 = vector.extract %slice3A_2396[0] : i32 from vector<1xi32>
          %dma_start3A_2398 = arith.constant 1 : i32
          %dma_start3A_2399 = arith.constant 9 : i32
          %dma_start3A_2400 = arith.constant 0 : i32
          %dma_start3A_2401 = arith.constant 0 : i32
          %dma_start3A_2402 = tpu.memref_slice %arg11[%dma_start3A_2398, %dma_start3A_2399, %dma_start3A_2400, %dma_start3A_2401] : memref<2x16x8x32xf32, #tpu.memory_space<vmem>> -> memref<1x1x8x32xf32, #tpu.memory_space<vmem>>
          %dma_start3A_2403 = tpu.memref_squeeze %dma_start3A_2402 : memref<1x1x8x32xf32, #tpu.memory_space<vmem>> -> memref<8x32xf32, #tpu.memory_space<vmem>>
          %dma_start3A_2404 = arith.constant 0 : i32
          %dma_start3A_2405 = arith.constant 0 : i32
          %dma_start3A_2406 = tpu.memref_slice %arg5[%squeeze3A_2397, %dma_start3A_2404, %dma_start3A_2405] : memref<125000x8x32xf32, #tpu.memory_space<hbm>> -> memref<1x8x32xf32, #tpu.memory_space<hbm>>
          %dma_start3A_2407 = tpu.memref_squeeze %dma_start3A_2406 : memref<1x8x32xf32, #tpu.memory_space<hbm>> -> memref<8x32xf32, #tpu.memory_space<hbm>>
          %dma_start3A_2408 = arith.constant 0 : i32
          %dma_start3A_2409 = arith.constant 0 : i32
          %dma_start3A_2410 = tpu.memref_slice %arg11[%dma_start3A_2398, %dma_start3A_2399, %dma_start3A_2408, %dma_start3A_2409] : memref<2x16x8x32xf32, #tpu.memory_space<vmem>> -> memref<1x1x8x32xf32, #tpu.memory_space<vmem>>
          %dma_start3A_2411 = tpu.memref_squeeze %dma_start3A_2410 : memref<1x1x8x32xf32, #tpu.memory_space<vmem>> -> memref<8x32xf32, #tpu.memory_space<vmem>>
          %dma_start3A_2412 = arith.constant 0 : i32
          %dma_start3A_2413 = arith.constant 0 : i32
          %dma_start3A_2414 = tpu.memref_slice %arg5[%squeeze3A_2397, %dma_start3A_2412, %dma_start3A_2413] : memref<125000x8x32xf32, #tpu.memory_space<hbm>> -> memref<1x8x32xf32, #tpu.memory_space<hbm>>
          %dma_start3A_2415 = tpu.memref_squeeze %dma_start3A_2414 : memref<1x8x32xf32, #tpu.memory_space<hbm>> -> memref<8x32xf32, #tpu.memory_space<hbm>>
          tpu.enqueue_dma source(%dma_start3A_2415 : memref<8x32xf32, #tpu.memory_space<hbm>>) target(%dma_start3A_2411 : memref<8x32xf32, #tpu.memory_space<vmem>>) target_semaphore(%arg15 : memref<!tpu.dma_semaphore, #tpu.memory_space<semaphore_mem>>)
          %slice3A_2416 = vector.extract_strided_slice %shift_right_arithmetic3A_2007 {offsets = [10], sizes = [1], strides = [1]} : vector<16xi32> to vector<1xi32>
          %squeeze3A_2417 = vector.extract %slice3A_2416[0] : i32 from vector<1xi32>
          %dma_start3A_2418 = arith.constant 1 : i32
          %dma_start3A_2419 = arith.constant 10 : i32
          %dma_start3A_2420 = arith.constant 0 : i32
          %dma_start3A_2421 = arith.constant 0 : i32
          %dma_start3A_2422 = tpu.memref_slice %arg10[%dma_start3A_2418, %dma_start3A_2419, %dma_start3A_2420, %dma_start3A_2421] : memref<2x16x8x32xf32, #tpu.memory_space<vmem>> -> memref<1x1x8x32xf32, #tpu.memory_space<vmem>>
          %dma_start3A_2423 = tpu.memref_squeeze %dma_start3A_2422 : memref<1x1x8x32xf32, #tpu.memory_space<vmem>> -> memref<8x32xf32, #tpu.memory_space<vmem>>
          %dma_start3A_2424 = arith.constant 0 : i32
          %dma_start3A_2425 = arith.constant 0 : i32
          %dma_start3A_2426 = tpu.memref_slice %arg4[%squeeze3A_2417, %dma_start3A_2424, %dma_start3A_2425] : memref<125000x8x32xf32, #tpu.memory_space<hbm>> -> memref<1x8x32xf32, #tpu.memory_space<hbm>>
          %dma_start3A_2427 = tpu.memref_squeeze %dma_start3A_2426 : memref<1x8x32xf32, #tpu.memory_space<hbm>> -> memref<8x32xf32, #tpu.memory_space<hbm>>
          %dma_start3A_2428 = arith.constant 0 : i32
          %dma_start3A_2429 = arith.constant 0 : i32
          %dma_start3A_2430 = tpu.memref_slice %arg10[%dma_start3A_2418, %dma_start3A_2419, %dma_start3A_2428, %dma_start3A_2429] : memref<2x16x8x32xf32, #tpu.memory_space<vmem>> -> memref<1x1x8x32xf32, #tpu.memory_space<vmem>>
          %dma_start3A_2431 = tpu.memref_squeeze %dma_start3A_2430 : memref<1x1x8x32xf32, #tpu.memory_space<vmem>> -> memref<8x32xf32, #tpu.memory_space<vmem>>
          %dma_start3A_2432 = arith.constant 0 : i32
          %dma_start3A_2433 = arith.constant 0 : i32
          %dma_start3A_2434 = tpu.memref_slice %arg4[%squeeze3A_2417, %dma_start3A_2432, %dma_start3A_2433] : memref<125000x8x32xf32, #tpu.memory_space<hbm>> -> memref<1x8x32xf32, #tpu.memory_space<hbm>>
          %dma_start3A_2435 = tpu.memref_squeeze %dma_start3A_2434 : memref<1x8x32xf32, #tpu.memory_space<hbm>> -> memref<8x32xf32, #tpu.memory_space<hbm>>
          tpu.enqueue_dma source(%dma_start3A_2435 : memref<8x32xf32, #tpu.memory_space<hbm>>) target(%dma_start3A_2431 : memref<8x32xf32, #tpu.memory_space<vmem>>) target_semaphore(%arg15 : memref<!tpu.dma_semaphore, #tpu.memory_space<semaphore_mem>>)
          %slice3A_2436 = vector.extract_strided_slice %shift_right_arithmetic3A_2015 {offsets = [10], sizes = [1], strides = [1]} : vector<16xi32> to vector<1xi32>
          %squeeze3A_2437 = vector.extract %slice3A_2436[0] : i32 from vector<1xi32>
          %dma_start3A_2438 = arith.constant 1 : i32
          %dma_start3A_2439 = arith.constant 10 : i32
          %dma_start3A_2440 = arith.constant 0 : i32
          %dma_start3A_2441 = arith.constant 0 : i32
          %dma_start3A_2442 = tpu.memref_slice %arg11[%dma_start3A_2438, %dma_start3A_2439, %dma_start3A_2440, %dma_start3A_2441] : memref<2x16x8x32xf32, #tpu.memory_space<vmem>> -> memref<1x1x8x32xf32, #tpu.memory_space<vmem>>
          %dma_start3A_2443 = tpu.memref_squeeze %dma_start3A_2442 : memref<1x1x8x32xf32, #tpu.memory_space<vmem>> -> memref<8x32xf32, #tpu.memory_space<vmem>>
          %dma_start3A_2444 = arith.constant 0 : i32
          %dma_start3A_2445 = arith.constant 0 : i32
          %dma_start3A_2446 = tpu.memref_slice %arg5[%squeeze3A_2437, %dma_start3A_2444, %dma_start3A_2445] : memref<125000x8x32xf32, #tpu.memory_space<hbm>> -> memref<1x8x32xf32, #tpu.memory_space<hbm>>
          %dma_start3A_2447 = tpu.memref_squeeze %dma_start3A_2446 : memref<1x8x32xf32, #tpu.memory_space<hbm>> -> memref<8x32xf32, #tpu.memory_space<hbm>>
          %dma_start3A_2448 = arith.constant 0 : i32
          %dma_start3A_2449 = arith.constant 0 : i32
          %dma_start3A_2450 = tpu.memref_slice %arg11[%dma_start3A_2438, %dma_start3A_2439, %dma_start3A_2448, %dma_start3A_2449] : memref<2x16x8x32xf32, #tpu.memory_space<vmem>> -> memref<1x1x8x32xf32, #tpu.memory_space<vmem>>
          %dma_start3A_2451 = tpu.memref_squeeze %dma_start3A_2450 : memref<1x1x8x32xf32, #tpu.memory_space<vmem>> -> memref<8x32xf32, #tpu.memory_space<vmem>>
          %dma_start3A_2452 = arith.constant 0 : i32
          %dma_start3A_2453 = arith.constant 0 : i32
          %dma_start3A_2454 = tpu.memref_slice %arg5[%squeeze3A_2437, %dma_start3A_2452, %dma_start3A_2453] : memref<125000x8x32xf32, #tpu.memory_space<hbm>> -> memref<1x8x32xf32, #tpu.memory_space<hbm>>
          %dma_start3A_2455 = tpu.memref_squeeze %dma_start3A_2454 : memref<1x8x32xf32, #tpu.memory_space<hbm>> -> memref<8x32xf32, #tpu.memory_space<hbm>>
          tpu.enqueue_dma source(%dma_start3A_2455 : memref<8x32xf32, #tpu.memory_space<hbm>>) target(%dma_start3A_2451 : memref<8x32xf32, #tpu.memory_space<vmem>>) target_semaphore(%arg15 : memref<!tpu.dma_semaphore, #tpu.memory_space<semaphore_mem>>)
          %slice3A_2456 = vector.extract_strided_slice %shift_right_arithmetic3A_2007 {offsets = [11], sizes = [1], strides = [1]} : vector<16xi32> to vector<1xi32>
          %squeeze3A_2457 = vector.extract %slice3A_2456[0] : i32 from vector<1xi32>
          %dma_start3A_2458 = arith.constant 1 : i32
          %dma_start3A_2459 = arith.constant 11 : i32
          %dma_start3A_2460 = arith.constant 0 : i32
          %dma_start3A_2461 = arith.constant 0 : i32
          %dma_start3A_2462 = tpu.memref_slice %arg10[%dma_start3A_2458, %dma_start3A_2459, %dma_start3A_2460, %dma_start3A_2461] : memref<2x16x8x32xf32, #tpu.memory_space<vmem>> -> memref<1x1x8x32xf32, #tpu.memory_space<vmem>>
          %dma_start3A_2463 = tpu.memref_squeeze %dma_start3A_2462 : memref<1x1x8x32xf32, #tpu.memory_space<vmem>> -> memref<8x32xf32, #tpu.memory_space<vmem>>
          %dma_start3A_2464 = arith.constant 0 : i32
          %dma_start3A_2465 = arith.constant 0 : i32
          %dma_start3A_2466 = tpu.memref_slice %arg4[%squeeze3A_2457, %dma_start3A_2464, %dma_start3A_2465] : memref<125000x8x32xf32, #tpu.memory_space<hbm>> -> memref<1x8x32xf32, #tpu.memory_space<hbm>>
          %dma_start3A_2467 = tpu.memref_squeeze %dma_start3A_2466 : memref<1x8x32xf32, #tpu.memory_space<hbm>> -> memref<8x32xf32, #tpu.memory_space<hbm>>
          %dma_start3A_2468 = arith.constant 0 : i32
          %dma_start3A_2469 = arith.constant 0 : i32
          %dma_start3A_2470 = tpu.memref_slice %arg10[%dma_start3A_2458, %dma_start3A_2459, %dma_start3A_2468, %dma_start3A_2469] : memref<2x16x8x32xf32, #tpu.memory_space<vmem>> -> memref<1x1x8x32xf32, #tpu.memory_space<vmem>>
          %dma_start3A_2471 = tpu.memref_squeeze %dma_start3A_2470 : memref<1x1x8x32xf32, #tpu.memory_space<vmem>> -> memref<8x32xf32, #tpu.memory_space<vmem>>
          %dma_start3A_2472 = arith.constant 0 : i32
          %dma_start3A_2473 = arith.constant 0 : i32
          %dma_start3A_2474 = tpu.memref_slice %arg4[%squeeze3A_2457, %dma_start3A_2472, %dma_start3A_2473] : memref<125000x8x32xf32, #tpu.memory_space<hbm>> -> memref<1x8x32xf32, #tpu.memory_space<hbm>>
          %dma_start3A_2475 = tpu.memref_squeeze %dma_start3A_2474 : memref<1x8x32xf32, #tpu.memory_space<hbm>> -> memref<8x32xf32, #tpu.memory_space<hbm>>
          tpu.enqueue_dma source(%dma_start3A_2475 : memref<8x32xf32, #tpu.memory_space<hbm>>) target(%dma_start3A_2471 : memref<8x32xf32, #tpu.memory_space<vmem>>) target_semaphore(%arg15 : memref<!tpu.dma_semaphore, #tpu.memory_space<semaphore_mem>>)
          %slice3A_2476 = vector.extract_strided_slice %shift_right_arithmetic3A_2015 {offsets = [11], sizes = [1], strides = [1]} : vector<16xi32> to vector<1xi32>
          %squeeze3A_2477 = vector.extract %slice3A_2476[0] : i32 from vector<1xi32>
          %dma_start3A_2478 = arith.constant 1 : i32
          %dma_start3A_2479 = arith.constant 11 : i32
          %dma_start3A_2480 = arith.constant 0 : i32
          %dma_start3A_2481 = arith.constant 0 : i32
          %dma_start3A_2482 = tpu.memref_slice %arg11[%dma_start3A_2478, %dma_start3A_2479, %dma_start3A_2480, %dma_start3A_2481] : memref<2x16x8x32xf32, #tpu.memory_space<vmem>> -> memref<1x1x8x32xf32, #tpu.memory_space<vmem>>
          %dma_start3A_2483 = tpu.memref_squeeze %dma_start3A_2482 : memref<1x1x8x32xf32, #tpu.memory_space<vmem>> -> memref<8x32xf32, #tpu.memory_space<vmem>>
          %dma_start3A_2484 = arith.constant 0 : i32
          %dma_start3A_2485 = arith.constant 0 : i32
          %dma_start3A_2486 = tpu.memref_slice %arg5[%squeeze3A_2477, %dma_start3A_2484, %dma_start3A_2485] : memref<125000x8x32xf32, #tpu.memory_space<hbm>> -> memref<1x8x32xf32, #tpu.memory_space<hbm>>
          %dma_start3A_2487 = tpu.memref_squeeze %dma_start3A_2486 : memref<1x8x32xf32, #tpu.memory_space<hbm>> -> memref<8x32xf32, #tpu.memory_space<hbm>>
          %dma_start3A_2488 = arith.constant 0 : i32
          %dma_start3A_2489 = arith.constant 0 : i32
          %dma_start3A_2490 = tpu.memref_slice %arg11[%dma_start3A_2478, %dma_start3A_2479, %dma_start3A_2488, %dma_start3A_2489] : memref<2x16x8x32xf32, #tpu.memory_space<vmem>> -> memref<1x1x8x32xf32, #tpu.memory_space<vmem>>
          %dma_start3A_2491 = tpu.memref_squeeze %dma_start3A_2490 : memref<1x1x8x32xf32, #tpu.memory_space<vmem>> -> memref<8x32xf32, #tpu.memory_space<vmem>>
          %dma_start3A_2492 = arith.constant 0 : i32
          %dma_start3A_2493 = arith.constant 0 : i32
          %dma_start3A_2494 = tpu.memref_slice %arg5[%squeeze3A_2477, %dma_start3A_2492, %dma_start3A_2493] : memref<125000x8x32xf32, #tpu.memory_space<hbm>> -> memref<1x8x32xf32, #tpu.memory_space<hbm>>
          %dma_start3A_2495 = tpu.memref_squeeze %dma_start3A_2494 : memref<1x8x32xf32, #tpu.memory_space<hbm>> -> memref<8x32xf32, #tpu.memory_space<hbm>>
          tpu.enqueue_dma source(%dma_start3A_2495 : memref<8x32xf32, #tpu.memory_space<hbm>>) target(%dma_start3A_2491 : memref<8x32xf32, #tpu.memory_space<vmem>>) target_semaphore(%arg15 : memref<!tpu.dma_semaphore, #tpu.memory_space<semaphore_mem>>)
          %slice3A_2496 = vector.extract_strided_slice %shift_right_arithmetic3A_2007 {offsets = [12], sizes = [1], strides = [1]} : vector<16xi32> to vector<1xi32>
          %squeeze3A_2497 = vector.extract %slice3A_2496[0] : i32 from vector<1xi32>
          %dma_start3A_2498 = arith.constant 1 : i32
          %dma_start3A_2499 = arith.constant 12 : i32
          %dma_start3A_2500 = arith.constant 0 : i32
          %dma_start3A_2501 = arith.constant 0 : i32
          %dma_start3A_2502 = tpu.memref_slice %arg10[%dma_start3A_2498, %dma_start3A_2499, %dma_start3A_2500, %dma_start3A_2501] : memref<2x16x8x32xf32, #tpu.memory_space<vmem>> -> memref<1x1x8x32xf32, #tpu.memory_space<vmem>>
          %dma_start3A_2503 = tpu.memref_squeeze %dma_start3A_2502 : memref<1x1x8x32xf32, #tpu.memory_space<vmem>> -> memref<8x32xf32, #tpu.memory_space<vmem>>
          %dma_start3A_2504 = arith.constant 0 : i32
          %dma_start3A_2505 = arith.constant 0 : i32
          %dma_start3A_2506 = tpu.memref_slice %arg4[%squeeze3A_2497, %dma_start3A_2504, %dma_start3A_2505] : memref<125000x8x32xf32, #tpu.memory_space<hbm>> -> memref<1x8x32xf32, #tpu.memory_space<hbm>>
          %dma_start3A_2507 = tpu.memref_squeeze %dma_start3A_2506 : memref<1x8x32xf32, #tpu.memory_space<hbm>> -> memref<8x32xf32, #tpu.memory_space<hbm>>
          %dma_start3A_2508 = arith.constant 0 : i32
          %dma_start3A_2509 = arith.constant 0 : i32
          %dma_start3A_2510 = tpu.memref_slice %arg10[%dma_start3A_2498, %dma_start3A_2499, %dma_start3A_2508, %dma_start3A_2509] : memref<2x16x8x32xf32, #tpu.memory_space<vmem>> -> memref<1x1x8x32xf32, #tpu.memory_space<vmem>>
          %dma_start3A_2511 = tpu.memref_squeeze %dma_start3A_2510 : memref<1x1x8x32xf32, #tpu.memory_space<vmem>> -> memref<8x32xf32, #tpu.memory_space<vmem>>
          %dma_start3A_2512 = arith.constant 0 : i32
          %dma_start3A_2513 = arith.constant 0 : i32
          %dma_start3A_2514 = tpu.memref_slice %arg4[%squeeze3A_2497, %dma_start3A_2512, %dma_start3A_2513] : memref<125000x8x32xf32, #tpu.memory_space<hbm>> -> memref<1x8x32xf32, #tpu.memory_space<hbm>>
          %dma_start3A_2515 = tpu.memref_squeeze %dma_start3A_2514 : memref<1x8x32xf32, #tpu.memory_space<hbm>> -> memref<8x32xf32, #tpu.memory_space<hbm>>
          tpu.enqueue_dma source(%dma_start3A_2515 : memref<8x32xf32, #tpu.memory_space<hbm>>) target(%dma_start3A_2511 : memref<8x32xf32, #tpu.memory_space<vmem>>) target_semaphore(%arg15 : memref<!tpu.dma_semaphore, #tpu.memory_space<semaphore_mem>>)
          %slice3A_2516 = vector.extract_strided_slice %shift_right_arithmetic3A_2015 {offsets = [12], sizes = [1], strides = [1]} : vector<16xi32> to vector<1xi32>
          %squeeze3A_2517 = vector.extract %slice3A_2516[0] : i32 from vector<1xi32>
          %dma_start3A_2518 = arith.constant 1 : i32
          %dma_start3A_2519 = arith.constant 12 : i32
          %dma_start3A_2520 = arith.constant 0 : i32
          %dma_start3A_2521 = arith.constant 0 : i32
          %dma_start3A_2522 = tpu.memref_slice %arg11[%dma_start3A_2518, %dma_start3A_2519, %dma_start3A_2520, %dma_start3A_2521] : memref<2x16x8x32xf32, #tpu.memory_space<vmem>> -> memref<1x1x8x32xf32, #tpu.memory_space<vmem>>
          %dma_start3A_2523 = tpu.memref_squeeze %dma_start3A_2522 : memref<1x1x8x32xf32, #tpu.memory_space<vmem>> -> memref<8x32xf32, #tpu.memory_space<vmem>>
          %dma_start3A_2524 = arith.constant 0 : i32
          %dma_start3A_2525 = arith.constant 0 : i32
          %dma_start3A_2526 = tpu.memref_slice %arg5[%squeeze3A_2517, %dma_start3A_2524, %dma_start3A_2525] : memref<125000x8x32xf32, #tpu.memory_space<hbm>> -> memref<1x8x32xf32, #tpu.memory_space<hbm>>
          %dma_start3A_2527 = tpu.memref_squeeze %dma_start3A_2526 : memref<1x8x32xf32, #tpu.memory_space<hbm>> -> memref<8x32xf32, #tpu.memory_space<hbm>>
          %dma_start3A_2528 = arith.constant 0 : i32
          %dma_start3A_2529 = arith.constant 0 : i32
          %dma_start3A_2530 = tpu.memref_slice %arg11[%dma_start3A_2518, %dma_start3A_2519, %dma_start3A_2528, %dma_start3A_2529] : memref<2x16x8x32xf32, #tpu.memory_space<vmem>> -> memref<1x1x8x32xf32, #tpu.memory_space<vmem>>
          %dma_start3A_2531 = tpu.memref_squeeze %dma_start3A_2530 : memref<1x1x8x32xf32, #tpu.memory_space<vmem>> -> memref<8x32xf32, #tpu.memory_space<vmem>>
          %dma_start3A_2532 = arith.constant 0 : i32
          %dma_start3A_2533 = arith.constant 0 : i32
          %dma_start3A_2534 = tpu.memref_slice %arg5[%squeeze3A_2517, %dma_start3A_2532, %dma_start3A_2533] : memref<125000x8x32xf32, #tpu.memory_space<hbm>> -> memref<1x8x32xf32, #tpu.memory_space<hbm>>
          %dma_start3A_2535 = tpu.memref_squeeze %dma_start3A_2534 : memref<1x8x32xf32, #tpu.memory_space<hbm>> -> memref<8x32xf32, #tpu.memory_space<hbm>>
          tpu.enqueue_dma source(%dma_start3A_2535 : memref<8x32xf32, #tpu.memory_space<hbm>>) target(%dma_start3A_2531 : memref<8x32xf32, #tpu.memory_space<vmem>>) target_semaphore(%arg15 : memref<!tpu.dma_semaphore, #tpu.memory_space<semaphore_mem>>)
          %slice3A_2536 = vector.extract_strided_slice %shift_right_arithmetic3A_2007 {offsets = [13], sizes = [1], strides = [1]} : vector<16xi32> to vector<1xi32>
          %squeeze3A_2537 = vector.extract %slice3A_2536[0] : i32 from vector<1xi32>
          %dma_start3A_2538 = arith.constant 1 : i32
          %dma_start3A_2539 = arith.constant 13 : i32
          %dma_start3A_2540 = arith.constant 0 : i32
          %dma_start3A_2541 = arith.constant 0 : i32
          %dma_start3A_2542 = tpu.memref_slice %arg10[%dma_start3A_2538, %dma_start3A_2539, %dma_start3A_2540, %dma_start3A_2541] : memref<2x16x8x32xf32, #tpu.memory_space<vmem>> -> memref<1x1x8x32xf32, #tpu.memory_space<vmem>>
          %dma_start3A_2543 = tpu.memref_squeeze %dma_start3A_2542 : memref<1x1x8x32xf32, #tpu.memory_space<vmem>> -> memref<8x32xf32, #tpu.memory_space<vmem>>
          %dma_start3A_2544 = arith.constant 0 : i32
          %dma_start3A_2545 = arith.constant 0 : i32
          %dma_start3A_2546 = tpu.memref_slice %arg4[%squeeze3A_2537, %dma_start3A_2544, %dma_start3A_2545] : memref<125000x8x32xf32, #tpu.memory_space<hbm>> -> memref<1x8x32xf32, #tpu.memory_space<hbm>>
          %dma_start3A_2547 = tpu.memref_squeeze %dma_start3A_2546 : memref<1x8x32xf32, #tpu.memory_space<hbm>> -> memref<8x32xf32, #tpu.memory_space<hbm>>
          %dma_start3A_2548 = arith.constant 0 : i32
          %dma_start3A_2549 = arith.constant 0 : i32
          %dma_start3A_2550 = tpu.memref_slice %arg10[%dma_start3A_2538, %dma_start3A_2539, %dma_start3A_2548, %dma_start3A_2549] : memref<2x16x8x32xf32, #tpu.memory_space<vmem>> -> memref<1x1x8x32xf32, #tpu.memory_space<vmem>>
          %dma_start3A_2551 = tpu.memref_squeeze %dma_start3A_2550 : memref<1x1x8x32xf32, #tpu.memory_space<vmem>> -> memref<8x32xf32, #tpu.memory_space<vmem>>
          %dma_start3A_2552 = arith.constant 0 : i32
          %dma_start3A_2553 = arith.constant 0 : i32
          %dma_start3A_2554 = tpu.memref_slice %arg4[%squeeze3A_2537, %dma_start3A_2552, %dma_start3A_2553] : memref<125000x8x32xf32, #tpu.memory_space<hbm>> -> memref<1x8x32xf32, #tpu.memory_space<hbm>>
          %dma_start3A_2555 = tpu.memref_squeeze %dma_start3A_2554 : memref<1x8x32xf32, #tpu.memory_space<hbm>> -> memref<8x32xf32, #tpu.memory_space<hbm>>
          tpu.enqueue_dma source(%dma_start3A_2555 : memref<8x32xf32, #tpu.memory_space<hbm>>) target(%dma_start3A_2551 : memref<8x32xf32, #tpu.memory_space<vmem>>) target_semaphore(%arg15 : memref<!tpu.dma_semaphore, #tpu.memory_space<semaphore_mem>>)
          %slice3A_2556 = vector.extract_strided_slice %shift_right_arithmetic3A_2015 {offsets = [13], sizes = [1], strides = [1]} : vector<16xi32> to vector<1xi32>
          %squeeze3A_2557 = vector.extract %slice3A_2556[0] : i32 from vector<1xi32>
          %dma_start3A_2558 = arith.constant 1 : i32
          %dma_start3A_2559 = arith.constant 13 : i32
          %dma_start3A_2560 = arith.constant 0 : i32
          %dma_start3A_2561 = arith.constant 0 : i32
          %dma_start3A_2562 = tpu.memref_slice %arg11[%dma_start3A_2558, %dma_start3A_2559, %dma_start3A_2560, %dma_start3A_2561] : memref<2x16x8x32xf32, #tpu.memory_space<vmem>> -> memref<1x1x8x32xf32, #tpu.memory_space<vmem>>
          %dma_start3A_2563 = tpu.memref_squeeze %dma_start3A_2562 : memref<1x1x8x32xf32, #tpu.memory_space<vmem>> -> memref<8x32xf32, #tpu.memory_space<vmem>>
          %dma_start3A_2564 = arith.constant 0 : i32
          %dma_start3A_2565 = arith.constant 0 : i32
          %dma_start3A_2566 = tpu.memref_slice %arg5[%squeeze3A_2557, %dma_start3A_2564, %dma_start3A_2565] : memref<125000x8x32xf32, #tpu.memory_space<hbm>> -> memref<1x8x32xf32, #tpu.memory_space<hbm>>
          %dma_start3A_2567 = tpu.memref_squeeze %dma_start3A_2566 : memref<1x8x32xf32, #tpu.memory_space<hbm>> -> memref<8x32xf32, #tpu.memory_space<hbm>>
          %dma_start3A_2568 = arith.constant 0 : i32
          %dma_start3A_2569 = arith.constant 0 : i32
          %dma_start3A_2570 = tpu.memref_slice %arg11[%dma_start3A_2558, %dma_start3A_2559, %dma_start3A_2568, %dma_start3A_2569] : memref<2x16x8x32xf32, #tpu.memory_space<vmem>> -> memref<1x1x8x32xf32, #tpu.memory_space<vmem>>
          %dma_start3A_2571 = tpu.memref_squeeze %dma_start3A_2570 : memref<1x1x8x32xf32, #tpu.memory_space<vmem>> -> memref<8x32xf32, #tpu.memory_space<vmem>>
          %dma_start3A_2572 = arith.constant 0 : i32
          %dma_start3A_2573 = arith.constant 0 : i32
          %dma_start3A_2574 = tpu.memref_slice %arg5[%squeeze3A_2557, %dma_start3A_2572, %dma_start3A_2573] : memref<125000x8x32xf32, #tpu.memory_space<hbm>> -> memref<1x8x32xf32, #tpu.memory_space<hbm>>
          %dma_start3A_2575 = tpu.memref_squeeze %dma_start3A_2574 : memref<1x8x32xf32, #tpu.memory_space<hbm>> -> memref<8x32xf32, #tpu.memory_space<hbm>>
          tpu.enqueue_dma source(%dma_start3A_2575 : memref<8x32xf32, #tpu.memory_space<hbm>>) target(%dma_start3A_2571 : memref<8x32xf32, #tpu.memory_space<vmem>>) target_semaphore(%arg15 : memref<!tpu.dma_semaphore, #tpu.memory_space<semaphore_mem>>)
          %slice3A_2576 = vector.extract_strided_slice %shift_right_arithmetic3A_2007 {offsets = [14], sizes = [1], strides = [1]} : vector<16xi32> to vector<1xi32>
          %squeeze3A_2577 = vector.extract %slice3A_2576[0] : i32 from vector<1xi32>
          %dma_start3A_2578 = arith.constant 1 : i32
          %dma_start3A_2579 = arith.constant 14 : i32
          %dma_start3A_2580 = arith.constant 0 : i32
          %dma_start3A_2581 = arith.constant 0 : i32
          %dma_start3A_2582 = tpu.memref_slice %arg10[%dma_start3A_2578, %dma_start3A_2579, %dma_start3A_2580, %dma_start3A_2581] : memref<2x16x8x32xf32, #tpu.memory_space<vmem>> -> memref<1x1x8x32xf32, #tpu.memory_space<vmem>>
          %dma_start3A_2583 = tpu.memref_squeeze %dma_start3A_2582 : memref<1x1x8x32xf32, #tpu.memory_space<vmem>> -> memref<8x32xf32, #tpu.memory_space<vmem>>
          %dma_start3A_2584 = arith.constant 0 : i32
          %dma_start3A_2585 = arith.constant 0 : i32
          %dma_start3A_2586 = tpu.memref_slice %arg4[%squeeze3A_2577, %dma_start3A_2584, %dma_start3A_2585] : memref<125000x8x32xf32, #tpu.memory_space<hbm>> -> memref<1x8x32xf32, #tpu.memory_space<hbm>>
          %dma_start3A_2587 = tpu.memref_squeeze %dma_start3A_2586 : memref<1x8x32xf32, #tpu.memory_space<hbm>> -> memref<8x32xf32, #tpu.memory_space<hbm>>
          %dma_start3A_2588 = arith.constant 0 : i32
          %dma_start3A_2589 = arith.constant 0 : i32
          %dma_start3A_2590 = tpu.memref_slice %arg10[%dma_start3A_2578, %dma_start3A_2579, %dma_start3A_2588, %dma_start3A_2589] : memref<2x16x8x32xf32, #tpu.memory_space<vmem>> -> memref<1x1x8x32xf32, #tpu.memory_space<vmem>>
          %dma_start3A_2591 = tpu.memref_squeeze %dma_start3A_2590 : memref<1x1x8x32xf32, #tpu.memory_space<vmem>> -> memref<8x32xf32, #tpu.memory_space<vmem>>
          %dma_start3A_2592 = arith.constant 0 : i32
          %dma_start3A_2593 = arith.constant 0 : i32
          %dma_start3A_2594 = tpu.memref_slice %arg4[%squeeze3A_2577, %dma_start3A_2592, %dma_start3A_2593] : memref<125000x8x32xf32, #tpu.memory_space<hbm>> -> memref<1x8x32xf32, #tpu.memory_space<hbm>>
          %dma_start3A_2595 = tpu.memref_squeeze %dma_start3A_2594 : memref<1x8x32xf32, #tpu.memory_space<hbm>> -> memref<8x32xf32, #tpu.memory_space<hbm>>
          tpu.enqueue_dma source(%dma_start3A_2595 : memref<8x32xf32, #tpu.memory_space<hbm>>) target(%dma_start3A_2591 : memref<8x32xf32, #tpu.memory_space<vmem>>) target_semaphore(%arg15 : memref<!tpu.dma_semaphore, #tpu.memory_space<semaphore_mem>>)
          %slice3A_2596 = vector.extract_strided_slice %shift_right_arithmetic3A_2015 {offsets = [14], sizes = [1], strides = [1]} : vector<16xi32> to vector<1xi32>
          %squeeze3A_2597 = vector.extract %slice3A_2596[0] : i32 from vector<1xi32>
          %dma_start3A_2598 = arith.constant 1 : i32
          %dma_start3A_2599 = arith.constant 14 : i32
          %dma_start3A_2600 = arith.constant 0 : i32
          %dma_start3A_2601 = arith.constant 0 : i32
          %dma_start3A_2602 = tpu.memref_slice %arg11[%dma_start3A_2598, %dma_start3A_2599, %dma_start3A_2600, %dma_start3A_2601] : memref<2x16x8x32xf32, #tpu.memory_space<vmem>> -> memref<1x1x8x32xf32, #tpu.memory_space<vmem>>
          %dma_start3A_2603 = tpu.memref_squeeze %dma_start3A_2602 : memref<1x1x8x32xf32, #tpu.memory_space<vmem>> -> memref<8x32xf32, #tpu.memory_space<vmem>>
          %dma_start3A_2604 = arith.constant 0 : i32
          %dma_start3A_2605 = arith.constant 0 : i32
          %dma_start3A_2606 = tpu.memref_slice %arg5[%squeeze3A_2597, %dma_start3A_2604, %dma_start3A_2605] : memref<125000x8x32xf32, #tpu.memory_space<hbm>> -> memref<1x8x32xf32, #tpu.memory_space<hbm>>
          %dma_start3A_2607 = tpu.memref_squeeze %dma_start3A_2606 : memref<1x8x32xf32, #tpu.memory_space<hbm>> -> memref<8x32xf32, #tpu.memory_space<hbm>>
          %dma_start3A_2608 = arith.constant 0 : i32
          %dma_start3A_2609 = arith.constant 0 : i32
          %dma_start3A_2610 = tpu.memref_slice %arg11[%dma_start3A_2598, %dma_start3A_2599, %dma_start3A_2608, %dma_start3A_2609] : memref<2x16x8x32xf32, #tpu.memory_space<vmem>> -> memref<1x1x8x32xf32, #tpu.memory_space<vmem>>
          %dma_start3A_2611 = tpu.memref_squeeze %dma_start3A_2610 : memref<1x1x8x32xf32, #tpu.memory_space<vmem>> -> memref<8x32xf32, #tpu.memory_space<vmem>>
          %dma_start3A_2612 = arith.constant 0 : i32
          %dma_start3A_2613 = arith.constant 0 : i32
          %dma_start3A_2614 = tpu.memref_slice %arg5[%squeeze3A_2597, %dma_start3A_2612, %dma_start3A_2613] : memref<125000x8x32xf32, #tpu.memory_space<hbm>> -> memref<1x8x32xf32, #tpu.memory_space<hbm>>
          %dma_start3A_2615 = tpu.memref_squeeze %dma_start3A_2614 : memref<1x8x32xf32, #tpu.memory_space<hbm>> -> memref<8x32xf32, #tpu.memory_space<hbm>>
          tpu.enqueue_dma source(%dma_start3A_2615 : memref<8x32xf32, #tpu.memory_space<hbm>>) target(%dma_start3A_2611 : memref<8x32xf32, #tpu.memory_space<vmem>>) target_semaphore(%arg15 : memref<!tpu.dma_semaphore, #tpu.memory_space<semaphore_mem>>)
          %slice3A_2616 = vector.extract_strided_slice %shift_right_arithmetic3A_2007 {offsets = [15], sizes = [1], strides = [1]} : vector<16xi32> to vector<1xi32>
          %squeeze3A_2617 = vector.extract %slice3A_2616[0] : i32 from vector<1xi32>
          %dma_start3A_2618 = arith.constant 1 : i32
          %dma_start3A_2619 = arith.constant 15 : i32
          %dma_start3A_2620 = arith.constant 0 : i32
          %dma_start3A_2621 = arith.constant 0 : i32
          %dma_start3A_2622 = tpu.memref_slice %arg10[%dma_start3A_2618, %dma_start3A_2619, %dma_start3A_2620, %dma_start3A_2621] : memref<2x16x8x32xf32, #tpu.memory_space<vmem>> -> memref<1x1x8x32xf32, #tpu.memory_space<vmem>>
          %dma_start3A_2623 = tpu.memref_squeeze %dma_start3A_2622 : memref<1x1x8x32xf32, #tpu.memory_space<vmem>> -> memref<8x32xf32, #tpu.memory_space<vmem>>
          %dma_start3A_2624 = arith.constant 0 : i32
          %dma_start3A_2625 = arith.constant 0 : i32
          %dma_start3A_2626 = tpu.memref_slice %arg4[%squeeze3A_2617, %dma_start3A_2624, %dma_start3A_2625] : memref<125000x8x32xf32, #tpu.memory_space<hbm>> -> memref<1x8x32xf32, #tpu.memory_space<hbm>>
          %dma_start3A_2627 = tpu.memref_squeeze %dma_start3A_2626 : memref<1x8x32xf32, #tpu.memory_space<hbm>> -> memref<8x32xf32, #tpu.memory_space<hbm>>
          %dma_start3A_2628 = arith.constant 0 : i32
          %dma_start3A_2629 = arith.constant 0 : i32
          %dma_start3A_2630 = tpu.memref_slice %arg10[%dma_start3A_2618, %dma_start3A_2619, %dma_start3A_2628, %dma_start3A_2629] : memref<2x16x8x32xf32, #tpu.memory_space<vmem>> -> memref<1x1x8x32xf32, #tpu.memory_space<vmem>>
          %dma_start3A_2631 = tpu.memref_squeeze %dma_start3A_2630 : memref<1x1x8x32xf32, #tpu.memory_space<vmem>> -> memref<8x32xf32, #tpu.memory_space<vmem>>
          %dma_start3A_2632 = arith.constant 0 : i32
          %dma_start3A_2633 = arith.constant 0 : i32
          %dma_start3A_2634 = tpu.memref_slice %arg4[%squeeze3A_2617, %dma_start3A_2632, %dma_start3A_2633] : memref<125000x8x32xf32, #tpu.memory_space<hbm>> -> memref<1x8x32xf32, #tpu.memory_space<hbm>>
          %dma_start3A_2635 = tpu.memref_squeeze %dma_start3A_2634 : memref<1x8x32xf32, #tpu.memory_space<hbm>> -> memref<8x32xf32, #tpu.memory_space<hbm>>
          tpu.enqueue_dma source(%dma_start3A_2635 : memref<8x32xf32, #tpu.memory_space<hbm>>) target(%dma_start3A_2631 : memref<8x32xf32, #tpu.memory_space<vmem>>) target_semaphore(%arg15 : memref<!tpu.dma_semaphore, #tpu.memory_space<semaphore_mem>>)
          %slice3A_2636 = vector.extract_strided_slice %shift_right_arithmetic3A_2015 {offsets = [15], sizes = [1], strides = [1]} : vector<16xi32> to vector<1xi32>
          %squeeze3A_2637 = vector.extract %slice3A_2636[0] : i32 from vector<1xi32>
          %dma_start3A_2638 = arith.constant 1 : i32
          %dma_start3A_2639 = arith.constant 15 : i32
          %dma_start3A_2640 = arith.constant 0 : i32
          %dma_start3A_2641 = arith.constant 0 : i32
          %dma_start3A_2642 = tpu.memref_slice %arg11[%dma_start3A_2638, %dma_start3A_2639, %dma_start3A_2640, %dma_start3A_2641] : memref<2x16x8x32xf32, #tpu.memory_space<vmem>> -> memref<1x1x8x32xf32, #tpu.memory_space<vmem>>
          %dma_start3A_2643 = tpu.memref_squeeze %dma_start3A_2642 : memref<1x1x8x32xf32, #tpu.memory_space<vmem>> -> memref<8x32xf32, #tpu.memory_space<vmem>>
          %dma_start3A_2644 = arith.constant 0 : i32
          %dma_start3A_2645 = arith.constant 0 : i32
          %dma_start3A_2646 = tpu.memref_slice %arg5[%squeeze3A_2637, %dma_start3A_2644, %dma_start3A_2645] : memref<125000x8x32xf32, #tpu.memory_space<hbm>> -> memref<1x8x32xf32, #tpu.memory_space<hbm>>
          %dma_start3A_2647 = tpu.memref_squeeze %dma_start3A_2646 : memref<1x8x32xf32, #tpu.memory_space<hbm>> -> memref<8x32xf32, #tpu.memory_space<hbm>>
          %dma_start3A_2648 = arith.constant 0 : i32
          %dma_start3A_2649 = arith.constant 0 : i32
          %dma_start3A_2650 = tpu.memref_slice %arg11[%dma_start3A_2638, %dma_start3A_2639, %dma_start3A_2648, %dma_start3A_2649] : memref<2x16x8x32xf32, #tpu.memory_space<vmem>> -> memref<1x1x8x32xf32, #tpu.memory_space<vmem>>
          %dma_start3A_2651 = tpu.memref_squeeze %dma_start3A_2650 : memref<1x1x8x32xf32, #tpu.memory_space<vmem>> -> memref<8x32xf32, #tpu.memory_space<vmem>>
          %dma_start3A_2652 = arith.constant 0 : i32
          %dma_start3A_2653 = arith.constant 0 : i32
          %dma_start3A_2654 = tpu.memref_slice %arg5[%squeeze3A_2637, %dma_start3A_2652, %dma_start3A_2653] : memref<125000x8x32xf32, #tpu.memory_space<hbm>> -> memref<1x8x32xf32, #tpu.memory_space<hbm>>
          %dma_start3A_2655 = tpu.memref_squeeze %dma_start3A_2654 : memref<1x8x32xf32, #tpu.memory_space<hbm>> -> memref<8x32xf32, #tpu.memory_space<hbm>>
          tpu.enqueue_dma source(%dma_start3A_2655 : memref<8x32xf32, #tpu.memory_space<hbm>>) target(%dma_start3A_2651 : memref<8x32xf32, #tpu.memory_space<vmem>>) target_semaphore(%arg15 : memref<!tpu.dma_semaphore, #tpu.memory_space<semaphore_mem>>)
        } else {
        }
        %eq3A_1993 = arith.constant 1 : i32
        %eq3A_1994 = arith.cmpi eq, %rem3A_701, %eq3A_1993 : i32
        %convert_element_type3A_1995 = arith.extui %eq3A_1994 : i1 to i32
        %cond3A_1996 = arith.constant 0 : i32
        %cond3A_1997 = arith.cmpi ne, %convert_element_type3A_1995, %cond3A_1996 : i32
        scf.if %cond3A_1997 {
          %add3A_1998 = arith.constant 1 : i32
          %add3A_1999 = arith.addi %scan3A_700, %add3A_1998 : i32
          %mul3A_2000 = arith.constant 16 : i32
          %mul3A_2001 = arith.muli %add3A_1999, %mul3A_2000 : i32
          %get3A_2002 = arith.index_cast %mul3A_2001 : i32 to index
          %get3A_2003 = tpu.vector_load %arg8[%get3A_2002] {strides = array<i32>} : memref<512xi32, #tpu.memory_space<vmem>>, vector<16xi32>,
          %get3A_2004 = vector.shape_cast %get3A_2003 : vector<16xi32> to vector<16xi32>
          %shift_right_arithmetic3A_2005 = arith.constant 3 : i32
          %shift_right_arithmetic3A_2006 = vector.broadcast %shift_right_arithmetic3A_2005 : i32 to vector<16xi32>
          %shift_right_arithmetic3A_2007 = arith.shrsi %get3A_2004, %shift_right_arithmetic3A_2006 : vector<16xi32>
          %mul3A_2008 = arith.constant 16 : i32
          %mul3A_2009 = arith.muli %add3A_1999, %mul3A_2008 : i32
          %get3A_2010 = arith.index_cast %mul3A_2009 : i32 to index
          %get3A_2011 = tpu.vector_load %arg9[%get3A_2010] {strides = array<i32>} : memref<512xi32, #tpu.memory_space<vmem>>, vector<16xi32>,
          %get3A_2012 = vector.shape_cast %get3A_2011 : vector<16xi32> to vector<16xi32>
          %shift_right_arithmetic3A_2013 = arith.constant 3 : i32
          %shift_right_arithmetic3A_2014 = vector.broadcast %shift_right_arithmetic3A_2013 : i32 to vector<16xi32>
          %shift_right_arithmetic3A_2015 = arith.shrsi %get3A_2012, %shift_right_arithmetic3A_2014 : vector<16xi32>
          %slice3A_2016 = vector.extract_strided_slice %shift_right_arithmetic3A_2007 {offsets = [0], sizes = [1], strides = [1]} : vector<16xi32> to vector<1xi32>
          %squeeze3A_2017 = vector.extract %slice3A_2016[0] : i32 from vector<1xi32>
          %dma_start3A_2018 = arith.constant 0 : i32
          %dma_start3A_2019 = arith.constant 0 : i32
          %dma_start3A_2020 = arith.constant 0 : i32
          %dma_start3A_2021 = arith.constant 0 : i32
          %dma_start3A_2022 = tpu.memref_slice %arg10[%dma_start3A_2018, %dma_start3A_2019, %dma_start3A_2020, %dma_start3A_2021] : memref<2x16x8x32xf32, #tpu.memory_space<vmem>> -> memref<1x1x8x32xf32, #tpu.memory_space<vmem>>
          %dma_start3A_2023 = tpu.memref_squeeze %dma_start3A_2022 : memref<1x1x8x32xf32, #tpu.memory_space<vmem>> -> memref<8x32xf32, #tpu.memory_space<vmem>>
          %dma_start3A_2024 = arith.constant 0 : i32
          %dma_start3A_2025 = arith.constant 0 : i32
          %dma_start3A_2026 = tpu.memref_slice %arg4[%squeeze3A_2017, %dma_start3A_2024, %dma_start3A_2025] : memref<125000x8x32xf32, #tpu.memory_space<hbm>> -> memref<1x8x32xf32, #tpu.memory_space<hbm>>
          %dma_start3A_2027 = tpu.memref_squeeze %dma_start3A_2026 : memref<1x8x32xf32, #tpu.memory_space<hbm>> -> memref<8x32xf32, #tpu.memory_space<hbm>>
          %dma_start3A_2028 = arith.constant 0 : i32
          %dma_start3A_2029 = arith.constant 0 : i32
          %dma_start3A_2030 = tpu.memref_slice %arg10[%dma_start3A_2018, %dma_start3A_2019, %dma_start3A_2028, %dma_start3A_2029] : memref<2x16x8x32xf32, #tpu.memory_space<vmem>> -> memref<1x1x8x32xf32, #tpu.memory_space<vmem>>
          %dma_start3A_2031 = tpu.memref_squeeze %dma_start3A_2030 : memref<1x1x8x32xf32, #tpu.memory_space<vmem>> -> memref<8x32xf32, #tpu.memory_space<vmem>>
          %dma_start3A_2032 = arith.constant 0 : i32
          %dma_start3A_2033 = arith.constant 0 : i32
          %dma_start3A_2034 = tpu.memref_slice %arg4[%squeeze3A_2017, %dma_start3A_2032, %dma_start3A_2033] : memref<125000x8x32xf32, #tpu.memory_space<hbm>> -> memref<1x8x32xf32, #tpu.memory_space<hbm>>
          %dma_start3A_2035 = tpu.memref_squeeze %dma_start3A_2034 : memref<1x8x32xf32, #tpu.memory_space<hbm>> -> memref<8x32xf32, #tpu.memory_space<hbm>>
          tpu.enqueue_dma source(%dma_start3A_2035 : memref<8x32xf32, #tpu.memory_space<hbm>>) target(%dma_start3A_2031 : memref<8x32xf32, #tpu.memory_space<vmem>>) target_semaphore(%arg14 : memref<!tpu.dma_semaphore, #tpu.memory_space<semaphore_mem>>)
          %slice3A_2036 = vector.extract_strided_slice %shift_right_arithmetic3A_2015 {offsets = [0], sizes = [1], strides = [1]} : vector<16xi32> to vector<1xi32>
          %squeeze3A_2037 = vector.extract %slice3A_2036[0] : i32 from vector<1xi32>
          %dma_start3A_2038 = arith.constant 0 : i32
          %dma_start3A_2039 = arith.constant 0 : i32
          %dma_start3A_2040 = arith.constant 0 : i32
          %dma_start3A_2041 = arith.constant 0 : i32
          %dma_start3A_2042 = tpu.memref_slice %arg11[%dma_start3A_2038, %dma_start3A_2039, %dma_start3A_2040, %dma_start3A_2041] : memref<2x16x8x32xf32, #tpu.memory_space<vmem>> -> memref<1x1x8x32xf32, #tpu.memory_space<vmem>>
          %dma_start3A_2043 = tpu.memref_squeeze %dma_start3A_2042 : memref<1x1x8x32xf32, #tpu.memory_space<vmem>> -> memref<8x32xf32, #tpu.memory_space<vmem>>
          %dma_start3A_2044 = arith.constant 0 : i32
          %dma_start3A_2045 = arith.constant 0 : i32
          %dma_start3A_2046 = tpu.memref_slice %arg5[%squeeze3A_2037, %dma_start3A_2044, %dma_start3A_2045] : memref<125000x8x32xf32, #tpu.memory_space<hbm>> -> memref<1x8x32xf32, #tpu.memory_space<hbm>>
          %dma_start3A_2047 = tpu.memref_squeeze %dma_start3A_2046 : memref<1x8x32xf32, #tpu.memory_space<hbm>> -> memref<8x32xf32, #tpu.memory_space<hbm>>
          %dma_start3A_2048 = arith.constant 0 : i32
          %dma_start3A_2049 = arith.constant 0 : i32
          %dma_start3A_2050 = tpu.memref_slice %arg11[%dma_start3A_2038, %dma_start3A_2039, %dma_start3A_2048, %dma_start3A_2049] : memref<2x16x8x32xf32, #tpu.memory_space<vmem>> -> memref<1x1x8x32xf32, #tpu.memory_space<vmem>>
          %dma_start3A_2051 = tpu.memref_squeeze %dma_start3A_2050 : memref<1x1x8x32xf32, #tpu.memory_space<vmem>> -> memref<8x32xf32, #tpu.memory_space<vmem>>
          %dma_start3A_2052 = arith.constant 0 : i32
          %dma_start3A_2053 = arith.constant 0 : i32
          %dma_start3A_2054 = tpu.memref_slice %arg5[%squeeze3A_2037, %dma_start3A_2052, %dma_start3A_2053] : memref<125000x8x32xf32, #tpu.memory_space<hbm>> -> memref<1x8x32xf32, #tpu.memory_space<hbm>>
          %dma_start3A_2055 = tpu.memref_squeeze %dma_start3A_2054 : memref<1x8x32xf32, #tpu.memory_space<hbm>> -> memref<8x32xf32, #tpu.memory_space<hbm>>
          tpu.enqueue_dma source(%dma_start3A_2055 : memref<8x32xf32, #tpu.memory_space<hbm>>) target(%dma_start3A_2051 : memref<8x32xf32, #tpu.memory_space<vmem>>) target_semaphore(%arg14 : memref<!tpu.dma_semaphore, #tpu.memory_space<semaphore_mem>>)
          %slice3A_2056 = vector.extract_strided_slice %shift_right_arithmetic3A_2007 {offsets = [1], sizes = [1], strides = [1]} : vector<16xi32> to vector<1xi32>
          %squeeze3A_2057 = vector.extract %slice3A_2056[0] : i32 from vector<1xi32>
          %dma_start3A_2058 = arith.constant 0 : i32
          %dma_start3A_2059 = arith.constant 1 : i32
          %dma_start3A_2060 = arith.constant 0 : i32
          %dma_start3A_2061 = arith.constant 0 : i32
          %dma_start3A_2062 = tpu.memref_slice %arg10[%dma_start3A_2058, %dma_start3A_2059, %dma_start3A_2060, %dma_start3A_2061] : memref<2x16x8x32xf32, #tpu.memory_space<vmem>> -> memref<1x1x8x32xf32, #tpu.memory_space<vmem>>
          %dma_start3A_2063 = tpu.memref_squeeze %dma_start3A_2062 : memref<1x1x8x32xf32, #tpu.memory_space<vmem>> -> memref<8x32xf32, #tpu.memory_space<vmem>>
          %dma_start3A_2064 = arith.constant 0 : i32
          %dma_start3A_2065 = arith.constant 0 : i32
          %dma_start3A_2066 = tpu.memref_slice %arg4[%squeeze3A_2057, %dma_start3A_2064, %dma_start3A_2065] : memref<125000x8x32xf32, #tpu.memory_space<hbm>> -> memref<1x8x32xf32, #tpu.memory_space<hbm>>
          %dma_start3A_2067 = tpu.memref_squeeze %dma_start3A_2066 : memref<1x8x32xf32, #tpu.memory_space<hbm>> -> memref<8x32xf32, #tpu.memory_space<hbm>>
          %dma_start3A_2068 = arith.constant 0 : i32
          %dma_start3A_2069 = arith.constant 0 : i32
          %dma_start3A_2070 = tpu.memref_slice %arg10[%dma_start3A_2058, %dma_start3A_2059, %dma_start3A_2068, %dma_start3A_2069] : memref<2x16x8x32xf32, #tpu.memory_space<vmem>> -> memref<1x1x8x32xf32, #tpu.memory_space<vmem>>
          %dma_start3A_2071 = tpu.memref_squeeze %dma_start3A_2070 : memref<1x1x8x32xf32, #tpu.memory_space<vmem>> -> memref<8x32xf32, #tpu.memory_space<vmem>>
          %dma_start3A_2072 = arith.constant 0 : i32
          %dma_start3A_2073 = arith.constant 0 : i32
          %dma_start3A_2074 = tpu.memref_slice %arg4[%squeeze3A_2057, %dma_start3A_2072, %dma_start3A_2073] : memref<125000x8x32xf32, #tpu.memory_space<hbm>> -> memref<1x8x32xf32, #tpu.memory_space<hbm>>
          %dma_start3A_2075 = tpu.memref_squeeze %dma_start3A_2074 : memref<1x8x32xf32, #tpu.memory_space<hbm>> -> memref<8x32xf32, #tpu.memory_space<hbm>>
          tpu.enqueue_dma source(%dma_start3A_2075 : memref<8x32xf32, #tpu.memory_space<hbm>>) target(%dma_start3A_2071 : memref<8x32xf32, #tpu.memory_space<vmem>>) target_semaphore(%arg14 : memref<!tpu.dma_semaphore, #tpu.memory_space<semaphore_mem>>)
          %slice3A_2076 = vector.extract_strided_slice %shift_right_arithmetic3A_2015 {offsets = [1], sizes = [1], strides = [1]} : vector<16xi32> to vector<1xi32>
          %squeeze3A_2077 = vector.extract %slice3A_2076[0] : i32 from vector<1xi32>
          %dma_start3A_2078 = arith.constant 0 : i32
          %dma_start3A_2079 = arith.constant 1 : i32
          %dma_start3A_2080 = arith.constant 0 : i32
          %dma_start3A_2081 = arith.constant 0 : i32
          %dma_start3A_2082 = tpu.memref_slice %arg11[%dma_start3A_2078, %dma_start3A_2079, %dma_start3A_2080, %dma_start3A_2081] : memref<2x16x8x32xf32, #tpu.memory_space<vmem>> -> memref<1x1x8x32xf32, #tpu.memory_space<vmem>>
          %dma_start3A_2083 = tpu.memref_squeeze %dma_start3A_2082 : memref<1x1x8x32xf32, #tpu.memory_space<vmem>> -> memref<8x32xf32, #tpu.memory_space<vmem>>
          %dma_start3A_2084 = arith.constant 0 : i32
          %dma_start3A_2085 = arith.constant 0 : i32
          %dma_start3A_2086 = tpu.memref_slice %arg5[%squeeze3A_2077, %dma_start3A_2084, %dma_start3A_2085] : memref<125000x8x32xf32, #tpu.memory_space<hbm>> -> memref<1x8x32xf32, #tpu.memory_space<hbm>>
          %dma_start3A_2087 = tpu.memref_squeeze %dma_start3A_2086 : memref<1x8x32xf32, #tpu.memory_space<hbm>> -> memref<8x32xf32, #tpu.memory_space<hbm>>
          %dma_start3A_2088 = arith.constant 0 : i32
          %dma_start3A_2089 = arith.constant 0 : i32
          %dma_start3A_2090 = tpu.memref_slice %arg11[%dma_start3A_2078, %dma_start3A_2079, %dma_start3A_2088, %dma_start3A_2089] : memref<2x16x8x32xf32, #tpu.memory_space<vmem>> -> memref<1x1x8x32xf32, #tpu.memory_space<vmem>>
          %dma_start3A_2091 = tpu.memref_squeeze %dma_start3A_2090 : memref<1x1x8x32xf32, #tpu.memory_space<vmem>> -> memref<8x32xf32, #tpu.memory_space<vmem>>
          %dma_start3A_2092 = arith.constant 0 : i32
          %dma_start3A_2093 = arith.constant 0 : i32
          %dma_start3A_2094 = tpu.memref_slice %arg5[%squeeze3A_2077, %dma_start3A_2092, %dma_start3A_2093] : memref<125000x8x32xf32, #tpu.memory_space<hbm>> -> memref<1x8x32xf32, #tpu.memory_space<hbm>>
          %dma_start3A_2095 = tpu.memref_squeeze %dma_start3A_2094 : memref<1x8x32xf32, #tpu.memory_space<hbm>> -> memref<8x32xf32, #tpu.memory_space<hbm>>
          tpu.enqueue_dma source(%dma_start3A_2095 : memref<8x32xf32, #tpu.memory_space<hbm>>) target(%dma_start3A_2091 : memref<8x32xf32, #tpu.memory_space<vmem>>) target_semaphore(%arg14 : memref<!tpu.dma_semaphore, #tpu.memory_space<semaphore_mem>>)
          %slice3A_2096 = vector.extract_strided_slice %shift_right_arithmetic3A_2007 {offsets = [2], sizes = [1], strides = [1]} : vector<16xi32> to vector<1xi32>
          %squeeze3A_2097 = vector.extract %slice3A_2096[0] : i32 from vector<1xi32>
          %dma_start3A_2098 = arith.constant 0 : i32
          %dma_start3A_2099 = arith.constant 2 : i32
          %dma_start3A_2100 = arith.constant 0 : i32
          %dma_start3A_2101 = arith.constant 0 : i32
          %dma_start3A_2102 = tpu.memref_slice %arg10[%dma_start3A_2098, %dma_start3A_2099, %dma_start3A_2100, %dma_start3A_2101] : memref<2x16x8x32xf32, #tpu.memory_space<vmem>> -> memref<1x1x8x32xf32, #tpu.memory_space<vmem>>
          %dma_start3A_2103 = tpu.memref_squeeze %dma_start3A_2102 : memref<1x1x8x32xf32, #tpu.memory_space<vmem>> -> memref<8x32xf32, #tpu.memory_space<vmem>>
          %dma_start3A_2104 = arith.constant 0 : i32
          %dma_start3A_2105 = arith.constant 0 : i32
          %dma_start3A_2106 = tpu.memref_slice %arg4[%squeeze3A_2097, %dma_start3A_2104, %dma_start3A_2105] : memref<125000x8x32xf32, #tpu.memory_space<hbm>> -> memref<1x8x32xf32, #tpu.memory_space<hbm>>
          %dma_start3A_2107 = tpu.memref_squeeze %dma_start3A_2106 : memref<1x8x32xf32, #tpu.memory_space<hbm>> -> memref<8x32xf32, #tpu.memory_space<hbm>>
          %dma_start3A_2108 = arith.constant 0 : i32
          %dma_start3A_2109 = arith.constant 0 : i32
          %dma_start3A_2110 = tpu.memref_slice %arg10[%dma_start3A_2098, %dma_start3A_2099, %dma_start3A_2108, %dma_start3A_2109] : memref<2x16x8x32xf32, #tpu.memory_space<vmem>> -> memref<1x1x8x32xf32, #tpu.memory_space<vmem>>
          %dma_start3A_2111 = tpu.memref_squeeze %dma_start3A_2110 : memref<1x1x8x32xf32, #tpu.memory_space<vmem>> -> memref<8x32xf32, #tpu.memory_space<vmem>>
          %dma_start3A_2112 = arith.constant 0 : i32
          %dma_start3A_2113 = arith.constant 0 : i32
          %dma_start3A_2114 = tpu.memref_slice %arg4[%squeeze3A_2097, %dma_start3A_2112, %dma_start3A_2113] : memref<125000x8x32xf32, #tpu.memory_space<hbm>> -> memref<1x8x32xf32, #tpu.memory_space<hbm>>
          %dma_start3A_2115 = tpu.memref_squeeze %dma_start3A_2114 : memref<1x8x32xf32, #tpu.memory_space<hbm>> -> memref<8x32xf32, #tpu.memory_space<hbm>>
          tpu.enqueue_dma source(%dma_start3A_2115 : memref<8x32xf32, #tpu.memory_space<hbm>>) target(%dma_start3A_2111 : memref<8x32xf32, #tpu.memory_space<vmem>>) target_semaphore(%arg14 : memref<!tpu.dma_semaphore, #tpu.memory_space<semaphore_mem>>)
          %slice3A_2116 = vector.extract_strided_slice %shift_right_arithmetic3A_2015 {offsets = [2], sizes = [1], strides = [1]} : vector<16xi32> to vector<1xi32>
          %squeeze3A_2117 = vector.extract %slice3A_2116[0] : i32 from vector<1xi32>
          %dma_start3A_2118 = arith.constant 0 : i32
          %dma_start3A_2119 = arith.constant 2 : i32
          %dma_start3A_2120 = arith.constant 0 : i32
          %dma_start3A_2121 = arith.constant 0 : i32
          %dma_start3A_2122 = tpu.memref_slice %arg11[%dma_start3A_2118, %dma_start3A_2119, %dma_start3A_2120, %dma_start3A_2121] : memref<2x16x8x32xf32, #tpu.memory_space<vmem>> -> memref<1x1x8x32xf32, #tpu.memory_space<vmem>>
          %dma_start3A_2123 = tpu.memref_squeeze %dma_start3A_2122 : memref<1x1x8x32xf32, #tpu.memory_space<vmem>> -> memref<8x32xf32, #tpu.memory_space<vmem>>
          %dma_start3A_2124 = arith.constant 0 : i32
          %dma_start3A_2125 = arith.constant 0 : i32
          %dma_start3A_2126 = tpu.memref_slice %arg5[%squeeze3A_2117, %dma_start3A_2124, %dma_start3A_2125] : memref<125000x8x32xf32, #tpu.memory_space<hbm>> -> memref<1x8x32xf32, #tpu.memory_space<hbm>>
          %dma_start3A_2127 = tpu.memref_squeeze %dma_start3A_2126 : memref<1x8x32xf32, #tpu.memory_space<hbm>> -> memref<8x32xf32, #tpu.memory_space<hbm>>
          %dma_start3A_2128 = arith.constant 0 : i32
          %dma_start3A_2129 = arith.constant 0 : i32
          %dma_start3A_2130 = tpu.memref_slice %arg11[%dma_start3A_2118, %dma_start3A_2119, %dma_start3A_2128, %dma_start3A_2129] : memref<2x16x8x32xf32, #tpu.memory_space<vmem>> -> memref<1x1x8x32xf32, #tpu.memory_space<vmem>>
          %dma_start3A_2131 = tpu.memref_squeeze %dma_start3A_2130 : memref<1x1x8x32xf32, #tpu.memory_space<vmem>> -> memref<8x32xf32, #tpu.memory_space<vmem>>
          %dma_start3A_2132 = arith.constant 0 : i32
          %dma_start3A_2133 = arith.constant 0 : i32
          %dma_start3A_2134 = tpu.memref_slice %arg5[%squeeze3A_2117, %dma_start3A_2132, %dma_start3A_2133] : memref<125000x8x32xf32, #tpu.memory_space<hbm>> -> memref<1x8x32xf32, #tpu.memory_space<hbm>>
          %dma_start3A_2135 = tpu.memref_squeeze %dma_start3A_2134 : memref<1x8x32xf32, #tpu.memory_space<hbm>> -> memref<8x32xf32, #tpu.memory_space<hbm>>
          tpu.enqueue_dma source(%dma_start3A_2135 : memref<8x32xf32, #tpu.memory_space<hbm>>) target(%dma_start3A_2131 : memref<8x32xf32, #tpu.memory_space<vmem>>) target_semaphore(%arg14 : memref<!tpu.dma_semaphore, #tpu.memory_space<semaphore_mem>>)
          %slice3A_2136 = vector.extract_strided_slice %shift_right_arithmetic3A_2007 {offsets = [3], sizes = [1], strides = [1]} : vector<16xi32> to vector<1xi32>
          %squeeze3A_2137 = vector.extract %slice3A_2136[0] : i32 from vector<1xi32>
          %dma_start3A_2138 = arith.constant 0 : i32
          %dma_start3A_2139 = arith.constant 3 : i32
          %dma_start3A_2140 = arith.constant 0 : i32
          %dma_start3A_2141 = arith.constant 0 : i32
          %dma_start3A_2142 = tpu.memref_slice %arg10[%dma_start3A_2138, %dma_start3A_2139, %dma_start3A_2140, %dma_start3A_2141] : memref<2x16x8x32xf32, #tpu.memory_space<vmem>> -> memref<1x1x8x32xf32, #tpu.memory_space<vmem>>
          %dma_start3A_2143 = tpu.memref_squeeze %dma_start3A_2142 : memref<1x1x8x32xf32, #tpu.memory_space<vmem>> -> memref<8x32xf32, #tpu.memory_space<vmem>>
          %dma_start3A_2144 = arith.constant 0 : i32
          %dma_start3A_2145 = arith.constant 0 : i32
          %dma_start3A_2146 = tpu.memref_slice %arg4[%squeeze3A_2137, %dma_start3A_2144, %dma_start3A_2145] : memref<125000x8x32xf32, #tpu.memory_space<hbm>> -> memref<1x8x32xf32, #tpu.memory_space<hbm>>
          %dma_start3A_2147 = tpu.memref_squeeze %dma_start3A_2146 : memref<1x8x32xf32, #tpu.memory_space<hbm>> -> memref<8x32xf32, #tpu.memory_space<hbm>>
          %dma_start3A_2148 = arith.constant 0 : i32
          %dma_start3A_2149 = arith.constant 0 : i32
          %dma_start3A_2150 = tpu.memref_slice %arg10[%dma_start3A_2138, %dma_start3A_2139, %dma_start3A_2148, %dma_start3A_2149] : memref<2x16x8x32xf32, #tpu.memory_space<vmem>> -> memref<1x1x8x32xf32, #tpu.memory_space<vmem>>
          %dma_start3A_2151 = tpu.memref_squeeze %dma_start3A_2150 : memref<1x1x8x32xf32, #tpu.memory_space<vmem>> -> memref<8x32xf32, #tpu.memory_space<vmem>>
          %dma_start3A_2152 = arith.constant 0 : i32
          %dma_start3A_2153 = arith.constant 0 : i32
          %dma_start3A_2154 = tpu.memref_slice %arg4[%squeeze3A_2137, %dma_start3A_2152, %dma_start3A_2153] : memref<125000x8x32xf32, #tpu.memory_space<hbm>> -> memref<1x8x32xf32, #tpu.memory_space<hbm>>
          %dma_start3A_2155 = tpu.memref_squeeze %dma_start3A_2154 : memref<1x8x32xf32, #tpu.memory_space<hbm>> -> memref<8x32xf32, #tpu.memory_space<hbm>>
          tpu.enqueue_dma source(%dma_start3A_2155 : memref<8x32xf32, #tpu.memory_space<hbm>>) target(%dma_start3A_2151 : memref<8x32xf32, #tpu.memory_space<vmem>>) target_semaphore(%arg14 : memref<!tpu.dma_semaphore, #tpu.memory_space<semaphore_mem>>)
          %slice3A_2156 = vector.extract_strided_slice %shift_right_arithmetic3A_2015 {offsets = [3], sizes = [1], strides = [1]} : vector<16xi32> to vector<1xi32>
          %squeeze3A_2157 = vector.extract %slice3A_2156[0] : i32 from vector<1xi32>
          %dma_start3A_2158 = arith.constant 0 : i32
          %dma_start3A_2159 = arith.constant 3 : i32
          %dma_start3A_2160 = arith.constant 0 : i32
          %dma_start3A_2161 = arith.constant 0 : i32
          %dma_start3A_2162 = tpu.memref_slice %arg11[%dma_start3A_2158, %dma_start3A_2159, %dma_start3A_2160, %dma_start3A_2161] : memref<2x16x8x32xf32, #tpu.memory_space<vmem>> -> memref<1x1x8x32xf32, #tpu.memory_space<vmem>>
          %dma_start3A_2163 = tpu.memref_squeeze %dma_start3A_2162 : memref<1x1x8x32xf32, #tpu.memory_space<vmem>> -> memref<8x32xf32, #tpu.memory_space<vmem>>
          %dma_start3A_2164 = arith.constant 0 : i32
          %dma_start3A_2165 = arith.constant 0 : i32
          %dma_start3A_2166 = tpu.memref_slice %arg5[%squeeze3A_2157, %dma_start3A_2164, %dma_start3A_2165] : memref<125000x8x32xf32, #tpu.memory_space<hbm>> -> memref<1x8x32xf32, #tpu.memory_space<hbm>>
          %dma_start3A_2167 = tpu.memref_squeeze %dma_start3A_2166 : memref<1x8x32xf32, #tpu.memory_space<hbm>> -> memref<8x32xf32, #tpu.memory_space<hbm>>
          %dma_start3A_2168 = arith.constant 0 : i32
          %dma_start3A_2169 = arith.constant 0 : i32
          %dma_start3A_2170 = tpu.memref_slice %arg11[%dma_start3A_2158, %dma_start3A_2159, %dma_start3A_2168, %dma_start3A_2169] : memref<2x16x8x32xf32, #tpu.memory_space<vmem>> -> memref<1x1x8x32xf32, #tpu.memory_space<vmem>>
          %dma_start3A_2171 = tpu.memref_squeeze %dma_start3A_2170 : memref<1x1x8x32xf32, #tpu.memory_space<vmem>> -> memref<8x32xf32, #tpu.memory_space<vmem>>
          %dma_start3A_2172 = arith.constant 0 : i32
          %dma_start3A_2173 = arith.constant 0 : i32
          %dma_start3A_2174 = tpu.memref_slice %arg5[%squeeze3A_2157, %dma_start3A_2172, %dma_start3A_2173] : memref<125000x8x32xf32, #tpu.memory_space<hbm>> -> memref<1x8x32xf32, #tpu.memory_space<hbm>>
          %dma_start3A_2175 = tpu.memref_squeeze %dma_start3A_2174 : memref<1x8x32xf32, #tpu.memory_space<hbm>> -> memref<8x32xf32, #tpu.memory_space<hbm>>
          tpu.enqueue_dma source(%dma_start3A_2175 : memref<8x32xf32, #tpu.memory_space<hbm>>) target(%dma_start3A_2171 : memref<8x32xf32, #tpu.memory_space<vmem>>) target_semaphore(%arg14 : memref<!tpu.dma_semaphore, #tpu.memory_space<semaphore_mem>>)
          %slice3A_2176 = vector.extract_strided_slice %shift_right_arithmetic3A_2007 {offsets = [4], sizes = [1], strides = [1]} : vector<16xi32> to vector<1xi32>
          %squeeze3A_2177 = vector.extract %slice3A_2176[0] : i32 from vector<1xi32>
          %dma_start3A_2178 = arith.constant 0 : i32
          %dma_start3A_2179 = arith.constant 4 : i32
          %dma_start3A_2180 = arith.constant 0 : i32
          %dma_start3A_2181 = arith.constant 0 : i32
          %dma_start3A_2182 = tpu.memref_slice %arg10[%dma_start3A_2178, %dma_start3A_2179, %dma_start3A_2180, %dma_start3A_2181] : memref<2x16x8x32xf32, #tpu.memory_space<vmem>> -> memref<1x1x8x32xf32, #tpu.memory_space<vmem>>
          %dma_start3A_2183 = tpu.memref_squeeze %dma_start3A_2182 : memref<1x1x8x32xf32, #tpu.memory_space<vmem>> -> memref<8x32xf32, #tpu.memory_space<vmem>>
          %dma_start3A_2184 = arith.constant 0 : i32
          %dma_start3A_2185 = arith.constant 0 : i32
          %dma_start3A_2186 = tpu.memref_slice %arg4[%squeeze3A_2177, %dma_start3A_2184, %dma_start3A_2185] : memref<125000x8x32xf32, #tpu.memory_space<hbm>> -> memref<1x8x32xf32, #tpu.memory_space<hbm>>
          %dma_start3A_2187 = tpu.memref_squeeze %dma_start3A_2186 : memref<1x8x32xf32, #tpu.memory_space<hbm>> -> memref<8x32xf32, #tpu.memory_space<hbm>>
          %dma_start3A_2188 = arith.constant 0 : i32
          %dma_start3A_2189 = arith.constant 0 : i32
          %dma_start3A_2190 = tpu.memref_slice %arg10[%dma_start3A_2178, %dma_start3A_2179, %dma_start3A_2188, %dma_start3A_2189] : memref<2x16x8x32xf32, #tpu.memory_space<vmem>> -> memref<1x1x8x32xf32, #tpu.memory_space<vmem>>
          %dma_start3A_2191 = tpu.memref_squeeze %dma_start3A_2190 : memref<1x1x8x32xf32, #tpu.memory_space<vmem>> -> memref<8x32xf32, #tpu.memory_space<vmem>>
          %dma_start3A_2192 = arith.constant 0 : i32
          %dma_start3A_2193 = arith.constant 0 : i32
          %dma_start3A_2194 = tpu.memref_slice %arg4[%squeeze3A_2177, %dma_start3A_2192, %dma_start3A_2193] : memref<125000x8x32xf32, #tpu.memory_space<hbm>> -> memref<1x8x32xf32, #tpu.memory_space<hbm>>
          %dma_start3A_2195 = tpu.memref_squeeze %dma_start3A_2194 : memref<1x8x32xf32, #tpu.memory_space<hbm>> -> memref<8x32xf32, #tpu.memory_space<hbm>>
          tpu.enqueue_dma source(%dma_start3A_2195 : memref<8x32xf32, #tpu.memory_space<hbm>>) target(%dma_start3A_2191 : memref<8x32xf32, #tpu.memory_space<vmem>>) target_semaphore(%arg14 : memref<!tpu.dma_semaphore, #tpu.memory_space<semaphore_mem>>)
          %slice3A_2196 = vector.extract_strided_slice %shift_right_arithmetic3A_2015 {offsets = [4], sizes = [1], strides = [1]} : vector<16xi32> to vector<1xi32>
          %squeeze3A_2197 = vector.extract %slice3A_2196[0] : i32 from vector<1xi32>
          %dma_start3A_2198 = arith.constant 0 : i32
          %dma_start3A_2199 = arith.constant 4 : i32
          %dma_start3A_2200 = arith.constant 0 : i32
          %dma_start3A_2201 = arith.constant 0 : i32
          %dma_start3A_2202 = tpu.memref_slice %arg11[%dma_start3A_2198, %dma_start3A_2199, %dma_start3A_2200, %dma_start3A_2201] : memref<2x16x8x32xf32, #tpu.memory_space<vmem>> -> memref<1x1x8x32xf32, #tpu.memory_space<vmem>>
          %dma_start3A_2203 = tpu.memref_squeeze %dma_start3A_2202 : memref<1x1x8x32xf32, #tpu.memory_space<vmem>> -> memref<8x32xf32, #tpu.memory_space<vmem>>
          %dma_start3A_2204 = arith.constant 0 : i32
          %dma_start3A_2205 = arith.constant 0 : i32
          %dma_start3A_2206 = tpu.memref_slice %arg5[%squeeze3A_2197, %dma_start3A_2204, %dma_start3A_2205] : memref<125000x8x32xf32, #tpu.memory_space<hbm>> -> memref<1x8x32xf32, #tpu.memory_space<hbm>>
          %dma_start3A_2207 = tpu.memref_squeeze %dma_start3A_2206 : memref<1x8x32xf32, #tpu.memory_space<hbm>> -> memref<8x32xf32, #tpu.memory_space<hbm>>
          %dma_start3A_2208 = arith.constant 0 : i32
          %dma_start3A_2209 = arith.constant 0 : i32
          %dma_start3A_2210 = tpu.memref_slice %arg11[%dma_start3A_2198, %dma_start3A_2199, %dma_start3A_2208, %dma_start3A_2209] : memref<2x16x8x32xf32, #tpu.memory_space<vmem>> -> memref<1x1x8x32xf32, #tpu.memory_space<vmem>>
          %dma_start3A_2211 = tpu.memref_squeeze %dma_start3A_2210 : memref<1x1x8x32xf32, #tpu.memory_space<vmem>> -> memref<8x32xf32, #tpu.memory_space<vmem>>
          %dma_start3A_2212 = arith.constant 0 : i32
          %dma_start3A_2213 = arith.constant 0 : i32
          %dma_start3A_2214 = tpu.memref_slice %arg5[%squeeze3A_2197, %dma_start3A_2212, %dma_start3A_2213] : memref<125000x8x32xf32, #tpu.memory_space<hbm>> -> memref<1x8x32xf32, #tpu.memory_space<hbm>>
          %dma_start3A_2215 = tpu.memref_squeeze %dma_start3A_2214 : memref<1x8x32xf32, #tpu.memory_space<hbm>> -> memref<8x32xf32, #tpu.memory_space<hbm>>
          tpu.enqueue_dma source(%dma_start3A_2215 : memref<8x32xf32, #tpu.memory_space<hbm>>) target(%dma_start3A_2211 : memref<8x32xf32, #tpu.memory_space<vmem>>) target_semaphore(%arg14 : memref<!tpu.dma_semaphore, #tpu.memory_space<semaphore_mem>>)
          %slice3A_2216 = vector.extract_strided_slice %shift_right_arithmetic3A_2007 {offsets = [5], sizes = [1], strides = [1]} : vector<16xi32> to vector<1xi32>
          %squeeze3A_2217 = vector.extract %slice3A_2216[0] : i32 from vector<1xi32>
          %dma_start3A_2218 = arith.constant 0 : i32
          %dma_start3A_2219 = arith.constant 5 : i32
          %dma_start3A_2220 = arith.constant 0 : i32
          %dma_start3A_2221 = arith.constant 0 : i32
          %dma_start3A_2222 = tpu.memref_slice %arg10[%dma_start3A_2218, %dma_start3A_2219, %dma_start3A_2220, %dma_start3A_2221] : memref<2x16x8x32xf32, #tpu.memory_space<vmem>> -> memref<1x1x8x32xf32, #tpu.memory_space<vmem>>
          %dma_start3A_2223 = tpu.memref_squeeze %dma_start3A_2222 : memref<1x1x8x32xf32, #tpu.memory_space<vmem>> -> memref<8x32xf32, #tpu.memory_space<vmem>>
          %dma_start3A_2224 = arith.constant 0 : i32
          %dma_start3A_2225 = arith.constant 0 : i32
          %dma_start3A_2226 = tpu.memref_slice %arg4[%squeeze3A_2217, %dma_start3A_2224, %dma_start3A_2225] : memref<125000x8x32xf32, #tpu.memory_space<hbm>> -> memref<1x8x32xf32, #tpu.memory_space<hbm>>
          %dma_start3A_2227 = tpu.memref_squeeze %dma_start3A_2226 : memref<1x8x32xf32, #tpu.memory_space<hbm>> -> memref<8x32xf32, #tpu.memory_space<hbm>>
          %dma_start3A_2228 = arith.constant 0 : i32
          %dma_start3A_2229 = arith.constant 0 : i32
          %dma_start3A_2230 = tpu.memref_slice %arg10[%dma_start3A_2218, %dma_start3A_2219, %dma_start3A_2228, %dma_start3A_2229] : memref<2x16x8x32xf32, #tpu.memory_space<vmem>> -> memref<1x1x8x32xf32, #tpu.memory_space<vmem>>
          %dma_start3A_2231 = tpu.memref_squeeze %dma_start3A_2230 : memref<1x1x8x32xf32, #tpu.memory_space<vmem>> -> memref<8x32xf32, #tpu.memory_space<vmem>>
          %dma_start3A_2232 = arith.constant 0 : i32
          %dma_start3A_2233 = arith.constant 0 : i32
          %dma_start3A_2234 = tpu.memref_slice %arg4[%squeeze3A_2217, %dma_start3A_2232, %dma_start3A_2233] : memref<125000x8x32xf32, #tpu.memory_space<hbm>> -> memref<1x8x32xf32, #tpu.memory_space<hbm>>
          %dma_start3A_2235 = tpu.memref_squeeze %dma_start3A_2234 : memref<1x8x32xf32, #tpu.memory_space<hbm>> -> memref<8x32xf32, #tpu.memory_space<hbm>>
          tpu.enqueue_dma source(%dma_start3A_2235 : memref<8x32xf32, #tpu.memory_space<hbm>>) target(%dma_start3A_2231 : memref<8x32xf32, #tpu.memory_space<vmem>>) target_semaphore(%arg14 : memref<!tpu.dma_semaphore, #tpu.memory_space<semaphore_mem>>)
          %slice3A_2236 = vector.extract_strided_slice %shift_right_arithmetic3A_2015 {offsets = [5], sizes = [1], strides = [1]} : vector<16xi32> to vector<1xi32>
          %squeeze3A_2237 = vector.extract %slice3A_2236[0] : i32 from vector<1xi32>
          %dma_start3A_2238 = arith.constant 0 : i32
          %dma_start3A_2239 = arith.constant 5 : i32
          %dma_start3A_2240 = arith.constant 0 : i32
          %dma_start3A_2241 = arith.constant 0 : i32
          %dma_start3A_2242 = tpu.memref_slice %arg11[%dma_start3A_2238, %dma_start3A_2239, %dma_start3A_2240, %dma_start3A_2241] : memref<2x16x8x32xf32, #tpu.memory_space<vmem>> -> memref<1x1x8x32xf32, #tpu.memory_space<vmem>>
          %dma_start3A_2243 = tpu.memref_squeeze %dma_start3A_2242 : memref<1x1x8x32xf32, #tpu.memory_space<vmem>> -> memref<8x32xf32, #tpu.memory_space<vmem>>
          %dma_start3A_2244 = arith.constant 0 : i32
          %dma_start3A_2245 = arith.constant 0 : i32
          %dma_start3A_2246 = tpu.memref_slice %arg5[%squeeze3A_2237, %dma_start3A_2244, %dma_start3A_2245] : memref<125000x8x32xf32, #tpu.memory_space<hbm>> -> memref<1x8x32xf32, #tpu.memory_space<hbm>>
          %dma_start3A_2247 = tpu.memref_squeeze %dma_start3A_2246 : memref<1x8x32xf32, #tpu.memory_space<hbm>> -> memref<8x32xf32, #tpu.memory_space<hbm>>
          %dma_start3A_2248 = arith.constant 0 : i32
          %dma_start3A_2249 = arith.constant 0 : i32
          %dma_start3A_2250 = tpu.memref_slice %arg11[%dma_start3A_2238, %dma_start3A_2239, %dma_start3A_2248, %dma_start3A_2249] : memref<2x16x8x32xf32, #tpu.memory_space<vmem>> -> memref<1x1x8x32xf32, #tpu.memory_space<vmem>>
          %dma_start3A_2251 = tpu.memref_squeeze %dma_start3A_2250 : memref<1x1x8x32xf32, #tpu.memory_space<vmem>> -> memref<8x32xf32, #tpu.memory_space<vmem>>
          %dma_start3A_2252 = arith.constant 0 : i32
          %dma_start3A_2253 = arith.constant 0 : i32
          %dma_start3A_2254 = tpu.memref_slice %arg5[%squeeze3A_2237, %dma_start3A_2252, %dma_start3A_2253] : memref<125000x8x32xf32, #tpu.memory_space<hbm>> -> memref<1x8x32xf32, #tpu.memory_space<hbm>>
          %dma_start3A_2255 = tpu.memref_squeeze %dma_start3A_2254 : memref<1x8x32xf32, #tpu.memory_space<hbm>> -> memref<8x32xf32, #tpu.memory_space<hbm>>
          tpu.enqueue_dma source(%dma_start3A_2255 : memref<8x32xf32, #tpu.memory_space<hbm>>) target(%dma_start3A_2251 : memref<8x32xf32, #tpu.memory_space<vmem>>) target_semaphore(%arg14 : memref<!tpu.dma_semaphore, #tpu.memory_space<semaphore_mem>>)
          %slice3A_2256 = vector.extract_strided_slice %shift_right_arithmetic3A_2007 {offsets = [6], sizes = [1], strides = [1]} : vector<16xi32> to vector<1xi32>
          %squeeze3A_2257 = vector.extract %slice3A_2256[0] : i32 from vector<1xi32>
          %dma_start3A_2258 = arith.constant 0 : i32
          %dma_start3A_2259 = arith.constant 6 : i32
          %dma_start3A_2260 = arith.constant 0 : i32
          %dma_start3A_2261 = arith.constant 0 : i32
          %dma_start3A_2262 = tpu.memref_slice %arg10[%dma_start3A_2258, %dma_start3A_2259, %dma_start3A_2260, %dma_start3A_2261] : memref<2x16x8x32xf32, #tpu.memory_space<vmem>> -> memref<1x1x8x32xf32, #tpu.memory_space<vmem>>
          %dma_start3A_2263 = tpu.memref_squeeze %dma_start3A_2262 : memref<1x1x8x32xf32, #tpu.memory_space<vmem>> -> memref<8x32xf32, #tpu.memory_space<vmem>>
          %dma_start3A_2264 = arith.constant 0 : i32
          %dma_start3A_2265 = arith.constant 0 : i32
          %dma_start3A_2266 = tpu.memref_slice %arg4[%squeeze3A_2257, %dma_start3A_2264, %dma_start3A_2265] : memref<125000x8x32xf32, #tpu.memory_space<hbm>> -> memref<1x8x32xf32, #tpu.memory_space<hbm>>
          %dma_start3A_2267 = tpu.memref_squeeze %dma_start3A_2266 : memref<1x8x32xf32, #tpu.memory_space<hbm>> -> memref<8x32xf32, #tpu.memory_space<hbm>>
          %dma_start3A_2268 = arith.constant 0 : i32
          %dma_start3A_2269 = arith.constant 0 : i32
          %dma_start3A_2270 = tpu.memref_slice %arg10[%dma_start3A_2258, %dma_start3A_2259, %dma_start3A_2268, %dma_start3A_2269] : memref<2x16x8x32xf32, #tpu.memory_space<vmem>> -> memref<1x1x8x32xf32, #tpu.memory_space<vmem>>
          %dma_start3A_2271 = tpu.memref_squeeze %dma_start3A_2270 : memref<1x1x8x32xf32, #tpu.memory_space<vmem>> -> memref<8x32xf32, #tpu.memory_space<vmem>>
          %dma_start3A_2272 = arith.constant 0 : i32
          %dma_start3A_2273 = arith.constant 0 : i32
          %dma_start3A_2274 = tpu.memref_slice %arg4[%squeeze3A_2257, %dma_start3A_2272, %dma_start3A_2273] : memref<125000x8x32xf32, #tpu.memory_space<hbm>> -> memref<1x8x32xf32, #tpu.memory_space<hbm>>
          %dma_start3A_2275 = tpu.memref_squeeze %dma_start3A_2274 : memref<1x8x32xf32, #tpu.memory_space<hbm>> -> memref<8x32xf32, #tpu.memory_space<hbm>>
          tpu.enqueue_dma source(%dma_start3A_2275 : memref<8x32xf32, #tpu.memory_space<hbm>>) target(%dma_start3A_2271 : memref<8x32xf32, #tpu.memory_space<vmem>>) target_semaphore(%arg14 : memref<!tpu.dma_semaphore, #tpu.memory_space<semaphore_mem>>)
          %slice3A_2276 = vector.extract_strided_slice %shift_right_arithmetic3A_2015 {offsets = [6], sizes = [1], strides = [1]} : vector<16xi32> to vector<1xi32>
          %squeeze3A_2277 = vector.extract %slice3A_2276[0] : i32 from vector<1xi32>
          %dma_start3A_2278 = arith.constant 0 : i32
          %dma_start3A_2279 = arith.constant 6 : i32
          %dma_start3A_2280 = arith.constant 0 : i32
          %dma_start3A_2281 = arith.constant 0 : i32
          %dma_start3A_2282 = tpu.memref_slice %arg11[%dma_start3A_2278, %dma_start3A_2279, %dma_start3A_2280, %dma_start3A_2281] : memref<2x16x8x32xf32, #tpu.memory_space<vmem>> -> memref<1x1x8x32xf32, #tpu.memory_space<vmem>>
          %dma_start3A_2283 = tpu.memref_squeeze %dma_start3A_2282 : memref<1x1x8x32xf32, #tpu.memory_space<vmem>> -> memref<8x32xf32, #tpu.memory_space<vmem>>
          %dma_start3A_2284 = arith.constant 0 : i32
          %dma_start3A_2285 = arith.constant 0 : i32
          %dma_start3A_2286 = tpu.memref_slice %arg5[%squeeze3A_2277, %dma_start3A_2284, %dma_start3A_2285] : memref<125000x8x32xf32, #tpu.memory_space<hbm>> -> memref<1x8x32xf32, #tpu.memory_space<hbm>>
          %dma_start3A_2287 = tpu.memref_squeeze %dma_start3A_2286 : memref<1x8x32xf32, #tpu.memory_space<hbm>> -> memref<8x32xf32, #tpu.memory_space<hbm>>
          %dma_start3A_2288 = arith.constant 0 : i32
          %dma_start3A_2289 = arith.constant 0 : i32
          %dma_start3A_2290 = tpu.memref_slice %arg11[%dma_start3A_2278, %dma_start3A_2279, %dma_start3A_2288, %dma_start3A_2289] : memref<2x16x8x32xf32, #tpu.memory_space<vmem>> -> memref<1x1x8x32xf32, #tpu.memory_space<vmem>>
          %dma_start3A_2291 = tpu.memref_squeeze %dma_start3A_2290 : memref<1x1x8x32xf32, #tpu.memory_space<vmem>> -> memref<8x32xf32, #tpu.memory_space<vmem>>
          %dma_start3A_2292 = arith.constant 0 : i32
          %dma_start3A_2293 = arith.constant 0 : i32
          %dma_start3A_2294 = tpu.memref_slice %arg5[%squeeze3A_2277, %dma_start3A_2292, %dma_start3A_2293] : memref<125000x8x32xf32, #tpu.memory_space<hbm>> -> memref<1x8x32xf32, #tpu.memory_space<hbm>>
          %dma_start3A_2295 = tpu.memref_squeeze %dma_start3A_2294 : memref<1x8x32xf32, #tpu.memory_space<hbm>> -> memref<8x32xf32, #tpu.memory_space<hbm>>
          tpu.enqueue_dma source(%dma_start3A_2295 : memref<8x32xf32, #tpu.memory_space<hbm>>) target(%dma_start3A_2291 : memref<8x32xf32, #tpu.memory_space<vmem>>) target_semaphore(%arg14 : memref<!tpu.dma_semaphore, #tpu.memory_space<semaphore_mem>>)
          %slice3A_2296 = vector.extract_strided_slice %shift_right_arithmetic3A_2007 {offsets = [7], sizes = [1], strides = [1]} : vector<16xi32> to vector<1xi32>
          %squeeze3A_2297 = vector.extract %slice3A_2296[0] : i32 from vector<1xi32>
          %dma_start3A_2298 = arith.constant 0 : i32
          %dma_start3A_2299 = arith.constant 7 : i32
          %dma_start3A_2300 = arith.constant 0 : i32
          %dma_start3A_2301 = arith.constant 0 : i32
          %dma_start3A_2302 = tpu.memref_slice %arg10[%dma_start3A_2298, %dma_start3A_2299, %dma_start3A_2300, %dma_start3A_2301] : memref<2x16x8x32xf32, #tpu.memory_space<vmem>> -> memref<1x1x8x32xf32, #tpu.memory_space<vmem>>
          %dma_start3A_2303 = tpu.memref_squeeze %dma_start3A_2302 : memref<1x1x8x32xf32, #tpu.memory_space<vmem>> -> memref<8x32xf32, #tpu.memory_space<vmem>>
          %dma_start3A_2304 = arith.constant 0 : i32
          %dma_start3A_2305 = arith.constant 0 : i32
          %dma_start3A_2306 = tpu.memref_slice %arg4[%squeeze3A_2297, %dma_start3A_2304, %dma_start3A_2305] : memref<125000x8x32xf32, #tpu.memory_space<hbm>> -> memref<1x8x32xf32, #tpu.memory_space<hbm>>
          %dma_start3A_2307 = tpu.memref_squeeze %dma_start3A_2306 : memref<1x8x32xf32, #tpu.memory_space<hbm>> -> memref<8x32xf32, #tpu.memory_space<hbm>>
          %dma_start3A_2308 = arith.constant 0 : i32
          %dma_start3A_2309 = arith.constant 0 : i32
          %dma_start3A_2310 = tpu.memref_slice %arg10[%dma_start3A_2298, %dma_start3A_2299, %dma_start3A_2308, %dma_start3A_2309] : memref<2x16x8x32xf32, #tpu.memory_space<vmem>> -> memref<1x1x8x32xf32, #tpu.memory_space<vmem>>
          %dma_start3A_2311 = tpu.memref_squeeze %dma_start3A_2310 : memref<1x1x8x32xf32, #tpu.memory_space<vmem>> -> memref<8x32xf32, #tpu.memory_space<vmem>>
          %dma_start3A_2312 = arith.constant 0 : i32
          %dma_start3A_2313 = arith.constant 0 : i32
          %dma_start3A_2314 = tpu.memref_slice %arg4[%squeeze3A_2297, %dma_start3A_2312, %dma_start3A_2313] : memref<125000x8x32xf32, #tpu.memory_space<hbm>> -> memref<1x8x32xf32, #tpu.memory_space<hbm>>
          %dma_start3A_2315 = tpu.memref_squeeze %dma_start3A_2314 : memref<1x8x32xf32, #tpu.memory_space<hbm>> -> memref<8x32xf32, #tpu.memory_space<hbm>>
          tpu.enqueue_dma source(%dma_start3A_2315 : memref<8x32xf32, #tpu.memory_space<hbm>>) target(%dma_start3A_2311 : memref<8x32xf32, #tpu.memory_space<vmem>>) target_semaphore(%arg14 : memref<!tpu.dma_semaphore, #tpu.memory_space<semaphore_mem>>)
          %slice3A_2316 = vector.extract_strided_slice %shift_right_arithmetic3A_2015 {offsets = [7], sizes = [1], strides = [1]} : vector<16xi32> to vector<1xi32>
          %squeeze3A_2317 = vector.extract %slice3A_2316[0] : i32 from vector<1xi32>
          %dma_start3A_2318 = arith.constant 0 : i32
          %dma_start3A_2319 = arith.constant 7 : i32
          %dma_start3A_2320 = arith.constant 0 : i32
          %dma_start3A_2321 = arith.constant 0 : i32
          %dma_start3A_2322 = tpu.memref_slice %arg11[%dma_start3A_2318, %dma_start3A_2319, %dma_start3A_2320, %dma_start3A_2321] : memref<2x16x8x32xf32, #tpu.memory_space<vmem>> -> memref<1x1x8x32xf32, #tpu.memory_space<vmem>>
          %dma_start3A_2323 = tpu.memref_squeeze %dma_start3A_2322 : memref<1x1x8x32xf32, #tpu.memory_space<vmem>> -> memref<8x32xf32, #tpu.memory_space<vmem>>
          %dma_start3A_2324 = arith.constant 0 : i32
          %dma_start3A_2325 = arith.constant 0 : i32
          %dma_start3A_2326 = tpu.memref_slice %arg5[%squeeze3A_2317, %dma_start3A_2324, %dma_start3A_2325] : memref<125000x8x32xf32, #tpu.memory_space<hbm>> -> memref<1x8x32xf32, #tpu.memory_space<hbm>>
          %dma_start3A_2327 = tpu.memref_squeeze %dma_start3A_2326 : memref<1x8x32xf32, #tpu.memory_space<hbm>> -> memref<8x32xf32, #tpu.memory_space<hbm>>
          %dma_start3A_2328 = arith.constant 0 : i32
          %dma_start3A_2329 = arith.constant 0 : i32
          %dma_start3A_2330 = tpu.memref_slice %arg11[%dma_start3A_2318, %dma_start3A_2319, %dma_start3A_2328, %dma_start3A_2329] : memref<2x16x8x32xf32, #tpu.memory_space<vmem>> -> memref<1x1x8x32xf32, #tpu.memory_space<vmem>>
          %dma_start3A_2331 = tpu.memref_squeeze %dma_start3A_2330 : memref<1x1x8x32xf32, #tpu.memory_space<vmem>> -> memref<8x32xf32, #tpu.memory_space<vmem>>
          %dma_start3A_2332 = arith.constant 0 : i32
          %dma_start3A_2333 = arith.constant 0 : i32
          %dma_start3A_2334 = tpu.memref_slice %arg5[%squeeze3A_2317, %dma_start3A_2332, %dma_start3A_2333] : memref<125000x8x32xf32, #tpu.memory_space<hbm>> -> memref<1x8x32xf32, #tpu.memory_space<hbm>>
          %dma_start3A_2335 = tpu.memref_squeeze %dma_start3A_2334 : memref<1x8x32xf32, #tpu.memory_space<hbm>> -> memref<8x32xf32, #tpu.memory_space<hbm>>
          tpu.enqueue_dma source(%dma_start3A_2335 : memref<8x32xf32, #tpu.memory_space<hbm>>) target(%dma_start3A_2331 : memref<8x32xf32, #tpu.memory_space<vmem>>) target_semaphore(%arg14 : memref<!tpu.dma_semaphore, #tpu.memory_space<semaphore_mem>>)
          %slice3A_2336 = vector.extract_strided_slice %shift_right_arithmetic3A_2007 {offsets = [8], sizes = [1], strides = [1]} : vector<16xi32> to vector<1xi32>
          %squeeze3A_2337 = vector.extract %slice3A_2336[0] : i32 from vector<1xi32>
          %dma_start3A_2338 = arith.constant 0 : i32
          %dma_start3A_2339 = arith.constant 8 : i32
          %dma_start3A_2340 = arith.constant 0 : i32
          %dma_start3A_2341 = arith.constant 0 : i32
          %dma_start3A_2342 = tpu.memref_slice %arg10[%dma_start3A_2338, %dma_start3A_2339, %dma_start3A_2340, %dma_start3A_2341] : memref<2x16x8x32xf32, #tpu.memory_space<vmem>> -> memref<1x1x8x32xf32, #tpu.memory_space<vmem>>
          %dma_start3A_2343 = tpu.memref_squeeze %dma_start3A_2342 : memref<1x1x8x32xf32, #tpu.memory_space<vmem>> -> memref<8x32xf32, #tpu.memory_space<vmem>>
          %dma_start3A_2344 = arith.constant 0 : i32
          %dma_start3A_2345 = arith.constant 0 : i32
          %dma_start3A_2346 = tpu.memref_slice %arg4[%squeeze3A_2337, %dma_start3A_2344, %dma_start3A_2345] : memref<125000x8x32xf32, #tpu.memory_space<hbm>> -> memref<1x8x32xf32, #tpu.memory_space<hbm>>
          %dma_start3A_2347 = tpu.memref_squeeze %dma_start3A_2346 : memref<1x8x32xf32, #tpu.memory_space<hbm>> -> memref<8x32xf32, #tpu.memory_space<hbm>>
          %dma_start3A_2348 = arith.constant 0 : i32
          %dma_start3A_2349 = arith.constant 0 : i32
          %dma_start3A_2350 = tpu.memref_slice %arg10[%dma_start3A_2338, %dma_start3A_2339, %dma_start3A_2348, %dma_start3A_2349] : memref<2x16x8x32xf32, #tpu.memory_space<vmem>> -> memref<1x1x8x32xf32, #tpu.memory_space<vmem>>
          %dma_start3A_2351 = tpu.memref_squeeze %dma_start3A_2350 : memref<1x1x8x32xf32, #tpu.memory_space<vmem>> -> memref<8x32xf32, #tpu.memory_space<vmem>>
          %dma_start3A_2352 = arith.constant 0 : i32
          %dma_start3A_2353 = arith.constant 0 : i32
          %dma_start3A_2354 = tpu.memref_slice %arg4[%squeeze3A_2337, %dma_start3A_2352, %dma_start3A_2353] : memref<125000x8x32xf32, #tpu.memory_space<hbm>> -> memref<1x8x32xf32, #tpu.memory_space<hbm>>
          %dma_start3A_2355 = tpu.memref_squeeze %dma_start3A_2354 : memref<1x8x32xf32, #tpu.memory_space<hbm>> -> memref<8x32xf32, #tpu.memory_space<hbm>>
          tpu.enqueue_dma source(%dma_start3A_2355 : memref<8x32xf32, #tpu.memory_space<hbm>>) target(%dma_start3A_2351 : memref<8x32xf32, #tpu.memory_space<vmem>>) target_semaphore(%arg14 : memref<!tpu.dma_semaphore, #tpu.memory_space<semaphore_mem>>)
          %slice3A_2356 = vector.extract_strided_slice %shift_right_arithmetic3A_2015 {offsets = [8], sizes = [1], strides = [1]} : vector<16xi32> to vector<1xi32>
          %squeeze3A_2357 = vector.extract %slice3A_2356[0] : i32 from vector<1xi32>
          %dma_start3A_2358 = arith.constant 0 : i32
          %dma_start3A_2359 = arith.constant 8 : i32
          %dma_start3A_2360 = arith.constant 0 : i32
          %dma_start3A_2361 = arith.constant 0 : i32
          %dma_start3A_2362 = tpu.memref_slice %arg11[%dma_start3A_2358, %dma_start3A_2359, %dma_start3A_2360, %dma_start3A_2361] : memref<2x16x8x32xf32, #tpu.memory_space<vmem>> -> memref<1x1x8x32xf32, #tpu.memory_space<vmem>>
          %dma_start3A_2363 = tpu.memref_squeeze %dma_start3A_2362 : memref<1x1x8x32xf32, #tpu.memory_space<vmem>> -> memref<8x32xf32, #tpu.memory_space<vmem>>
          %dma_start3A_2364 = arith.constant 0 : i32
          %dma_start3A_2365 = arith.constant 0 : i32
          %dma_start3A_2366 = tpu.memref_slice %arg5[%squeeze3A_2357, %dma_start3A_2364, %dma_start3A_2365] : memref<125000x8x32xf32, #tpu.memory_space<hbm>> -> memref<1x8x32xf32, #tpu.memory_space<hbm>>
          %dma_start3A_2367 = tpu.memref_squeeze %dma_start3A_2366 : memref<1x8x32xf32, #tpu.memory_space<hbm>> -> memref<8x32xf32, #tpu.memory_space<hbm>>
          %dma_start3A_2368 = arith.constant 0 : i32
          %dma_start3A_2369 = arith.constant 0 : i32
          %dma_start3A_2370 = tpu.memref_slice %arg11[%dma_start3A_2358, %dma_start3A_2359, %dma_start3A_2368, %dma_start3A_2369] : memref<2x16x8x32xf32, #tpu.memory_space<vmem>> -> memref<1x1x8x32xf32, #tpu.memory_space<vmem>>
          %dma_start3A_2371 = tpu.memref_squeeze %dma_start3A_2370 : memref<1x1x8x32xf32, #tpu.memory_space<vmem>> -> memref<8x32xf32, #tpu.memory_space<vmem>>
          %dma_start3A_2372 = arith.constant 0 : i32
          %dma_start3A_2373 = arith.constant 0 : i32
          %dma_start3A_2374 = tpu.memref_slice %arg5[%squeeze3A_2357, %dma_start3A_2372, %dma_start3A_2373] : memref<125000x8x32xf32, #tpu.memory_space<hbm>> -> memref<1x8x32xf32, #tpu.memory_space<hbm>>
          %dma_start3A_2375 = tpu.memref_squeeze %dma_start3A_2374 : memref<1x8x32xf32, #tpu.memory_space<hbm>> -> memref<8x32xf32, #tpu.memory_space<hbm>>
          tpu.enqueue_dma source(%dma_start3A_2375 : memref<8x32xf32, #tpu.memory_space<hbm>>) target(%dma_start3A_2371 : memref<8x32xf32, #tpu.memory_space<vmem>>) target_semaphore(%arg14 : memref<!tpu.dma_semaphore, #tpu.memory_space<semaphore_mem>>)
          %slice3A_2376 = vector.extract_strided_slice %shift_right_arithmetic3A_2007 {offsets = [9], sizes = [1], strides = [1]} : vector<16xi32> to vector<1xi32>
          %squeeze3A_2377 = vector.extract %slice3A_2376[0] : i32 from vector<1xi32>
          %dma_start3A_2378 = arith.constant 0 : i32
          %dma_start3A_2379 = arith.constant 9 : i32
          %dma_start3A_2380 = arith.constant 0 : i32
          %dma_start3A_2381 = arith.constant 0 : i32
          %dma_start3A_2382 = tpu.memref_slice %arg10[%dma_start3A_2378, %dma_start3A_2379, %dma_start3A_2380, %dma_start3A_2381] : memref<2x16x8x32xf32, #tpu.memory_space<vmem>> -> memref<1x1x8x32xf32, #tpu.memory_space<vmem>>
          %dma_start3A_2383 = tpu.memref_squeeze %dma_start3A_2382 : memref<1x1x8x32xf32, #tpu.memory_space<vmem>> -> memref<8x32xf32, #tpu.memory_space<vmem>>
          %dma_start3A_2384 = arith.constant 0 : i32
          %dma_start3A_2385 = arith.constant 0 : i32
          %dma_start3A_2386 = tpu.memref_slice %arg4[%squeeze3A_2377, %dma_start3A_2384, %dma_start3A_2385] : memref<125000x8x32xf32, #tpu.memory_space<hbm>> -> memref<1x8x32xf32, #tpu.memory_space<hbm>>
          %dma_start3A_2387 = tpu.memref_squeeze %dma_start3A_2386 : memref<1x8x32xf32, #tpu.memory_space<hbm>> -> memref<8x32xf32, #tpu.memory_space<hbm>>
          %dma_start3A_2388 = arith.constant 0 : i32
          %dma_start3A_2389 = arith.constant 0 : i32
          %dma_start3A_2390 = tpu.memref_slice %arg10[%dma_start3A_2378, %dma_start3A_2379, %dma_start3A_2388, %dma_start3A_2389] : memref<2x16x8x32xf32, #tpu.memory_space<vmem>> -> memref<1x1x8x32xf32, #tpu.memory_space<vmem>>
          %dma_start3A_2391 = tpu.memref_squeeze %dma_start3A_2390 : memref<1x1x8x32xf32, #tpu.memory_space<vmem>> -> memref<8x32xf32, #tpu.memory_space<vmem>>
          %dma_start3A_2392 = arith.constant 0 : i32
          %dma_start3A_2393 = arith.constant 0 : i32
          %dma_start3A_2394 = tpu.memref_slice %arg4[%squeeze3A_2377, %dma_start3A_2392, %dma_start3A_2393] : memref<125000x8x32xf32, #tpu.memory_space<hbm>> -> memref<1x8x32xf32, #tpu.memory_space<hbm>>
          %dma_start3A_2395 = tpu.memref_squeeze %dma_start3A_2394 : memref<1x8x32xf32, #tpu.memory_space<hbm>> -> memref<8x32xf32, #tpu.memory_space<hbm>>
          tpu.enqueue_dma source(%dma_start3A_2395 : memref<8x32xf32, #tpu.memory_space<hbm>>) target(%dma_start3A_2391 : memref<8x32xf32, #tpu.memory_space<vmem>>) target_semaphore(%arg14 : memref<!tpu.dma_semaphore, #tpu.memory_space<semaphore_mem>>)
          %slice3A_2396 = vector.extract_strided_slice %shift_right_arithmetic3A_2015 {offsets = [9], sizes = [1], strides = [1]} : vector<16xi32> to vector<1xi32>
          %squeeze3A_2397 = vector.extract %slice3A_2396[0] : i32 from vector<1xi32>
          %dma_start3A_2398 = arith.constant 0 : i32
          %dma_start3A_2399 = arith.constant 9 : i32
          %dma_start3A_2400 = arith.constant 0 : i32
          %dma_start3A_2401 = arith.constant 0 : i32
          %dma_start3A_2402 = tpu.memref_slice %arg11[%dma_start3A_2398, %dma_start3A_2399, %dma_start3A_2400, %dma_start3A_2401] : memref<2x16x8x32xf32, #tpu.memory_space<vmem>> -> memref<1x1x8x32xf32, #tpu.memory_space<vmem>>
          %dma_start3A_2403 = tpu.memref_squeeze %dma_start3A_2402 : memref<1x1x8x32xf32, #tpu.memory_space<vmem>> -> memref<8x32xf32, #tpu.memory_space<vmem>>
          %dma_start3A_2404 = arith.constant 0 : i32
          %dma_start3A_2405 = arith.constant 0 : i32
          %dma_start3A_2406 = tpu.memref_slice %arg5[%squeeze3A_2397, %dma_start3A_2404, %dma_start3A_2405] : memref<125000x8x32xf32, #tpu.memory_space<hbm>> -> memref<1x8x32xf32, #tpu.memory_space<hbm>>
          %dma_start3A_2407 = tpu.memref_squeeze %dma_start3A_2406 : memref<1x8x32xf32, #tpu.memory_space<hbm>> -> memref<8x32xf32, #tpu.memory_space<hbm>>
          %dma_start3A_2408 = arith.constant 0 : i32
          %dma_start3A_2409 = arith.constant 0 : i32
          %dma_start3A_2410 = tpu.memref_slice %arg11[%dma_start3A_2398, %dma_start3A_2399, %dma_start3A_2408, %dma_start3A_2409] : memref<2x16x8x32xf32, #tpu.memory_space<vmem>> -> memref<1x1x8x32xf32, #tpu.memory_space<vmem>>
          %dma_start3A_2411 = tpu.memref_squeeze %dma_start3A_2410 : memref<1x1x8x32xf32, #tpu.memory_space<vmem>> -> memref<8x32xf32, #tpu.memory_space<vmem>>
          %dma_start3A_2412 = arith.constant 0 : i32
          %dma_start3A_2413 = arith.constant 0 : i32
          %dma_start3A_2414 = tpu.memref_slice %arg5[%squeeze3A_2397, %dma_start3A_2412, %dma_start3A_2413] : memref<125000x8x32xf32, #tpu.memory_space<hbm>> -> memref<1x8x32xf32, #tpu.memory_space<hbm>>
          %dma_start3A_2415 = tpu.memref_squeeze %dma_start3A_2414 : memref<1x8x32xf32, #tpu.memory_space<hbm>> -> memref<8x32xf32, #tpu.memory_space<hbm>>
          tpu.enqueue_dma source(%dma_start3A_2415 : memref<8x32xf32, #tpu.memory_space<hbm>>) target(%dma_start3A_2411 : memref<8x32xf32, #tpu.memory_space<vmem>>) target_semaphore(%arg14 : memref<!tpu.dma_semaphore, #tpu.memory_space<semaphore_mem>>)
          %slice3A_2416 = vector.extract_strided_slice %shift_right_arithmetic3A_2007 {offsets = [10], sizes = [1], strides = [1]} : vector<16xi32> to vector<1xi32>
          %squeeze3A_2417 = vector.extract %slice3A_2416[0] : i32 from vector<1xi32>
          %dma_start3A_2418 = arith.constant 0 : i32
          %dma_start3A_2419 = arith.constant 10 : i32
          %dma_start3A_2420 = arith.constant 0 : i32
          %dma_start3A_2421 = arith.constant 0 : i32
          %dma_start3A_2422 = tpu.memref_slice %arg10[%dma_start3A_2418, %dma_start3A_2419, %dma_start3A_2420, %dma_start3A_2421] : memref<2x16x8x32xf32, #tpu.memory_space<vmem>> -> memref<1x1x8x32xf32, #tpu.memory_space<vmem>>
          %dma_start3A_2423 = tpu.memref_squeeze %dma_start3A_2422 : memref<1x1x8x32xf32, #tpu.memory_space<vmem>> -> memref<8x32xf32, #tpu.memory_space<vmem>>
          %dma_start3A_2424 = arith.constant 0 : i32
          %dma_start3A_2425 = arith.constant 0 : i32
          %dma_start3A_2426 = tpu.memref_slice %arg4[%squeeze3A_2417, %dma_start3A_2424, %dma_start3A_2425] : memref<125000x8x32xf32, #tpu.memory_space<hbm>> -> memref<1x8x32xf32, #tpu.memory_space<hbm>>
          %dma_start3A_2427 = tpu.memref_squeeze %dma_start3A_2426 : memref<1x8x32xf32, #tpu.memory_space<hbm>> -> memref<8x32xf32, #tpu.memory_space<hbm>>
          %dma_start3A_2428 = arith.constant 0 : i32
          %dma_start3A_2429 = arith.constant 0 : i32
          %dma_start3A_2430 = tpu.memref_slice %arg10[%dma_start3A_2418, %dma_start3A_2419, %dma_start3A_2428, %dma_start3A_2429] : memref<2x16x8x32xf32, #tpu.memory_space<vmem>> -> memref<1x1x8x32xf32, #tpu.memory_space<vmem>>
          %dma_start3A_2431 = tpu.memref_squeeze %dma_start3A_2430 : memref<1x1x8x32xf32, #tpu.memory_space<vmem>> -> memref<8x32xf32, #tpu.memory_space<vmem>>
          %dma_start3A_2432 = arith.constant 0 : i32
          %dma_start3A_2433 = arith.constant 0 : i32
          %dma_start3A_2434 = tpu.memref_slice %arg4[%squeeze3A_2417, %dma_start3A_2432, %dma_start3A_2433] : memref<125000x8x32xf32, #tpu.memory_space<hbm>> -> memref<1x8x32xf32, #tpu.memory_space<hbm>>
          %dma_start3A_2435 = tpu.memref_squeeze %dma_start3A_2434 : memref<1x8x32xf32, #tpu.memory_space<hbm>> -> memref<8x32xf32, #tpu.memory_space<hbm>>
          tpu.enqueue_dma source(%dma_start3A_2435 : memref<8x32xf32, #tpu.memory_space<hbm>>) target(%dma_start3A_2431 : memref<8x32xf32, #tpu.memory_space<vmem>>) target_semaphore(%arg14 : memref<!tpu.dma_semaphore, #tpu.memory_space<semaphore_mem>>)
          %slice3A_2436 = vector.extract_strided_slice %shift_right_arithmetic3A_2015 {offsets = [10], sizes = [1], strides = [1]} : vector<16xi32> to vector<1xi32>
          %squeeze3A_2437 = vector.extract %slice3A_2436[0] : i32 from vector<1xi32>
          %dma_start3A_2438 = arith.constant 0 : i32
          %dma_start3A_2439 = arith.constant 10 : i32
          %dma_start3A_2440 = arith.constant 0 : i32
          %dma_start3A_2441 = arith.constant 0 : i32
          %dma_start3A_2442 = tpu.memref_slice %arg11[%dma_start3A_2438, %dma_start3A_2439, %dma_start3A_2440, %dma_start3A_2441] : memref<2x16x8x32xf32, #tpu.memory_space<vmem>> -> memref<1x1x8x32xf32, #tpu.memory_space<vmem>>
          %dma_start3A_2443 = tpu.memref_squeeze %dma_start3A_2442 : memref<1x1x8x32xf32, #tpu.memory_space<vmem>> -> memref<8x32xf32, #tpu.memory_space<vmem>>
          %dma_start3A_2444 = arith.constant 0 : i32
          %dma_start3A_2445 = arith.constant 0 : i32
          %dma_start3A_2446 = tpu.memref_slice %arg5[%squeeze3A_2437, %dma_start3A_2444, %dma_start3A_2445] : memref<125000x8x32xf32, #tpu.memory_space<hbm>> -> memref<1x8x32xf32, #tpu.memory_space<hbm>>
          %dma_start3A_2447 = tpu.memref_squeeze %dma_start3A_2446 : memref<1x8x32xf32, #tpu.memory_space<hbm>> -> memref<8x32xf32, #tpu.memory_space<hbm>>
          %dma_start3A_2448 = arith.constant 0 : i32
          %dma_start3A_2449 = arith.constant 0 : i32
          %dma_start3A_2450 = tpu.memref_slice %arg11[%dma_start3A_2438, %dma_start3A_2439, %dma_start3A_2448, %dma_start3A_2449] : memref<2x16x8x32xf32, #tpu.memory_space<vmem>> -> memref<1x1x8x32xf32, #tpu.memory_space<vmem>>
          %dma_start3A_2451 = tpu.memref_squeeze %dma_start3A_2450 : memref<1x1x8x32xf32, #tpu.memory_space<vmem>> -> memref<8x32xf32, #tpu.memory_space<vmem>>
          %dma_start3A_2452 = arith.constant 0 : i32
          %dma_start3A_2453 = arith.constant 0 : i32
          %dma_start3A_2454 = tpu.memref_slice %arg5[%squeeze3A_2437, %dma_start3A_2452, %dma_start3A_2453] : memref<125000x8x32xf32, #tpu.memory_space<hbm>> -> memref<1x8x32xf32, #tpu.memory_space<hbm>>
          %dma_start3A_2455 = tpu.memref_squeeze %dma_start3A_2454 : memref<1x8x32xf32, #tpu.memory_space<hbm>> -> memref<8x32xf32, #tpu.memory_space<hbm>>
          tpu.enqueue_dma source(%dma_start3A_2455 : memref<8x32xf32, #tpu.memory_space<hbm>>) target(%dma_start3A_2451 : memref<8x32xf32, #tpu.memory_space<vmem>>) target_semaphore(%arg14 : memref<!tpu.dma_semaphore, #tpu.memory_space<semaphore_mem>>)
          %slice3A_2456 = vector.extract_strided_slice %shift_right_arithmetic3A_2007 {offsets = [11], sizes = [1], strides = [1]} : vector<16xi32> to vector<1xi32>
          %squeeze3A_2457 = vector.extract %slice3A_2456[0] : i32 from vector<1xi32>
          %dma_start3A_2458 = arith.constant 0 : i32
          %dma_start3A_2459 = arith.constant 11 : i32
          %dma_start3A_2460 = arith.constant 0 : i32
          %dma_start3A_2461 = arith.constant 0 : i32
          %dma_start3A_2462 = tpu.memref_slice %arg10[%dma_start3A_2458, %dma_start3A_2459, %dma_start3A_2460, %dma_start3A_2461] : memref<2x16x8x32xf32, #tpu.memory_space<vmem>> -> memref<1x1x8x32xf32, #tpu.memory_space<vmem>>
          %dma_start3A_2463 = tpu.memref_squeeze %dma_start3A_2462 : memref<1x1x8x32xf32, #tpu.memory_space<vmem>> -> memref<8x32xf32, #tpu.memory_space<vmem>>
          %dma_start3A_2464 = arith.constant 0 : i32
          %dma_start3A_2465 = arith.constant 0 : i32
          %dma_start3A_2466 = tpu.memref_slice %arg4[%squeeze3A_2457, %dma_start3A_2464, %dma_start3A_2465] : memref<125000x8x32xf32, #tpu.memory_space<hbm>> -> memref<1x8x32xf32, #tpu.memory_space<hbm>>
          %dma_start3A_2467 = tpu.memref_squeeze %dma_start3A_2466 : memref<1x8x32xf32, #tpu.memory_space<hbm>> -> memref<8x32xf32, #tpu.memory_space<hbm>>
          %dma_start3A_2468 = arith.constant 0 : i32
          %dma_start3A_2469 = arith.constant 0 : i32
          %dma_start3A_2470 = tpu.memref_slice %arg10[%dma_start3A_2458, %dma_start3A_2459, %dma_start3A_2468, %dma_start3A_2469] : memref<2x16x8x32xf32, #tpu.memory_space<vmem>> -> memref<1x1x8x32xf32, #tpu.memory_space<vmem>>
          %dma_start3A_2471 = tpu.memref_squeeze %dma_start3A_2470 : memref<1x1x8x32xf32, #tpu.memory_space<vmem>> -> memref<8x32xf32, #tpu.memory_space<vmem>>
          %dma_start3A_2472 = arith.constant 0 : i32
          %dma_start3A_2473 = arith.constant 0 : i32
          %dma_start3A_2474 = tpu.memref_slice %arg4[%squeeze3A_2457, %dma_start3A_2472, %dma_start3A_2473] : memref<125000x8x32xf32, #tpu.memory_space<hbm>> -> memref<1x8x32xf32, #tpu.memory_space<hbm>>
          %dma_start3A_2475 = tpu.memref_squeeze %dma_start3A_2474 : memref<1x8x32xf32, #tpu.memory_space<hbm>> -> memref<8x32xf32, #tpu.memory_space<hbm>>
          tpu.enqueue_dma source(%dma_start3A_2475 : memref<8x32xf32, #tpu.memory_space<hbm>>) target(%dma_start3A_2471 : memref<8x32xf32, #tpu.memory_space<vmem>>) target_semaphore(%arg14 : memref<!tpu.dma_semaphore, #tpu.memory_space<semaphore_mem>>)
          %slice3A_2476 = vector.extract_strided_slice %shift_right_arithmetic3A_2015 {offsets = [11], sizes = [1], strides = [1]} : vector<16xi32> to vector<1xi32>
          %squeeze3A_2477 = vector.extract %slice3A_2476[0] : i32 from vector<1xi32>
          %dma_start3A_2478 = arith.constant 0 : i32
          %dma_start3A_2479 = arith.constant 11 : i32
          %dma_start3A_2480 = arith.constant 0 : i32
          %dma_start3A_2481 = arith.constant 0 : i32
          %dma_start3A_2482 = tpu.memref_slice %arg11[%dma_start3A_2478, %dma_start3A_2479, %dma_start3A_2480, %dma_start3A_2481] : memref<2x16x8x32xf32, #tpu.memory_space<vmem>> -> memref<1x1x8x32xf32, #tpu.memory_space<vmem>>
          %dma_start3A_2483 = tpu.memref_squeeze %dma_start3A_2482 : memref<1x1x8x32xf32, #tpu.memory_space<vmem>> -> memref<8x32xf32, #tpu.memory_space<vmem>>
          %dma_start3A_2484 = arith.constant 0 : i32
          %dma_start3A_2485 = arith.constant 0 : i32
          %dma_start3A_2486 = tpu.memref_slice %arg5[%squeeze3A_2477, %dma_start3A_2484, %dma_start3A_2485] : memref<125000x8x32xf32, #tpu.memory_space<hbm>> -> memref<1x8x32xf32, #tpu.memory_space<hbm>>
          %dma_start3A_2487 = tpu.memref_squeeze %dma_start3A_2486 : memref<1x8x32xf32, #tpu.memory_space<hbm>> -> memref<8x32xf32, #tpu.memory_space<hbm>>
          %dma_start3A_2488 = arith.constant 0 : i32
          %dma_start3A_2489 = arith.constant 0 : i32
          %dma_start3A_2490 = tpu.memref_slice %arg11[%dma_start3A_2478, %dma_start3A_2479, %dma_start3A_2488, %dma_start3A_2489] : memref<2x16x8x32xf32, #tpu.memory_space<vmem>> -> memref<1x1x8x32xf32, #tpu.memory_space<vmem>>
          %dma_start3A_2491 = tpu.memref_squeeze %dma_start3A_2490 : memref<1x1x8x32xf32, #tpu.memory_space<vmem>> -> memref<8x32xf32, #tpu.memory_space<vmem>>
          %dma_start3A_2492 = arith.constant 0 : i32
          %dma_start3A_2493 = arith.constant 0 : i32
          %dma_start3A_2494 = tpu.memref_slice %arg5[%squeeze3A_2477, %dma_start3A_2492, %dma_start3A_2493] : memref<125000x8x32xf32, #tpu.memory_space<hbm>> -> memref<1x8x32xf32, #tpu.memory_space<hbm>>
          %dma_start3A_2495 = tpu.memref_squeeze %dma_start3A_2494 : memref<1x8x32xf32, #tpu.memory_space<hbm>> -> memref<8x32xf32, #tpu.memory_space<hbm>>
          tpu.enqueue_dma source(%dma_start3A_2495 : memref<8x32xf32, #tpu.memory_space<hbm>>) target(%dma_start3A_2491 : memref<8x32xf32, #tpu.memory_space<vmem>>) target_semaphore(%arg14 : memref<!tpu.dma_semaphore, #tpu.memory_space<semaphore_mem>>)
          %slice3A_2496 = vector.extract_strided_slice %shift_right_arithmetic3A_2007 {offsets = [12], sizes = [1], strides = [1]} : vector<16xi32> to vector<1xi32>
          %squeeze3A_2497 = vector.extract %slice3A_2496[0] : i32 from vector<1xi32>
          %dma_start3A_2498 = arith.constant 0 : i32
          %dma_start3A_2499 = arith.constant 12 : i32
          %dma_start3A_2500 = arith.constant 0 : i32
          %dma_start3A_2501 = arith.constant 0 : i32
          %dma_start3A_2502 = tpu.memref_slice %arg10[%dma_start3A_2498, %dma_start3A_2499, %dma_start3A_2500, %dma_start3A_2501] : memref<2x16x8x32xf32, #tpu.memory_space<vmem>> -> memref<1x1x8x32xf32, #tpu.memory_space<vmem>>
          %dma_start3A_2503 = tpu.memref_squeeze %dma_start3A_2502 : memref<1x1x8x32xf32, #tpu.memory_space<vmem>> -> memref<8x32xf32, #tpu.memory_space<vmem>>
          %dma_start3A_2504 = arith.constant 0 : i32
          %dma_start3A_2505 = arith.constant 0 : i32
          %dma_start3A_2506 = tpu.memref_slice %arg4[%squeeze3A_2497, %dma_start3A_2504, %dma_start3A_2505] : memref<125000x8x32xf32, #tpu.memory_space<hbm>> -> memref<1x8x32xf32, #tpu.memory_space<hbm>>
          %dma_start3A_2507 = tpu.memref_squeeze %dma_start3A_2506 : memref<1x8x32xf32, #tpu.memory_space<hbm>> -> memref<8x32xf32, #tpu.memory_space<hbm>>
          %dma_start3A_2508 = arith.constant 0 : i32
          %dma_start3A_2509 = arith.constant 0 : i32
          %dma_start3A_2510 = tpu.memref_slice %arg10[%dma_start3A_2498, %dma_start3A_2499, %dma_start3A_2508, %dma_start3A_2509] : memref<2x16x8x32xf32, #tpu.memory_space<vmem>> -> memref<1x1x8x32xf32, #tpu.memory_space<vmem>>
          %dma_start3A_2511 = tpu.memref_squeeze %dma_start3A_2510 : memref<1x1x8x32xf32, #tpu.memory_space<vmem>> -> memref<8x32xf32, #tpu.memory_space<vmem>>
          %dma_start3A_2512 = arith.constant 0 : i32
          %dma_start3A_2513 = arith.constant 0 : i32
          %dma_start3A_2514 = tpu.memref_slice %arg4[%squeeze3A_2497, %dma_start3A_2512, %dma_start3A_2513] : memref<125000x8x32xf32, #tpu.memory_space<hbm>> -> memref<1x8x32xf32, #tpu.memory_space<hbm>>
          %dma_start3A_2515 = tpu.memref_squeeze %dma_start3A_2514 : memref<1x8x32xf32, #tpu.memory_space<hbm>> -> memref<8x32xf32, #tpu.memory_space<hbm>>
          tpu.enqueue_dma source(%dma_start3A_2515 : memref<8x32xf32, #tpu.memory_space<hbm>>) target(%dma_start3A_2511 : memref<8x32xf32, #tpu.memory_space<vmem>>) target_semaphore(%arg14 : memref<!tpu.dma_semaphore, #tpu.memory_space<semaphore_mem>>)
          %slice3A_2516 = vector.extract_strided_slice %shift_right_arithmetic3A_2015 {offsets = [12], sizes = [1], strides = [1]} : vector<16xi32> to vector<1xi32>
          %squeeze3A_2517 = vector.extract %slice3A_2516[0] : i32 from vector<1xi32>
          %dma_start3A_2518 = arith.constant 0 : i32
          %dma_start3A_2519 = arith.constant 12 : i32
          %dma_start3A_2520 = arith.constant 0 : i32
          %dma_start3A_2521 = arith.constant 0 : i32
          %dma_start3A_2522 = tpu.memref_slice %arg11[%dma_start3A_2518, %dma_start3A_2519, %dma_start3A_2520, %dma_start3A_2521] : memref<2x16x8x32xf32, #tpu.memory_space<vmem>> -> memref<1x1x8x32xf32, #tpu.memory_space<vmem>>
          %dma_start3A_2523 = tpu.memref_squeeze %dma_start3A_2522 : memref<1x1x8x32xf32, #tpu.memory_space<vmem>> -> memref<8x32xf32, #tpu.memory_space<vmem>>
          %dma_start3A_2524 = arith.constant 0 : i32
          %dma_start3A_2525 = arith.constant 0 : i32
          %dma_start3A_2526 = tpu.memref_slice %arg5[%squeeze3A_2517, %dma_start3A_2524, %dma_start3A_2525] : memref<125000x8x32xf32, #tpu.memory_space<hbm>> -> memref<1x8x32xf32, #tpu.memory_space<hbm>>
          %dma_start3A_2527 = tpu.memref_squeeze %dma_start3A_2526 : memref<1x8x32xf32, #tpu.memory_space<hbm>> -> memref<8x32xf32, #tpu.memory_space<hbm>>
          %dma_start3A_2528 = arith.constant 0 : i32
          %dma_start3A_2529 = arith.constant 0 : i32
          %dma_start3A_2530 = tpu.memref_slice %arg11[%dma_start3A_2518, %dma_start3A_2519, %dma_start3A_2528, %dma_start3A_2529] : memref<2x16x8x32xf32, #tpu.memory_space<vmem>> -> memref<1x1x8x32xf32, #tpu.memory_space<vmem>>
          %dma_start3A_2531 = tpu.memref_squeeze %dma_start3A_2530 : memref<1x1x8x32xf32, #tpu.memory_space<vmem>> -> memref<8x32xf32, #tpu.memory_space<vmem>>
          %dma_start3A_2532 = arith.constant 0 : i32
          %dma_start3A_2533 = arith.constant 0 : i32
          %dma_start3A_2534 = tpu.memref_slice %arg5[%squeeze3A_2517, %dma_start3A_2532, %dma_start3A_2533] : memref<125000x8x32xf32, #tpu.memory_space<hbm>> -> memref<1x8x32xf32, #tpu.memory_space<hbm>>
          %dma_start3A_2535 = tpu.memref_squeeze %dma_start3A_2534 : memref<1x8x32xf32, #tpu.memory_space<hbm>> -> memref<8x32xf32, #tpu.memory_space<hbm>>
          tpu.enqueue_dma source(%dma_start3A_2535 : memref<8x32xf32, #tpu.memory_space<hbm>>) target(%dma_start3A_2531 : memref<8x32xf32, #tpu.memory_space<vmem>>) target_semaphore(%arg14 : memref<!tpu.dma_semaphore, #tpu.memory_space<semaphore_mem>>)
          %slice3A_2536 = vector.extract_strided_slice %shift_right_arithmetic3A_2007 {offsets = [13], sizes = [1], strides = [1]} : vector<16xi32> to vector<1xi32>
          %squeeze3A_2537 = vector.extract %slice3A_2536[0] : i32 from vector<1xi32>
          %dma_start3A_2538 = arith.constant 0 : i32
          %dma_start3A_2539 = arith.constant 13 : i32
          %dma_start3A_2540 = arith.constant 0 : i32
          %dma_start3A_2541 = arith.constant 0 : i32
          %dma_start3A_2542 = tpu.memref_slice %arg10[%dma_start3A_2538, %dma_start3A_2539, %dma_start3A_2540, %dma_start3A_2541] : memref<2x16x8x32xf32, #tpu.memory_space<vmem>> -> memref<1x1x8x32xf32, #tpu.memory_space<vmem>>
          %dma_start3A_2543 = tpu.memref_squeeze %dma_start3A_2542 : memref<1x1x8x32xf32, #tpu.memory_space<vmem>> -> memref<8x32xf32, #tpu.memory_space<vmem>>
          %dma_start3A_2544 = arith.constant 0 : i32
          %dma_start3A_2545 = arith.constant 0 : i32
          %dma_start3A_2546 = tpu.memref_slice %arg4[%squeeze3A_2537, %dma_start3A_2544, %dma_start3A_2545] : memref<125000x8x32xf32, #tpu.memory_space<hbm>> -> memref<1x8x32xf32, #tpu.memory_space<hbm>>
          %dma_start3A_2547 = tpu.memref_squeeze %dma_start3A_2546 : memref<1x8x32xf32, #tpu.memory_space<hbm>> -> memref<8x32xf32, #tpu.memory_space<hbm>>
          %dma_start3A_2548 = arith.constant 0 : i32
          %dma_start3A_2549 = arith.constant 0 : i32
          %dma_start3A_2550 = tpu.memref_slice %arg10[%dma_start3A_2538, %dma_start3A_2539, %dma_start3A_2548, %dma_start3A_2549] : memref<2x16x8x32xf32, #tpu.memory_space<vmem>> -> memref<1x1x8x32xf32, #tpu.memory_space<vmem>>
          %dma_start3A_2551 = tpu.memref_squeeze %dma_start3A_2550 : memref<1x1x8x32xf32, #tpu.memory_space<vmem>> -> memref<8x32xf32, #tpu.memory_space<vmem>>
          %dma_start3A_2552 = arith.constant 0 : i32
          %dma_start3A_2553 = arith.constant 0 : i32
          %dma_start3A_2554 = tpu.memref_slice %arg4[%squeeze3A_2537, %dma_start3A_2552, %dma_start3A_2553] : memref<125000x8x32xf32, #tpu.memory_space<hbm>> -> memref<1x8x32xf32, #tpu.memory_space<hbm>>
          %dma_start3A_2555 = tpu.memref_squeeze %dma_start3A_2554 : memref<1x8x32xf32, #tpu.memory_space<hbm>> -> memref<8x32xf32, #tpu.memory_space<hbm>>
          tpu.enqueue_dma source(%dma_start3A_2555 : memref<8x32xf32, #tpu.memory_space<hbm>>) target(%dma_start3A_2551 : memref<8x32xf32, #tpu.memory_space<vmem>>) target_semaphore(%arg14 : memref<!tpu.dma_semaphore, #tpu.memory_space<semaphore_mem>>)
          %slice3A_2556 = vector.extract_strided_slice %shift_right_arithmetic3A_2015 {offsets = [13], sizes = [1], strides = [1]} : vector<16xi32> to vector<1xi32>
          %squeeze3A_2557 = vector.extract %slice3A_2556[0] : i32 from vector<1xi32>
          %dma_start3A_2558 = arith.constant 0 : i32
          %dma_start3A_2559 = arith.constant 13 : i32
          %dma_start3A_2560 = arith.constant 0 : i32
          %dma_start3A_2561 = arith.constant 0 : i32
          %dma_start3A_2562 = tpu.memref_slice %arg11[%dma_start3A_2558, %dma_start3A_2559, %dma_start3A_2560, %dma_start3A_2561] : memref<2x16x8x32xf32, #tpu.memory_space<vmem>> -> memref<1x1x8x32xf32, #tpu.memory_space<vmem>>
          %dma_start3A_2563 = tpu.memref_squeeze %dma_start3A_2562 : memref<1x1x8x32xf32, #tpu.memory_space<vmem>> -> memref<8x32xf32, #tpu.memory_space<vmem>>
          %dma_start3A_2564 = arith.constant 0 : i32
          %dma_start3A_2565 = arith.constant 0 : i32
          %dma_start3A_2566 = tpu.memref_slice %arg5[%squeeze3A_2557, %dma_start3A_2564, %dma_start3A_2565] : memref<125000x8x32xf32, #tpu.memory_space<hbm>> -> memref<1x8x32xf32, #tpu.memory_space<hbm>>
          %dma_start3A_2567 = tpu.memref_squeeze %dma_start3A_2566 : memref<1x8x32xf32, #tpu.memory_space<hbm>> -> memref<8x32xf32, #tpu.memory_space<hbm>>
          %dma_start3A_2568 = arith.constant 0 : i32
          %dma_start3A_2569 = arith.constant 0 : i32
          %dma_start3A_2570 = tpu.memref_slice %arg11[%dma_start3A_2558, %dma_start3A_2559, %dma_start3A_2568, %dma_start3A_2569] : memref<2x16x8x32xf32, #tpu.memory_space<vmem>> -> memref<1x1x8x32xf32, #tpu.memory_space<vmem>>
          %dma_start3A_2571 = tpu.memref_squeeze %dma_start3A_2570 : memref<1x1x8x32xf32, #tpu.memory_space<vmem>> -> memref<8x32xf32, #tpu.memory_space<vmem>>
          %dma_start3A_2572 = arith.constant 0 : i32
          %dma_start3A_2573 = arith.constant 0 : i32
          %dma_start3A_2574 = tpu.memref_slice %arg5[%squeeze3A_2557, %dma_start3A_2572, %dma_start3A_2573] : memref<125000x8x32xf32, #tpu.memory_space<hbm>> -> memref<1x8x32xf32, #tpu.memory_space<hbm>>
          %dma_start3A_2575 = tpu.memref_squeeze %dma_start3A_2574 : memref<1x8x32xf32, #tpu.memory_space<hbm>> -> memref<8x32xf32, #tpu.memory_space<hbm>>
          tpu.enqueue_dma source(%dma_start3A_2575 : memref<8x32xf32, #tpu.memory_space<hbm>>) target(%dma_start3A_2571 : memref<8x32xf32, #tpu.memory_space<vmem>>) target_semaphore(%arg14 : memref<!tpu.dma_semaphore, #tpu.memory_space<semaphore_mem>>)
          %slice3A_2576 = vector.extract_strided_slice %shift_right_arithmetic3A_2007 {offsets = [14], sizes = [1], strides = [1]} : vector<16xi32> to vector<1xi32>
          %squeeze3A_2577 = vector.extract %slice3A_2576[0] : i32 from vector<1xi32>
          %dma_start3A_2578 = arith.constant 0 : i32
          %dma_start3A_2579 = arith.constant 14 : i32
          %dma_start3A_2580 = arith.constant 0 : i32
          %dma_start3A_2581 = arith.constant 0 : i32
          %dma_start3A_2582 = tpu.memref_slice %arg10[%dma_start3A_2578, %dma_start3A_2579, %dma_start3A_2580, %dma_start3A_2581] : memref<2x16x8x32xf32, #tpu.memory_space<vmem>> -> memref<1x1x8x32xf32, #tpu.memory_space<vmem>>
          %dma_start3A_2583 = tpu.memref_squeeze %dma_start3A_2582 : memref<1x1x8x32xf32, #tpu.memory_space<vmem>> -> memref<8x32xf32, #tpu.memory_space<vmem>>
          %dma_start3A_2584 = arith.constant 0 : i32
          %dma_start3A_2585 = arith.constant 0 : i32
          %dma_start3A_2586 = tpu.memref_slice %arg4[%squeeze3A_2577, %dma_start3A_2584, %dma_start3A_2585] : memref<125000x8x32xf32, #tpu.memory_space<hbm>> -> memref<1x8x32xf32, #tpu.memory_space<hbm>>
          %dma_start3A_2587 = tpu.memref_squeeze %dma_start3A_2586 : memref<1x8x32xf32, #tpu.memory_space<hbm>> -> memref<8x32xf32, #tpu.memory_space<hbm>>
          %dma_start3A_2588 = arith.constant 0 : i32
          %dma_start3A_2589 = arith.constant 0 : i32
          %dma_start3A_2590 = tpu.memref_slice %arg10[%dma_start3A_2578, %dma_start3A_2579, %dma_start3A_2588, %dma_start3A_2589] : memref<2x16x8x32xf32, #tpu.memory_space<vmem>> -> memref<1x1x8x32xf32, #tpu.memory_space<vmem>>
          %dma_start3A_2591 = tpu.memref_squeeze %dma_start3A_2590 : memref<1x1x8x32xf32, #tpu.memory_space<vmem>> -> memref<8x32xf32, #tpu.memory_space<vmem>>
          %dma_start3A_2592 = arith.constant 0 : i32
          %dma_start3A_2593 = arith.constant 0 : i32
          %dma_start3A_2594 = tpu.memref_slice %arg4[%squeeze3A_2577, %dma_start3A_2592, %dma_start3A_2593] : memref<125000x8x32xf32, #tpu.memory_space<hbm>> -> memref<1x8x32xf32, #tpu.memory_space<hbm>>
          %dma_start3A_2595 = tpu.memref_squeeze %dma_start3A_2594 : memref<1x8x32xf32, #tpu.memory_space<hbm>> -> memref<8x32xf32, #tpu.memory_space<hbm>>
          tpu.enqueue_dma source(%dma_start3A_2595 : memref<8x32xf32, #tpu.memory_space<hbm>>) target(%dma_start3A_2591 : memref<8x32xf32, #tpu.memory_space<vmem>>) target_semaphore(%arg14 : memref<!tpu.dma_semaphore, #tpu.memory_space<semaphore_mem>>)
          %slice3A_2596 = vector.extract_strided_slice %shift_right_arithmetic3A_2015 {offsets = [14], sizes = [1], strides = [1]} : vector<16xi32> to vector<1xi32>
          %squeeze3A_2597 = vector.extract %slice3A_2596[0] : i32 from vector<1xi32>
          %dma_start3A_2598 = arith.constant 0 : i32
          %dma_start3A_2599 = arith.constant 14 : i32
          %dma_start3A_2600 = arith.constant 0 : i32
          %dma_start3A_2601 = arith.constant 0 : i32
          %dma_start3A_2602 = tpu.memref_slice %arg11[%dma_start3A_2598, %dma_start3A_2599, %dma_start3A_2600, %dma_start3A_2601] : memref<2x16x8x32xf32, #tpu.memory_space<vmem>> -> memref<1x1x8x32xf32, #tpu.memory_space<vmem>>
          %dma_start3A_2603 = tpu.memref_squeeze %dma_start3A_2602 : memref<1x1x8x32xf32, #tpu.memory_space<vmem>> -> memref<8x32xf32, #tpu.memory_space<vmem>>
          %dma_start3A_2604 = arith.constant 0 : i32
          %dma_start3A_2605 = arith.constant 0 : i32
          %dma_start3A_2606 = tpu.memref_slice %arg5[%squeeze3A_2597, %dma_start3A_2604, %dma_start3A_2605] : memref<125000x8x32xf32, #tpu.memory_space<hbm>> -> memref<1x8x32xf32, #tpu.memory_space<hbm>>
          %dma_start3A_2607 = tpu.memref_squeeze %dma_start3A_2606 : memref<1x8x32xf32, #tpu.memory_space<hbm>> -> memref<8x32xf32, #tpu.memory_space<hbm>>
          %dma_start3A_2608 = arith.constant 0 : i32
          %dma_start3A_2609 = arith.constant 0 : i32
          %dma_start3A_2610 = tpu.memref_slice %arg11[%dma_start3A_2598, %dma_start3A_2599, %dma_start3A_2608, %dma_start3A_2609] : memref<2x16x8x32xf32, #tpu.memory_space<vmem>> -> memref<1x1x8x32xf32, #tpu.memory_space<vmem>>
          %dma_start3A_2611 = tpu.memref_squeeze %dma_start3A_2610 : memref<1x1x8x32xf32, #tpu.memory_space<vmem>> -> memref<8x32xf32, #tpu.memory_space<vmem>>
          %dma_start3A_2612 = arith.constant 0 : i32
          %dma_start3A_2613 = arith.constant 0 : i32
          %dma_start3A_2614 = tpu.memref_slice %arg5[%squeeze3A_2597, %dma_start3A_2612, %dma_start3A_2613] : memref<125000x8x32xf32, #tpu.memory_space<hbm>> -> memref<1x8x32xf32, #tpu.memory_space<hbm>>
          %dma_start3A_2615 = tpu.memref_squeeze %dma_start3A_2614 : memref<1x8x32xf32, #tpu.memory_space<hbm>> -> memref<8x32xf32, #tpu.memory_space<hbm>>
          tpu.enqueue_dma source(%dma_start3A_2615 : memref<8x32xf32, #tpu.memory_space<hbm>>) target(%dma_start3A_2611 : memref<8x32xf32, #tpu.memory_space<vmem>>) target_semaphore(%arg14 : memref<!tpu.dma_semaphore, #tpu.memory_space<semaphore_mem>>)
          %slice3A_2616 = vector.extract_strided_slice %shift_right_arithmetic3A_2007 {offsets = [15], sizes = [1], strides = [1]} : vector<16xi32> to vector<1xi32>
          %squeeze3A_2617 = vector.extract %slice3A_2616[0] : i32 from vector<1xi32>
          %dma_start3A_2618 = arith.constant 0 : i32
          %dma_start3A_2619 = arith.constant 15 : i32
          %dma_start3A_2620 = arith.constant 0 : i32
          %dma_start3A_2621 = arith.constant 0 : i32
          %dma_start3A_2622 = tpu.memref_slice %arg10[%dma_start3A_2618, %dma_start3A_2619, %dma_start3A_2620, %dma_start3A_2621] : memref<2x16x8x32xf32, #tpu.memory_space<vmem>> -> memref<1x1x8x32xf32, #tpu.memory_space<vmem>>
          %dma_start3A_2623 = tpu.memref_squeeze %dma_start3A_2622 : memref<1x1x8x32xf32, #tpu.memory_space<vmem>> -> memref<8x32xf32, #tpu.memory_space<vmem>>
          %dma_start3A_2624 = arith.constant 0 : i32
          %dma_start3A_2625 = arith.constant 0 : i32
          %dma_start3A_2626 = tpu.memref_slice %arg4[%squeeze3A_2617, %dma_start3A_2624, %dma_start3A_2625] : memref<125000x8x32xf32, #tpu.memory_space<hbm>> -> memref<1x8x32xf32, #tpu.memory_space<hbm>>
          %dma_start3A_2627 = tpu.memref_squeeze %dma_start3A_2626 : memref<1x8x32xf32, #tpu.memory_space<hbm>> -> memref<8x32xf32, #tpu.memory_space<hbm>>
          %dma_start3A_2628 = arith.constant 0 : i32
          %dma_start3A_2629 = arith.constant 0 : i32
          %dma_start3A_2630 = tpu.memref_slice %arg10[%dma_start3A_2618, %dma_start3A_2619, %dma_start3A_2628, %dma_start3A_2629] : memref<2x16x8x32xf32, #tpu.memory_space<vmem>> -> memref<1x1x8x32xf32, #tpu.memory_space<vmem>>
          %dma_start3A_2631 = tpu.memref_squeeze %dma_start3A_2630 : memref<1x1x8x32xf32, #tpu.memory_space<vmem>> -> memref<8x32xf32, #tpu.memory_space<vmem>>
          %dma_start3A_2632 = arith.constant 0 : i32
          %dma_start3A_2633 = arith.constant 0 : i32
          %dma_start3A_2634 = tpu.memref_slice %arg4[%squeeze3A_2617, %dma_start3A_2632, %dma_start3A_2633] : memref<125000x8x32xf32, #tpu.memory_space<hbm>> -> memref<1x8x32xf32, #tpu.memory_space<hbm>>
          %dma_start3A_2635 = tpu.memref_squeeze %dma_start3A_2634 : memref<1x8x32xf32, #tpu.memory_space<hbm>> -> memref<8x32xf32, #tpu.memory_space<hbm>>
          tpu.enqueue_dma source(%dma_start3A_2635 : memref<8x32xf32, #tpu.memory_space<hbm>>) target(%dma_start3A_2631 : memref<8x32xf32, #tpu.memory_space<vmem>>) target_semaphore(%arg14 : memref<!tpu.dma_semaphore, #tpu.memory_space<semaphore_mem>>)
          %slice3A_2636 = vector.extract_strided_slice %shift_right_arithmetic3A_2015 {offsets = [15], sizes = [1], strides = [1]} : vector<16xi32> to vector<1xi32>
          %squeeze3A_2637 = vector.extract %slice3A_2636[0] : i32 from vector<1xi32>
          %dma_start3A_2638 = arith.constant 0 : i32
          %dma_start3A_2639 = arith.constant 15 : i32
          %dma_start3A_2640 = arith.constant 0 : i32
          %dma_start3A_2641 = arith.constant 0 : i32
          %dma_start3A_2642 = tpu.memref_slice %arg11[%dma_start3A_2638, %dma_start3A_2639, %dma_start3A_2640, %dma_start3A_2641] : memref<2x16x8x32xf32, #tpu.memory_space<vmem>> -> memref<1x1x8x32xf32, #tpu.memory_space<vmem>>
          %dma_start3A_2643 = tpu.memref_squeeze %dma_start3A_2642 : memref<1x1x8x32xf32, #tpu.memory_space<vmem>> -> memref<8x32xf32, #tpu.memory_space<vmem>>
          %dma_start3A_2644 = arith.constant 0 : i32
          %dma_start3A_2645 = arith.constant 0 : i32
          %dma_start3A_2646 = tpu.memref_slice %arg5[%squeeze3A_2637, %dma_start3A_2644, %dma_start3A_2645] : memref<125000x8x32xf32, #tpu.memory_space<hbm>> -> memref<1x8x32xf32, #tpu.memory_space<hbm>>
          %dma_start3A_2647 = tpu.memref_squeeze %dma_start3A_2646 : memref<1x8x32xf32, #tpu.memory_space<hbm>> -> memref<8x32xf32, #tpu.memory_space<hbm>>
          %dma_start3A_2648 = arith.constant 0 : i32
          %dma_start3A_2649 = arith.constant 0 : i32
          %dma_start3A_2650 = tpu.memref_slice %arg11[%dma_start3A_2638, %dma_start3A_2639, %dma_start3A_2648, %dma_start3A_2649] : memref<2x16x8x32xf32, #tpu.memory_space<vmem>> -> memref<1x1x8x32xf32, #tpu.memory_space<vmem>>
          %dma_start3A_2651 = tpu.memref_squeeze %dma_start3A_2650 : memref<1x1x8x32xf32, #tpu.memory_space<vmem>> -> memref<8x32xf32, #tpu.memory_space<vmem>>
          %dma_start3A_2652 = arith.constant 0 : i32
          %dma_start3A_2653 = arith.constant 0 : i32
          %dma_start3A_2654 = tpu.memref_slice %arg5[%squeeze3A_2637, %dma_start3A_2652, %dma_start3A_2653] : memref<125000x8x32xf32, #tpu.memory_space<hbm>> -> memref<1x8x32xf32, #tpu.memory_space<hbm>>
          %dma_start3A_2655 = tpu.memref_squeeze %dma_start3A_2654 : memref<1x8x32xf32, #tpu.memory_space<hbm>> -> memref<8x32xf32, #tpu.memory_space<hbm>>
          tpu.enqueue_dma source(%dma_start3A_2655 : memref<8x32xf32, #tpu.memory_space<hbm>>) target(%dma_start3A_2651 : memref<8x32xf32, #tpu.memory_space<vmem>>) target_semaphore(%arg14 : memref<!tpu.dma_semaphore, #tpu.memory_space<semaphore_mem>>)
        } else {
        }
      } else {
      }
      %eq3A = arith.constant 0 : i32
      %eq3A_706 = arith.cmpi eq, %rem3A_701, %eq3A : i32
      %convert_element_type3A_707 = arith.extui %eq3A_706 : i1 to i32
      %cond3A_708 = arith.constant 0 : i32
      %cond3A_709 = arith.cmpi ne, %convert_element_type3A_707, %cond3A_708 : i32
      scf.if %cond3A_709 {
        %dma_wait3A = arith.constant 0 : i32
        %dma_wait3A_1988 = arith.constant 0 : i32
        %dma_wait3A_1989 = arith.constant 0 : i32
        %dma_wait3A_1990 = arith.constant 0 : i32
        %dma_wait3A_1991 = tpu.memref_slice %arg10[%dma_wait3A, %dma_wait3A_1988, %dma_wait3A_1989, %dma_wait3A_1990] : memref<2x16x8x32xf32, #tpu.memory_space<vmem>> -> memref<1x16x8x32xf32, #tpu.memory_space<vmem>>
        %dma_wait3A_1992 = tpu.memref_squeeze %dma_wait3A_1991 : memref<1x16x8x32xf32, #tpu.memory_space<vmem>> -> memref<16x8x32xf32, #tpu.memory_space<vmem>>
        %dma_wait3A_1993 = arith.constant 0 : i32
        %dma_wait3A_1994 = arith.constant 0 : i32
        %dma_wait3A_1995 = arith.constant 0 : i32
        %dma_wait3A_1996 = tpu.memref_slice %arg4[%dma_wait3A_1993, %dma_wait3A_1994, %dma_wait3A_1995] : memref<125000x8x32xf32, #tpu.memory_space<hbm>> -> memref<16x8x32xf32, #tpu.memory_space<hbm>>
        %dma_wait3A_1997 = arith.constant 0 : i32
        %dma_wait3A_1998 = arith.constant 0 : i32
        %dma_wait3A_1999 = arith.constant 0 : i32
        %dma_wait3A_2000 = tpu.memref_slice %arg10[%dma_wait3A, %dma_wait3A_1997, %dma_wait3A_1998, %dma_wait3A_1999] : memref<2x16x8x32xf32, #tpu.memory_space<vmem>> -> memref<1x16x8x32xf32, #tpu.memory_space<vmem>>
        %dma_wait3A_2001 = tpu.memref_squeeze %dma_wait3A_2000 : memref<1x16x8x32xf32, #tpu.memory_space<vmem>> -> memref<16x8x32xf32, #tpu.memory_space<vmem>>
        %dma_wait3A_2002 = arith.constant 0 : i32
        %dma_wait3A_2003 = arith.constant 0 : i32
        %dma_wait3A_2004 = arith.constant 0 : i32
        %dma_wait3A_2005 = tpu.memref_slice %arg4[%dma_wait3A_2002, %dma_wait3A_2003, %dma_wait3A_2004] : memref<125000x8x32xf32, #tpu.memory_space<hbm>> -> memref<16x8x32xf32, #tpu.memory_space<hbm>>
        tpu.wait_dma2 semaphore(%arg14 : memref<!tpu.dma_semaphore, #tpu.memory_space<semaphore_mem>>) src(%dma_wait3A_2005 : memref<16x8x32xf32, #tpu.memory_space<hbm>>) dst(%dma_wait3A_2001 : memref<16x8x32xf32, #tpu.memory_space<vmem>>)
        %dma_wait3A_2006 = arith.constant 0 : i32
        %dma_wait3A_2007 = arith.constant 0 : i32
        %dma_wait3A_2008 = arith.constant 0 : i32
        %dma_wait3A_2009 = arith.constant 0 : i32
        %dma_wait3A_2010 = tpu.memref_slice %arg11[%dma_wait3A_2006, %dma_wait3A_2007, %dma_wait3A_2008, %dma_wait3A_2009] : memref<2x16x8x32xf32, #tpu.memory_space<vmem>> -> memref<1x16x8x32xf32, #tpu.memory_space<vmem>>
        %dma_wait3A_2011 = tpu.memref_squeeze %dma_wait3A_2010 : memref<1x16x8x32xf32, #tpu.memory_space<vmem>> -> memref<16x8x32xf32, #tpu.memory_space<vmem>>
        %dma_wait3A_2012 = arith.constant 0 : i32
        %dma_wait3A_2013 = arith.constant 0 : i32
        %dma_wait3A_2014 = arith.constant 0 : i32
        %dma_wait3A_2015 = tpu.memref_slice %arg5[%dma_wait3A_2012, %dma_wait3A_2013, %dma_wait3A_2014] : memref<125000x8x32xf32, #tpu.memory_space<hbm>> -> memref<16x8x32xf32, #tpu.memory_space<hbm>>
        %dma_wait3A_2016 = arith.constant 0 : i32
        %dma_wait3A_2017 = arith.constant 0 : i32
        %dma_wait3A_2018 = arith.constant 0 : i32
        %dma_wait3A_2019 = tpu.memref_slice %arg11[%dma_wait3A_2006, %dma_wait3A_2016, %dma_wait3A_2017, %dma_wait3A_2018] : memref<2x16x8x32xf32, #tpu.memory_space<vmem>> -> memref<1x16x8x32xf32, #tpu.memory_space<vmem>>
        %dma_wait3A_2020 = tpu.memref_squeeze %dma_wait3A_2019 : memref<1x16x8x32xf32, #tpu.memory_space<vmem>> -> memref<16x8x32xf32, #tpu.memory_space<vmem>>
        %dma_wait3A_2021 = arith.constant 0 : i32
        %dma_wait3A_2022 = arith.constant 0 : i32
        %dma_wait3A_2023 = arith.constant 0 : i32
        %dma_wait3A_2024 = tpu.memref_slice %arg5[%dma_wait3A_2021, %dma_wait3A_2022, %dma_wait3A_2023] : memref<125000x8x32xf32, #tpu.memory_space<hbm>> -> memref<16x8x32xf32, #tpu.memory_space<hbm>>
        tpu.wait_dma2 semaphore(%arg14 : memref<!tpu.dma_semaphore, #tpu.memory_space<semaphore_mem>>) src(%dma_wait3A_2024 : memref<16x8x32xf32, #tpu.memory_space<hbm>>) dst(%dma_wait3A_2020 : memref<16x8x32xf32, #tpu.memory_space<vmem>>)
      } else {
      }
      %eq3A_710 = arith.constant 1 : i32
      %eq3A_711 = arith.cmpi eq, %rem3A_701, %eq3A_710 : i32
      %convert_element_type3A_712 = arith.extui %eq3A_711 : i1 to i32
      %cond3A_713 = arith.constant 0 : i32
      %cond3A_714 = arith.cmpi ne, %convert_element_type3A_712, %cond3A_713 : i32
      scf.if %cond3A_714 {
        %dma_wait3A = arith.constant 1 : i32
        %dma_wait3A_1988 = arith.constant 0 : i32
        %dma_wait3A_1989 = arith.constant 0 : i32
        %dma_wait3A_1990 = arith.constant 0 : i32
        %dma_wait3A_1991 = tpu.memref_slice %arg10[%dma_wait3A, %dma_wait3A_1988, %dma_wait3A_1989, %dma_wait3A_1990] : memref<2x16x8x32xf32, #tpu.memory_space<vmem>> -> memref<1x16x8x32xf32, #tpu.memory_space<vmem>>
        %dma_wait3A_1992 = tpu.memref_squeeze %dma_wait3A_1991 : memref<1x16x8x32xf32, #tpu.memory_space<vmem>> -> memref<16x8x32xf32, #tpu.memory_space<vmem>>
        %dma_wait3A_1993 = arith.constant 0 : i32
        %dma_wait3A_1994 = arith.constant 0 : i32
        %dma_wait3A_1995 = arith.constant 0 : i32
        %dma_wait3A_1996 = tpu.memref_slice %arg4[%dma_wait3A_1993, %dma_wait3A_1994, %dma_wait3A_1995] : memref<125000x8x32xf32, #tpu.memory_space<hbm>> -> memref<16x8x32xf32, #tpu.memory_space<hbm>>
        %dma_wait3A_1997 = arith.constant 0 : i32
        %dma_wait3A_1998 = arith.constant 0 : i32
        %dma_wait3A_1999 = arith.constant 0 : i32
        %dma_wait3A_2000 = tpu.memref_slice %arg10[%dma_wait3A, %dma_wait3A_1997, %dma_wait3A_1998, %dma_wait3A_1999] : memref<2x16x8x32xf32, #tpu.memory_space<vmem>> -> memref<1x16x8x32xf32, #tpu.memory_space<vmem>>
        %dma_wait3A_2001 = tpu.memref_squeeze %dma_wait3A_2000 : memref<1x16x8x32xf32, #tpu.memory_space<vmem>> -> memref<16x8x32xf32, #tpu.memory_space<vmem>>
        %dma_wait3A_2002 = arith.constant 0 : i32
        %dma_wait3A_2003 = arith.constant 0 : i32
        %dma_wait3A_2004 = arith.constant 0 : i32
        %dma_wait3A_2005 = tpu.memref_slice %arg4[%dma_wait3A_2002, %dma_wait3A_2003, %dma_wait3A_2004] : memref<125000x8x32xf32, #tpu.memory_space<hbm>> -> memref<16x8x32xf32, #tpu.memory_space<hbm>>
        tpu.wait_dma2 semaphore(%arg15 : memref<!tpu.dma_semaphore, #tpu.memory_space<semaphore_mem>>) src(%dma_wait3A_2005 : memref<16x8x32xf32, #tpu.memory_space<hbm>>) dst(%dma_wait3A_2001 : memref<16x8x32xf32, #tpu.memory_space<vmem>>)
        %dma_wait3A_2006 = arith.constant 1 : i32
        %dma_wait3A_2007 = arith.constant 0 : i32
        %dma_wait3A_2008 = arith.constant 0 : i32
        %dma_wait3A_2009 = arith.constant 0 : i32
        %dma_wait3A_2010 = tpu.memref_slice %arg11[%dma_wait3A_2006, %dma_wait3A_2007, %dma_wait3A_2008, %dma_wait3A_2009] : memref<2x16x8x32xf32, #tpu.memory_space<vmem>> -> memref<1x16x8x32xf32, #tpu.memory_space<vmem>>
        %dma_wait3A_2011 = tpu.memref_squeeze %dma_wait3A_2010 : memref<1x16x8x32xf32, #tpu.memory_space<vmem>> -> memref<16x8x32xf32, #tpu.memory_space<vmem>>
        %dma_wait3A_2012 = arith.constant 0 : i32
        %dma_wait3A_2013 = arith.constant 0 : i32
        %dma_wait3A_2014 = arith.constant 0 : i32
        %dma_wait3A_2015 = tpu.memref_slice %arg5[%dma_wait3A_2012, %dma_wait3A_2013, %dma_wait3A_2014] : memref<125000x8x32xf32, #tpu.memory_space<hbm>> -> memref<16x8x32xf32, #tpu.memory_space<hbm>>
        %dma_wait3A_2016 = arith.constant 0 : i32
        %dma_wait3A_2017 = arith.constant 0 : i32
        %dma_wait3A_2018 = arith.constant 0 : i32
        %dma_wait3A_2019 = tpu.memref_slice %arg11[%dma_wait3A_2006, %dma_wait3A_2016, %dma_wait3A_2017, %dma_wait3A_2018] : memref<2x16x8x32xf32, #tpu.memory_space<vmem>> -> memref<1x16x8x32xf32, #tpu.memory_space<vmem>>
        %dma_wait3A_2020 = tpu.memref_squeeze %dma_wait3A_2019 : memref<1x16x8x32xf32, #tpu.memory_space<vmem>> -> memref<16x8x32xf32, #tpu.memory_space<vmem>>
        %dma_wait3A_2021 = arith.constant 0 : i32
        %dma_wait3A_2022 = arith.constant 0 : i32
        %dma_wait3A_2023 = arith.constant 0 : i32
        %dma_wait3A_2024 = tpu.memref_slice %arg5[%dma_wait3A_2021, %dma_wait3A_2022, %dma_wait3A_2023] : memref<125000x8x32xf32, #tpu.memory_space<hbm>> -> memref<16x8x32xf32, #tpu.memory_space<hbm>>
        tpu.wait_dma2 semaphore(%arg15 : memref<!tpu.dma_semaphore, #tpu.memory_space<semaphore_mem>>) src(%dma_wait3A_2024 : memref<16x8x32xf32, #tpu.memory_space<hbm>>) dst(%dma_wait3A_2020 : memref<16x8x32xf32, #tpu.memory_space<vmem>>)
      } else {
      }
      %mul3A_715 = arith.constant 16 : i32
      %mul3A_716 = arith.muli %scan3A_700, %mul3A_715 : i32
      %get3A_717 = arith.index_cast %mul3A_716 : i32 to index
      %get3A_718 = tpu.vector_load %arg8[%get3A_717] {strides = array<i32>} : memref<512xi32, #tpu.memory_space<vmem>>, vector<16xi32>,
      %get3A_719 = vector.shape_cast %get3A_718 : vector<16xi32> to vector<16xi32>
      %and3A_720 = arith.constant 7 : i32
      %and3A_721 = vector.broadcast %and3A_720 : i32 to vector<16xi32>
      %and3A_722 = arith.andi %get3A_719, %and3A_721 : vector<16xi32>
      %mul3A_723 = arith.constant 16 : i32
      %mul3A_724 = arith.muli %scan3A_700, %mul3A_723 : i32
      %get3A_725 = arith.index_cast %mul3A_724 : i32 to index
      %get3A_726 = tpu.vector_load %arg9[%get3A_725] {strides = array<i32>} : memref<512xi32, #tpu.memory_space<vmem>>, vector<16xi32>,
      %get3A_727 = vector.shape_cast %get3A_726 : vector<16xi32> to vector<16xi32>
      %and3A_728 = arith.constant 7 : i32
      %and3A_729 = vector.broadcast %and3A_728 : i32 to vector<16xi32>
      %and3A_730 = arith.andi %get3A_727, %and3A_729 : vector<16xi32>
      %slice3A_731 = vector.extract_strided_slice %and3A_722 {offsets = [0], sizes = [1], strides = [1]} : vector<16xi32> to vector<1xi32>
      %squeeze3A_732 = vector.extract %slice3A_731[0] : i32 from vector<1xi32>
      %slice3A_733 = vector.extract_strided_slice %and3A_730 {offsets = [0], sizes = [1], strides = [1]} : vector<16xi32> to vector<1xi32>
      %squeeze3A_734 = vector.extract %slice3A_733[0] : i32 from vector<1xi32>
      %get3A_735 = arith.constant 0 : i32
      %get3A_736 = arith.index_cast %rem3A_701 : i32 to index
      %get3A_737 = arith.index_cast %get3A_735 : i32 to index
      %get3A_738 = arith.index_cast %squeeze3A_732 : i32 to index
      %get3A_739 = arith.constant 0 : index
      %get3A_740 = tpu.vector_load %arg10[%get3A_736, %get3A_737, %get3A_738, %get3A_739] {strides = array<i32>} : memref<2x16x8x32xf32, #tpu.memory_space<vmem>>, vector<1x1x1x16xf32>,
      %get3A_741 = vector.shape_cast %get3A_740 : vector<1x1x1x16xf32> to vector<16xf32>
      %get3A_742 = arith.constant 0 : i32
      %get3A_743 = arith.index_cast %rem3A_701 : i32 to index
      %get3A_744 = arith.index_cast %get3A_742 : i32 to index
      %get3A_745 = arith.index_cast %squeeze3A_732 : i32 to index
      %get3A_746 = arith.constant 16 : index
      %get3A_747 = tpu.vector_load %arg10[%get3A_743, %get3A_744, %get3A_745, %get3A_746] {strides = array<i32>} : memref<2x16x8x32xf32, #tpu.memory_space<vmem>>, vector<1x1x1x16xf32>,
      %get3A_748 = vector.shape_cast %get3A_747 : vector<1x1x1x16xf32> to vector<16xf32>
      %get3A_749 = arith.constant 0 : i32
      %get3A_750 = arith.index_cast %rem3A_701 : i32 to index
      %get3A_751 = arith.index_cast %get3A_749 : i32 to index
      %get3A_752 = arith.index_cast %squeeze3A_734 : i32 to index
      %get3A_753 = arith.constant 0 : index
      %get3A_754 = tpu.vector_load %arg11[%get3A_750, %get3A_751, %get3A_752, %get3A_753] {strides = array<i32>} : memref<2x16x8x32xf32, #tpu.memory_space<vmem>>, vector<1x1x1x16xf32>,
      %get3A_755 = vector.shape_cast %get3A_754 : vector<1x1x1x16xf32> to vector<16xf32>
      %get3A_756 = arith.constant 0 : i32
      %get3A_757 = arith.index_cast %rem3A_701 : i32 to index
      %get3A_758 = arith.index_cast %get3A_756 : i32 to index
      %get3A_759 = arith.index_cast %squeeze3A_734 : i32 to index
      %get3A_760 = arith.constant 16 : index
      %get3A_761 = tpu.vector_load %arg11[%get3A_757, %get3A_758, %get3A_759, %get3A_760] {strides = array<i32>} : memref<2x16x8x32xf32, #tpu.memory_space<vmem>>, vector<1x1x1x16xf32>,
      %get3A_762 = vector.shape_cast %get3A_761 : vector<1x1x1x16xf32> to vector<16xf32>
      %mul3A_763 = arith.mulf %get3A_4, %get3A_741 : vector<16xf32>
      %mul3A_764 = arith.mulf %mul3A_763, %get3A_755 : vector<16xf32>
      %mul3A_765 = arith.mulf %get3A_10, %get3A_741 : vector<16xf32>
      %add3A_766 = arith.addf %mul3A_764, %mul3A_765 : vector<16xf32>
      %mul3A_767 = arith.mulf %get3A_16, %get3A_755 : vector<16xf32>
      %add3A_768 = arith.addf %add3A_766, %mul3A_767 : vector<16xf32>
      %mul3A_769 = arith.mulf %get3A_7, %get3A_748 : vector<16xf32>
      %mul3A_770 = arith.mulf %mul3A_769, %get3A_762 : vector<16xf32>
      %add3A_771 = arith.addf %add3A_768, %mul3A_770 : vector<16xf32>
      %mul3A_772 = arith.mulf %get3A_13, %get3A_748 : vector<16xf32>
      %add3A_773 = arith.addf %add3A_771, %mul3A_772 : vector<16xf32>
      %mul3A_774 = arith.mulf %get3A_19, %get3A_762 : vector<16xf32>
      %add3A_775 = arith.addf %add3A_773, %mul3A_774 : vector<16xf32>
      %slice3A_776 = vector.extract_strided_slice %and3A_722 {offsets = [1], sizes = [1], strides = [1]} : vector<16xi32> to vector<1xi32>
      %squeeze3A_777 = vector.extract %slice3A_776[0] : i32 from vector<1xi32>
      %slice3A_778 = vector.extract_strided_slice %and3A_730 {offsets = [1], sizes = [1], strides = [1]} : vector<16xi32> to vector<1xi32>
      %squeeze3A_779 = vector.extract %slice3A_778[0] : i32 from vector<1xi32>
      %get3A_780 = arith.constant 1 : i32
      %get3A_781 = arith.index_cast %rem3A_701 : i32 to index
      %get3A_782 = arith.index_cast %get3A_780 : i32 to index
      %get3A_783 = arith.index_cast %squeeze3A_777 : i32 to index
      %get3A_784 = arith.constant 0 : index
      %get3A_785 = tpu.vector_load %arg10[%get3A_781, %get3A_782, %get3A_783, %get3A_784] {strides = array<i32>} : memref<2x16x8x32xf32, #tpu.memory_space<vmem>>, vector<1x1x1x16xf32>,
      %get3A_786 = vector.shape_cast %get3A_785 : vector<1x1x1x16xf32> to vector<16xf32>
      %get3A_787 = arith.constant 1 : i32
      %get3A_788 = arith.index_cast %rem3A_701 : i32 to index
      %get3A_789 = arith.index_cast %get3A_787 : i32 to index
      %get3A_790 = arith.index_cast %squeeze3A_777 : i32 to index
      %get3A_791 = arith.constant 16 : index
      %get3A_792 = tpu.vector_load %arg10[%get3A_788, %get3A_789, %get3A_790, %get3A_791] {strides = array<i32>} : memref<2x16x8x32xf32, #tpu.memory_space<vmem>>, vector<1x1x1x16xf32>,
      %get3A_793 = vector.shape_cast %get3A_792 : vector<1x1x1x16xf32> to vector<16xf32>
      %get3A_794 = arith.constant 1 : i32
      %get3A_795 = arith.index_cast %rem3A_701 : i32 to index
      %get3A_796 = arith.index_cast %get3A_794 : i32 to index
      %get3A_797 = arith.index_cast %squeeze3A_779 : i32 to index
      %get3A_798 = arith.constant 0 : index
      %get3A_799 = tpu.vector_load %arg11[%get3A_795, %get3A_796, %get3A_797, %get3A_798] {strides = array<i32>} : memref<2x16x8x32xf32, #tpu.memory_space<vmem>>, vector<1x1x1x16xf32>,
      %get3A_800 = vector.shape_cast %get3A_799 : vector<1x1x1x16xf32> to vector<16xf32>
      %get3A_801 = arith.constant 1 : i32
      %get3A_802 = arith.index_cast %rem3A_701 : i32 to index
      %get3A_803 = arith.index_cast %get3A_801 : i32 to index
      %get3A_804 = arith.index_cast %squeeze3A_779 : i32 to index
      %get3A_805 = arith.constant 16 : index
      %get3A_806 = tpu.vector_load %arg11[%get3A_802, %get3A_803, %get3A_804, %get3A_805] {strides = array<i32>} : memref<2x16x8x32xf32, #tpu.memory_space<vmem>>, vector<1x1x1x16xf32>,
      %get3A_807 = vector.shape_cast %get3A_806 : vector<1x1x1x16xf32> to vector<16xf32>
      %mul3A_808 = arith.mulf %get3A_4, %get3A_786 : vector<16xf32>
      %mul3A_809 = arith.mulf %mul3A_808, %get3A_800 : vector<16xf32>
      %mul3A_810 = arith.mulf %get3A_10, %get3A_786 : vector<16xf32>
      %add3A_811 = arith.addf %mul3A_809, %mul3A_810 : vector<16xf32>
      %mul3A_812 = arith.mulf %get3A_16, %get3A_800 : vector<16xf32>
      %add3A_813 = arith.addf %add3A_811, %mul3A_812 : vector<16xf32>
      %mul3A_814 = arith.mulf %get3A_7, %get3A_793 : vector<16xf32>
      %mul3A_815 = arith.mulf %mul3A_814, %get3A_807 : vector<16xf32>
      %add3A_816 = arith.addf %add3A_813, %mul3A_815 : vector<16xf32>
      %mul3A_817 = arith.mulf %get3A_13, %get3A_793 : vector<16xf32>
      %add3A_818 = arith.addf %add3A_816, %mul3A_817 : vector<16xf32>
      %mul3A_819 = arith.mulf %get3A_19, %get3A_807 : vector<16xf32>
      %add3A_820 = arith.addf %add3A_818, %mul3A_819 : vector<16xf32>
      %slice3A_821 = vector.extract_strided_slice %and3A_722 {offsets = [2], sizes = [1], strides = [1]} : vector<16xi32> to vector<1xi32>
      %squeeze3A_822 = vector.extract %slice3A_821[0] : i32 from vector<1xi32>
      %slice3A_823 = vector.extract_strided_slice %and3A_730 {offsets = [2], sizes = [1], strides = [1]} : vector<16xi32> to vector<1xi32>
      %squeeze3A_824 = vector.extract %slice3A_823[0] : i32 from vector<1xi32>
      %get3A_825 = arith.constant 2 : i32
      %get3A_826 = arith.index_cast %rem3A_701 : i32 to index
      %get3A_827 = arith.index_cast %get3A_825 : i32 to index
      %get3A_828 = arith.index_cast %squeeze3A_822 : i32 to index
      %get3A_829 = arith.constant 0 : index
      %get3A_830 = tpu.vector_load %arg10[%get3A_826, %get3A_827, %get3A_828, %get3A_829] {strides = array<i32>} : memref<2x16x8x32xf32, #tpu.memory_space<vmem>>, vector<1x1x1x16xf32>,
      %get3A_831 = vector.shape_cast %get3A_830 : vector<1x1x1x16xf32> to vector<16xf32>
      %get3A_832 = arith.constant 2 : i32
      %get3A_833 = arith.index_cast %rem3A_701 : i32 to index
      %get3A_834 = arith.index_cast %get3A_832 : i32 to index
      %get3A_835 = arith.index_cast %squeeze3A_822 : i32 to index
      %get3A_836 = arith.constant 16 : index
      %get3A_837 = tpu.vector_load %arg10[%get3A_833, %get3A_834, %get3A_835, %get3A_836] {strides = array<i32>} : memref<2x16x8x32xf32, #tpu.memory_space<vmem>>, vector<1x1x1x16xf32>,
      %get3A_838 = vector.shape_cast %get3A_837 : vector<1x1x1x16xf32> to vector<16xf32>
      %get3A_839 = arith.constant 2 : i32
      %get3A_840 = arith.index_cast %rem3A_701 : i32 to index
      %get3A_841 = arith.index_cast %get3A_839 : i32 to index
      %get3A_842 = arith.index_cast %squeeze3A_824 : i32 to index
      %get3A_843 = arith.constant 0 : index
      %get3A_844 = tpu.vector_load %arg11[%get3A_840, %get3A_841, %get3A_842, %get3A_843] {strides = array<i32>} : memref<2x16x8x32xf32, #tpu.memory_space<vmem>>, vector<1x1x1x16xf32>,
      %get3A_845 = vector.shape_cast %get3A_844 : vector<1x1x1x16xf32> to vector<16xf32>
      %get3A_846 = arith.constant 2 : i32
      %get3A_847 = arith.index_cast %rem3A_701 : i32 to index
      %get3A_848 = arith.index_cast %get3A_846 : i32 to index
      %get3A_849 = arith.index_cast %squeeze3A_824 : i32 to index
      %get3A_850 = arith.constant 16 : index
      %get3A_851 = tpu.vector_load %arg11[%get3A_847, %get3A_848, %get3A_849, %get3A_850] {strides = array<i32>} : memref<2x16x8x32xf32, #tpu.memory_space<vmem>>, vector<1x1x1x16xf32>,
      %get3A_852 = vector.shape_cast %get3A_851 : vector<1x1x1x16xf32> to vector<16xf32>
      %mul3A_853 = arith.mulf %get3A_4, %get3A_831 : vector<16xf32>
      %mul3A_854 = arith.mulf %mul3A_853, %get3A_845 : vector<16xf32>
      %mul3A_855 = arith.mulf %get3A_10, %get3A_831 : vector<16xf32>
      %add3A_856 = arith.addf %mul3A_854, %mul3A_855 : vector<16xf32>
      %mul3A_857 = arith.mulf %get3A_16, %get3A_845 : vector<16xf32>
      %add3A_858 = arith.addf %add3A_856, %mul3A_857 : vector<16xf32>
      %mul3A_859 = arith.mulf %get3A_7, %get3A_838 : vector<16xf32>
      %mul3A_860 = arith.mulf %mul3A_859, %get3A_852 : vector<16xf32>
      %add3A_861 = arith.addf %add3A_858, %mul3A_860 : vector<16xf32>
      %mul3A_862 = arith.mulf %get3A_13, %get3A_838 : vector<16xf32>
      %add3A_863 = arith.addf %add3A_861, %mul3A_862 : vector<16xf32>
      %mul3A_864 = arith.mulf %get3A_19, %get3A_852 : vector<16xf32>
      %add3A_865 = arith.addf %add3A_863, %mul3A_864 : vector<16xf32>
      %slice3A_866 = vector.extract_strided_slice %and3A_722 {offsets = [3], sizes = [1], strides = [1]} : vector<16xi32> to vector<1xi32>
      %squeeze3A_867 = vector.extract %slice3A_866[0] : i32 from vector<1xi32>
      %slice3A_868 = vector.extract_strided_slice %and3A_730 {offsets = [3], sizes = [1], strides = [1]} : vector<16xi32> to vector<1xi32>
      %squeeze3A_869 = vector.extract %slice3A_868[0] : i32 from vector<1xi32>
      %get3A_870 = arith.constant 3 : i32
      %get3A_871 = arith.index_cast %rem3A_701 : i32 to index
      %get3A_872 = arith.index_cast %get3A_870 : i32 to index
      %get3A_873 = arith.index_cast %squeeze3A_867 : i32 to index
      %get3A_874 = arith.constant 0 : index
      %get3A_875 = tpu.vector_load %arg10[%get3A_871, %get3A_872, %get3A_873, %get3A_874] {strides = array<i32>} : memref<2x16x8x32xf32, #tpu.memory_space<vmem>>, vector<1x1x1x16xf32>,
      %get3A_876 = vector.shape_cast %get3A_875 : vector<1x1x1x16xf32> to vector<16xf32>
      %get3A_877 = arith.constant 3 : i32
      %get3A_878 = arith.index_cast %rem3A_701 : i32 to index
      %get3A_879 = arith.index_cast %get3A_877 : i32 to index
      %get3A_880 = arith.index_cast %squeeze3A_867 : i32 to index
      %get3A_881 = arith.constant 16 : index
      %get3A_882 = tpu.vector_load %arg10[%get3A_878, %get3A_879, %get3A_880, %get3A_881] {strides = array<i32>} : memref<2x16x8x32xf32, #tpu.memory_space<vmem>>, vector<1x1x1x16xf32>,
      %get3A_883 = vector.shape_cast %get3A_882 : vector<1x1x1x16xf32> to vector<16xf32>
      %get3A_884 = arith.constant 3 : i32
      %get3A_885 = arith.index_cast %rem3A_701 : i32 to index
      %get3A_886 = arith.index_cast %get3A_884 : i32 to index
      %get3A_887 = arith.index_cast %squeeze3A_869 : i32 to index
      %get3A_888 = arith.constant 0 : index
      %get3A_889 = tpu.vector_load %arg11[%get3A_885, %get3A_886, %get3A_887, %get3A_888] {strides = array<i32>} : memref<2x16x8x32xf32, #tpu.memory_space<vmem>>, vector<1x1x1x16xf32>,
      %get3A_890 = vector.shape_cast %get3A_889 : vector<1x1x1x16xf32> to vector<16xf32>
      %get3A_891 = arith.constant 3 : i32
      %get3A_892 = arith.index_cast %rem3A_701 : i32 to index
      %get3A_893 = arith.index_cast %get3A_891 : i32 to index
      %get3A_894 = arith.index_cast %squeeze3A_869 : i32 to index
      %get3A_895 = arith.constant 16 : index
      %get3A_896 = tpu.vector_load %arg11[%get3A_892, %get3A_893, %get3A_894, %get3A_895] {strides = array<i32>} : memref<2x16x8x32xf32, #tpu.memory_space<vmem>>, vector<1x1x1x16xf32>,
      %get3A_897 = vector.shape_cast %get3A_896 : vector<1x1x1x16xf32> to vector<16xf32>
      %mul3A_898 = arith.mulf %get3A_4, %get3A_876 : vector<16xf32>
      %mul3A_899 = arith.mulf %mul3A_898, %get3A_890 : vector<16xf32>
      %mul3A_900 = arith.mulf %get3A_10, %get3A_876 : vector<16xf32>
      %add3A_901 = arith.addf %mul3A_899, %mul3A_900 : vector<16xf32>
      %mul3A_902 = arith.mulf %get3A_16, %get3A_890 : vector<16xf32>
      %add3A_903 = arith.addf %add3A_901, %mul3A_902 : vector<16xf32>
      %mul3A_904 = arith.mulf %get3A_7, %get3A_883 : vector<16xf32>
      %mul3A_905 = arith.mulf %mul3A_904, %get3A_897 : vector<16xf32>
      %add3A_906 = arith.addf %add3A_903, %mul3A_905 : vector<16xf32>
      %mul3A_907 = arith.mulf %get3A_13, %get3A_883 : vector<16xf32>
      %add3A_908 = arith.addf %add3A_906, %mul3A_907 : vector<16xf32>
      %mul3A_909 = arith.mulf %get3A_19, %get3A_897 : vector<16xf32>
      %add3A_910 = arith.addf %add3A_908, %mul3A_909 : vector<16xf32>
      %slice3A_911 = vector.extract_strided_slice %and3A_722 {offsets = [4], sizes = [1], strides = [1]} : vector<16xi32> to vector<1xi32>
      %squeeze3A_912 = vector.extract %slice3A_911[0] : i32 from vector<1xi32>
      %slice3A_913 = vector.extract_strided_slice %and3A_730 {offsets = [4], sizes = [1], strides = [1]} : vector<16xi32> to vector<1xi32>
      %squeeze3A_914 = vector.extract %slice3A_913[0] : i32 from vector<1xi32>
      %get3A_915 = arith.constant 4 : i32
      %get3A_916 = arith.index_cast %rem3A_701 : i32 to index
      %get3A_917 = arith.index_cast %get3A_915 : i32 to index
      %get3A_918 = arith.index_cast %squeeze3A_912 : i32 to index
      %get3A_919 = arith.constant 0 : index
      %get3A_920 = tpu.vector_load %arg10[%get3A_916, %get3A_917, %get3A_918, %get3A_919] {strides = array<i32>} : memref<2x16x8x32xf32, #tpu.memory_space<vmem>>, vector<1x1x1x16xf32>,
      %get3A_921 = vector.shape_cast %get3A_920 : vector<1x1x1x16xf32> to vector<16xf32>
      %get3A_922 = arith.constant 4 : i32
      %get3A_923 = arith.index_cast %rem3A_701 : i32 to index
      %get3A_924 = arith.index_cast %get3A_922 : i32 to index
      %get3A_925 = arith.index_cast %squeeze3A_912 : i32 to index
      %get3A_926 = arith.constant 16 : index
      %get3A_927 = tpu.vector_load %arg10[%get3A_923, %get3A_924, %get3A_925, %get3A_926] {strides = array<i32>} : memref<2x16x8x32xf32, #tpu.memory_space<vmem>>, vector<1x1x1x16xf32>,
      %get3A_928 = vector.shape_cast %get3A_927 : vector<1x1x1x16xf32> to vector<16xf32>
      %get3A_929 = arith.constant 4 : i32
      %get3A_930 = arith.index_cast %rem3A_701 : i32 to index
      %get3A_931 = arith.index_cast %get3A_929 : i32 to index
      %get3A_932 = arith.index_cast %squeeze3A_914 : i32 to index
      %get3A_933 = arith.constant 0 : index
      %get3A_934 = tpu.vector_load %arg11[%get3A_930, %get3A_931, %get3A_932, %get3A_933] {strides = array<i32>} : memref<2x16x8x32xf32, #tpu.memory_space<vmem>>, vector<1x1x1x16xf32>,
      %get3A_935 = vector.shape_cast %get3A_934 : vector<1x1x1x16xf32> to vector<16xf32>
      %get3A_936 = arith.constant 4 : i32
      %get3A_937 = arith.index_cast %rem3A_701 : i32 to index
      %get3A_938 = arith.index_cast %get3A_936 : i32 to index
      %get3A_939 = arith.index_cast %squeeze3A_914 : i32 to index
      %get3A_940 = arith.constant 16 : index
      %get3A_941 = tpu.vector_load %arg11[%get3A_937, %get3A_938, %get3A_939, %get3A_940] {strides = array<i32>} : memref<2x16x8x32xf32, #tpu.memory_space<vmem>>, vector<1x1x1x16xf32>,
      %get3A_942 = vector.shape_cast %get3A_941 : vector<1x1x1x16xf32> to vector<16xf32>
      %mul3A_943 = arith.mulf %get3A_4, %get3A_921 : vector<16xf32>
      %mul3A_944 = arith.mulf %mul3A_943, %get3A_935 : vector<16xf32>
      %mul3A_945 = arith.mulf %get3A_10, %get3A_921 : vector<16xf32>
      %add3A_946 = arith.addf %mul3A_944, %mul3A_945 : vector<16xf32>
      %mul3A_947 = arith.mulf %get3A_16, %get3A_935 : vector<16xf32>
      %add3A_948 = arith.addf %add3A_946, %mul3A_947 : vector<16xf32>
      %mul3A_949 = arith.mulf %get3A_7, %get3A_928 : vector<16xf32>
      %mul3A_950 = arith.mulf %mul3A_949, %get3A_942 : vector<16xf32>
      %add3A_951 = arith.addf %add3A_948, %mul3A_950 : vector<16xf32>
      %mul3A_952 = arith.mulf %get3A_13, %get3A_928 : vector<16xf32>
      %add3A_953 = arith.addf %add3A_951, %mul3A_952 : vector<16xf32>
      %mul3A_954 = arith.mulf %get3A_19, %get3A_942 : vector<16xf32>
      %add3A_955 = arith.addf %add3A_953, %mul3A_954 : vector<16xf32>
      %slice3A_956 = vector.extract_strided_slice %and3A_722 {offsets = [5], sizes = [1], strides = [1]} : vector<16xi32> to vector<1xi32>
      %squeeze3A_957 = vector.extract %slice3A_956[0] : i32 from vector<1xi32>
      %slice3A_958 = vector.extract_strided_slice %and3A_730 {offsets = [5], sizes = [1], strides = [1]} : vector<16xi32> to vector<1xi32>
      %squeeze3A_959 = vector.extract %slice3A_958[0] : i32 from vector<1xi32>
      %get3A_960 = arith.constant 5 : i32
      %get3A_961 = arith.index_cast %rem3A_701 : i32 to index
      %get3A_962 = arith.index_cast %get3A_960 : i32 to index
      %get3A_963 = arith.index_cast %squeeze3A_957 : i32 to index
      %get3A_964 = arith.constant 0 : index
      %get3A_965 = tpu.vector_load %arg10[%get3A_961, %get3A_962, %get3A_963, %get3A_964] {strides = array<i32>} : memref<2x16x8x32xf32, #tpu.memory_space<vmem>>, vector<1x1x1x16xf32>,
      %get3A_966 = vector.shape_cast %get3A_965 : vector<1x1x1x16xf32> to vector<16xf32>
      %get3A_967 = arith.constant 5 : i32
      %get3A_968 = arith.index_cast %rem3A_701 : i32 to index
      %get3A_969 = arith.index_cast %get3A_967 : i32 to index
      %get3A_970 = arith.index_cast %squeeze3A_957 : i32 to index
      %get3A_971 = arith.constant 16 : index
      %get3A_972 = tpu.vector_load %arg10[%get3A_968, %get3A_969, %get3A_970, %get3A_971] {strides = array<i32>} : memref<2x16x8x32xf32, #tpu.memory_space<vmem>>, vector<1x1x1x16xf32>,
      %get3A_973 = vector.shape_cast %get3A_972 : vector<1x1x1x16xf32> to vector<16xf32>
      %get3A_974 = arith.constant 5 : i32
      %get3A_975 = arith.index_cast %rem3A_701 : i32 to index
      %get3A_976 = arith.index_cast %get3A_974 : i32 to index
      %get3A_977 = arith.index_cast %squeeze3A_959 : i32 to index
      %get3A_978 = arith.constant 0 : index
      %get3A_979 = tpu.vector_load %arg11[%get3A_975, %get3A_976, %get3A_977, %get3A_978] {strides = array<i32>} : memref<2x16x8x32xf32, #tpu.memory_space<vmem>>, vector<1x1x1x16xf32>,
      %get3A_980 = vector.shape_cast %get3A_979 : vector<1x1x1x16xf32> to vector<16xf32>
      %get3A_981 = arith.constant 5 : i32
      %get3A_982 = arith.index_cast %rem3A_701 : i32 to index
      %get3A_983 = arith.index_cast %get3A_981 : i32 to index
      %get3A_984 = arith.index_cast %squeeze3A_959 : i32 to index
      %get3A_985 = arith.constant 16 : index
      %get3A_986 = tpu.vector_load %arg11[%get3A_982, %get3A_983, %get3A_984, %get3A_985] {strides = array<i32>} : memref<2x16x8x32xf32, #tpu.memory_space<vmem>>, vector<1x1x1x16xf32>,
      %get3A_987 = vector.shape_cast %get3A_986 : vector<1x1x1x16xf32> to vector<16xf32>
      %mul3A_988 = arith.mulf %get3A_4, %get3A_966 : vector<16xf32>
      %mul3A_989 = arith.mulf %mul3A_988, %get3A_980 : vector<16xf32>
      %mul3A_990 = arith.mulf %get3A_10, %get3A_966 : vector<16xf32>
      %add3A_991 = arith.addf %mul3A_989, %mul3A_990 : vector<16xf32>
      %mul3A_992 = arith.mulf %get3A_16, %get3A_980 : vector<16xf32>
      %add3A_993 = arith.addf %add3A_991, %mul3A_992 : vector<16xf32>
      %mul3A_994 = arith.mulf %get3A_7, %get3A_973 : vector<16xf32>
      %mul3A_995 = arith.mulf %mul3A_994, %get3A_987 : vector<16xf32>
      %add3A_996 = arith.addf %add3A_993, %mul3A_995 : vector<16xf32>
      %mul3A_997 = arith.mulf %get3A_13, %get3A_973 : vector<16xf32>
      %add3A_998 = arith.addf %add3A_996, %mul3A_997 : vector<16xf32>
      %mul3A_999 = arith.mulf %get3A_19, %get3A_987 : vector<16xf32>
      %add3A_1000 = arith.addf %add3A_998, %mul3A_999 : vector<16xf32>
      %slice3A_1001 = vector.extract_strided_slice %and3A_722 {offsets = [6], sizes = [1], strides = [1]} : vector<16xi32> to vector<1xi32>
      %squeeze3A_1002 = vector.extract %slice3A_1001[0] : i32 from vector<1xi32>
      %slice3A_1003 = vector.extract_strided_slice %and3A_730 {offsets = [6], sizes = [1], strides = [1]} : vector<16xi32> to vector<1xi32>
      %squeeze3A_1004 = vector.extract %slice3A_1003[0] : i32 from vector<1xi32>
      %get3A_1005 = arith.constant 6 : i32
      %get3A_1006 = arith.index_cast %rem3A_701 : i32 to index
      %get3A_1007 = arith.index_cast %get3A_1005 : i32 to index
      %get3A_1008 = arith.index_cast %squeeze3A_1002 : i32 to index
      %get3A_1009 = arith.constant 0 : index
      %get3A_1010 = tpu.vector_load %arg10[%get3A_1006, %get3A_1007, %get3A_1008, %get3A_1009] {strides = array<i32>} : memref<2x16x8x32xf32, #tpu.memory_space<vmem>>, vector<1x1x1x16xf32>,
      %get3A_1011 = vector.shape_cast %get3A_1010 : vector<1x1x1x16xf32> to vector<16xf32>
      %get3A_1012 = arith.constant 6 : i32
      %get3A_1013 = arith.index_cast %rem3A_701 : i32 to index
      %get3A_1014 = arith.index_cast %get3A_1012 : i32 to index
      %get3A_1015 = arith.index_cast %squeeze3A_1002 : i32 to index
      %get3A_1016 = arith.constant 16 : index
      %get3A_1017 = tpu.vector_load %arg10[%get3A_1013, %get3A_1014, %get3A_1015, %get3A_1016] {strides = array<i32>} : memref<2x16x8x32xf32, #tpu.memory_space<vmem>>, vector<1x1x1x16xf32>,
      %get3A_1018 = vector.shape_cast %get3A_1017 : vector<1x1x1x16xf32> to vector<16xf32>
      %get3A_1019 = arith.constant 6 : i32
      %get3A_1020 = arith.index_cast %rem3A_701 : i32 to index
      %get3A_1021 = arith.index_cast %get3A_1019 : i32 to index
      %get3A_1022 = arith.index_cast %squeeze3A_1004 : i32 to index
      %get3A_1023 = arith.constant 0 : index
      %get3A_1024 = tpu.vector_load %arg11[%get3A_1020, %get3A_1021, %get3A_1022, %get3A_1023] {strides = array<i32>} : memref<2x16x8x32xf32, #tpu.memory_space<vmem>>, vector<1x1x1x16xf32>,
      %get3A_1025 = vector.shape_cast %get3A_1024 : vector<1x1x1x16xf32> to vector<16xf32>
      %get3A_1026 = arith.constant 6 : i32
      %get3A_1027 = arith.index_cast %rem3A_701 : i32 to index
      %get3A_1028 = arith.index_cast %get3A_1026 : i32 to index
      %get3A_1029 = arith.index_cast %squeeze3A_1004 : i32 to index
      %get3A_1030 = arith.constant 16 : index
      %get3A_1031 = tpu.vector_load %arg11[%get3A_1027, %get3A_1028, %get3A_1029, %get3A_1030] {strides = array<i32>} : memref<2x16x8x32xf32, #tpu.memory_space<vmem>>, vector<1x1x1x16xf32>,
      %get3A_1032 = vector.shape_cast %get3A_1031 : vector<1x1x1x16xf32> to vector<16xf32>
      %mul3A_1033 = arith.mulf %get3A_4, %get3A_1011 : vector<16xf32>
      %mul3A_1034 = arith.mulf %mul3A_1033, %get3A_1025 : vector<16xf32>
      %mul3A_1035 = arith.mulf %get3A_10, %get3A_1011 : vector<16xf32>
      %add3A_1036 = arith.addf %mul3A_1034, %mul3A_1035 : vector<16xf32>
      %mul3A_1037 = arith.mulf %get3A_16, %get3A_1025 : vector<16xf32>
      %add3A_1038 = arith.addf %add3A_1036, %mul3A_1037 : vector<16xf32>
      %mul3A_1039 = arith.mulf %get3A_7, %get3A_1018 : vector<16xf32>
      %mul3A_1040 = arith.mulf %mul3A_1039, %get3A_1032 : vector<16xf32>
      %add3A_1041 = arith.addf %add3A_1038, %mul3A_1040 : vector<16xf32>
      %mul3A_1042 = arith.mulf %get3A_13, %get3A_1018 : vector<16xf32>
      %add3A_1043 = arith.addf %add3A_1041, %mul3A_1042 : vector<16xf32>
      %mul3A_1044 = arith.mulf %get3A_19, %get3A_1032 : vector<16xf32>
      %add3A_1045 = arith.addf %add3A_1043, %mul3A_1044 : vector<16xf32>
      %slice3A_1046 = vector.extract_strided_slice %and3A_722 {offsets = [7], sizes = [1], strides = [1]} : vector<16xi32> to vector<1xi32>
      %squeeze3A_1047 = vector.extract %slice3A_1046[0] : i32 from vector<1xi32>
      %slice3A_1048 = vector.extract_strided_slice %and3A_730 {offsets = [7], sizes = [1], strides = [1]} : vector<16xi32> to vector<1xi32>
      %squeeze3A_1049 = vector.extract %slice3A_1048[0] : i32 from vector<1xi32>
      %get3A_1050 = arith.constant 7 : i32
      %get3A_1051 = arith.index_cast %rem3A_701 : i32 to index
      %get3A_1052 = arith.index_cast %get3A_1050 : i32 to index
      %get3A_1053 = arith.index_cast %squeeze3A_1047 : i32 to index
      %get3A_1054 = arith.constant 0 : index
      %get3A_1055 = tpu.vector_load %arg10[%get3A_1051, %get3A_1052, %get3A_1053, %get3A_1054] {strides = array<i32>} : memref<2x16x8x32xf32, #tpu.memory_space<vmem>>, vector<1x1x1x16xf32>,
      %get3A_1056 = vector.shape_cast %get3A_1055 : vector<1x1x1x16xf32> to vector<16xf32>
      %get3A_1057 = arith.constant 7 : i32
      %get3A_1058 = arith.index_cast %rem3A_701 : i32 to index
      %get3A_1059 = arith.index_cast %get3A_1057 : i32 to index
      %get3A_1060 = arith.index_cast %squeeze3A_1047 : i32 to index
      %get3A_1061 = arith.constant 16 : index
      %get3A_1062 = tpu.vector_load %arg10[%get3A_1058, %get3A_1059, %get3A_1060, %get3A_1061] {strides = array<i32>} : memref<2x16x8x32xf32, #tpu.memory_space<vmem>>, vector<1x1x1x16xf32>,
      %get3A_1063 = vector.shape_cast %get3A_1062 : vector<1x1x1x16xf32> to vector<16xf32>
      %get3A_1064 = arith.constant 7 : i32
      %get3A_1065 = arith.index_cast %rem3A_701 : i32 to index
      %get3A_1066 = arith.index_cast %get3A_1064 : i32 to index
      %get3A_1067 = arith.index_cast %squeeze3A_1049 : i32 to index
      %get3A_1068 = arith.constant 0 : index
      %get3A_1069 = tpu.vector_load %arg11[%get3A_1065, %get3A_1066, %get3A_1067, %get3A_1068] {strides = array<i32>} : memref<2x16x8x32xf32, #tpu.memory_space<vmem>>, vector<1x1x1x16xf32>,
      %get3A_1070 = vector.shape_cast %get3A_1069 : vector<1x1x1x16xf32> to vector<16xf32>
      %get3A_1071 = arith.constant 7 : i32
      %get3A_1072 = arith.index_cast %rem3A_701 : i32 to index
      %get3A_1073 = arith.index_cast %get3A_1071 : i32 to index
      %get3A_1074 = arith.index_cast %squeeze3A_1049 : i32 to index
      %get3A_1075 = arith.constant 16 : index
      %get3A_1076 = tpu.vector_load %arg11[%get3A_1072, %get3A_1073, %get3A_1074, %get3A_1075] {strides = array<i32>} : memref<2x16x8x32xf32, #tpu.memory_space<vmem>>, vector<1x1x1x16xf32>,
      %get3A_1077 = vector.shape_cast %get3A_1076 : vector<1x1x1x16xf32> to vector<16xf32>
      %mul3A_1078 = arith.mulf %get3A_4, %get3A_1056 : vector<16xf32>
      %mul3A_1079 = arith.mulf %mul3A_1078, %get3A_1070 : vector<16xf32>
      %mul3A_1080 = arith.mulf %get3A_10, %get3A_1056 : vector<16xf32>
      %add3A_1081 = arith.addf %mul3A_1079, %mul3A_1080 : vector<16xf32>
      %mul3A_1082 = arith.mulf %get3A_16, %get3A_1070 : vector<16xf32>
      %add3A_1083 = arith.addf %add3A_1081, %mul3A_1082 : vector<16xf32>
      %mul3A_1084 = arith.mulf %get3A_7, %get3A_1063 : vector<16xf32>
      %mul3A_1085 = arith.mulf %mul3A_1084, %get3A_1077 : vector<16xf32>
      %add3A_1086 = arith.addf %add3A_1083, %mul3A_1085 : vector<16xf32>
      %mul3A_1087 = arith.mulf %get3A_13, %get3A_1063 : vector<16xf32>
      %add3A_1088 = arith.addf %add3A_1086, %mul3A_1087 : vector<16xf32>
      %mul3A_1089 = arith.mulf %get3A_19, %get3A_1077 : vector<16xf32>
      %add3A_1090 = arith.addf %add3A_1088, %mul3A_1089 : vector<16xf32>
      %slice3A_1091 = vector.extract_strided_slice %and3A_722 {offsets = [8], sizes = [1], strides = [1]} : vector<16xi32> to vector<1xi32>
      %squeeze3A_1092 = vector.extract %slice3A_1091[0] : i32 from vector<1xi32>
      %slice3A_1093 = vector.extract_strided_slice %and3A_730 {offsets = [8], sizes = [1], strides = [1]} : vector<16xi32> to vector<1xi32>
      %squeeze3A_1094 = vector.extract %slice3A_1093[0] : i32 from vector<1xi32>
      %get3A_1095 = arith.constant 8 : i32
      %get3A_1096 = arith.index_cast %rem3A_701 : i32 to index
      %get3A_1097 = arith.index_cast %get3A_1095 : i32 to index
      %get3A_1098 = arith.index_cast %squeeze3A_1092 : i32 to index
      %get3A_1099 = arith.constant 0 : index
      %get3A_1100 = tpu.vector_load %arg10[%get3A_1096, %get3A_1097, %get3A_1098, %get3A_1099] {strides = array<i32>} : memref<2x16x8x32xf32, #tpu.memory_space<vmem>>, vector<1x1x1x16xf32>,
      %get3A_1101 = vector.shape_cast %get3A_1100 : vector<1x1x1x16xf32> to vector<16xf32>
      %get3A_1102 = arith.constant 8 : i32
      %get3A_1103 = arith.index_cast %rem3A_701 : i32 to index
      %get3A_1104 = arith.index_cast %get3A_1102 : i32 to index
      %get3A_1105 = arith.index_cast %squeeze3A_1092 : i32 to index
      %get3A_1106 = arith.constant 16 : index
      %get3A_1107 = tpu.vector_load %arg10[%get3A_1103, %get3A_1104, %get3A_1105, %get3A_1106] {strides = array<i32>} : memref<2x16x8x32xf32, #tpu.memory_space<vmem>>, vector<1x1x1x16xf32>,
      %get3A_1108 = vector.shape_cast %get3A_1107 : vector<1x1x1x16xf32> to vector<16xf32>
      %get3A_1109 = arith.constant 8 : i32
      %get3A_1110 = arith.index_cast %rem3A_701 : i32 to index
      %get3A_1111 = arith.index_cast %get3A_1109 : i32 to index
      %get3A_1112 = arith.index_cast %squeeze3A_1094 : i32 to index
      %get3A_1113 = arith.constant 0 : index
      %get3A_1114 = tpu.vector_load %arg11[%get3A_1110, %get3A_1111, %get3A_1112, %get3A_1113] {strides = array<i32>} : memref<2x16x8x32xf32, #tpu.memory_space<vmem>>, vector<1x1x1x16xf32>,
      %get3A_1115 = vector.shape_cast %get3A_1114 : vector<1x1x1x16xf32> to vector<16xf32>
      %get3A_1116 = arith.constant 8 : i32
      %get3A_1117 = arith.index_cast %rem3A_701 : i32 to index
      %get3A_1118 = arith.index_cast %get3A_1116 : i32 to index
      %get3A_1119 = arith.index_cast %squeeze3A_1094 : i32 to index
      %get3A_1120 = arith.constant 16 : index
      %get3A_1121 = tpu.vector_load %arg11[%get3A_1117, %get3A_1118, %get3A_1119, %get3A_1120] {strides = array<i32>} : memref<2x16x8x32xf32, #tpu.memory_space<vmem>>, vector<1x1x1x16xf32>,
      %get3A_1122 = vector.shape_cast %get3A_1121 : vector<1x1x1x16xf32> to vector<16xf32>
      %mul3A_1123 = arith.mulf %get3A_4, %get3A_1101 : vector<16xf32>
      %mul3A_1124 = arith.mulf %mul3A_1123, %get3A_1115 : vector<16xf32>
      %mul3A_1125 = arith.mulf %get3A_10, %get3A_1101 : vector<16xf32>
      %add3A_1126 = arith.addf %mul3A_1124, %mul3A_1125 : vector<16xf32>
      %mul3A_1127 = arith.mulf %get3A_16, %get3A_1115 : vector<16xf32>
      %add3A_1128 = arith.addf %add3A_1126, %mul3A_1127 : vector<16xf32>
      %mul3A_1129 = arith.mulf %get3A_7, %get3A_1108 : vector<16xf32>
      %mul3A_1130 = arith.mulf %mul3A_1129, %get3A_1122 : vector<16xf32>
      %add3A_1131 = arith.addf %add3A_1128, %mul3A_1130 : vector<16xf32>
      %mul3A_1132 = arith.mulf %get3A_13, %get3A_1108 : vector<16xf32>
      %add3A_1133 = arith.addf %add3A_1131, %mul3A_1132 : vector<16xf32>
      %mul3A_1134 = arith.mulf %get3A_19, %get3A_1122 : vector<16xf32>
      %add3A_1135 = arith.addf %add3A_1133, %mul3A_1134 : vector<16xf32>
      %slice3A_1136 = vector.extract_strided_slice %and3A_722 {offsets = [9], sizes = [1], strides = [1]} : vector<16xi32> to vector<1xi32>
      %squeeze3A_1137 = vector.extract %slice3A_1136[0] : i32 from vector<1xi32>
      %slice3A_1138 = vector.extract_strided_slice %and3A_730 {offsets = [9], sizes = [1], strides = [1]} : vector<16xi32> to vector<1xi32>
      %squeeze3A_1139 = vector.extract %slice3A_1138[0] : i32 from vector<1xi32>
      %get3A_1140 = arith.constant 9 : i32
      %get3A_1141 = arith.index_cast %rem3A_701 : i32 to index
      %get3A_1142 = arith.index_cast %get3A_1140 : i32 to index
      %get3A_1143 = arith.index_cast %squeeze3A_1137 : i32 to index
      %get3A_1144 = arith.constant 0 : index
      %get3A_1145 = tpu.vector_load %arg10[%get3A_1141, %get3A_1142, %get3A_1143, %get3A_1144] {strides = array<i32>} : memref<2x16x8x32xf32, #tpu.memory_space<vmem>>, vector<1x1x1x16xf32>,
      %get3A_1146 = vector.shape_cast %get3A_1145 : vector<1x1x1x16xf32> to vector<16xf32>
      %get3A_1147 = arith.constant 9 : i32
      %get3A_1148 = arith.index_cast %rem3A_701 : i32 to index
      %get3A_1149 = arith.index_cast %get3A_1147 : i32 to index
      %get3A_1150 = arith.index_cast %squeeze3A_1137 : i32 to index
      %get3A_1151 = arith.constant 16 : index
      %get3A_1152 = tpu.vector_load %arg10[%get3A_1148, %get3A_1149, %get3A_1150, %get3A_1151] {strides = array<i32>} : memref<2x16x8x32xf32, #tpu.memory_space<vmem>>, vector<1x1x1x16xf32>,
      %get3A_1153 = vector.shape_cast %get3A_1152 : vector<1x1x1x16xf32> to vector<16xf32>
      %get3A_1154 = arith.constant 9 : i32
      %get3A_1155 = arith.index_cast %rem3A_701 : i32 to index
      %get3A_1156 = arith.index_cast %get3A_1154 : i32 to index
      %get3A_1157 = arith.index_cast %squeeze3A_1139 : i32 to index
      %get3A_1158 = arith.constant 0 : index
      %get3A_1159 = tpu.vector_load %arg11[%get3A_1155, %get3A_1156, %get3A_1157, %get3A_1158] {strides = array<i32>} : memref<2x16x8x32xf32, #tpu.memory_space<vmem>>, vector<1x1x1x16xf32>,
      %get3A_1160 = vector.shape_cast %get3A_1159 : vector<1x1x1x16xf32> to vector<16xf32>
      %get3A_1161 = arith.constant 9 : i32
      %get3A_1162 = arith.index_cast %rem3A_701 : i32 to index
      %get3A_1163 = arith.index_cast %get3A_1161 : i32 to index
      %get3A_1164 = arith.index_cast %squeeze3A_1139 : i32 to index
      %get3A_1165 = arith.constant 16 : index
      %get3A_1166 = tpu.vector_load %arg11[%get3A_1162, %get3A_1163, %get3A_1164, %get3A_1165] {strides = array<i32>} : memref<2x16x8x32xf32, #tpu.memory_space<vmem>>, vector<1x1x1x16xf32>,
      %get3A_1167 = vector.shape_cast %get3A_1166 : vector<1x1x1x16xf32> to vector<16xf32>
      %mul3A_1168 = arith.mulf %get3A_4, %get3A_1146 : vector<16xf32>
      %mul3A_1169 = arith.mulf %mul3A_1168, %get3A_1160 : vector<16xf32>
      %mul3A_1170 = arith.mulf %get3A_10, %get3A_1146 : vector<16xf32>
      %add3A_1171 = arith.addf %mul3A_1169, %mul3A_1170 : vector<16xf32>
      %mul3A_1172 = arith.mulf %get3A_16, %get3A_1160 : vector<16xf32>
      %add3A_1173 = arith.addf %add3A_1171, %mul3A_1172 : vector<16xf32>
      %mul3A_1174 = arith.mulf %get3A_7, %get3A_1153 : vector<16xf32>
      %mul3A_1175 = arith.mulf %mul3A_1174, %get3A_1167 : vector<16xf32>
      %add3A_1176 = arith.addf %add3A_1173, %mul3A_1175 : vector<16xf32>
      %mul3A_1177 = arith.mulf %get3A_13, %get3A_1153 : vector<16xf32>
      %add3A_1178 = arith.addf %add3A_1176, %mul3A_1177 : vector<16xf32>
      %mul3A_1179 = arith.mulf %get3A_19, %get3A_1167 : vector<16xf32>
      %add3A_1180 = arith.addf %add3A_1178, %mul3A_1179 : vector<16xf32>
      %slice3A_1181 = vector.extract_strided_slice %and3A_722 {offsets = [10], sizes = [1], strides = [1]} : vector<16xi32> to vector<1xi32>
      %squeeze3A_1182 = vector.extract %slice3A_1181[0] : i32 from vector<1xi32>
      %slice3A_1183 = vector.extract_strided_slice %and3A_730 {offsets = [10], sizes = [1], strides = [1]} : vector<16xi32> to vector<1xi32>
      %squeeze3A_1184 = vector.extract %slice3A_1183[0] : i32 from vector<1xi32>
      %get3A_1185 = arith.constant 10 : i32
      %get3A_1186 = arith.index_cast %rem3A_701 : i32 to index
      %get3A_1187 = arith.index_cast %get3A_1185 : i32 to index
      %get3A_1188 = arith.index_cast %squeeze3A_1182 : i32 to index
      %get3A_1189 = arith.constant 0 : index
      %get3A_1190 = tpu.vector_load %arg10[%get3A_1186, %get3A_1187, %get3A_1188, %get3A_1189] {strides = array<i32>} : memref<2x16x8x32xf32, #tpu.memory_space<vmem>>, vector<1x1x1x16xf32>,
      %get3A_1191 = vector.shape_cast %get3A_1190 : vector<1x1x1x16xf32> to vector<16xf32>
      %get3A_1192 = arith.constant 10 : i32
      %get3A_1193 = arith.index_cast %rem3A_701 : i32 to index
      %get3A_1194 = arith.index_cast %get3A_1192 : i32 to index
      %get3A_1195 = arith.index_cast %squeeze3A_1182 : i32 to index
      %get3A_1196 = arith.constant 16 : index
      %get3A_1197 = tpu.vector_load %arg10[%get3A_1193, %get3A_1194, %get3A_1195, %get3A_1196] {strides = array<i32>} : memref<2x16x8x32xf32, #tpu.memory_space<vmem>>, vector<1x1x1x16xf32>,
      %get3A_1198 = vector.shape_cast %get3A_1197 : vector<1x1x1x16xf32> to vector<16xf32>
      %get3A_1199 = arith.constant 10 : i32
      %get3A_1200 = arith.index_cast %rem3A_701 : i32 to index
      %get3A_1201 = arith.index_cast %get3A_1199 : i32 to index
      %get3A_1202 = arith.index_cast %squeeze3A_1184 : i32 to index
      %get3A_1203 = arith.constant 0 : index
      %get3A_1204 = tpu.vector_load %arg11[%get3A_1200, %get3A_1201, %get3A_1202, %get3A_1203] {strides = array<i32>} : memref<2x16x8x32xf32, #tpu.memory_space<vmem>>, vector<1x1x1x16xf32>,
      %get3A_1205 = vector.shape_cast %get3A_1204 : vector<1x1x1x16xf32> to vector<16xf32>
      %get3A_1206 = arith.constant 10 : i32
      %get3A_1207 = arith.index_cast %rem3A_701 : i32 to index
      %get3A_1208 = arith.index_cast %get3A_1206 : i32 to index
      %get3A_1209 = arith.index_cast %squeeze3A_1184 : i32 to index
      %get3A_1210 = arith.constant 16 : index
      %get3A_1211 = tpu.vector_load %arg11[%get3A_1207, %get3A_1208, %get3A_1209, %get3A_1210] {strides = array<i32>} : memref<2x16x8x32xf32, #tpu.memory_space<vmem>>, vector<1x1x1x16xf32>,
      %get3A_1212 = vector.shape_cast %get3A_1211 : vector<1x1x1x16xf32> to vector<16xf32>
      %mul3A_1213 = arith.mulf %get3A_4, %get3A_1191 : vector<16xf32>
      %mul3A_1214 = arith.mulf %mul3A_1213, %get3A_1205 : vector<16xf32>
      %mul3A_1215 = arith.mulf %get3A_10, %get3A_1191 : vector<16xf32>
      %add3A_1216 = arith.addf %mul3A_1214, %mul3A_1215 : vector<16xf32>
      %mul3A_1217 = arith.mulf %get3A_16, %get3A_1205 : vector<16xf32>
      %add3A_1218 = arith.addf %add3A_1216, %mul3A_1217 : vector<16xf32>
      %mul3A_1219 = arith.mulf %get3A_7, %get3A_1198 : vector<16xf32>
      %mul3A_1220 = arith.mulf %mul3A_1219, %get3A_1212 : vector<16xf32>
      %add3A_1221 = arith.addf %add3A_1218, %mul3A_1220 : vector<16xf32>
      %mul3A_1222 = arith.mulf %get3A_13, %get3A_1198 : vector<16xf32>
      %add3A_1223 = arith.addf %add3A_1221, %mul3A_1222 : vector<16xf32>
      %mul3A_1224 = arith.mulf %get3A_19, %get3A_1212 : vector<16xf32>
      %add3A_1225 = arith.addf %add3A_1223, %mul3A_1224 : vector<16xf32>
      %slice3A_1226 = vector.extract_strided_slice %and3A_722 {offsets = [11], sizes = [1], strides = [1]} : vector<16xi32> to vector<1xi32>
      %squeeze3A_1227 = vector.extract %slice3A_1226[0] : i32 from vector<1xi32>
      %slice3A_1228 = vector.extract_strided_slice %and3A_730 {offsets = [11], sizes = [1], strides = [1]} : vector<16xi32> to vector<1xi32>
      %squeeze3A_1229 = vector.extract %slice3A_1228[0] : i32 from vector<1xi32>
      %get3A_1230 = arith.constant 11 : i32
      %get3A_1231 = arith.index_cast %rem3A_701 : i32 to index
      %get3A_1232 = arith.index_cast %get3A_1230 : i32 to index
      %get3A_1233 = arith.index_cast %squeeze3A_1227 : i32 to index
      %get3A_1234 = arith.constant 0 : index
      %get3A_1235 = tpu.vector_load %arg10[%get3A_1231, %get3A_1232, %get3A_1233, %get3A_1234] {strides = array<i32>} : memref<2x16x8x32xf32, #tpu.memory_space<vmem>>, vector<1x1x1x16xf32>,
      %get3A_1236 = vector.shape_cast %get3A_1235 : vector<1x1x1x16xf32> to vector<16xf32>
      %get3A_1237 = arith.constant 11 : i32
      %get3A_1238 = arith.index_cast %rem3A_701 : i32 to index
      %get3A_1239 = arith.index_cast %get3A_1237 : i32 to index
      %get3A_1240 = arith.index_cast %squeeze3A_1227 : i32 to index
      %get3A_1241 = arith.constant 16 : index
      %get3A_1242 = tpu.vector_load %arg10[%get3A_1238, %get3A_1239, %get3A_1240, %get3A_1241] {strides = array<i32>} : memref<2x16x8x32xf32, #tpu.memory_space<vmem>>, vector<1x1x1x16xf32>,
      %get3A_1243 = vector.shape_cast %get3A_1242 : vector<1x1x1x16xf32> to vector<16xf32>
      %get3A_1244 = arith.constant 11 : i32
      %get3A_1245 = arith.index_cast %rem3A_701 : i32 to index
      %get3A_1246 = arith.index_cast %get3A_1244 : i32 to index
      %get3A_1247 = arith.index_cast %squeeze3A_1229 : i32 to index
      %get3A_1248 = arith.constant 0 : index
      %get3A_1249 = tpu.vector_load %arg11[%get3A_1245, %get3A_1246, %get3A_1247, %get3A_1248] {strides = array<i32>} : memref<2x16x8x32xf32, #tpu.memory_space<vmem>>, vector<1x1x1x16xf32>,
      %get3A_1250 = vector.shape_cast %get3A_1249 : vector<1x1x1x16xf32> to vector<16xf32>
      %get3A_1251 = arith.constant 11 : i32
      %get3A_1252 = arith.index_cast %rem3A_701 : i32 to index
      %get3A_1253 = arith.index_cast %get3A_1251 : i32 to index
      %get3A_1254 = arith.index_cast %squeeze3A_1229 : i32 to index
      %get3A_1255 = arith.constant 16 : index
      %get3A_1256 = tpu.vector_load %arg11[%get3A_1252, %get3A_1253, %get3A_1254, %get3A_1255] {strides = array<i32>} : memref<2x16x8x32xf32, #tpu.memory_space<vmem>>, vector<1x1x1x16xf32>,
      %get3A_1257 = vector.shape_cast %get3A_1256 : vector<1x1x1x16xf32> to vector<16xf32>
      %mul3A_1258 = arith.mulf %get3A_4, %get3A_1236 : vector<16xf32>
      %mul3A_1259 = arith.mulf %mul3A_1258, %get3A_1250 : vector<16xf32>
      %mul3A_1260 = arith.mulf %get3A_10, %get3A_1236 : vector<16xf32>
      %add3A_1261 = arith.addf %mul3A_1259, %mul3A_1260 : vector<16xf32>
      %mul3A_1262 = arith.mulf %get3A_16, %get3A_1250 : vector<16xf32>
      %add3A_1263 = arith.addf %add3A_1261, %mul3A_1262 : vector<16xf32>
      %mul3A_1264 = arith.mulf %get3A_7, %get3A_1243 : vector<16xf32>
      %mul3A_1265 = arith.mulf %mul3A_1264, %get3A_1257 : vector<16xf32>
      %add3A_1266 = arith.addf %add3A_1263, %mul3A_1265 : vector<16xf32>
      %mul3A_1267 = arith.mulf %get3A_13, %get3A_1243 : vector<16xf32>
      %add3A_1268 = arith.addf %add3A_1266, %mul3A_1267 : vector<16xf32>
      %mul3A_1269 = arith.mulf %get3A_19, %get3A_1257 : vector<16xf32>
      %add3A_1270 = arith.addf %add3A_1268, %mul3A_1269 : vector<16xf32>
      %slice3A_1271 = vector.extract_strided_slice %and3A_722 {offsets = [12], sizes = [1], strides = [1]} : vector<16xi32> to vector<1xi32>
      %squeeze3A_1272 = vector.extract %slice3A_1271[0] : i32 from vector<1xi32>
      %slice3A_1273 = vector.extract_strided_slice %and3A_730 {offsets = [12], sizes = [1], strides = [1]} : vector<16xi32> to vector<1xi32>
      %squeeze3A_1274 = vector.extract %slice3A_1273[0] : i32 from vector<1xi32>
      %get3A_1275 = arith.constant 12 : i32
      %get3A_1276 = arith.index_cast %rem3A_701 : i32 to index
      %get3A_1277 = arith.index_cast %get3A_1275 : i32 to index
      %get3A_1278 = arith.index_cast %squeeze3A_1272 : i32 to index
      %get3A_1279 = arith.constant 0 : index
      %get3A_1280 = tpu.vector_load %arg10[%get3A_1276, %get3A_1277, %get3A_1278, %get3A_1279] {strides = array<i32>} : memref<2x16x8x32xf32, #tpu.memory_space<vmem>>, vector<1x1x1x16xf32>,
      %get3A_1281 = vector.shape_cast %get3A_1280 : vector<1x1x1x16xf32> to vector<16xf32>
      %get3A_1282 = arith.constant 12 : i32
      %get3A_1283 = arith.index_cast %rem3A_701 : i32 to index
      %get3A_1284 = arith.index_cast %get3A_1282 : i32 to index
      %get3A_1285 = arith.index_cast %squeeze3A_1272 : i32 to index
      %get3A_1286 = arith.constant 16 : index
      %get3A_1287 = tpu.vector_load %arg10[%get3A_1283, %get3A_1284, %get3A_1285, %get3A_1286] {strides = array<i32>} : memref<2x16x8x32xf32, #tpu.memory_space<vmem>>, vector<1x1x1x16xf32>,
      %get3A_1288 = vector.shape_cast %get3A_1287 : vector<1x1x1x16xf32> to vector<16xf32>
      %get3A_1289 = arith.constant 12 : i32
      %get3A_1290 = arith.index_cast %rem3A_701 : i32 to index
      %get3A_1291 = arith.index_cast %get3A_1289 : i32 to index
      %get3A_1292 = arith.index_cast %squeeze3A_1274 : i32 to index
      %get3A_1293 = arith.constant 0 : index
      %get3A_1294 = tpu.vector_load %arg11[%get3A_1290, %get3A_1291, %get3A_1292, %get3A_1293] {strides = array<i32>} : memref<2x16x8x32xf32, #tpu.memory_space<vmem>>, vector<1x1x1x16xf32>,
      %get3A_1295 = vector.shape_cast %get3A_1294 : vector<1x1x1x16xf32> to vector<16xf32>
      %get3A_1296 = arith.constant 12 : i32
      %get3A_1297 = arith.index_cast %rem3A_701 : i32 to index
      %get3A_1298 = arith.index_cast %get3A_1296 : i32 to index
      %get3A_1299 = arith.index_cast %squeeze3A_1274 : i32 to index
      %get3A_1300 = arith.constant 16 : index
      %get3A_1301 = tpu.vector_load %arg11[%get3A_1297, %get3A_1298, %get3A_1299, %get3A_1300] {strides = array<i32>} : memref<2x16x8x32xf32, #tpu.memory_space<vmem>>, vector<1x1x1x16xf32>,
      %get3A_1302 = vector.shape_cast %get3A_1301 : vector<1x1x1x16xf32> to vector<16xf32>
      %mul3A_1303 = arith.mulf %get3A_4, %get3A_1281 : vector<16xf32>
      %mul3A_1304 = arith.mulf %mul3A_1303, %get3A_1295 : vector<16xf32>
      %mul3A_1305 = arith.mulf %get3A_10, %get3A_1281 : vector<16xf32>
      %add3A_1306 = arith.addf %mul3A_1304, %mul3A_1305 : vector<16xf32>
      %mul3A_1307 = arith.mulf %get3A_16, %get3A_1295 : vector<16xf32>
      %add3A_1308 = arith.addf %add3A_1306, %mul3A_1307 : vector<16xf32>
      %mul3A_1309 = arith.mulf %get3A_7, %get3A_1288 : vector<16xf32>
      %mul3A_1310 = arith.mulf %mul3A_1309, %get3A_1302 : vector<16xf32>
      %add3A_1311 = arith.addf %add3A_1308, %mul3A_1310 : vector<16xf32>
      %mul3A_1312 = arith.mulf %get3A_13, %get3A_1288 : vector<16xf32>
      %add3A_1313 = arith.addf %add3A_1311, %mul3A_1312 : vector<16xf32>
      %mul3A_1314 = arith.mulf %get3A_19, %get3A_1302 : vector<16xf32>
      %add3A_1315 = arith.addf %add3A_1313, %mul3A_1314 : vector<16xf32>
      %slice3A_1316 = vector.extract_strided_slice %and3A_722 {offsets = [13], sizes = [1], strides = [1]} : vector<16xi32> to vector<1xi32>
      %squeeze3A_1317 = vector.extract %slice3A_1316[0] : i32 from vector<1xi32>
      %slice3A_1318 = vector.extract_strided_slice %and3A_730 {offsets = [13], sizes = [1], strides = [1]} : vector<16xi32> to vector<1xi32>
      %squeeze3A_1319 = vector.extract %slice3A_1318[0] : i32 from vector<1xi32>
      %get3A_1320 = arith.constant 13 : i32
      %get3A_1321 = arith.index_cast %rem3A_701 : i32 to index
      %get3A_1322 = arith.index_cast %get3A_1320 : i32 to index
      %get3A_1323 = arith.index_cast %squeeze3A_1317 : i32 to index
      %get3A_1324 = arith.constant 0 : index
      %get3A_1325 = tpu.vector_load %arg10[%get3A_1321, %get3A_1322, %get3A_1323, %get3A_1324] {strides = array<i32>} : memref<2x16x8x32xf32, #tpu.memory_space<vmem>>, vector<1x1x1x16xf32>,
      %get3A_1326 = vector.shape_cast %get3A_1325 : vector<1x1x1x16xf32> to vector<16xf32>
      %get3A_1327 = arith.constant 13 : i32
      %get3A_1328 = arith.index_cast %rem3A_701 : i32 to index
      %get3A_1329 = arith.index_cast %get3A_1327 : i32 to index
      %get3A_1330 = arith.index_cast %squeeze3A_1317 : i32 to index
      %get3A_1331 = arith.constant 16 : index
      %get3A_1332 = tpu.vector_load %arg10[%get3A_1328, %get3A_1329, %get3A_1330, %get3A_1331] {strides = array<i32>} : memref<2x16x8x32xf32, #tpu.memory_space<vmem>>, vector<1x1x1x16xf32>,
      %get3A_1333 = vector.shape_cast %get3A_1332 : vector<1x1x1x16xf32> to vector<16xf32>
      %get3A_1334 = arith.constant 13 : i32
      %get3A_1335 = arith.index_cast %rem3A_701 : i32 to index
      %get3A_1336 = arith.index_cast %get3A_1334 : i32 to index
      %get3A_1337 = arith.index_cast %squeeze3A_1319 : i32 to index
      %get3A_1338 = arith.constant 0 : index
      %get3A_1339 = tpu.vector_load %arg11[%get3A_1335, %get3A_1336, %get3A_1337, %get3A_1338] {strides = array<i32>} : memref<2x16x8x32xf32, #tpu.memory_space<vmem>>, vector<1x1x1x16xf32>,
      %get3A_1340 = vector.shape_cast %get3A_1339 : vector<1x1x1x16xf32> to vector<16xf32>
      %get3A_1341 = arith.constant 13 : i32
      %get3A_1342 = arith.index_cast %rem3A_701 : i32 to index
      %get3A_1343 = arith.index_cast %get3A_1341 : i32 to index
      %get3A_1344 = arith.index_cast %squeeze3A_1319 : i32 to index
      %get3A_1345 = arith.constant 16 : index
      %get3A_1346 = tpu.vector_load %arg11[%get3A_1342, %get3A_1343, %get3A_1344, %get3A_1345] {strides = array<i32>} : memref<2x16x8x32xf32, #tpu.memory_space<vmem>>, vector<1x1x1x16xf32>,
      %get3A_1347 = vector.shape_cast %get3A_1346 : vector<1x1x1x16xf32> to vector<16xf32>
      %mul3A_1348 = arith.mulf %get3A_4, %get3A_1326 : vector<16xf32>
      %mul3A_1349 = arith.mulf %mul3A_1348, %get3A_1340 : vector<16xf32>
      %mul3A_1350 = arith.mulf %get3A_10, %get3A_1326 : vector<16xf32>
      %add3A_1351 = arith.addf %mul3A_1349, %mul3A_1350 : vector<16xf32>
      %mul3A_1352 = arith.mulf %get3A_16, %get3A_1340 : vector<16xf32>
      %add3A_1353 = arith.addf %add3A_1351, %mul3A_1352 : vector<16xf32>
      %mul3A_1354 = arith.mulf %get3A_7, %get3A_1333 : vector<16xf32>
      %mul3A_1355 = arith.mulf %mul3A_1354, %get3A_1347 : vector<16xf32>
      %add3A_1356 = arith.addf %add3A_1353, %mul3A_1355 : vector<16xf32>
      %mul3A_1357 = arith.mulf %get3A_13, %get3A_1333 : vector<16xf32>
      %add3A_1358 = arith.addf %add3A_1356, %mul3A_1357 : vector<16xf32>
      %mul3A_1359 = arith.mulf %get3A_19, %get3A_1347 : vector<16xf32>
      %add3A_1360 = arith.addf %add3A_1358, %mul3A_1359 : vector<16xf32>
      %slice3A_1361 = vector.extract_strided_slice %and3A_722 {offsets = [14], sizes = [1], strides = [1]} : vector<16xi32> to vector<1xi32>
      %squeeze3A_1362 = vector.extract %slice3A_1361[0] : i32 from vector<1xi32>
      %slice3A_1363 = vector.extract_strided_slice %and3A_730 {offsets = [14], sizes = [1], strides = [1]} : vector<16xi32> to vector<1xi32>
      %squeeze3A_1364 = vector.extract %slice3A_1363[0] : i32 from vector<1xi32>
      %get3A_1365 = arith.constant 14 : i32
      %get3A_1366 = arith.index_cast %rem3A_701 : i32 to index
      %get3A_1367 = arith.index_cast %get3A_1365 : i32 to index
      %get3A_1368 = arith.index_cast %squeeze3A_1362 : i32 to index
      %get3A_1369 = arith.constant 0 : index
      %get3A_1370 = tpu.vector_load %arg10[%get3A_1366, %get3A_1367, %get3A_1368, %get3A_1369] {strides = array<i32>} : memref<2x16x8x32xf32, #tpu.memory_space<vmem>>, vector<1x1x1x16xf32>,
      %get3A_1371 = vector.shape_cast %get3A_1370 : vector<1x1x1x16xf32> to vector<16xf32>
      %get3A_1372 = arith.constant 14 : i32
      %get3A_1373 = arith.index_cast %rem3A_701 : i32 to index
      %get3A_1374 = arith.index_cast %get3A_1372 : i32 to index
      %get3A_1375 = arith.index_cast %squeeze3A_1362 : i32 to index
      %get3A_1376 = arith.constant 16 : index
      %get3A_1377 = tpu.vector_load %arg10[%get3A_1373, %get3A_1374, %get3A_1375, %get3A_1376] {strides = array<i32>} : memref<2x16x8x32xf32, #tpu.memory_space<vmem>>, vector<1x1x1x16xf32>,
      %get3A_1378 = vector.shape_cast %get3A_1377 : vector<1x1x1x16xf32> to vector<16xf32>
      %get3A_1379 = arith.constant 14 : i32
      %get3A_1380 = arith.index_cast %rem3A_701 : i32 to index
      %get3A_1381 = arith.index_cast %get3A_1379 : i32 to index
      %get3A_1382 = arith.index_cast %squeeze3A_1364 : i32 to index
      %get3A_1383 = arith.constant 0 : index
      %get3A_1384 = tpu.vector_load %arg11[%get3A_1380, %get3A_1381, %get3A_1382, %get3A_1383] {strides = array<i32>} : memref<2x16x8x32xf32, #tpu.memory_space<vmem>>, vector<1x1x1x16xf32>,
      %get3A_1385 = vector.shape_cast %get3A_1384 : vector<1x1x1x16xf32> to vector<16xf32>
      %get3A_1386 = arith.constant 14 : i32
      %get3A_1387 = arith.index_cast %rem3A_701 : i32 to index
      %get3A_1388 = arith.index_cast %get3A_1386 : i32 to index
      %get3A_1389 = arith.index_cast %squeeze3A_1364 : i32 to index
      %get3A_1390 = arith.constant 16 : index
      %get3A_1391 = tpu.vector_load %arg11[%get3A_1387, %get3A_1388, %get3A_1389, %get3A_1390] {strides = array<i32>} : memref<2x16x8x32xf32, #tpu.memory_space<vmem>>, vector<1x1x1x16xf32>,
      %get3A_1392 = vector.shape_cast %get3A_1391 : vector<1x1x1x16xf32> to vector<16xf32>
      %mul3A_1393 = arith.mulf %get3A_4, %get3A_1371 : vector<16xf32>
      %mul3A_1394 = arith.mulf %mul3A_1393, %get3A_1385 : vector<16xf32>
      %mul3A_1395 = arith.mulf %get3A_10, %get3A_1371 : vector<16xf32>
      %add3A_1396 = arith.addf %mul3A_1394, %mul3A_1395 : vector<16xf32>
      %mul3A_1397 = arith.mulf %get3A_16, %get3A_1385 : vector<16xf32>
      %add3A_1398 = arith.addf %add3A_1396, %mul3A_1397 : vector<16xf32>
      %mul3A_1399 = arith.mulf %get3A_7, %get3A_1378 : vector<16xf32>
      %mul3A_1400 = arith.mulf %mul3A_1399, %get3A_1392 : vector<16xf32>
      %add3A_1401 = arith.addf %add3A_1398, %mul3A_1400 : vector<16xf32>
      %mul3A_1402 = arith.mulf %get3A_13, %get3A_1378 : vector<16xf32>
      %add3A_1403 = arith.addf %add3A_1401, %mul3A_1402 : vector<16xf32>
      %mul3A_1404 = arith.mulf %get3A_19, %get3A_1392 : vector<16xf32>
      %add3A_1405 = arith.addf %add3A_1403, %mul3A_1404 : vector<16xf32>
      %slice3A_1406 = vector.extract_strided_slice %and3A_722 {offsets = [15], sizes = [1], strides = [1]} : vector<16xi32> to vector<1xi32>
      %squeeze3A_1407 = vector.extract %slice3A_1406[0] : i32 from vector<1xi32>
      %slice3A_1408 = vector.extract_strided_slice %and3A_730 {offsets = [15], sizes = [1], strides = [1]} : vector<16xi32> to vector<1xi32>
      %squeeze3A_1409 = vector.extract %slice3A_1408[0] : i32 from vector<1xi32>
      %get3A_1410 = arith.constant 15 : i32
      %get3A_1411 = arith.index_cast %rem3A_701 : i32 to index
      %get3A_1412 = arith.index_cast %get3A_1410 : i32 to index
      %get3A_1413 = arith.index_cast %squeeze3A_1407 : i32 to index
      %get3A_1414 = arith.constant 0 : index
      %get3A_1415 = tpu.vector_load %arg10[%get3A_1411, %get3A_1412, %get3A_1413, %get3A_1414] {strides = array<i32>} : memref<2x16x8x32xf32, #tpu.memory_space<vmem>>, vector<1x1x1x16xf32>,
      %get3A_1416 = vector.shape_cast %get3A_1415 : vector<1x1x1x16xf32> to vector<16xf32>
      %get3A_1417 = arith.constant 15 : i32
      %get3A_1418 = arith.index_cast %rem3A_701 : i32 to index
      %get3A_1419 = arith.index_cast %get3A_1417 : i32 to index
      %get3A_1420 = arith.index_cast %squeeze3A_1407 : i32 to index
      %get3A_1421 = arith.constant 16 : index
      %get3A_1422 = tpu.vector_load %arg10[%get3A_1418, %get3A_1419, %get3A_1420, %get3A_1421] {strides = array<i32>} : memref<2x16x8x32xf32, #tpu.memory_space<vmem>>, vector<1x1x1x16xf32>,
      %get3A_1423 = vector.shape_cast %get3A_1422 : vector<1x1x1x16xf32> to vector<16xf32>
      %get3A_1424 = arith.constant 15 : i32
      %get3A_1425 = arith.index_cast %rem3A_701 : i32 to index
      %get3A_1426 = arith.index_cast %get3A_1424 : i32 to index
      %get3A_1427 = arith.index_cast %squeeze3A_1409 : i32 to index
      %get3A_1428 = arith.constant 0 : index
      %get3A_1429 = tpu.vector_load %arg11[%get3A_1425, %get3A_1426, %get3A_1427, %get3A_1428] {strides = array<i32>} : memref<2x16x8x32xf32, #tpu.memory_space<vmem>>, vector<1x1x1x16xf32>,
      %get3A_1430 = vector.shape_cast %get3A_1429 : vector<1x1x1x16xf32> to vector<16xf32>
      %get3A_1431 = arith.constant 15 : i32
      %get3A_1432 = arith.index_cast %rem3A_701 : i32 to index
      %get3A_1433 = arith.index_cast %get3A_1431 : i32 to index
      %get3A_1434 = arith.index_cast %squeeze3A_1409 : i32 to index
      %get3A_1435 = arith.constant 16 : index
      %get3A_1436 = tpu.vector_load %arg11[%get3A_1432, %get3A_1433, %get3A_1434, %get3A_1435] {strides = array<i32>} : memref<2x16x8x32xf32, #tpu.memory_space<vmem>>, vector<1x1x1x16xf32>,
      %get3A_1437 = vector.shape_cast %get3A_1436 : vector<1x1x1x16xf32> to vector<16xf32>
      %mul3A_1438 = arith.mulf %get3A_4, %get3A_1416 : vector<16xf32>
      %mul3A_1439 = arith.mulf %mul3A_1438, %get3A_1430 : vector<16xf32>
      %mul3A_1440 = arith.mulf %get3A_10, %get3A_1416 : vector<16xf32>
      %add3A_1441 = arith.addf %mul3A_1439, %mul3A_1440 : vector<16xf32>
      %mul3A_1442 = arith.mulf %get3A_16, %get3A_1430 : vector<16xf32>
      %add3A_1443 = arith.addf %add3A_1441, %mul3A_1442 : vector<16xf32>
      %mul3A_1444 = arith.mulf %get3A_7, %get3A_1423 : vector<16xf32>
      %mul3A_1445 = arith.mulf %mul3A_1444, %get3A_1437 : vector<16xf32>
      %add3A_1446 = arith.addf %add3A_1443, %mul3A_1445 : vector<16xf32>
      %mul3A_1447 = arith.mulf %get3A_13, %get3A_1423 : vector<16xf32>
      %add3A_1448 = arith.addf %add3A_1446, %mul3A_1447 : vector<16xf32>
      %mul3A_1449 = arith.mulf %get3A_19, %get3A_1437 : vector<16xf32>
      %add3A_1450 = arith.addf %add3A_1448, %mul3A_1449 : vector<16xf32>
      %and3A_1451 = arith.constant 8 : i32
      %and3A_1452 = vector.broadcast %and3A_1451 : i32 to vector<16xi32>
      %and3A_1453 = arith.andi %iota3A, %and3A_1452 : vector<16xi32>
      %eq3A_1454 = arith.constant 0 : i32
      %eq3A_1455 = vector.broadcast %eq3A_1454 : i32 to vector<16xi32>
      %eq3A_1456 = arith.cmpi eq, %and3A_1453, %eq3A_1455 : vector<16xi32>
      %xor3A = arith.constant 8 : i32
      %xor3A_1457 = vector.broadcast %xor3A : i32 to vector<16xi32>
      %xor3A_1458 = arith.xori %iota3A, %xor3A_1457 : vector<16xi32>
      %lt3A_1459 = arith.constant 0 : i32
      %lt3A_1460 = vector.broadcast %lt3A_1459 : i32 to vector<16xi32>
      %lt3A_1461 = arith.cmpi slt, %xor3A_1458, %lt3A_1460 : vector<16xi32>
      %add3A_1462 = arith.constant 16 : i32
      %add3A_1463 = vector.broadcast %add3A_1462 : i32 to vector<16xi32>
      %add3A_1464 = arith.addi %xor3A_1458, %add3A_1463 : vector<16xi32>
      %select_n3A = arith.select %lt3A_1461, %add3A_1464, %xor3A_1458 : vector<16xi1>, vector<16xi32>
      %broadcast_in_dim3A = vector.shape_cast %select_n3A : vector<16xi32> to vector<16x1xi32>
      %gather3A = vector.shape_cast %broadcast_in_dim3A : vector<16x1xi32> to vector<16xi32>
      %gather3A_1465 = tpu.dynamic_gather %add3A_820[%gather3A] in [0] : vector<16xf32>, vector<16xi32> -> vector<16xf32>
      %select_n3A_1466 = arith.select %eq3A_1456, %add3A_775, %gather3A_1465 : vector<16xi1>, vector<16xf32>
      %xor3A_1467 = arith.constant 8 : i32
      %xor3A_1468 = vector.broadcast %xor3A_1467 : i32 to vector<16xi32>
      %xor3A_1469 = arith.xori %iota3A, %xor3A_1468 : vector<16xi32>
      %lt3A_1470 = arith.constant 0 : i32
      %lt3A_1471 = vector.broadcast %lt3A_1470 : i32 to vector<16xi32>
      %lt3A_1472 = arith.cmpi slt, %xor3A_1469, %lt3A_1471 : vector<16xi32>
      %add3A_1473 = arith.constant 16 : i32
      %add3A_1474 = vector.broadcast %add3A_1473 : i32 to vector<16xi32>
      %add3A_1475 = arith.addi %xor3A_1469, %add3A_1474 : vector<16xi32>
      %select_n3A_1476 = arith.select %lt3A_1472, %add3A_1475, %xor3A_1469 : vector<16xi1>, vector<16xi32>
      %broadcast_in_dim3A_1477 = vector.shape_cast %select_n3A_1476 : vector<16xi32> to vector<16x1xi32>
      %gather3A_1478 = vector.shape_cast %broadcast_in_dim3A_1477 : vector<16x1xi32> to vector<16xi32>
      %gather3A_1479 = tpu.dynamic_gather %add3A_775[%gather3A_1478] in [0] : vector<16xf32>, vector<16xi32> -> vector<16xf32>
      %select_n3A_1480 = arith.select %eq3A_1456, %gather3A_1479, %add3A_820 : vector<16xi1>, vector<16xf32>
      %add3A_1481 = arith.addf %select_n3A_1466, %select_n3A_1480 : vector<16xf32>
      %and3A_1482 = arith.constant 8 : i32
      %and3A_1483 = vector.broadcast %and3A_1482 : i32 to vector<16xi32>
      %and3A_1484 = arith.andi %iota3A, %and3A_1483 : vector<16xi32>
      %eq3A_1485 = arith.constant 0 : i32
      %eq3A_1486 = vector.broadcast %eq3A_1485 : i32 to vector<16xi32>
      %eq3A_1487 = arith.cmpi eq, %and3A_1484, %eq3A_1486 : vector<16xi32>
      %xor3A_1488 = arith.constant 8 : i32
      %xor3A_1489 = vector.broadcast %xor3A_1488 : i32 to vector<16xi32>
      %xor3A_1490 = arith.xori %iota3A, %xor3A_1489 : vector<16xi32>
      %lt3A_1491 = arith.constant 0 : i32
      %lt3A_1492 = vector.broadcast %lt3A_1491 : i32 to vector<16xi32>
      %lt3A_1493 = arith.cmpi slt, %xor3A_1490, %lt3A_1492 : vector<16xi32>
      %add3A_1494 = arith.constant 16 : i32
      %add3A_1495 = vector.broadcast %add3A_1494 : i32 to vector<16xi32>
      %add3A_1496 = arith.addi %xor3A_1490, %add3A_1495 : vector<16xi32>
      %select_n3A_1497 = arith.select %lt3A_1493, %add3A_1496, %xor3A_1490 : vector<16xi1>, vector<16xi32>
      %broadcast_in_dim3A_1498 = vector.shape_cast %select_n3A_1497 : vector<16xi32> to vector<16x1xi32>
      %gather3A_1499 = vector.shape_cast %broadcast_in_dim3A_1498 : vector<16x1xi32> to vector<16xi32>
      %gather3A_1500 = tpu.dynamic_gather %add3A_910[%gather3A_1499] in [0] : vector<16xf32>, vector<16xi32> -> vector<16xf32>
      %select_n3A_1501 = arith.select %eq3A_1487, %add3A_865, %gather3A_1500 : vector<16xi1>, vector<16xf32>
      %xor3A_1502 = arith.constant 8 : i32
      %xor3A_1503 = vector.broadcast %xor3A_1502 : i32 to vector<16xi32>
      %xor3A_1504 = arith.xori %iota3A, %xor3A_1503 : vector<16xi32>
      %lt3A_1505 = arith.constant 0 : i32
      %lt3A_1506 = vector.broadcast %lt3A_1505 : i32 to vector<16xi32>
      %lt3A_1507 = arith.cmpi slt, %xor3A_1504, %lt3A_1506 : vector<16xi32>
      %add3A_1508 = arith.constant 16 : i32
      %add3A_1509 = vector.broadcast %add3A_1508 : i32 to vector<16xi32>
      %add3A_1510 = arith.addi %xor3A_1504, %add3A_1509 : vector<16xi32>
      %select_n3A_1511 = arith.select %lt3A_1507, %add3A_1510, %xor3A_1504 : vector<16xi1>, vector<16xi32>
      %broadcast_in_dim3A_1512 = vector.shape_cast %select_n3A_1511 : vector<16xi32> to vector<16x1xi32>
      %gather3A_1513 = vector.shape_cast %broadcast_in_dim3A_1512 : vector<16x1xi32> to vector<16xi32>
      %gather3A_1514 = tpu.dynamic_gather %add3A_865[%gather3A_1513] in [0] : vector<16xf32>, vector<16xi32> -> vector<16xf32>
      %select_n3A_1515 = arith.select %eq3A_1487, %gather3A_1514, %add3A_910 : vector<16xi1>, vector<16xf32>
      %add3A_1516 = arith.addf %select_n3A_1501, %select_n3A_1515 : vector<16xf32>
      %and3A_1517 = arith.constant 8 : i32
      %and3A_1518 = vector.broadcast %and3A_1517 : i32 to vector<16xi32>
      %and3A_1519 = arith.andi %iota3A, %and3A_1518 : vector<16xi32>
      %eq3A_1520 = arith.constant 0 : i32
      %eq3A_1521 = vector.broadcast %eq3A_1520 : i32 to vector<16xi32>
      %eq3A_1522 = arith.cmpi eq, %and3A_1519, %eq3A_1521 : vector<16xi32>
      %xor3A_1523 = arith.constant 8 : i32
      %xor3A_1524 = vector.broadcast %xor3A_1523 : i32 to vector<16xi32>
      %xor3A_1525 = arith.xori %iota3A, %xor3A_1524 : vector<16xi32>
      %lt3A_1526 = arith.constant 0 : i32
      %lt3A_1527 = vector.broadcast %lt3A_1526 : i32 to vector<16xi32>
      %lt3A_1528 = arith.cmpi slt, %xor3A_1525, %lt3A_1527 : vector<16xi32>
      %add3A_1529 = arith.constant 16 : i32
      %add3A_1530 = vector.broadcast %add3A_1529 : i32 to vector<16xi32>
      %add3A_1531 = arith.addi %xor3A_1525, %add3A_1530 : vector<16xi32>
      %select_n3A_1532 = arith.select %lt3A_1528, %add3A_1531, %xor3A_1525 : vector<16xi1>, vector<16xi32>
      %broadcast_in_dim3A_1533 = vector.shape_cast %select_n3A_1532 : vector<16xi32> to vector<16x1xi32>
      %gather3A_1534 = vector.shape_cast %broadcast_in_dim3A_1533 : vector<16x1xi32> to vector<16xi32>
      %gather3A_1535 = tpu.dynamic_gather %add3A_1000[%gather3A_1534] in [0] : vector<16xf32>, vector<16xi32> -> vector<16xf32>
      %select_n3A_1536 = arith.select %eq3A_1522, %add3A_955, %gather3A_1535 : vector<16xi1>, vector<16xf32>
      %xor3A_1537 = arith.constant 8 : i32
      %xor3A_1538 = vector.broadcast %xor3A_1537 : i32 to vector<16xi32>
      %xor3A_1539 = arith.xori %iota3A, %xor3A_1538 : vector<16xi32>
      %lt3A_1540 = arith.constant 0 : i32
      %lt3A_1541 = vector.broadcast %lt3A_1540 : i32 to vector<16xi32>
      %lt3A_1542 = arith.cmpi slt, %xor3A_1539, %lt3A_1541 : vector<16xi32>
      %add3A_1543 = arith.constant 16 : i32
      %add3A_1544 = vector.broadcast %add3A_1543 : i32 to vector<16xi32>
      %add3A_1545 = arith.addi %xor3A_1539, %add3A_1544 : vector<16xi32>
      %select_n3A_1546 = arith.select %lt3A_1542, %add3A_1545, %xor3A_1539 : vector<16xi1>, vector<16xi32>
      %broadcast_in_dim3A_1547 = vector.shape_cast %select_n3A_1546 : vector<16xi32> to vector<16x1xi32>
      %gather3A_1548 = vector.shape_cast %broadcast_in_dim3A_1547 : vector<16x1xi32> to vector<16xi32>
      %gather3A_1549 = tpu.dynamic_gather %add3A_955[%gather3A_1548] in [0] : vector<16xf32>, vector<16xi32> -> vector<16xf32>
      %select_n3A_1550 = arith.select %eq3A_1522, %gather3A_1549, %add3A_1000 : vector<16xi1>, vector<16xf32>
      %add3A_1551 = arith.addf %select_n3A_1536, %select_n3A_1550 : vector<16xf32>
      %and3A_1552 = arith.constant 8 : i32
      %and3A_1553 = vector.broadcast %and3A_1552 : i32 to vector<16xi32>
      %and3A_1554 = arith.andi %iota3A, %and3A_1553 : vector<16xi32>
      %eq3A_1555 = arith.constant 0 : i32
      %eq3A_1556 = vector.broadcast %eq3A_1555 : i32 to vector<16xi32>
      %eq3A_1557 = arith.cmpi eq, %and3A_1554, %eq3A_1556 : vector<16xi32>
      %xor3A_1558 = arith.constant 8 : i32
      %xor3A_1559 = vector.broadcast %xor3A_1558 : i32 to vector<16xi32>
      %xor3A_1560 = arith.xori %iota3A, %xor3A_1559 : vector<16xi32>
      %lt3A_1561 = arith.constant 0 : i32
      %lt3A_1562 = vector.broadcast %lt3A_1561 : i32 to vector<16xi32>
      %lt3A_1563 = arith.cmpi slt, %xor3A_1560, %lt3A_1562 : vector<16xi32>
      %add3A_1564 = arith.constant 16 : i32
      %add3A_1565 = vector.broadcast %add3A_1564 : i32 to vector<16xi32>
      %add3A_1566 = arith.addi %xor3A_1560, %add3A_1565 : vector<16xi32>
      %select_n3A_1567 = arith.select %lt3A_1563, %add3A_1566, %xor3A_1560 : vector<16xi1>, vector<16xi32>
      %broadcast_in_dim3A_1568 = vector.shape_cast %select_n3A_1567 : vector<16xi32> to vector<16x1xi32>
      %gather3A_1569 = vector.shape_cast %broadcast_in_dim3A_1568 : vector<16x1xi32> to vector<16xi32>
      %gather3A_1570 = tpu.dynamic_gather %add3A_1090[%gather3A_1569] in [0] : vector<16xf32>, vector<16xi32> -> vector<16xf32>
      %select_n3A_1571 = arith.select %eq3A_1557, %add3A_1045, %gather3A_1570 : vector<16xi1>, vector<16xf32>
      %xor3A_1572 = arith.constant 8 : i32
      %xor3A_1573 = vector.broadcast %xor3A_1572 : i32 to vector<16xi32>
      %xor3A_1574 = arith.xori %iota3A, %xor3A_1573 : vector<16xi32>
      %lt3A_1575 = arith.constant 0 : i32
      %lt3A_1576 = vector.broadcast %lt3A_1575 : i32 to vector<16xi32>
      %lt3A_1577 = arith.cmpi slt, %xor3A_1574, %lt3A_1576 : vector<16xi32>
      %add3A_1578 = arith.constant 16 : i32
      %add3A_1579 = vector.broadcast %add3A_1578 : i32 to vector<16xi32>
      %add3A_1580 = arith.addi %xor3A_1574, %add3A_1579 : vector<16xi32>
      %select_n3A_1581 = arith.select %lt3A_1577, %add3A_1580, %xor3A_1574 : vector<16xi1>, vector<16xi32>
      %broadcast_in_dim3A_1582 = vector.shape_cast %select_n3A_1581 : vector<16xi32> to vector<16x1xi32>
      %gather3A_1583 = vector.shape_cast %broadcast_in_dim3A_1582 : vector<16x1xi32> to vector<16xi32>
      %gather3A_1584 = tpu.dynamic_gather %add3A_1045[%gather3A_1583] in [0] : vector<16xf32>, vector<16xi32> -> vector<16xf32>
      %select_n3A_1585 = arith.select %eq3A_1557, %gather3A_1584, %add3A_1090 : vector<16xi1>, vector<16xf32>
      %add3A_1586 = arith.addf %select_n3A_1571, %select_n3A_1585 : vector<16xf32>
      %and3A_1587 = arith.constant 8 : i32
      %and3A_1588 = vector.broadcast %and3A_1587 : i32 to vector<16xi32>
      %and3A_1589 = arith.andi %iota3A, %and3A_1588 : vector<16xi32>
      %eq3A_1590 = arith.constant 0 : i32
      %eq3A_1591 = vector.broadcast %eq3A_1590 : i32 to vector<16xi32>
      %eq3A_1592 = arith.cmpi eq, %and3A_1589, %eq3A_1591 : vector<16xi32>
      %xor3A_1593 = arith.constant 8 : i32
      %xor3A_1594 = vector.broadcast %xor3A_1593 : i32 to vector<16xi32>
      %xor3A_1595 = arith.xori %iota3A, %xor3A_1594 : vector<16xi32>
      %lt3A_1596 = arith.constant 0 : i32
      %lt3A_1597 = vector.broadcast %lt3A_1596 : i32 to vector<16xi32>
      %lt3A_1598 = arith.cmpi slt, %xor3A_1595, %lt3A_1597 : vector<16xi32>
      %add3A_1599 = arith.constant 16 : i32
      %add3A_1600 = vector.broadcast %add3A_1599 : i32 to vector<16xi32>
      %add3A_1601 = arith.addi %xor3A_1595, %add3A_1600 : vector<16xi32>
      %select_n3A_1602 = arith.select %lt3A_1598, %add3A_1601, %xor3A_1595 : vector<16xi1>, vector<16xi32>
      %broadcast_in_dim3A_1603 = vector.shape_cast %select_n3A_1602 : vector<16xi32> to vector<16x1xi32>
      %gather3A_1604 = vector.shape_cast %broadcast_in_dim3A_1603 : vector<16x1xi32> to vector<16xi32>
      %gather3A_1605 = tpu.dynamic_gather %add3A_1180[%gather3A_1604] in [0] : vector<16xf32>, vector<16xi32> -> vector<16xf32>
      %select_n3A_1606 = arith.select %eq3A_1592, %add3A_1135, %gather3A_1605 : vector<16xi1>, vector<16xf32>
      %xor3A_1607 = arith.constant 8 : i32
      %xor3A_1608 = vector.broadcast %xor3A_1607 : i32 to vector<16xi32>
      %xor3A_1609 = arith.xori %iota3A, %xor3A_1608 : vector<16xi32>
      %lt3A_1610 = arith.constant 0 : i32
      %lt3A_1611 = vector.broadcast %lt3A_1610 : i32 to vector<16xi32>
      %lt3A_1612 = arith.cmpi slt, %xor3A_1609, %lt3A_1611 : vector<16xi32>
      %add3A_1613 = arith.constant 16 : i32
      %add3A_1614 = vector.broadcast %add3A_1613 : i32 to vector<16xi32>
      %add3A_1615 = arith.addi %xor3A_1609, %add3A_1614 : vector<16xi32>
      %select_n3A_1616 = arith.select %lt3A_1612, %add3A_1615, %xor3A_1609 : vector<16xi1>, vector<16xi32>
      %broadcast_in_dim3A_1617 = vector.shape_cast %select_n3A_1616 : vector<16xi32> to vector<16x1xi32>
      %gather3A_1618 = vector.shape_cast %broadcast_in_dim3A_1617 : vector<16x1xi32> to vector<16xi32>
      %gather3A_1619 = tpu.dynamic_gather %add3A_1135[%gather3A_1618] in [0] : vector<16xf32>, vector<16xi32> -> vector<16xf32>
      %select_n3A_1620 = arith.select %eq3A_1592, %gather3A_1619, %add3A_1180 : vector<16xi1>, vector<16xf32>
      %add3A_1621 = arith.addf %select_n3A_1606, %select_n3A_1620 : vector<16xf32>
      %and3A_1622 = arith.constant 8 : i32
      %and3A_1623 = vector.broadcast %and3A_1622 : i32 to vector<16xi32>
      %and3A_1624 = arith.andi %iota3A, %and3A_1623 : vector<16xi32>
      %eq3A_1625 = arith.constant 0 : i32
      %eq3A_1626 = vector.broadcast %eq3A_1625 : i32 to vector<16xi32>
      %eq3A_1627 = arith.cmpi eq, %and3A_1624, %eq3A_1626 : vector<16xi32>
      %xor3A_1628 = arith.constant 8 : i32
      %xor3A_1629 = vector.broadcast %xor3A_1628 : i32 to vector<16xi32>
      %xor3A_1630 = arith.xori %iota3A, %xor3A_1629 : vector<16xi32>
      %lt3A_1631 = arith.constant 0 : i32
      %lt3A_1632 = vector.broadcast %lt3A_1631 : i32 to vector<16xi32>
      %lt3A_1633 = arith.cmpi slt, %xor3A_1630, %lt3A_1632 : vector<16xi32>
      %add3A_1634 = arith.constant 16 : i32
      %add3A_1635 = vector.broadcast %add3A_1634 : i32 to vector<16xi32>
      %add3A_1636 = arith.addi %xor3A_1630, %add3A_1635 : vector<16xi32>
      %select_n3A_1637 = arith.select %lt3A_1633, %add3A_1636, %xor3A_1630 : vector<16xi1>, vector<16xi32>
      %broadcast_in_dim3A_1638 = vector.shape_cast %select_n3A_1637 : vector<16xi32> to vector<16x1xi32>
      %gather3A_1639 = vector.shape_cast %broadcast_in_dim3A_1638 : vector<16x1xi32> to vector<16xi32>
      %gather3A_1640 = tpu.dynamic_gather %add3A_1270[%gather3A_1639] in [0] : vector<16xf32>, vector<16xi32> -> vector<16xf32>
      %select_n3A_1641 = arith.select %eq3A_1627, %add3A_1225, %gather3A_1640 : vector<16xi1>, vector<16xf32>
      %xor3A_1642 = arith.constant 8 : i32
      %xor3A_1643 = vector.broadcast %xor3A_1642 : i32 to vector<16xi32>
      %xor3A_1644 = arith.xori %iota3A, %xor3A_1643 : vector<16xi32>
      %lt3A_1645 = arith.constant 0 : i32
      %lt3A_1646 = vector.broadcast %lt3A_1645 : i32 to vector<16xi32>
      %lt3A_1647 = arith.cmpi slt, %xor3A_1644, %lt3A_1646 : vector<16xi32>
      %add3A_1648 = arith.constant 16 : i32
      %add3A_1649 = vector.broadcast %add3A_1648 : i32 to vector<16xi32>
      %add3A_1650 = arith.addi %xor3A_1644, %add3A_1649 : vector<16xi32>
      %select_n3A_1651 = arith.select %lt3A_1647, %add3A_1650, %xor3A_1644 : vector<16xi1>, vector<16xi32>
      %broadcast_in_dim3A_1652 = vector.shape_cast %select_n3A_1651 : vector<16xi32> to vector<16x1xi32>
      %gather3A_1653 = vector.shape_cast %broadcast_in_dim3A_1652 : vector<16x1xi32> to vector<16xi32>
      %gather3A_1654 = tpu.dynamic_gather %add3A_1225[%gather3A_1653] in [0] : vector<16xf32>, vector<16xi32> -> vector<16xf32>
      %select_n3A_1655 = arith.select %eq3A_1627, %gather3A_1654, %add3A_1270 : vector<16xi1>, vector<16xf32>
      %add3A_1656 = arith.addf %select_n3A_1641, %select_n3A_1655 : vector<16xf32>
      %and3A_1657 = arith.constant 8 : i32
      %and3A_1658 = vector.broadcast %and3A_1657 : i32 to vector<16xi32>
      %and3A_1659 = arith.andi %iota3A, %and3A_1658 : vector<16xi32>
      %eq3A_1660 = arith.constant 0 : i32
      %eq3A_1661 = vector.broadcast %eq3A_1660 : i32 to vector<16xi32>
      %eq3A_1662 = arith.cmpi eq, %and3A_1659, %eq3A_1661 : vector<16xi32>
      %xor3A_1663 = arith.constant 8 : i32
      %xor3A_1664 = vector.broadcast %xor3A_1663 : i32 to vector<16xi32>
      %xor3A_1665 = arith.xori %iota3A, %xor3A_1664 : vector<16xi32>
      %lt3A_1666 = arith.constant 0 : i32
      %lt3A_1667 = vector.broadcast %lt3A_1666 : i32 to vector<16xi32>
      %lt3A_1668 = arith.cmpi slt, %xor3A_1665, %lt3A_1667 : vector<16xi32>
      %add3A_1669 = arith.constant 16 : i32
      %add3A_1670 = vector.broadcast %add3A_1669 : i32 to vector<16xi32>
      %add3A_1671 = arith.addi %xor3A_1665, %add3A_1670 : vector<16xi32>
      %select_n3A_1672 = arith.select %lt3A_1668, %add3A_1671, %xor3A_1665 : vector<16xi1>, vector<16xi32>
      %broadcast_in_dim3A_1673 = vector.shape_cast %select_n3A_1672 : vector<16xi32> to vector<16x1xi32>
      %gather3A_1674 = vector.shape_cast %broadcast_in_dim3A_1673 : vector<16x1xi32> to vector<16xi32>
      %gather3A_1675 = tpu.dynamic_gather %add3A_1360[%gather3A_1674] in [0] : vector<16xf32>, vector<16xi32> -> vector<16xf32>
      %select_n3A_1676 = arith.select %eq3A_1662, %add3A_1315, %gather3A_1675 : vector<16xi1>, vector<16xf32>
      %xor3A_1677 = arith.constant 8 : i32
      %xor3A_1678 = vector.broadcast %xor3A_1677 : i32 to vector<16xi32>
      %xor3A_1679 = arith.xori %iota3A, %xor3A_1678 : vector<16xi32>
      %lt3A_1680 = arith.constant 0 : i32
      %lt3A_1681 = vector.broadcast %lt3A_1680 : i32 to vector<16xi32>
      %lt3A_1682 = arith.cmpi slt, %xor3A_1679, %lt3A_1681 : vector<16xi32>
      %add3A_1683 = arith.constant 16 : i32
      %add3A_1684 = vector.broadcast %add3A_1683 : i32 to vector<16xi32>
      %add3A_1685 = arith.addi %xor3A_1679, %add3A_1684 : vector<16xi32>
      %select_n3A_1686 = arith.select %lt3A_1682, %add3A_1685, %xor3A_1679 : vector<16xi1>, vector<16xi32>
      %broadcast_in_dim3A_1687 = vector.shape_cast %select_n3A_1686 : vector<16xi32> to vector<16x1xi32>
      %gather3A_1688 = vector.shape_cast %broadcast_in_dim3A_1687 : vector<16x1xi32> to vector<16xi32>
      %gather3A_1689 = tpu.dynamic_gather %add3A_1315[%gather3A_1688] in [0] : vector<16xf32>, vector<16xi32> -> vector<16xf32>
      %select_n3A_1690 = arith.select %eq3A_1662, %gather3A_1689, %add3A_1360 : vector<16xi1>, vector<16xf32>
      %add3A_1691 = arith.addf %select_n3A_1676, %select_n3A_1690 : vector<16xf32>
      %and3A_1692 = arith.constant 8 : i32
      %and3A_1693 = vector.broadcast %and3A_1692 : i32 to vector<16xi32>
      %and3A_1694 = arith.andi %iota3A, %and3A_1693 : vector<16xi32>
      %eq3A_1695 = arith.constant 0 : i32
      %eq3A_1696 = vector.broadcast %eq3A_1695 : i32 to vector<16xi32>
      %eq3A_1697 = arith.cmpi eq, %and3A_1694, %eq3A_1696 : vector<16xi32>
      %xor3A_1698 = arith.constant 8 : i32
      %xor3A_1699 = vector.broadcast %xor3A_1698 : i32 to vector<16xi32>
      %xor3A_1700 = arith.xori %iota3A, %xor3A_1699 : vector<16xi32>
      %lt3A_1701 = arith.constant 0 : i32
      %lt3A_1702 = vector.broadcast %lt3A_1701 : i32 to vector<16xi32>
      %lt3A_1703 = arith.cmpi slt, %xor3A_1700, %lt3A_1702 : vector<16xi32>
      %add3A_1704 = arith.constant 16 : i32
      %add3A_1705 = vector.broadcast %add3A_1704 : i32 to vector<16xi32>
      %add3A_1706 = arith.addi %xor3A_1700, %add3A_1705 : vector<16xi32>
      %select_n3A_1707 = arith.select %lt3A_1703, %add3A_1706, %xor3A_1700 : vector<16xi1>, vector<16xi32>
      %broadcast_in_dim3A_1708 = vector.shape_cast %select_n3A_1707 : vector<16xi32> to vector<16x1xi32>
      %gather3A_1709 = vector.shape_cast %broadcast_in_dim3A_1708 : vector<16x1xi32> to vector<16xi32>
      %gather3A_1710 = tpu.dynamic_gather %add3A_1450[%gather3A_1709] in [0] : vector<16xf32>, vector<16xi32> -> vector<16xf32>
      %select_n3A_1711 = arith.select %eq3A_1697, %add3A_1405, %gather3A_1710 : vector<16xi1>, vector<16xf32>
      %xor3A_1712 = arith.constant 8 : i32
      %xor3A_1713 = vector.broadcast %xor3A_1712 : i32 to vector<16xi32>
      %xor3A_1714 = arith.xori %iota3A, %xor3A_1713 : vector<16xi32>
      %lt3A_1715 = arith.constant 0 : i32
      %lt3A_1716 = vector.broadcast %lt3A_1715 : i32 to vector<16xi32>
      %lt3A_1717 = arith.cmpi slt, %xor3A_1714, %lt3A_1716 : vector<16xi32>
      %add3A_1718 = arith.constant 16 : i32
      %add3A_1719 = vector.broadcast %add3A_1718 : i32 to vector<16xi32>
      %add3A_1720 = arith.addi %xor3A_1714, %add3A_1719 : vector<16xi32>
      %select_n3A_1721 = arith.select %lt3A_1717, %add3A_1720, %xor3A_1714 : vector<16xi1>, vector<16xi32>
      %broadcast_in_dim3A_1722 = vector.shape_cast %select_n3A_1721 : vector<16xi32> to vector<16x1xi32>
      %gather3A_1723 = vector.shape_cast %broadcast_in_dim3A_1722 : vector<16x1xi32> to vector<16xi32>
      %gather3A_1724 = tpu.dynamic_gather %add3A_1405[%gather3A_1723] in [0] : vector<16xf32>, vector<16xi32> -> vector<16xf32>
      %select_n3A_1725 = arith.select %eq3A_1697, %gather3A_1724, %add3A_1450 : vector<16xi1>, vector<16xf32>
      %add3A_1726 = arith.addf %select_n3A_1711, %select_n3A_1725 : vector<16xf32>
      %and3A_1727 = arith.constant 4 : i32
      %and3A_1728 = vector.broadcast %and3A_1727 : i32 to vector<16xi32>
      %and3A_1729 = arith.andi %iota3A, %and3A_1728 : vector<16xi32>
      %eq3A_1730 = arith.constant 0 : i32
      %eq3A_1731 = vector.broadcast %eq3A_1730 : i32 to vector<16xi32>
      %eq3A_1732 = arith.cmpi eq, %and3A_1729, %eq3A_1731 : vector<16xi32>
      %xor3A_1733 = arith.constant 4 : i32
      %xor3A_1734 = vector.broadcast %xor3A_1733 : i32 to vector<16xi32>
      %xor3A_1735 = arith.xori %iota3A, %xor3A_1734 : vector<16xi32>
      %lt3A_1736 = arith.constant 0 : i32
      %lt3A_1737 = vector.broadcast %lt3A_1736 : i32 to vector<16xi32>
      %lt3A_1738 = arith.cmpi slt, %xor3A_1735, %lt3A_1737 : vector<16xi32>
      %add3A_1739 = arith.constant 16 : i32
      %add3A_1740 = vector.broadcast %add3A_1739 : i32 to vector<16xi32>
      %add3A_1741 = arith.addi %xor3A_1735, %add3A_1740 : vector<16xi32>
      %select_n3A_1742 = arith.select %lt3A_1738, %add3A_1741, %xor3A_1735 : vector<16xi1>, vector<16xi32>
      %broadcast_in_dim3A_1743 = vector.shape_cast %select_n3A_1742 : vector<16xi32> to vector<16x1xi32>
      %gather3A_1744 = vector.shape_cast %broadcast_in_dim3A_1743 : vector<16x1xi32> to vector<16xi32>
      %gather3A_1745 = tpu.dynamic_gather %add3A_1516[%gather3A_1744] in [0] : vector<16xf32>, vector<16xi32> -> vector<16xf32>
      %select_n3A_1746 = arith.select %eq3A_1732, %add3A_1481, %gather3A_1745 : vector<16xi1>, vector<16xf32>
      %xor3A_1747 = arith.constant 4 : i32
      %xor3A_1748 = vector.broadcast %xor3A_1747 : i32 to vector<16xi32>
      %xor3A_1749 = arith.xori %iota3A, %xor3A_1748 : vector<16xi32>
      %lt3A_1750 = arith.constant 0 : i32
      %lt3A_1751 = vector.broadcast %lt3A_1750 : i32 to vector<16xi32>
      %lt3A_1752 = arith.cmpi slt, %xor3A_1749, %lt3A_1751 : vector<16xi32>
      %add3A_1753 = arith.constant 16 : i32
      %add3A_1754 = vector.broadcast %add3A_1753 : i32 to vector<16xi32>
      %add3A_1755 = arith.addi %xor3A_1749, %add3A_1754 : vector<16xi32>
      %select_n3A_1756 = arith.select %lt3A_1752, %add3A_1755, %xor3A_1749 : vector<16xi1>, vector<16xi32>
      %broadcast_in_dim3A_1757 = vector.shape_cast %select_n3A_1756 : vector<16xi32> to vector<16x1xi32>
      %gather3A_1758 = vector.shape_cast %broadcast_in_dim3A_1757 : vector<16x1xi32> to vector<16xi32>
      %gather3A_1759 = tpu.dynamic_gather %add3A_1481[%gather3A_1758] in [0] : vector<16xf32>, vector<16xi32> -> vector<16xf32>
      %select_n3A_1760 = arith.select %eq3A_1732, %gather3A_1759, %add3A_1516 : vector<16xi1>, vector<16xf32>
      %add3A_1761 = arith.addf %select_n3A_1746, %select_n3A_1760 : vector<16xf32>
      %and3A_1762 = arith.constant 4 : i32
      %and3A_1763 = vector.broadcast %and3A_1762 : i32 to vector<16xi32>
      %and3A_1764 = arith.andi %iota3A, %and3A_1763 : vector<16xi32>
      %eq3A_1765 = arith.constant 0 : i32
      %eq3A_1766 = vector.broadcast %eq3A_1765 : i32 to vector<16xi32>
      %eq3A_1767 = arith.cmpi eq, %and3A_1764, %eq3A_1766 : vector<16xi32>
      %xor3A_1768 = arith.constant 4 : i32
      %xor3A_1769 = vector.broadcast %xor3A_1768 : i32 to vector<16xi32>
      %xor3A_1770 = arith.xori %iota3A, %xor3A_1769 : vector<16xi32>
      %lt3A_1771 = arith.constant 0 : i32
      %lt3A_1772 = vector.broadcast %lt3A_1771 : i32 to vector<16xi32>
      %lt3A_1773 = arith.cmpi slt, %xor3A_1770, %lt3A_1772 : vector<16xi32>
      %add3A_1774 = arith.constant 16 : i32
      %add3A_1775 = vector.broadcast %add3A_1774 : i32 to vector<16xi32>
      %add3A_1776 = arith.addi %xor3A_1770, %add3A_1775 : vector<16xi32>
      %select_n3A_1777 = arith.select %lt3A_1773, %add3A_1776, %xor3A_1770 : vector<16xi1>, vector<16xi32>
      %broadcast_in_dim3A_1778 = vector.shape_cast %select_n3A_1777 : vector<16xi32> to vector<16x1xi32>
      %gather3A_1779 = vector.shape_cast %broadcast_in_dim3A_1778 : vector<16x1xi32> to vector<16xi32>
      %gather3A_1780 = tpu.dynamic_gather %add3A_1586[%gather3A_1779] in [0] : vector<16xf32>, vector<16xi32> -> vector<16xf32>
      %select_n3A_1781 = arith.select %eq3A_1767, %add3A_1551, %gather3A_1780 : vector<16xi1>, vector<16xf32>
      %xor3A_1782 = arith.constant 4 : i32
      %xor3A_1783 = vector.broadcast %xor3A_1782 : i32 to vector<16xi32>
      %xor3A_1784 = arith.xori %iota3A, %xor3A_1783 : vector<16xi32>
      %lt3A_1785 = arith.constant 0 : i32
      %lt3A_1786 = vector.broadcast %lt3A_1785 : i32 to vector<16xi32>
      %lt3A_1787 = arith.cmpi slt, %xor3A_1784, %lt3A_1786 : vector<16xi32>
      %add3A_1788 = arith.constant 16 : i32
      %add3A_1789 = vector.broadcast %add3A_1788 : i32 to vector<16xi32>
      %add3A_1790 = arith.addi %xor3A_1784, %add3A_1789 : vector<16xi32>
      %select_n3A_1791 = arith.select %lt3A_1787, %add3A_1790, %xor3A_1784 : vector<16xi1>, vector<16xi32>
      %broadcast_in_dim3A_1792 = vector.shape_cast %select_n3A_1791 : vector<16xi32> to vector<16x1xi32>
      %gather3A_1793 = vector.shape_cast %broadcast_in_dim3A_1792 : vector<16x1xi32> to vector<16xi32>
      %gather3A_1794 = tpu.dynamic_gather %add3A_1551[%gather3A_1793] in [0] : vector<16xf32>, vector<16xi32> -> vector<16xf32>
      %select_n3A_1795 = arith.select %eq3A_1767, %gather3A_1794, %add3A_1586 : vector<16xi1>, vector<16xf32>
      %add3A_1796 = arith.addf %select_n3A_1781, %select_n3A_1795 : vector<16xf32>
      %and3A_1797 = arith.constant 4 : i32
      %and3A_1798 = vector.broadcast %and3A_1797 : i32 to vector<16xi32>
      %and3A_1799 = arith.andi %iota3A, %and3A_1798 : vector<16xi32>
      %eq3A_1800 = arith.constant 0 : i32
      %eq3A_1801 = vector.broadcast %eq3A_1800 : i32 to vector<16xi32>
      %eq3A_1802 = arith.cmpi eq, %and3A_1799, %eq3A_1801 : vector<16xi32>
      %xor3A_1803 = arith.constant 4 : i32
      %xor3A_1804 = vector.broadcast %xor3A_1803 : i32 to vector<16xi32>
      %xor3A_1805 = arith.xori %iota3A, %xor3A_1804 : vector<16xi32>
      %lt3A_1806 = arith.constant 0 : i32
      %lt3A_1807 = vector.broadcast %lt3A_1806 : i32 to vector<16xi32>
      %lt3A_1808 = arith.cmpi slt, %xor3A_1805, %lt3A_1807 : vector<16xi32>
      %add3A_1809 = arith.constant 16 : i32
      %add3A_1810 = vector.broadcast %add3A_1809 : i32 to vector<16xi32>
      %add3A_1811 = arith.addi %xor3A_1805, %add3A_1810 : vector<16xi32>
      %select_n3A_1812 = arith.select %lt3A_1808, %add3A_1811, %xor3A_1805 : vector<16xi1>, vector<16xi32>
      %broadcast_in_dim3A_1813 = vector.shape_cast %select_n3A_1812 : vector<16xi32> to vector<16x1xi32>
      %gather3A_1814 = vector.shape_cast %broadcast_in_dim3A_1813 : vector<16x1xi32> to vector<16xi32>
      %gather3A_1815 = tpu.dynamic_gather %add3A_1656[%gather3A_1814] in [0] : vector<16xf32>, vector<16xi32> -> vector<16xf32>
      %select_n3A_1816 = arith.select %eq3A_1802, %add3A_1621, %gather3A_1815 : vector<16xi1>, vector<16xf32>
      %xor3A_1817 = arith.constant 4 : i32
      %xor3A_1818 = vector.broadcast %xor3A_1817 : i32 to vector<16xi32>
      %xor3A_1819 = arith.xori %iota3A, %xor3A_1818 : vector<16xi32>
      %lt3A_1820 = arith.constant 0 : i32
      %lt3A_1821 = vector.broadcast %lt3A_1820 : i32 to vector<16xi32>
      %lt3A_1822 = arith.cmpi slt, %xor3A_1819, %lt3A_1821 : vector<16xi32>
      %add3A_1823 = arith.constant 16 : i32
      %add3A_1824 = vector.broadcast %add3A_1823 : i32 to vector<16xi32>
      %add3A_1825 = arith.addi %xor3A_1819, %add3A_1824 : vector<16xi32>
      %select_n3A_1826 = arith.select %lt3A_1822, %add3A_1825, %xor3A_1819 : vector<16xi1>, vector<16xi32>
      %broadcast_in_dim3A_1827 = vector.shape_cast %select_n3A_1826 : vector<16xi32> to vector<16x1xi32>
      %gather3A_1828 = vector.shape_cast %broadcast_in_dim3A_1827 : vector<16x1xi32> to vector<16xi32>
      %gather3A_1829 = tpu.dynamic_gather %add3A_1621[%gather3A_1828] in [0] : vector<16xf32>, vector<16xi32> -> vector<16xf32>
      %select_n3A_1830 = arith.select %eq3A_1802, %gather3A_1829, %add3A_1656 : vector<16xi1>, vector<16xf32>
      %add3A_1831 = arith.addf %select_n3A_1816, %select_n3A_1830 : vector<16xf32>
      %and3A_1832 = arith.constant 4 : i32
      %and3A_1833 = vector.broadcast %and3A_1832 : i32 to vector<16xi32>
      %and3A_1834 = arith.andi %iota3A, %and3A_1833 : vector<16xi32>
      %eq3A_1835 = arith.constant 0 : i32
      %eq3A_1836 = vector.broadcast %eq3A_1835 : i32 to vector<16xi32>
      %eq3A_1837 = arith.cmpi eq, %and3A_1834, %eq3A_1836 : vector<16xi32>
      %xor3A_1838 = arith.constant 4 : i32
      %xor3A_1839 = vector.broadcast %xor3A_1838 : i32 to vector<16xi32>
      %xor3A_1840 = arith.xori %iota3A, %xor3A_1839 : vector<16xi32>
      %lt3A_1841 = arith.constant 0 : i32
      %lt3A_1842 = vector.broadcast %lt3A_1841 : i32 to vector<16xi32>
      %lt3A_1843 = arith.cmpi slt, %xor3A_1840, %lt3A_1842 : vector<16xi32>
      %add3A_1844 = arith.constant 16 : i32
      %add3A_1845 = vector.broadcast %add3A_1844 : i32 to vector<16xi32>
      %add3A_1846 = arith.addi %xor3A_1840, %add3A_1845 : vector<16xi32>
      %select_n3A_1847 = arith.select %lt3A_1843, %add3A_1846, %xor3A_1840 : vector<16xi1>, vector<16xi32>
      %broadcast_in_dim3A_1848 = vector.shape_cast %select_n3A_1847 : vector<16xi32> to vector<16x1xi32>
      %gather3A_1849 = vector.shape_cast %broadcast_in_dim3A_1848 : vector<16x1xi32> to vector<16xi32>
      %gather3A_1850 = tpu.dynamic_gather %add3A_1726[%gather3A_1849] in [0] : vector<16xf32>, vector<16xi32> -> vector<16xf32>
      %select_n3A_1851 = arith.select %eq3A_1837, %add3A_1691, %gather3A_1850 : vector<16xi1>, vector<16xf32>
      %xor3A_1852 = arith.constant 4 : i32
      %xor3A_1853 = vector.broadcast %xor3A_1852 : i32 to vector<16xi32>
      %xor3A_1854 = arith.xori %iota3A, %xor3A_1853 : vector<16xi32>
      %lt3A_1855 = arith.constant 0 : i32
      %lt3A_1856 = vector.broadcast %lt3A_1855 : i32 to vector<16xi32>
      %lt3A_1857 = arith.cmpi slt, %xor3A_1854, %lt3A_1856 : vector<16xi32>
      %add3A_1858 = arith.constant 16 : i32
      %add3A_1859 = vector.broadcast %add3A_1858 : i32 to vector<16xi32>
      %add3A_1860 = arith.addi %xor3A_1854, %add3A_1859 : vector<16xi32>
      %select_n3A_1861 = arith.select %lt3A_1857, %add3A_1860, %xor3A_1854 : vector<16xi1>, vector<16xi32>
      %broadcast_in_dim3A_1862 = vector.shape_cast %select_n3A_1861 : vector<16xi32> to vector<16x1xi32>
      %gather3A_1863 = vector.shape_cast %broadcast_in_dim3A_1862 : vector<16x1xi32> to vector<16xi32>
      %gather3A_1864 = tpu.dynamic_gather %add3A_1691[%gather3A_1863] in [0] : vector<16xf32>, vector<16xi32> -> vector<16xf32>
      %select_n3A_1865 = arith.select %eq3A_1837, %gather3A_1864, %add3A_1726 : vector<16xi1>, vector<16xf32>
      %add3A_1866 = arith.addf %select_n3A_1851, %select_n3A_1865 : vector<16xf32>
      %and3A_1867 = arith.constant 2 : i32
      %and3A_1868 = vector.broadcast %and3A_1867 : i32 to vector<16xi32>
      %and3A_1869 = arith.andi %iota3A, %and3A_1868 : vector<16xi32>
      %eq3A_1870 = arith.constant 0 : i32
      %eq3A_1871 = vector.broadcast %eq3A_1870 : i32 to vector<16xi32>
      %eq3A_1872 = arith.cmpi eq, %and3A_1869, %eq3A_1871 : vector<16xi32>
      %xor3A_1873 = arith.constant 2 : i32
      %xor3A_1874 = vector.broadcast %xor3A_1873 : i32 to vector<16xi32>
      %xor3A_1875 = arith.xori %iota3A, %xor3A_1874 : vector<16xi32>
      %lt3A_1876 = arith.constant 0 : i32
      %lt3A_1877 = vector.broadcast %lt3A_1876 : i32 to vector<16xi32>
      %lt3A_1878 = arith.cmpi slt, %xor3A_1875, %lt3A_1877 : vector<16xi32>
      %add3A_1879 = arith.constant 16 : i32
      %add3A_1880 = vector.broadcast %add3A_1879 : i32 to vector<16xi32>
      %add3A_1881 = arith.addi %xor3A_1875, %add3A_1880 : vector<16xi32>
      %select_n3A_1882 = arith.select %lt3A_1878, %add3A_1881, %xor3A_1875 : vector<16xi1>, vector<16xi32>
      %broadcast_in_dim3A_1883 = vector.shape_cast %select_n3A_1882 : vector<16xi32> to vector<16x1xi32>
      %gather3A_1884 = vector.shape_cast %broadcast_in_dim3A_1883 : vector<16x1xi32> to vector<16xi32>
      %gather3A_1885 = tpu.dynamic_gather %add3A_1796[%gather3A_1884] in [0] : vector<16xf32>, vector<16xi32> -> vector<16xf32>
      %select_n3A_1886 = arith.select %eq3A_1872, %add3A_1761, %gather3A_1885 : vector<16xi1>, vector<16xf32>
      %xor3A_1887 = arith.constant 2 : i32
      %xor3A_1888 = vector.broadcast %xor3A_1887 : i32 to vector<16xi32>
      %xor3A_1889 = arith.xori %iota3A, %xor3A_1888 : vector<16xi32>
      %lt3A_1890 = arith.constant 0 : i32
      %lt3A_1891 = vector.broadcast %lt3A_1890 : i32 to vector<16xi32>
      %lt3A_1892 = arith.cmpi slt, %xor3A_1889, %lt3A_1891 : vector<16xi32>
      %add3A_1893 = arith.constant 16 : i32
      %add3A_1894 = vector.broadcast %add3A_1893 : i32 to vector<16xi32>
      %add3A_1895 = arith.addi %xor3A_1889, %add3A_1894 : vector<16xi32>
      %select_n3A_1896 = arith.select %lt3A_1892, %add3A_1895, %xor3A_1889 : vector<16xi1>, vector<16xi32>
      %broadcast_in_dim3A_1897 = vector.shape_cast %select_n3A_1896 : vector<16xi32> to vector<16x1xi32>
      %gather3A_1898 = vector.shape_cast %broadcast_in_dim3A_1897 : vector<16x1xi32> to vector<16xi32>
      %gather3A_1899 = tpu.dynamic_gather %add3A_1761[%gather3A_1898] in [0] : vector<16xf32>, vector<16xi32> -> vector<16xf32>
      %select_n3A_1900 = arith.select %eq3A_1872, %gather3A_1899, %add3A_1796 : vector<16xi1>, vector<16xf32>
      %add3A_1901 = arith.addf %select_n3A_1886, %select_n3A_1900 : vector<16xf32>
      %and3A_1902 = arith.constant 2 : i32
      %and3A_1903 = vector.broadcast %and3A_1902 : i32 to vector<16xi32>
      %and3A_1904 = arith.andi %iota3A, %and3A_1903 : vector<16xi32>
      %eq3A_1905 = arith.constant 0 : i32
      %eq3A_1906 = vector.broadcast %eq3A_1905 : i32 to vector<16xi32>
      %eq3A_1907 = arith.cmpi eq, %and3A_1904, %eq3A_1906 : vector<16xi32>
      %xor3A_1908 = arith.constant 2 : i32
      %xor3A_1909 = vector.broadcast %xor3A_1908 : i32 to vector<16xi32>
      %xor3A_1910 = arith.xori %iota3A, %xor3A_1909 : vector<16xi32>
      %lt3A_1911 = arith.constant 0 : i32
      %lt3A_1912 = vector.broadcast %lt3A_1911 : i32 to vector<16xi32>
      %lt3A_1913 = arith.cmpi slt, %xor3A_1910, %lt3A_1912 : vector<16xi32>
      %add3A_1914 = arith.constant 16 : i32
      %add3A_1915 = vector.broadcast %add3A_1914 : i32 to vector<16xi32>
      %add3A_1916 = arith.addi %xor3A_1910, %add3A_1915 : vector<16xi32>
      %select_n3A_1917 = arith.select %lt3A_1913, %add3A_1916, %xor3A_1910 : vector<16xi1>, vector<16xi32>
      %broadcast_in_dim3A_1918 = vector.shape_cast %select_n3A_1917 : vector<16xi32> to vector<16x1xi32>
      %gather3A_1919 = vector.shape_cast %broadcast_in_dim3A_1918 : vector<16x1xi32> to vector<16xi32>
      %gather3A_1920 = tpu.dynamic_gather %add3A_1866[%gather3A_1919] in [0] : vector<16xf32>, vector<16xi32> -> vector<16xf32>
      %select_n3A_1921 = arith.select %eq3A_1907, %add3A_1831, %gather3A_1920 : vector<16xi1>, vector<16xf32>
      %xor3A_1922 = arith.constant 2 : i32
      %xor3A_1923 = vector.broadcast %xor3A_1922 : i32 to vector<16xi32>
      %xor3A_1924 = arith.xori %iota3A, %xor3A_1923 : vector<16xi32>
      %lt3A_1925 = arith.constant 0 : i32
      %lt3A_1926 = vector.broadcast %lt3A_1925 : i32 to vector<16xi32>
      %lt3A_1927 = arith.cmpi slt, %xor3A_1924, %lt3A_1926 : vector<16xi32>
      %add3A_1928 = arith.constant 16 : i32
      %add3A_1929 = vector.broadcast %add3A_1928 : i32 to vector<16xi32>
      %add3A_1930 = arith.addi %xor3A_1924, %add3A_1929 : vector<16xi32>
      %select_n3A_1931 = arith.select %lt3A_1927, %add3A_1930, %xor3A_1924 : vector<16xi1>, vector<16xi32>
      %broadcast_in_dim3A_1932 = vector.shape_cast %select_n3A_1931 : vector<16xi32> to vector<16x1xi32>
      %gather3A_1933 = vector.shape_cast %broadcast_in_dim3A_1932 : vector<16x1xi32> to vector<16xi32>
      %gather3A_1934 = tpu.dynamic_gather %add3A_1831[%gather3A_1933] in [0] : vector<16xf32>, vector<16xi32> -> vector<16xf32>
      %select_n3A_1935 = arith.select %eq3A_1907, %gather3A_1934, %add3A_1866 : vector<16xi1>, vector<16xf32>
      %add3A_1936 = arith.addf %select_n3A_1921, %select_n3A_1935 : vector<16xf32>
      %and3A_1937 = arith.constant 1 : i32
      %and3A_1938 = vector.broadcast %and3A_1937 : i32 to vector<16xi32>
      %and3A_1939 = arith.andi %iota3A, %and3A_1938 : vector<16xi32>
      %eq3A_1940 = arith.constant 0 : i32
      %eq3A_1941 = vector.broadcast %eq3A_1940 : i32 to vector<16xi32>
      %eq3A_1942 = arith.cmpi eq, %and3A_1939, %eq3A_1941 : vector<16xi32>
      %xor3A_1943 = arith.constant 1 : i32
      %xor3A_1944 = vector.broadcast %xor3A_1943 : i32 to vector<16xi32>
      %xor3A_1945 = arith.xori %iota3A, %xor3A_1944 : vector<16xi32>
      %lt3A_1946 = arith.constant 0 : i32
      %lt3A_1947 = vector.broadcast %lt3A_1946 : i32 to vector<16xi32>
      %lt3A_1948 = arith.cmpi slt, %xor3A_1945, %lt3A_1947 : vector<16xi32>
      %add3A_1949 = arith.constant 16 : i32
      %add3A_1950 = vector.broadcast %add3A_1949 : i32 to vector<16xi32>
      %add3A_1951 = arith.addi %xor3A_1945, %add3A_1950 : vector<16xi32>
      %select_n3A_1952 = arith.select %lt3A_1948, %add3A_1951, %xor3A_1945 : vector<16xi1>, vector<16xi32>
      %broadcast_in_dim3A_1953 = vector.shape_cast %select_n3A_1952 : vector<16xi32> to vector<16x1xi32>
      %gather3A_1954 = vector.shape_cast %broadcast_in_dim3A_1953 : vector<16x1xi32> to vector<16xi32>
      %gather3A_1955 = tpu.dynamic_gather %add3A_1936[%gather3A_1954] in [0] : vector<16xf32>, vector<16xi32> -> vector<16xf32>
      %select_n3A_1956 = arith.select %eq3A_1942, %add3A_1901, %gather3A_1955 : vector<16xi1>, vector<16xf32>
      %xor3A_1957 = arith.constant 1 : i32
      %xor3A_1958 = vector.broadcast %xor3A_1957 : i32 to vector<16xi32>
      %xor3A_1959 = arith.xori %iota3A, %xor3A_1958 : vector<16xi32>
      %lt3A_1960 = arith.constant 0 : i32
      %lt3A_1961 = vector.broadcast %lt3A_1960 : i32 to vector<16xi32>
      %lt3A_1962 = arith.cmpi slt, %xor3A_1959, %lt3A_1961 : vector<16xi32>
      %add3A_1963 = arith.constant 16 : i32
      %add3A_1964 = vector.broadcast %add3A_1963 : i32 to vector<16xi32>
      %add3A_1965 = arith.addi %xor3A_1959, %add3A_1964 : vector<16xi32>
      %select_n3A_1966 = arith.select %lt3A_1962, %add3A_1965, %xor3A_1959 : vector<16xi1>, vector<16xi32>
      %broadcast_in_dim3A_1967 = vector.shape_cast %select_n3A_1966 : vector<16xi32> to vector<16x1xi32>
      %gather3A_1968 = vector.shape_cast %broadcast_in_dim3A_1967 : vector<16x1xi32> to vector<16xi32>
      %gather3A_1969 = tpu.dynamic_gather %add3A_1901[%gather3A_1968] in [0] : vector<16xf32>, vector<16xi32> -> vector<16xf32>
      %select_n3A_1970 = arith.select %eq3A_1942, %gather3A_1969, %add3A_1936 : vector<16xi1>, vector<16xf32>
      %add3A_1971 = arith.addf %select_n3A_1956, %select_n3A_1970 : vector<16xf32>
      %lt3A_1972 = arith.constant 0 : i32
      %lt3A_1973 = vector.broadcast %lt3A_1972 : i32 to vector<16xi32>
      %lt3A_1974 = arith.cmpi slt, %or3A_45, %lt3A_1973 : vector<16xi32>
      %add3A_1975 = arith.constant 16 : i32
      %add3A_1976 = vector.broadcast %add3A_1975 : i32 to vector<16xi32>
      %add3A_1977 = arith.addi %or3A_45, %add3A_1976 : vector<16xi32>
      %select_n3A_1978 = arith.select %lt3A_1974, %add3A_1977, %or3A_45 : vector<16xi1>, vector<16xi32>
      %broadcast_in_dim3A_1979 = vector.shape_cast %select_n3A_1978 : vector<16xi32> to vector<16x1xi32>
      %gather3A_1980 = vector.shape_cast %broadcast_in_dim3A_1979 : vector<16x1xi32> to vector<16xi32>
      %gather3A_1981 = tpu.dynamic_gather %add3A_1971[%gather3A_1980] in [0] : vector<16xf32>, vector<16xi32> -> vector<16xf32>
      %add3A_1982 = arith.addf %gather3A_1981, %get3A_22 : vector<16xf32>
      %mul3A_1983 = arith.constant 16 : i32
      %mul3A_1984 = arith.muli %scan3A_700, %mul3A_1983 : i32
      %swap3A = arith.index_cast %mul3A_1984 : i32 to index
      %swap3A_1985 = tpu.vector_load %arg13[%swap3A] {strides = array<i32>} : memref<512xf32, #tpu.memory_space<vmem>>, vector<16xf32>,
      %swap3A_1986 = vector.shape_cast %swap3A_1985 : vector<16xf32> to vector<16xf32>
      %swap3A_1987 = vector.shape_cast %add3A_1982 : vector<16xf32> to vector<16xf32>
      tpu.vector_store %arg13[%swap3A], %swap3A_1987 {strides = array<i32>} : memref<512xf32, #tpu.memory_space<vmem>>, vector<16xf32>,
    }
    %scan3A_699 = arith.constant 32 : i32
    "tpu.region"() ({
      %run_scoped3A = tpu.sem_alloc : memref<!tpu.dma_semaphore, #tpu.memory_space<semaphore_mem>>
      %dma_start3A_700 = tpu.memref_slice %arg7[%mul3A_2] : memref<16384xf32, #tpu.memory_space<hbm>> -> memref<512xf32, #tpu.memory_space<hbm>>
      %dma_start3A_701 = tpu.memref_slice %arg7[%mul3A_2] : memref<16384xf32, #tpu.memory_space<hbm>> -> memref<512xf32, #tpu.memory_space<hbm>>
      tpu.enqueue_dma source(%arg13 : memref<512xf32, #tpu.memory_space<vmem>>) target(%dma_start3A_701 : memref<512xf32, #tpu.memory_space<hbm>>) target_semaphore(%run_scoped3A : memref<!tpu.dma_semaphore, #tpu.memory_space<semaphore_mem>>)
      %dma_wait3A = tpu.memref_slice %arg7[%mul3A_2] : memref<16384xf32, #tpu.memory_space<hbm>> -> memref<512xf32, #tpu.memory_space<hbm>>
      %dma_wait3A_702 = tpu.memref_slice %arg7[%mul3A_2] : memref<16384xf32, #tpu.memory_space<hbm>> -> memref<512xf32, #tpu.memory_space<hbm>>
      tpu.wait_dma2 semaphore(%run_scoped3A : memref<!tpu.dma_semaphore, #tpu.memory_space<semaphore_mem>>) src(%arg13 : memref<512xf32, #tpu.memory_space<vmem>>) dst(%dma_wait3A_702 : memref<512xf32, #tpu.memory_space<hbm>>)
      tpu.yield
    }) : () -> ()
    return
  }
}

</mosaic_0001>

<sc_bundles>
// kernel: _mf_sc.3.cloned.1.call-start
scs
__scs_entry_jumppad:
0x0: {  	(pc) =	sbr.rel $0x88, $3  }
0x1: {  	(tag) =	ssettag $0x0;
	lr =	simm.s32 $0x1  }
0x2: {  	[smem:$0x3F9C] =	sst lr;
	_ =	strace $0xD0000000  }
0x3: {  	_ = 	snop  }
0x4: {  	_ = 	snop  }
0x5: {  	_ = 	snop  }
0x6: {  	_ = 	snop  }
0x7: {  	_ = 	snop  }
__scs_overlays_trampoline_lowered:
0x8: {  	[smem:$0x3FAB] =	sst s0  }
0x9: {  	[smem:$0x3FAC] =	sst s1  }
0xa: {  	[smem:$0x3FAD] =	sst s2  }
0xb: {  	[smem:$0x3FAE] =	sst s3  }
0xc: {  	[smem:$0x3FAF] =	sst s4  }
0xd: {  	[smem:$0x3FB0] =	sst s5  }
0xe: {  	[smem:$0x3FB1] =	sst s6  }
0xf: {  	[smem:$0x3FB2] =	sst s7  }
0x10: {  	[smem:$0x3FB3] =	sst s8  }
0x11: {  	[smem:$0x3FB4] =	sst s9;
	s0 =	simm.s32 @!p0 $0x0  }
0x12: {  	s1 =	sld [smem:$0x3F9A];
	s0 =	simm.s32 @p0 $0x1  }
0x13: {  	[smem:$0x3FB5] =	sst s0;
	s0 =	simm.s32 @!p1 $0x0  }
0x14: {  	s2 =	sld [smem:$0x3F99];
	s0 =	simm.s32 @p1 $0x1  }
0x15: {  	[smem:$0x3FB6] =	sst s0;
	s0 =	simm.s32 @!p2 $0x0  }
0x16: {  	s3 =	sld [smem:$0x3FDB];
	s0 =	simm.s32 @p2 $0x1  }
0x17: {  	s4 =	simm.s32 $0x1BF5;
	[smem:$0x3FB8] =	sst s0  }
0x18: {  	s0 =	sld [smem:$0x3F9B];
	_ =	swait.ge [sflag:s4], $0x0  }
0x19: {  	s7 =	sld [smem:$0x3F9C]  }
0x1a: {  	s8 =	sadd.s32 $0xFFFFE003, lr  }
0x1b: {  	s9 =	sadd.s32 $0xFFFFFEF7, lr;
	s5 =	simm.s32 $0xFFFFFFFF;
	p2 =	slt.u32 s8, $0xFFFFF086  }
0x1c: {  	p1 =	slt.u32 s9, $0xF7A;
	s5 =	simm.s32 @!p2 $0x0  }
0x1d: {  	s5 =	simm.s32 @p1 $0x1;
	p0 =	seq.s32 s7, s2  }
0x1e: {  	s7 =	smul.u32 @!p0 $0xF7A, s2;
	p2 =	seq.s32 @!p0 s5, $0x0  }
0x1f: {  	s9 =	smul.u32 $0xF7A, s1;
	s8 =	simm.s32 @!p0 $0x1BF5;
	p2 =	por !p2, p0  }
0x20: {  	[sflag:s8] =	ssyncset.s32 @!p0 $0xFFFFF086;
	s6 =	sadd.s32 @!p0 s3, s7;
	s7 =	simm.s32 @!p0 $0x108  }
0x21: {  	s3 =	sadd.s32 s3, s9;
	s6 =	sadd.s32 @!p0 $0x88, s6;
	s7 =	simm.s32 @p2 $0x1082  }
0x22: {  	[simem:s7], [sflag:s8] =	dma.local @!p0 [hbm:s6], $0xF7A  }
0x23: {  	s9 =	sor.u32 $0xD0000000, s2;
	s6 =	simm.s32 $0x108;
	_ =	swait.ge @!p0 [sflag:s8], $0x0  }
0x24: {  	s3 =	sadd.s32 $0x88, s3;
	s6 =	simm.s32 @!p1 $0x1082;
	[sflag:s4] =	ssyncset.s32 $0xFFFFF086  }
0x25: {  	[simem:s6], [sflag:s4] =	dma.local [hbm:s3], $0xF7A  }
0x26: {  	[smem:$0x3F9C] =	sst s1;
	(tag) =	ssettag s2;
	_ =	strace s9  }
0x27: {  	s1 =	sld [smem:$0x3FAC]  }
0x28: {  	s2 =	sld [smem:$0x3FAD]  }
0x29: {  	s4 =	sld [smem:$0x3FAF]  }
0x2a: {  	p0 =	seq.s32 s5, $0x0;
	s5 =	sld [smem:$0x3FB0]  }
0x2b: {  	s6 =	sld [smem:$0x3FB1]  }
0x2c: {  	s7 =	sld [smem:$0x3FB2]  }
0x2d: {  	s3 =	simm.s32 $0x108;
	s8 =	sld [smem:$0x3FB3]  }
0x2e: {  	s3 =	simm.s32 @!p0 $0x1082;
	s9 =	sld [smem:$0x3FB4]  }
0x2f: {  	lr =	sadd.s32 s0, s3;
	s0 =	sld [smem:$0x3FAB]  }
0x30: {  	s3 =	sld [smem:$0x3FAE]  }
0x31: {  	[smem:$0x3FB7] =	sst s10  }
0x32: {  	s10 =	sld [smem:$0x3FB5];
	_ =	sdelay $0x3  }
0x33: {  	p0 =	seq.s32 s10, $0x1;
	s10 =	sld [smem:$0x3FB7];
	_ =	sdelay $0x3  }
0x34: {  	[smem:$0x3FB7] =	sst s10  }
0x35: {  	s10 =	sld [smem:$0x3FB6];
	_ =	sdelay $0x3  }
0x36: {  	p1 =	seq.s32 s10, $0x1;
	s10 =	sld [smem:$0x3FB7];
	_ =	sdelay $0x3  }
0x37: {  	[smem:$0x3FB7] =	sst s10  }
0x38: {  	s10 =	sld [smem:$0x3FB8]  }
0x39: {  	_ = 	snop;
	(pc) =	sbr.ind lr, $3  }
0x3a: {  	_ = 	snop  }
0x3b: {  	_ = 	snop  }
0x3c: {  	p2 =	seq.s32 s10, $0x1;
	s10 =	sld [smem:$0x3FB7]  }
0x3d: {  	_ =	shalt  }
0x3e: {  	_ =	shalt  }
0x3f: {  	_ =	shalt  }
0x40: {  	_ =	shalt  }
0x41: {  	_ =	shalt  }
0x42: {  	_ =	shalt  }
0x43: {  	_ =	shalt  }
0x44: {  	_ =	shalt  }
0x45: {  	_ =	shalt  }
0x46: {  	_ =	shalt  }
0x47: {  	_ =	shalt  }
0x48: {  	_ =	shalt  }
0x49: {  	_ =	shalt  }
0x4a: {  	_ =	shalt  }
0x4b: {  	_ =	shalt  }
0x4c: {  	_ =	shalt  }
0x4d: {  	_ =	shalt  }
0x4e: {  	_ =	shalt  }
0x4f: {  	_ =	shalt  }
0x50: {  	_ =	shalt  }
0x51: {  	_ =	shalt  }
0x52: {  	_ =	shalt  }
0x53: {  	_ =	shalt  }
0x54: {  	_ =	shalt  }
0x55: {  	_ =	shalt  }
0x56: {  	_ =	shalt  }
0x57: {  	_ =	shalt  }
0x58: {  	_ =	shalt  }
0x59: {  	_ =	shalt  }
0x5a: {  	_ =	shalt  }
0x5b: {  	_ =	shalt  }
0x5c: {  	_ =	shalt  }
0x5d: {  	_ =	shalt  }
0x5e: {  	_ =	shalt  }
0x5f: {  	_ =	shalt  }
0x60: {  	_ =	shalt  }
0x61: {  	_ =	shalt  }
0x62: {  	_ =	shalt  }
0x63: {  	_ =	shalt  }
0x64: {  	_ =	shalt  }
0x65: {  	_ =	shalt  }
0x66: {  	_ =	shalt  }
0x67: {  	_ =	shalt  }
0x68: {  	_ =	shalt  }
0x69: {  	_ =	shalt  }
0x6a: {  	_ =	shalt  }
0x6b: {  	_ =	shalt  }
0x6c: {  	_ =	shalt  }
0x6d: {  	_ =	shalt  }
0x6e: {  	_ =	shalt  }
0x6f: {  	_ =	shalt  }
0x70: {  	_ =	shalt  }
0x71: {  	_ =	shalt  }
0x72: {  	_ =	shalt  }
0x73: {  	_ =	shalt  }
0x74: {  	_ =	shalt  }
0x75: {  	_ =	shalt  }
0x76: {  	_ =	shalt  }
0x77: {  	_ =	shalt  }
0x78: {  	_ =	shalt  }
0x79: {  	_ =	shalt  }
0x7a: {  	_ =	shalt  }
0x7b: {  	_ =	shalt  }
0x7c: {  	_ =	shalt  }
0x7d: {  	_ =	shalt  }
0x7e: {  	_ =	shalt  }
0x7f: {  	_ =	shalt  }
0x80: {  	_ =	shalt  }
0x81: {  	_ =	shalt  }
0x82: {  	_ =	shalt  }
0x83: {  	_ =	shalt  }
0x84: {  	_ =	shalt  }
0x85: {  	_ =	shalt  }
0x86: {  	_ =	shalt  }
0x87: {  	_ =	shalt  }
.Lfunc_end0:
.L_simem_size_0:
called_computation_lowered:
.L_overlay_start_0:
0x88: {  	s2 =	sld [smem:$0x3FD9]  }
0x89: {  	s3 =	sld [smem:$0x3FFE];
	_ =	sdelay $0x1  }
0x8a: {  	s1 =	srdreg.scid  }
0x8b: {  	s0 =	sand.u32 $0x1, s1  }
0x8c: {  	s17 =	sshll.u32 s0, $0xA;
	s2 =	sadd.s32 s3, s2  }
0x8d: {  	s2 =	sadd.s32 s2, s17  }
0x8e: {  	[smem:$0x3FC3] =	sst s2  }
0x8f: {  	_ = 	snop  }
0x90: {  	s2 =	sld [smem:$0x3FC9]  }
0x91: {  	s18 =	sld [smem:$0x3FC8]  }
0x92: {  	s4 =	sld [smem:$0x3FC5]  }
0x93: {  	s5 =	sld [smem:$0x3FD0];
	(tm) =	ssettm $0x1  }
0x94: {  	s6 =	sld [smem:$0x3FFB];
	_ =	sdelay $0x3  }
0x95: {  	_ =	strace s6  }
0x96: {  	s6 =	sld [smem:$0x3FFC];
	_ =	sdelay $0x3  }
0x97: {  	_ =	strace s6  }
0x98: {  	s6 =	sld [smem:$0x3FFD];
	_ =	sdelay $0x3  }
0x99: {  	_ =	strace s6  }
0x9a: {  	_ =	strace $0x8FFFFFFF  }
0x9b: {  	s19 =	sld [smem:$0x3FDB];
	_ =	sdelay $0x1  }
0x9c: {  	s7 =	simm.s32 $_scs_section_size  }
0x9d: {  	s8 =	simm.s32 $_size__tile_overlayer_lowered;
	s9 =	simm.s32 $_tile_overlayer_lowered  }
0x9e: {  	s22 =	simm.s32 $0x1BFF;
	s21 =	sshll.u32 s9, $0x1;
	s6 =	sadd.s32 s7, s19  }
0x9f: {  	s10 =	simm.s32 $0x0;
	s20 =	sshll.u32 s8, $0x1;
	s8 =	sadd.s32 s21, s6  }
0xa0: {  	[timem:s10], [sflag:s22] =	dma.local [hbm:s8], s20  }
0xa1: {  	_ =	swait.ge [sflag:s22], s20  }
0xa2: {  	s7 =	ssub.s32 $0x0, s20;
	[sflag:s22] =	ssyncset.done $0x0  }
0xa3: {  	[sflag:s22] =	ssyncadd.s32 s7;
	_ =	sdelay $0x1  }
0xa4: {  	s23 =	simm.s32 $0x1B8B  }
0xa5: {  	_ =	swait.ge [sflag:s23], $0x1  }
0xa6: {  	[sflag:s23] =	ssyncset.done $0x0  }
0xa7: {  	s25 =	simm.s32 $0x1B8E;
	s24 =	sld [smem:$0x3FFE];
	[sflag:s23] =	ssyncadd.s32 $0xFFFFFFFF  }
0xa8: {  	s26 =	simm.s32 $execute0_lowered;
	[smem:$0x3FD2] =	sst s25  }
0xa9: {  	s8 =	sshll.u32 s26, $0x1;
	_ =	strace $0x80000046;
	[dreg:$0x1] =	wrdreg $0xFFFFFFFF  }
0xaa: {  	s28 =	simm.s32 $_size_execute0_lowered;
	s6 =	sadd.s32 s6, s8;
	[dreg:$0x0] =	wrdreg $0x0  }
0xab: {  	s8 =	sshll.u32 s28, $0x1;
	[dreg:$0x2] =	wrdreg s6  }
0xac: {  	[dreg:$0x3] =	wrdreg s8  }
0xad: {  	[dreg:$0x4] =	wrdreg $0xC0  }
0xae: {  	_ =	task [dreg:s10], $0x5FFFF  }
0xaf: {  	[dreg:$0x1] =	wrdreg $0xFFFFFFFF  }
0xb0: {  	[dreg:$0x0] =	wrdreg $0x60  }
0xb1: {  	[dreg:$0x2] =	wrdreg s2  }
0xb2: {  	[dreg:$0x3] =	wrdreg s18  }
0xb3: {  	[dreg:$0x4] =	wrdreg s24  }
0xb4: {  	[dreg:$0x5] =	wrdreg s4  }
0xb5: {  	[dreg:$0x6] =	wrdreg s5  }
0xb6: {  	[dreg:$0x7] =	wrdreg $0x9  }
0xb7: {  	_ =	task.clear_ibuf [dreg:s10], $0x8FFFF;
	_ =	strace $0x90000046  }
0xb8: {  	s29 =	simm.s32 $0x9;
	_ =	strace $0x80000048  }
0xb9: {  	_ =	swait.ge [sflag:s29], $0x1  }
0xba: {  	[sflag:s29] =	ssyncadd.s32 $0xFFFFFFFF  }
0xbb: {  	_ =	strace $0x90000048  }
0xbc: {  	_ =	sfence  }
0xbd: {  	s30 =	sld [smem:$0x0];
	_ =	sdelay $0x2  }
0xbe: {  	s31 =	sshll.u32 s1, $0xD;
	s1 =	sshrl.u32 s1, $0x2  }
0xbf: {  	s3 =	sand.u32 $0x4000, s31;
	s1 =	sadd.s32 s1, s30  }
0xc0: {  	s0 =	sor.u32 s3, s0;
	s1 =	sshll.u32 s1, $0x11  }
0xc1: {  	s0 =	sor.u32 s1, s0  }
0xc2: {  	s0 =	sadd.s32 $0x8F2B, s0  }
0xc3: {  	[sflag:s0] =	ssyncadd.remote.s32 $0x1  }
0xc4: {  	_ =	sfence.sel $0xFFFF  }
0xc5: {  	[dreg:$0x0] =	wrdreg $0xFFFFFFFF;
	(pc) =	sbr.abs _section_cstart, $3  }
0xc6: {  	[dreg:$0x1] =	wrdreg $0xFFFFFFFF  }
0xc7: {  	_ =	task.clear_ibuf [dreg:s10], $0x2FFFF;
	_ =	strace $0x9FFFFFFF  }
0xc8: {  	(tm) =	ssettm $0x7FFFFFFF  }
0xc9: {  	_ =	shalt  }
tec
execute0_lowered:
.L_overlay_start_1:
0x0: {  	(tag) =	ssettag $0x1  }
0x1: {  	v0 =	vimm.s32 $0x76543210;
	v1 =	vimm.s32 $0xFEDCBA98  }
0x2: {  	v2 =	vimm.s32 $0xBA98FEDC;
	v3 =	vimm.s32 $0x32107654;
	v4 =	vimm.s32 $0xDCFE98BA  }
0x3: {  	v5 =	vimm.s32 $0x54761032;
	vm0 =	vcmask $0x2F20;
	vm1 =	vcmask $0xF00  }
0x4: {  	vm2 =	vcmask $0x700;
	vm3 =	vcmask $0xB08;
	vm4 =	vcmask $0x300  }
0x5: {  	v6 =	vimm.s32 $0xE6A2C480;
	v0 =	vunpack.c.l.s4.s8 v0;
	v1 =	vunpack.c.l.s4.s8 v1  }
0x6: {  	s0 =	rddreg [dreg:$0x0];
	v2 =	vunpack.c.l.s4.s8 v2;
	v3 =	vunpack.c.l.s4.s8 v3;
	v4 =	vunpack.c.l.s4.s8 v4  }
0x7: {  	s1 =	rddreg [dreg:$0x1];
	v5 =	vunpack.c.l.s4.s8 v5;
	vm0 =	vmor vm1, vm0;
	vm1 =	vcmask $0x1710  }
0x8: {  	s3 =	rddreg [dreg:$0x2];
	vm3 =	vmor vm4, vm3;
	vm4 =	vcmask $0x1310;
	v6 =	vunpack.c.l.s4.s8 v6  }
0x9: {  	s6 =	rddreg [dreg:$0x4];
	vm1 =	vmor vm2, vm1;
	vm2 =	vcmask $0x2720;
	v1 =	vunpack.c.0.s8.s32 v1  }
0xa: {  	s2 =	simm.s32 $0x0;
	s4 =	srdreg.scid;
	s9 =	stileid.u32;
	vm3 =	vmor vm3, vm4;
	vm4 =	vcmask $0x1B18;
	v0 =	vunpack.c.0.s8.s32 v0  }
0xb: {  	s18 =	simm.s32 $0x3;
	s11 =	simm.s32 $0x3000;
	s12 =	simm.s32 $0xB800;
	v2 =	vunpack.c.0.s8.s32 v2;
	v3 =	vunpack.c.0.s8.s32 v3;
	v1 =	vand.u32 $0xF, v1  }
0xc: {  	s13 =	simm.s32 $0x3C00;
	s14 =	simm.s32 $0xBC00;
	s15 =	simm.s32 $0x4000;
	vm3 =	vmor vm3, vm4;
	vm4 =	vcmask $0x2320;
	v0 =	vcombine.low v1, v0  }
0xd: {  	s16 =	simm.s32 $0xC000;
	s17 =	simm.s32 $0x2;
	s19 =	simm.s32 $0x1;
	v1 =	vcombine.low v3, v2;
	v2 =	vunpack.c.0.s8.s32 v4;
	v3 =	vunpack.c.0.s8.s32 v5  }
0xe: {  	[smem:$0x7FF] =	sst s2;
	s5 =	sand.u32 $0x1, s4;
	s4 =	sadd.s32 $0x400, s3;
	vm1 =	vmor vm1, vm2;
	vm2 =	vcmask $0x3730;
	vm3 =	vmor vm3, vm4  }
0xf: {  	s20 =	simm.s32 $0x0;
	s9 =	sshll.u32 s9, $0x7;
	_ =	strace $0x80000047;
	v4 =	vimm.s32 $0x67452301;
	v2 =	vcombine.low v3, v2;
	v3 =	vimm.s32 $0xEFCDAB89  }
0x10: {  	s7 =	ssub.s32 $0x2, s5;
	s10 =	sshll.u32 s5, $0x6;
	s5 =	sadd.s32 $0xF42800, s3;
	vm4 =	vcmask $0x2B28;
	v4 =	vunpack.c.l.s4.s8 v4;
	v3 =	vunpack.c.l.s4.s8 v3  }
0x11: {  	s8 =	sshrl.u32 s7, $0x1;
	s28 =	sor.u32 s10, s9;
	s10 =	simm.s32 $0xAC00;
	vm3 =	vmor vm3, vm4;
	vm4 =	vcmask $0x3330;
	v5 =	vimm.s32 $0xF7B3D591  }
.Ltmp0:
0x12: {  	s9 =	simm.s32 $0x3800;
	s0 =	sadd.s32 s0, s28;
	v5 =	vunpack.c.l.s4.s8 v5;
	v4 =	vunpack.c.0.s8.s32 v4;
	v3 =	vunpack.c.0.s8.s32 v3;
	(pc) =	sbr.rel .LBB2_1-.Ltmp0, $4  }
0x13: {  	s26 =	ssub.s32 s7, s8;
	s29 =	sadd.s32 s1, s28;
	vm1 =	vmor vm1, vm2;
	[dreg:$0x6] =	wrdreg s0;
	vm2 =	vmor vm3, vm4;
	vm3 =	vcmask $0x3B38  }
0x14: {  	s30 =	sadd.s32 s6, s28;
	s1 =	simm.s32 $0x2C00;
	[dreg:$0x7] =	wrdreg s29;
	v3 =	vcombine.low v4, v3;
	v4 =	vunpack.c.0.s8.s32 v5;
	v5 =	vunpack.c.0.s8.s32 v6  }
0x15: {  	s6 =	simm.s32 $0xB000;
	[dreg:$0x8] =	wrdreg s30;
	s31 =	smax.u32 s26, $0x1;
	vm2 =	vmor vm2, vm3;
	vm3 =	vmmov $0xff;
	v1 =	vand.u32 $0xF, v1  }
0x16: {  	s7 =	simm.s32 $0x3400;
	s8 =	simm.s32 $0xB400;
	[dreg:$0x9] =	wrdreg s31;
	v2 =	vand.u32 $0xF, v2;
	v3 =	vand.u32 $0xF, v3;
	v4 =	vcombine.low v5, v4  }
.LBB2_8:
0x17: {  	s0 =	rddreg [dreg:$0x8];
	s3 =	simm.s32 $0x10480  }
0x18: {  	[hbm4b:s0+s2] =	stream.linear.scatter [tilespmem:s3], [sflag:$0x3], $0x200, $0x38;
	[tilespmem:$0x10680] =	vst v63  }
0x19: {  	_ =	swait.ge [sflag:s18], $0x200  }
0x1a: {  	s20 =	sadd.s32 $0x1, s20;
	s31 =	rddreg [dreg:$0x9]  }
0x1b: {  	p0 =	sne.s32 s20, s31  }
.Ltmp1:
0x1c: {  	_ = 	snop;
	(pc) =	sbr.rel @!p0 .LBB2_9-.Ltmp1, $3  }
0x1d: {  	_ =	sdelay $0x1  }
0x1e: {  	[sflag:s18] =	ssyncset.done $0x0  }
0x1f: {  	[sflag:s18] =	ssyncadd.s32 $0xFFFFFE00  }
.LBB2_1:
0x20: {  	s0 =	rddreg [dreg:$0x3];
	s3 =	simm.s32 $0x10400  }
0x21: {  	[tilespmem:s3], [sflag:$0x3] =	stream.linear.gather [hbm4b:s0+s2], $0x80, $0x38;
	[tilespmem:$0x10680] =	vst v63  }
0x22: {  	_ =	swait.ge [sflag:s18], $0x80  }
0x23: {  	[sflag:s18] =	ssyncset.done $0x0  }
0x24: {  	s24 =	rddreg [dreg:$0x6];
	[sflag:s18] =	ssyncadd.s32 $0xFFFFFF80  }
0x25: {  	[tilespmem:s2], [sflag:$0x3] =	stream.linear.gather [hbm4b:s24+s2], $0x200, $0x38;
	[tilespmem:$0x10680] =	vst v63  }
0x26: {  	_ =	swait.ge [sflag:s18], $0x200  }
0x27: {  	[sflag:s18] =	ssyncset.done $0x0  }
0x28: {  	s26 =	simm.s32 $0x200;
	s25 =	rddreg [dreg:$0x7];
	[sflag:s18] =	ssyncadd.s32 $0xFFFFFE00  }
0x29: {  	[tilespmem:s26], [sflag:$0x3] =	stream.linear.gather [hbm4b:s25+s2], $0x200, $0x38;
	[tilespmem:$0x10680] =	vst v63  }
0x2a: {  	_ =	swait.ge [sflag:s18], $0x200  }
0x2b: {  	[sflag:s18] =	ssyncset.done $0x0  }
0x2c: {  	[sflag:s18] =	ssyncadd.s32 $0xFFFFFE00  }
0x2d: {  	v5 =	vld [tilespmem:$0x0]  }
0x2e: {  	v6 =	vld [tilespmem:$0x200];
	_ =	sdelay $0x3  }
0x2f: {  	v5 =	vshrl.u32 v5, $0x3  }
0x30: {  	v13 =	vshll.u32 v5, $0x7;
	v5 =	vshrl.u32 v6, $0x3  }
0x31: {  	(v2sf) =	vpush v13, $0x0;
	v12 =	vshll.u32 v5, $0x7  }
0x32: {  	(v2sf) =	vpush v12, $0x0;
	_ =	sdelay $0x6  }
0x33: {  	(v2sf) =	vpush v13, $0x1  }
0x34: {  	(v2sf) =	vpush v12, $0x1;
	_ =	sdelay $0x5  }
0x35: {  	s28 =	spop (v2sf);
	(v2sf) =	vpush v13, $0x2  }
0x36: {  	s30 =	spop (v2sf);
	(v2sf) =	vpush v12, $0x2;
	_ =	sdelay $0x5  }
0x37: {  	(v2sf) =	vpush v13, $0x3  }
0x38: {  	s21 =	spop (v2sf)  }
0x39: {  	s23 =	spop (v2sf);
	(v2sf) =	vpush v12, $0x3;
	_ =	sdelay $0x4  }
0x3a: {  	v7 =	vld [tilespmem:$0x10420]  }
0x3b: {  	v8 =	vld [tilespmem:$0x10430];
	s25 =	spop (v2sf);
	(v2sf) =	vpush v13, $0x4  }
0x3c: {  	v9 =	vld [tilespmem:$0x10440];
	s0 =	sand.u32 $0x1FFFFF80, s28;
	s28 =	spop (v2sf);
	(v2sf) =	vpush v12, $0x4  }
0x3d: {  	v10 =	vld [tilespmem:$0x10450]  }
0x3e: {  	v11 =	vld [tilespmem:$0x10460]  }
0x3f: {  	s29 =	simm.s32 $0x400;
	v6 =	vld [tilespmem:$0x10410];
	s0 =	sadd.s32 s4, s0  }
0x40: {  	v5 =	vld [tilespmem:$0x10400];
	[tilespmem:s29], [sflag:$0x1] =	stream.linear.gather [hbm4b:s0+s2], $0x400, $0x38  }
0x41: {  	s0 =	sand.u32 $0x1FFFFF80, s30  }
0x42: {  	s31 =	simm.s32 $0x8400;
	s0 =	sadd.s32 s5, s0;
	s30 =	spop (v2sf);
	(v2sf) =	vpush v13, $0x5  }
0x43: {  	[tilespmem:s31], [sflag:$0x1] =	stream.linear.gather [hbm4b:s0+s2], $0x400, $0x38;
	[tilespmem:$0x10680] =	vst v63  }
0x44: {  	s0 =	sand.u32 $0x1FFFFF80, s21;
	s21 =	spop (v2sf);
	(v2sf) =	vpush v12, $0x5  }
0x45: {  	s22 =	simm.s32 $0x800;
	s0 =	sadd.s32 s4, s0  }
0x46: {  	[tilespmem:s22], [sflag:$0x1] =	stream.linear.gather [hbm4b:s0+s2], $0x400, $0x38;
	[tilespmem:$0x10680] =	vst v63  }
0x47: {  	s0 =	sand.u32 $0x1FFFFF80, s23  }
0x48: {  	s24 =	simm.s32 $0x8800;
	s0 =	sadd.s32 s5, s0  }
0x49: {  	[tilespmem:s24], [sflag:$0x1] =	stream.linear.gather [hbm4b:s0+s2], $0x400, $0x38;
	[tilespmem:$0x10680] =	vst v63  }
0x4a: {  	s0 =	sand.u32 $0x1FFFFF80, s25;
	s23 =	spop (v2sf);
	(v2sf) =	vpush v13, $0x6  }
0x4b: {  	s26 =	simm.s32 $0xC00;
	s0 =	sadd.s32 s4, s0;
	s25 =	spop (v2sf);
	(v2sf) =	vpush v12, $0x6  }
0x4c: {  	[tilespmem:s26], [sflag:$0x1] =	stream.linear.gather [hbm4b:s0+s2], $0x400, $0x38;
	[tilespmem:$0x10680] =	vst v63  }
0x4d: {  	s0 =	sand.u32 $0x1FFFFF80, s28  }
0x4e: {  	s29 =	simm.s32 $0x8C00;
	s0 =	sadd.s32 s5, s0  }
0x4f: {  	[tilespmem:s29], [sflag:$0x1] =	stream.linear.gather [hbm4b:s0+s2], $0x400, $0x38;
	[tilespmem:$0x10680] =	vst v63  }
0x50: {  	s0 =	sand.u32 $0x1FFFFF80, s30  }
0x51: {  	s31 =	simm.s32 $0x1000;
	s0 =	sadd.s32 s4, s0;
	s28 =	spop (v2sf);
	(v2sf) =	vpush v13, $0x7  }
0x52: {  	[tilespmem:s31], [sflag:$0x1] =	stream.linear.gather [hbm4b:s0+s2], $0x400, $0x38;
	[tilespmem:$0x10680] =	vst v63  }
0x53: {  	s0 =	sand.u32 $0x1FFFFF80, s21;
	s30 =	spop (v2sf);
	(v2sf) =	vpush v12, $0x7  }
0x54: {  	s22 =	simm.s32 $0x9000;
	s0 =	sadd.s32 s5, s0  }
0x55: {  	[tilespmem:s22], [sflag:$0x1] =	stream.linear.gather [hbm4b:s0+s2], $0x400, $0x38;
	[tilespmem:$0x10680] =	vst v63  }
0x56: {  	s0 =	sand.u32 $0x1FFFFF80, s23  }
0x57: {  	s24 =	simm.s32 $0x1400;
	s0 =	sadd.s32 s4, s0  }
0x58: {  	[tilespmem:s24], [sflag:$0x1] =	stream.linear.gather [hbm4b:s0+s2], $0x400, $0x38;
	[tilespmem:$0x10680] =	vst v63  }
0x59: {  	s0 =	sand.u32 $0x1FFFFF80, s25;
	s21 =	spop (v2sf);
	(v2sf) =	vpush v13, $0x8  }
0x5a: {  	s26 =	simm.s32 $0x9400;
	s0 =	sadd.s32 s5, s0;
	s23 =	spop (v2sf);
	(v2sf) =	vpush v12, $0x8  }
0x5b: {  	[tilespmem:s26], [sflag:$0x1] =	stream.linear.gather [hbm4b:s0+s2], $0x400, $0x38;
	[tilespmem:$0x10680] =	vst v63  }
0x5c: {  	s0 =	sand.u32 $0x1FFFFF80, s28  }
0x5d: {  	s29 =	simm.s32 $0x1800;
	s0 =	sadd.s32 s4, s0  }
0x5e: {  	[tilespmem:s29], [sflag:$0x1] =	stream.linear.gather [hbm4b:s0+s2], $0x400, $0x38;
	[tilespmem:$0x10680] =	vst v63  }
0x5f: {  	s0 =	sand.u32 $0x1FFFFF80, s30  }
0x60: {  	s31 =	simm.s32 $0x9800;
	s0 =	sadd.s32 s5, s0;
	s25 =	spop (v2sf);
	(v2sf) =	vpush v13, $0x9  }
0x61: {  	[tilespmem:s31], [sflag:$0x1] =	stream.linear.gather [hbm4b:s0+s2], $0x400, $0x38;
	[tilespmem:$0x10680] =	vst v63  }
0x62: {  	s0 =	sand.u32 $0x1FFFFF80, s21;
	s28 =	spop (v2sf);
	(v2sf) =	vpush v12, $0x9  }
0x63: {  	s22 =	simm.s32 $0x1C00;
	s0 =	sadd.s32 s4, s0  }
0x64: {  	[tilespmem:s22], [sflag:$0x1] =	stream.linear.gather [hbm4b:s0+s2], $0x400, $0x38;
	[tilespmem:$0x10680] =	vst v63  }
0x65: {  	s0 =	sand.u32 $0x1FFFFF80, s23  }
0x66: {  	s24 =	simm.s32 $0x9C00;
	s0 =	sadd.s32 s5, s0  }
0x67: {  	[tilespmem:s24], [sflag:$0x1] =	stream.linear.gather [hbm4b:s0+s2], $0x400, $0x38;
	[tilespmem:$0x10680] =	vst v63  }
0x68: {  	s0 =	sand.u32 $0x1FFFFF80, s25;
	s30 =	spop (v2sf);
	(v2sf) =	vpush v13, $0xA  }
0x69: {  	s26 =	simm.s32 $0x2000;
	s0 =	sadd.s32 s4, s0;
	s21 =	spop (v2sf);
	(v2sf) =	vpush v12, $0xA  }
0x6a: {  	[tilespmem:s26], [sflag:$0x1] =	stream.linear.gather [hbm4b:s0+s2], $0x400, $0x38;
	[tilespmem:$0x10680] =	vst v63  }
0x6b: {  	s0 =	sand.u32 $0x1FFFFF80, s28  }
0x6c: {  	s29 =	simm.s32 $0xA000;
	s0 =	sadd.s32 s5, s0  }
0x6d: {  	[tilespmem:s29], [sflag:$0x1] =	stream.linear.gather [hbm4b:s0+s2], $0x400, $0x38;
	[tilespmem:$0x10680] =	vst v63  }
0x6e: {  	s0 =	sand.u32 $0x1FFFFF80, s30  }
0x6f: {  	s31 =	simm.s32 $0x2400;
	s0 =	sadd.s32 s4, s0;
	s23 =	spop (v2sf);
	(v2sf) =	vpush v13, $0xB  }
0x70: {  	[tilespmem:s31], [sflag:$0x1] =	stream.linear.gather [hbm4b:s0+s2], $0x400, $0x38;
	[tilespmem:$0x10680] =	vst v63  }
0x71: {  	s0 =	sand.u32 $0x1FFFFF80, s21;
	s25 =	spop (v2sf);
	(v2sf) =	vpush v12, $0xB  }
0x72: {  	s22 =	simm.s32 $0xA400;
	s0 =	sadd.s32 s5, s0  }
0x73: {  	[tilespmem:s22], [sflag:$0x1] =	stream.linear.gather [hbm4b:s0+s2], $0x400, $0x38;
	[tilespmem:$0x10680] =	vst v63  }
0x74: {  	s0 =	sand.u32 $0x1FFFFF80, s23  }
0x75: {  	s24 =	simm.s32 $0x2800;
	s0 =	sadd.s32 s4, s0  }
0x76: {  	[tilespmem:s24], [sflag:$0x1] =	stream.linear.gather [hbm4b:s0+s2], $0x400, $0x38;
	[tilespmem:$0x10680] =	vst v63  }
0x77: {  	s0 =	sand.u32 $0x1FFFFF80, s25;
	s28 =	spop (v2sf);
	(v2sf) =	vpush v13, $0xC  }
0x78: {  	s26 =	simm.s32 $0xA800;
	s0 =	sadd.s32 s5, s0;
	s29 =	spop (v2sf);
	(v2sf) =	vpush v12, $0xC  }
0x79: {  	[tilespmem:s26], [sflag:$0x1] =	stream.linear.gather [hbm4b:s0+s2], $0x400, $0x38;
	[tilespmem:$0x10680] =	vst v63  }
0x7a: {  	s0 =	sand.u32 $0x1FFFFF80, s28;
	(v2sf) =	vpush v13, $0xD  }
0x7b: {  	s0 =	sadd.s32 s4, s0  }
0x7c: {  	[tilespmem:s1], [sflag:$0x1] =	stream.linear.gather [hbm4b:s0+s2], $0x400, $0x38;
	[tilespmem:$0x10680] =	vst v63  }
0x7d: {  	s0 =	sand.u32 $0x1FFFFF80, s29  }
0x7e: {  	s30 =	spop (v2sf);
	s0 =	sadd.s32 s5, s0  }
0x7f: {  	(v2sf) =	vpush v12, $0xD;
	[tilespmem:s10], [sflag:$0x1] =	stream.linear.gather [hbm4b:s0+s2], $0x400, $0x38;
	[tilespmem:$0x10680] =	vst v63  }
0x80: {  	s31 =	spop (v2sf);
	(v2sf) =	vpush v13, $0xE;
	s0 =	sand.u32 $0x1FFFFF80, s30  }
0x81: {  	s0 =	sadd.s32 s4, s0  }
0x82: {  	[tilespmem:s11], [sflag:$0x1] =	stream.linear.gather [hbm4b:s0+s2], $0x400, $0x38;
	[tilespmem:$0x10680] =	vst v63  }
0x83: {  	s0 =	sand.u32 $0x1FFFFF80, s31  }
0x84: {  	s0 =	sadd.s32 s5, s0  }
0x85: {  	[tilespmem:s6], [sflag:$0x1] =	stream.linear.gather [hbm4b:s0+s2], $0x400, $0x38;
	[tilespmem:$0x10680] =	vst v63  }
0x86: {  	s3 =	spop (v2sf);
	(v2sf) =	vpush v12, $0xE  }
0x87: {  	s21 =	spop (v2sf);
	(v2sf) =	vpush v13, $0xF  }
0x88: {  	s0 =	sand.u32 $0x1FFFFF80, s3  }
0x89: {  	s0 =	sadd.s32 s4, s0;
	s22 =	spop (v2sf)  }
0x8a: {  	(v2sf) =	vpush v12, $0xF;
	[tilespmem:s7], [sflag:$0x1] =	stream.linear.gather [hbm4b:s0+s2], $0x400, $0x38;
	[tilespmem:$0x10680] =	vst v63  }
0x8b: {  	s0 =	sand.u32 $0x1FFFFF80, s21  }
0x8c: {  	s0 =	sadd.s32 s5, s0  }
0x8d: {  	[tilespmem:s8], [sflag:$0x1] =	stream.linear.gather [hbm4b:s0+s2], $0x400, $0x38;
	[tilespmem:$0x10680] =	vst v63  }
0x8e: {  	s21 =	spop (v2sf);
	s0 =	sand.u32 $0x1FFFFF80, s22  }
0x8f: {  	s23 =	sand.u32 $0x1FFFFF80, s21;
	s24 =	spop (v2sf);
	s0 =	sadd.s32 s4, s0  }
0x90: {  	[tilespmem:s9], [sflag:$0x1] =	stream.linear.gather [hbm4b:s0+s2], $0x400, $0x38;
	[tilespmem:$0x10680] =	vst v63  }
0x91: {  	s25 =	sand.u32 $0x1FFFFF80, s24;
	s0 =	sadd.s32 s5, s23  }
0x92: {  	[tilespmem:s12], [sflag:$0x1] =	stream.linear.gather [hbm4b:s0+s2], $0x400, $0x38;
	[tilespmem:$0x10680] =	vst v63  }
0x93: {  	s0 =	sadd.s32 s4, s25  }
0x94: {  	[tilespmem:s13], [sflag:$0x1] =	stream.linear.gather [hbm4b:s0+s2], $0x400, $0x38;
	[tilespmem:$0x10680] =	vst v63  }
0x95: {  	s26 =	spop (v2sf)  }
0x96: {  	s28 =	sand.u32 $0x1FFFFF80, s26;
	s29 =	spop (v2sf)  }
0x97: {  	s0 =	sadd.s32 s5, s28;
	s30 =	sand.u32 $0x1FFFFF80, s29  }
0x98: {  	[tilespmem:s14], [sflag:$0x1] =	stream.linear.gather [hbm4b:s0+s2], $0x400, $0x38;
	[tilespmem:$0x10680] =	vst v63  }
.Ltmp2:
0x99: {  	s31 =	spop (v2sf);
	s0 =	sadd.s32 s4, s30;
	(pc) =	sbr.rel .LBB2_2-.Ltmp2, $4  }
0x9a: {  	[tilespmem:s15], [sflag:$0x1] =	stream.linear.gather [hbm4b:s0+s2], $0x400, $0x38;
	[tilespmem:$0x10680] =	vst v63  }
0x9b: {  	s21 =	simm.s32 $0x210;
	s22 =	simm.s32 $0x10;
	s0 =	sand.u32 $0x1FFFFF80, s31  }
0x9c: {  	s24 =	simm.s32 $0x0;
	s23 =	simm.s32 $0x10480;
	s0 =	sadd.s32 s5, s0  }
0x9d: {  	[tilespmem:s16], [sflag:$0x1] =	stream.linear.gather [hbm4b:s0+s2], $0x400, $0x38;
	[tilespmem:$0x10680] =	vst v63  }
.LBB2_5:
0x9e: {  	(v2sf) =	vpush v13, $0x3;
	_ =	sdelay $0x1  }
0x9f: {  	(v2sf) =	vpush v12, $0x3;
	_ =	sdelay $0x3  }
0xa0: {  	(v2sf) =	vpush v13, $0x4;
	_ =	sdelay $0x2  }
0xa1: {  	s3 =	simm.s32 $0x400;
	(v2sf) =	vpush v12, $0x4  }
0xa2: {  	[tilespmem:s3], [sflag:$0x1] =	stream.linear.gather [hbm4b:s0+s2], $0x400, $0x38;
	[tilespmem:$0x10680] =	vst v63  }
0xa3: {  	s3 =	simm.s32 $0x8400  }
0xa4: {  	[tilespmem:s3], [sflag:$0x1] =	stream.linear.gather [hbm4b:s30+s2], $0x400, $0x38;
	[tilespmem:$0x10680] =	vst v63  }
0xa5: {  	s3 =	simm.s32 $0x800  }
0xa6: {  	[tilespmem:s3], [sflag:$0x1] =	stream.linear.gather [hbm4b:s28+s2], $0x400, $0x38;
	[tilespmem:$0x10680] =	vst v63  }
0xa7: {  	s30 =	simm.s32 $0x8800;
	s28 =	spop (v2sf);
	(v2sf) =	vpush v13, $0x5  }
0xa8: {  	[tilespmem:s30], [sflag:$0x1] =	stream.linear.gather [hbm4b:s31+s2], $0x400, $0x38;
	[tilespmem:$0x10680] =	vst v63  }
0xa9: {  	s31 =	simm.s32 $0xC00;
	s30 =	spop (v2sf);
	(v2sf) =	vpush v12, $0x5  }
0xaa: {  	[tilespmem:s31], [sflag:$0x1] =	stream.linear.gather [hbm4b:s29+s2], $0x400, $0x38;
	[tilespmem:$0x10680] =	vst v63  }
0xab: {  	s3 =	simm.s32 $0x8C00  }
0xac: {  	[tilespmem:s3], [sflag:$0x1] =	stream.linear.gather [hbm4b:s26+s2], $0x400, $0x38;
	[tilespmem:$0x10680] =	vst v63  }
0xad: {  	s3 =	spop (v2sf);
	(v2sf) =	vpush v13, $0x6;
	_ =	sdelay $0x2  }
0xae: {  	s0 =	sand.u32 $0x1FFFFF80, s28;
	s28 =	spop (v2sf);
	(v2sf) =	vpush v12, $0x6;
	_ =	sdelay $0x2  }
0xaf: {  	s29 =	simm.s32 $0x1000;
	s0 =	sadd.s32 s4, s0  }
0xb0: {  	[tilespmem:s29], [sflag:$0x1] =	stream.linear.gather [hbm4b:s0+s2], $0x400, $0x38;
	[tilespmem:$0x10680] =	vst v63  }
0xb1: {  	s0 =	sand.u32 $0x1FFFFF80, s30  }
0xb2: {  	s31 =	simm.s32 $0x9000;
	s0 =	sadd.s32 s5, s0;
	s30 =	spop (v2sf);
	(v2sf) =	vpush v13, $0x7  }
0xb3: {  	[tilespmem:s31], [sflag:$0x1] =	stream.linear.gather [hbm4b:s0+s2], $0x400, $0x38;
	[tilespmem:$0x10680] =	vst v63  }
0xb4: {  	s0 =	sand.u32 $0x1FFFFF80, s3;
	s3 =	spop (v2sf);
	(v2sf) =	vpush v12, $0x7;
	_ =	sdelay $0x1  }
0xb5: {  	s26 =	simm.s32 $0x1400;
	s0 =	sadd.s32 s4, s0  }
0xb6: {  	[tilespmem:s26], [sflag:$0x1] =	stream.linear.gather [hbm4b:s0+s2], $0x400, $0x38;
	[tilespmem:$0x10680] =	vst v63  }
0xb7: {  	s0 =	sand.u32 $0x1FFFFF80, s28;
	s28 =	spop (v2sf);
	(v2sf) =	vpush v13, $0x8  }
0xb8: {  	s29 =	simm.s32 $0x9400;
	s0 =	sadd.s32 s5, s0  }
0xb9: {  	[tilespmem:s29], [sflag:$0x1] =	stream.linear.gather [hbm4b:s0+s2], $0x400, $0x38;
	[tilespmem:$0x10680] =	vst v63  }
0xba: {  	s0 =	sand.u32 $0x1FFFFF80, s30;
	s30 =	spop (v2sf);
	(v2sf) =	vpush v12, $0x8;
	_ =	sdelay $0x2  }
0xbb: {  	s31 =	simm.s32 $0x1800;
	s0 =	sadd.s32 s4, s0  }
0xbc: {  	[tilespmem:s31], [sflag:$0x1] =	stream.linear.gather [hbm4b:s0+s2], $0x400, $0x38;
	[tilespmem:$0x10680] =	vst v63  }
0xbd: {  	s0 =	sand.u32 $0x1FFFFF80, s3  }
0xbe: {  	s26 =	simm.s32 $0x9800;
	s0 =	sadd.s32 s5, s0;
	s3 =	spop (v2sf);
	(v2sf) =	vpush v13, $0x9  }
0xbf: {  	[tilespmem:s26], [sflag:$0x1] =	stream.linear.gather [hbm4b:s0+s2], $0x400, $0x38;
	[tilespmem:$0x10680] =	vst v63  }
0xc0: {  	s0 =	sand.u32 $0x1FFFFF80, s28;
	s28 =	spop (v2sf);
	(v2sf) =	vpush v12, $0x9;
	_ =	sdelay $0x1  }
0xc1: {  	s29 =	simm.s32 $0x1C00;
	s0 =	sadd.s32 s4, s0  }
0xc2: {  	[tilespmem:s29], [sflag:$0x1] =	stream.linear.gather [hbm4b:s0+s2], $0x400, $0x38;
	[tilespmem:$0x10680] =	vst v63  }
0xc3: {  	s0 =	sand.u32 $0x1FFFFF80, s30;
	s30 =	spop (v2sf);
	(v2sf) =	vpush v13, $0xA  }
0xc4: {  	s31 =	simm.s32 $0x9C00;
	s0 =	sadd.s32 s5, s0  }
0xc5: {  	[tilespmem:s31], [sflag:$0x1] =	stream.linear.gather [hbm4b:s0+s2], $0x400, $0x38;
	[tilespmem:$0x10680] =	vst v63  }
0xc6: {  	s0 =	sand.u32 $0x1FFFFF80, s3;
	s3 =	spop (v2sf);
	(v2sf) =	vpush v12, $0xA;
	_ =	sdelay $0x2  }
0xc7: {  	s26 =	simm.s32 $0x2000;
	s0 =	sadd.s32 s4, s0  }
0xc8: {  	[tilespmem:s26], [sflag:$0x1] =	stream.linear.gather [hbm4b:s0+s2], $0x400, $0x38;
	[tilespmem:$0x10680] =	vst v63  }
0xc9: {  	s0 =	sand.u32 $0x1FFFFF80, s28  }
0xca: {  	s29 =	simm.s32 $0xA000;
	s0 =	sadd.s32 s5, s0;
	s28 =	spop (v2sf);
	(v2sf) =	vpush v13, $0xB  }
0xcb: {  	[tilespmem:s29], [sflag:$0x1] =	stream.linear.gather [hbm4b:s0+s2], $0x400, $0x38;
	[tilespmem:$0x10680] =	vst v63  }
0xcc: {  	s0 =	sand.u32 $0x1FFFFF80, s30;
	s30 =	spop (v2sf);
	(v2sf) =	vpush v12, $0xB  }
0xcd: {  	s31 =	simm.s32 $0x2400;
	s0 =	sadd.s32 s4, s0  }
0xce: {  	[tilespmem:s31], [sflag:$0x1] =	stream.linear.gather [hbm4b:s0+s2], $0x400, $0x38;
	[tilespmem:$0x10680] =	vst v63  }
0xcf: {  	s0 =	sand.u32 $0x1FFFFF80, s3  }
0xd0: {  	s26 =	simm.s32 $0xA400;
	s0 =	sadd.s32 s5, s0;
	s3 =	spop (v2sf);
	(v2sf) =	vpush v13, $0xC  }
0xd1: {  	[tilespmem:s26], [sflag:$0x1] =	stream.linear.gather [hbm4b:s0+s2], $0x400, $0x38;
	[tilespmem:$0x10680] =	vst v63  }
0xd2: {  	s0 =	sand.u32 $0x1FFFFF80, s28  }
0xd3: {  	s29 =	simm.s32 $0x2800;
	s0 =	sadd.s32 s4, s0;
	s26 =	spop (v2sf);
	(v2sf) =	vpush v12, $0xC  }
0xd4: {  	[tilespmem:s29], [sflag:$0x1] =	stream.linear.gather [hbm4b:s0+s2], $0x400, $0x38;
	[tilespmem:$0x10680] =	vst v63  }
0xd5: {  	s0 =	sand.u32 $0x1FFFFF80, s30  }
0xd6: {  	s31 =	simm.s32 $0xA800;
	s0 =	sadd.s32 s5, s0  }
0xd7: {  	[tilespmem:s31], [sflag:$0x1] =	stream.linear.gather [hbm4b:s0+s2], $0x400, $0x38;
	[tilespmem:$0x10680] =	vst v63  }
0xd8: {  	s0 =	sand.u32 $0x1FFFFF80, s3  }
0xd9: {  	s0 =	sadd.s32 s4, s0;
	s28 =	spop (v2sf);
	(v2sf) =	vpush v13, $0xD  }
0xda: {  	[tilespmem:s1], [sflag:$0x1] =	stream.linear.gather [hbm4b:s0+s2], $0x400, $0x38;
	[tilespmem:$0x10680] =	vst v63  }
0xdb: {  	s0 =	sand.u32 $0x1FFFFF80, s26;
	s29 =	spop (v2sf);
	(v2sf) =	vpush v12, $0xD  }
0xdc: {  	s0 =	sadd.s32 s5, s0  }
0xdd: {  	[tilespmem:s10], [sflag:$0x1] =	stream.linear.gather [hbm4b:s0+s2], $0x400, $0x38;
	[tilespmem:$0x10680] =	vst v63  }
0xde: {  	s0 =	sand.u32 $0x1FFFFF80, s28  }
0xdf: {  	s0 =	sadd.s32 s4, s0;
	s30 =	spop (v2sf)  }
0xe0: {  	(v2sf) =	vpush v13, $0xE;
	[tilespmem:s11], [sflag:$0x1] =	stream.linear.gather [hbm4b:s0+s2], $0x400, $0x38;
	[tilespmem:$0x10680] =	vst v63  }
0xe1: {  	s0 =	sand.u32 $0x1FFFFF80, s29  }
0xe2: {  	s31 =	spop (v2sf);
	s0 =	sadd.s32 s5, s0  }
0xe3: {  	(v2sf) =	vpush v12, $0xE;
	[tilespmem:s6], [sflag:$0x1] =	stream.linear.gather [hbm4b:s0+s2], $0x400, $0x38;
	[tilespmem:$0x10680] =	vst v63  }
0xe4: {  	s0 =	sand.u32 $0x1FFFFF80, s30  }
0xe5: {  	s0 =	sadd.s32 s4, s0  }
0xe6: {  	[tilespmem:s7], [sflag:$0x1] =	stream.linear.gather [hbm4b:s0+s2], $0x400, $0x38;
	[tilespmem:$0x10680] =	vst v63  }
0xe7: {  	s0 =	sand.u32 $0x1FFFFF80, s31  }
0xe8: {  	s0 =	sadd.s32 s5, s0;
	s3 =	spop (v2sf);
	(v2sf) =	vpush v13, $0xF  }
0xe9: {  	[tilespmem:s8], [sflag:$0x1] =	stream.linear.gather [hbm4b:s0+s2], $0x400, $0x38;
	[tilespmem:$0x10680] =	vst v63  }
0xea: {  	s26 =	spop (v2sf);
	(v2sf) =	vpush v12, $0xF  }
0xeb: {  	s0 =	sand.u32 $0x1FFFFF80, s3  }
0xec: {  	s0 =	sadd.s32 s4, s0  }
0xed: {  	[tilespmem:s9], [sflag:$0x1] =	stream.linear.gather [hbm4b:s0+s2], $0x400, $0x38;
	[tilespmem:$0x10680] =	vst v63  }
0xee: {  	s0 =	sand.u32 $0x1FFFFF80, s26  }
0xef: {  	s28 =	spop (v2sf);
	s0 =	sadd.s32 s5, s0  }
0xf0: {  	[tilespmem:s12], [sflag:$0x1] =	stream.linear.gather [hbm4b:s0+s2], $0x400, $0x38;
	[tilespmem:$0x10680] =	vst v63  }
0xf1: {  	s0 =	sand.u32 $0x1FFFFF80, s28  }
0xf2: {  	s29 =	spop (v2sf);
	s0 =	sadd.s32 s4, s0  }
0xf3: {  	[tilespmem:s13], [sflag:$0x1] =	stream.linear.gather [hbm4b:s0+s2], $0x400, $0x38;
	[tilespmem:$0x10680] =	vst v63  }
0xf4: {  	s0 =	sand.u32 $0x1FFFFF80, s29  }
0xf5: {  	s0 =	sadd.s32 s5, s0  }
0xf6: {  	[tilespmem:s14], [sflag:$0x1] =	stream.linear.gather [hbm4b:s0+s2], $0x400, $0x38;
	[tilespmem:$0x10680] =	vst v63  }
0xf7: {  	s30 =	spop (v2sf)  }
0xf8: {  	s0 =	sand.u32 $0x1FFFFF80, s30  }
0xf9: {  	s31 =	spop (v2sf);
	s0 =	sadd.s32 s4, s0  }
0xfa: {  	[tilespmem:s15], [sflag:$0x1] =	stream.linear.gather [hbm4b:s0+s2], $0x400, $0x38;
	[tilespmem:$0x10680] =	vst v63  }
0xfb: {  	s0 =	sand.u32 $0x1FFFFF80, s31  }
0xfc: {  	s0 =	sadd.s32 s5, s0  }
0xfd: {  	[tilespmem:s16], [sflag:$0x1] =	stream.linear.gather [hbm4b:s0+s2], $0x400, $0x38;
	[tilespmem:$0x10680] =	vst v63  }
.LBB2_6:
0xfe: {  	_ =	swait.ge [sflag:s17], $0x4000  }
0xff: {  	[sflag:s17] =	ssyncset.done $0x0  }
0x100: {  	[sflag:s17] =	ssyncadd.s32 $0xFFFFC000  }
0x101: {  	_ =	swait.ge [sflag:s17], $0x4000  }
0x102: {  	[sflag:s17] =	ssyncset.done $0x0  }
0x103: {  	[sflag:s17] =	ssyncadd.s32 $0xFFFFC000  }
.LBB2_7:
0x104: {  	v12 =	vld [tilespmem:s22+$0xFFFFFFF0];
	_ =	sdelay $0x3  }
0x105: {  	v13 =	vld [tilespmem:s21+$0xFFFFFFF0]  }
0x106: {  	v12 =	vand.u32 $0x7, v12  }
0x107: {  	v15 =	vshll.u32 v12, $0x7  }
0x108: {  	(v2sf) =	vpush v15, $0x1;
	_ =	sdelay $0x1  }
0x109: {  	v33 =	vand.u32 $0x7, v13;
	(v2sf) =	vpush v15, $0x0  }
0x10a: {  	v14 =	vshll.u32 v33, $0x7  }
0x10b: {  	(v2sf) =	vpush v14, $0x0;
	_ =	sdelay $0x1  }
0x10c: {  	(v2sf) =	vpush v14, $0x1;
	_ =	sdelay $0x1  }
0x10d: {  	(v2sf) =	vpush v15, $0x2;
	_ =	sdelay $0x1  }
0x10e: {  	(v2sf) =	vpush v15, $0x3  }
0x10f: {  	(v2sf) =	vpush v14, $0x2;
	_ =	sdelay $0x2  }
0x110: {  	s25 =	sshll.u32 s25, $0xE  }
0x111: {  	s26 =	sor.u32 $0x400, s25;
	s0 =	spop (v2sf)  }
0x112: {  	s0 =	sor.u32 s0, s26  }
0x113: {  	s3 =	spop (v2sf);
	v17 =	vld [tilespmem:s0+$0x400]  }
0x114: {  	(v2sf) =	vpush v14, $0x3;
	s3 =	sor.u32 s3, s26;
	v36 =	vld [tilespmem:s0+$0x410]  }
0x115: {  	s28 =	spop (v2sf);
	v34 =	vld [tilespmem:s3+$0x0]  }
0x116: {  	(v2sf) =	vpush v15, $0x4;
	s28 =	sor.u32 s28, s25;
	v16 =	vld [tilespmem:s3+$0x10]  }
0x117: {  	s31 =	spop (v2sf);
	v35 =	vld [tilespmem:s28+$0x8400]  }
0x118: {  	(v2sf) =	vpush v15, $0x5;
	v18 =	vld [tilespmem:s28+$0x8410];
	s3 =	sor.u32 s31, s26  }
0x119: {  	s26 =	sor.u32 $0x800, s25;
	s29 =	spop (v2sf);
	v20 =	vld [tilespmem:s3+$0x8400];
	v22 =	vmul.f32 v17, v5  }
0x11a: {  	(v2sf) =	vpush v14, $0x4;
	s30 =	sor.u32 s29, s26;
	v37 =	vld [tilespmem:s3+$0x8410];
	v17 =	vmul.f32 v17, v7;
	v38 =	vmul.f32 v36, v6  }
0x11b: {  	s31 =	spop (v2sf);
	v23 =	vld [tilespmem:s30+$0x400];
	v19 =	vmul.f32 v34, v5;
	v12 =	vmul.f32 v34, v7  }
0x11c: {  	s29 =	spop (v2sf);
	(v2sf) =	vpush v14, $0x5;
	v39 =	vld [tilespmem:s30+$0x410];
	v21 =	vmul.f32 v16, v6;
	v16 =	vmul.f32 v16, v8  }
0x11d: {  	s26 =	sor.u32 s29, s26;
	v13 =	vmul.f32 v35, v9;
	v19 =	vmul.f32 v35, v19  }
0x11e: {  	s29 =	sor.u32 $0xC00, s25;
	(v2sf) =	vpush v15, $0x6;
	v24 =	vld [tilespmem:s26+$0x8400];
	v21 =	vmul.f32 v18, v21;
	v22 =	vmul.f32 v20, v22  }
0x11f: {  	s0 =	sor.u32 s31, s29;
	v42 =	vld [tilespmem:s26+$0x8410];
	v20 =	vmul.f32 v20, v9;
	v41 =	vmul.f32 v37, v38  }
0x120: {  	v25 =	vld [tilespmem:s0+$0x400];
	v18 =	vmul.f32 v18, v10;
	v40 =	vmul.f32 v23, v5  }
0x121: {  	v27 =	vld [tilespmem:s0+$0x410];
	v23 =	vmul.f32 v23, v7;
	v45 =	vmul.f32 v39, v6;
	v12 =	vadd.f32 v19, v12  }
0x122: {  	v50 =	vmul.f32 v39, v8;
	v17 =	vadd.f32 v22, v17;
	v19 =	vmul.f32 v36, v8  }
0x123: {  	v44 =	vmul.f32 v24, v9;
	v12 =	vadd.f32 v12, v13;
	s30 =	spop (v2sf);
	(v2sf) =	vpush v15, $0x7  }
0x124: {  	v47 =	vmul.f32 v42, v45;
	v17 =	vadd.f32 v17, v20;
	v13 =	vmul.f32 v37, v10;
	s3 =	sor.u32 s30, s29  }
0x125: {  	s31 =	sor.u32 $0x1000, s25;
	v46 =	vmul.f32 v25, v5;
	v12 =	vadd.f32 v12, v21;
	s30 =	spop (v2sf);
	(v2sf) =	vpush v14, $0x6;
	v26 =	vld [tilespmem:s3+$0x8400]  }
0x126: {  	v49 =	vmul.f32 v25, v7;
	v54 =	vmul.f32 v27, v6;
	v17 =	vadd.f32 v17, v41;
	s28 =	sor.u32 s30, s31;
	v48 =	vld [tilespmem:s3+$0x8410]  }
0x127: {  	s26 =	sor.u32 $0x1400, s25;
	s29 =	spop (v2sf);
	(v2sf) =	vpush v14, $0x7;
	v12 =	vadd.f32 v12, v16;
	v16 =	vmul.f32 v24, v40;
	v43 =	vld [tilespmem:s28+$0x400]  }
0x128: {  	v62 =	vmul.f32 v27, v8;
	v17 =	vadd.f32 v17, v19;
	v51 =	vld [tilespmem:s28+$0x410];
	s28 =	sor.u32 s29, s26;
	(v2sf) =	vpush v15, $0x8  }
0x129: {  	v21 =	vmul.f32 v42, v10;
	s30 =	spop (v2sf);
	v57 =	vld [tilespmem:s28+$0x400];
	(v2sf) =	vpush v15, $0x9;
	v16 =	vadd.f32 v16, v23  }
0x12a: {  	s31 =	sor.u32 s30, s31;
	v63 =	vld [tilespmem:s28+$0x410];
	v12 =	vadd.f32 v12, v18;
	v13 =	vadd.f32 v17, v13;
	v19 =	vmul.f32 v26, v46  }
0x12b: {  	v28 =	vld [tilespmem:s31+$0x8400];
	s29 =	spop (v2sf);
	(v2sf) =	vpush v14, $0x8;
	v53 =	vmul.f32 v26, v9;
	v58 =	vmul.f32 v48, v54  }
0x12c: {  	v55 =	vld [tilespmem:s31+$0x8410];
	v16 =	vadd.f32 v16, v44;
	v17 =	vmul.f32 v48, v10;
	v52 =	vmul.f32 v43, v5  }
0x12d: {  	s3 =	sor.u32 s29, s26;
	s30 =	spop (v2sf);
	(v2sf) =	vpush v14, $0x9;
	v20 =	vmul.f32 v43, v7;
	v61 =	vmul.f32 v51, v6  }
0x12e: {  	v59 =	vld [tilespmem:s3+$0x8400];
	v22 =	vmul.f32 v51, v8;
	v19 =	vadd.f32 v19, v49;
	v29 =	vmul.f32 v57, v5  }
0x12f: {  	s0 =	sor.u32 $0x1800, s25;
	v36 =	vld [tilespmem:s3+$0x8410];
	v16 =	vadd.f32 v16, v47;
	v24 =	vmul.f32 v57, v7;
	v44 =	vmul.f32 v63, v6  }
0x130: {  	s3 =	sor.u32 s30, s0;
	v27 =	vmul.f32 v63, v8;
	v56 =	vmul.f32 v28, v52;
	v19 =	vadd.f32 v19, v53  }
0x131: {  	v37 =	vld [tilespmem:s3+$0x400];
	v60 =	vmul.f32 v28, v9;
	v35 =	vmul.f32 v55, v61;
	v16 =	vadd.f32 v16, v50  }
0x132: {  	s28 =	sor.u32 $0x1C00, s25;
	v43 =	vmul.f32 v55, v10;
	v18 =	vadd.f32 v56, v20;
	v19 =	vadd.f32 v19, v58;
	s31 =	spop (v2sf)  }
0x133: {  	v45 =	vld [tilespmem:s3+$0x410];
	v38 =	vmul.f32 v59, v29;
	v16 =	vadd.f32 v16, v21;
	v20 =	vmul.f32 v59, v9;
	s26 =	sor.u32 s31, s28  }
0x134: {  	v25 =	vmul.f32 v36, v44;
	v18 =	vadd.f32 v18, v60;
	v19 =	vadd.f32 v19, v62;
	s30 =	spop (v2sf);
	v39 =	vld [tilespmem:s26+$0x400]  }
0x135: {  	v57 =	vmul.f32 v36, v10;
	v41 =	vadd.f32 v38, v24;
	(v2sf) =	vpush v15, $0xA;
	s0 =	sor.u32 s30, s0;
	v30 =	vld [tilespmem:s26+$0x410]  }
0x136: {  	v46 =	vmul.f32 v37, v5;
	v18 =	vadd.f32 v18, v35;
	(v2sf) =	vpush v15, $0xB;
	s31 =	spop (v2sf);
	v40 =	vld [tilespmem:s0+$0x8400]  }
0x137: {  	v23 =	vmul.f32 v37, v7;
	v17 =	vadd.f32 v19, v17;
	v20 =	vadd.f32 v41, v20;
	s28 =	sor.u32 s31, s28;
	v31 =	vld [tilespmem:s0+$0x8410]  }
0x138: {  	v48 =	vmul.f32 v45, v6;
	(v2sf) =	vpush v14, $0xA;
	v18 =	vadd.f32 v18, v22;
	s0 =	sor.u32 $0x2000, s25;
	s30 =	spop (v2sf);
	v42 =	vld [tilespmem:s28+$0x8400]  }
0x139: {  	v53 =	vmul.f32 v45, v8;
	(v2sf) =	vpush v14, $0xB;
	v33 =	vld [tilespmem:s28+$0x8410];
	v20 =	vadd.f32 v20, v25;
	s3 =	sor.u32 s30, s0  }
0x13a: {  	s31 =	spop (v2sf);
	s28 =	sor.u32 $0x2400, s25;
	(v2sf) =	vpush v15, $0xC;
	v52 =	vld [tilespmem:s3+$0x400];
	v32 =	vmul.f32 v39, v5;
	v29 =	vmul.f32 v39, v7  }
0x13b: {  	s26 =	sor.u32 s31, s28;
	v18 =	vadd.f32 v18, v43;
	v61 =	vld [tilespmem:s3+$0x410];
	v49 =	vmul.f32 v30, v6;
	v55 =	vmul.f32 v30, v8  }
0x13c: {  	s30 =	spop (v2sf);
	v54 =	vld [tilespmem:s26+$0x400];
	v20 =	vadd.f32 v20, v27;
	v21 =	vmul.f32 v40, v46;
	v19 =	vmul.f32 v40, v9  }
0x13d: {  	v63 =	vld [tilespmem:s26+$0x410];
	s0 =	sor.u32 s30, s0;
	s31 =	spop (v2sf);
	(v2sf) =	vpush v15, $0xD;
	v50 =	vmul.f32 v31, v48;
	v59 =	vmul.f32 v31, v10  }
0x13e: {  	v56 =	vld [tilespmem:s0+$0x8400];
	(v2sf) =	vpush v14, $0xC;
	v47 =	vmul.f32 v42, v32;
	v22 =	vmul.f32 v42, v9  }
0x13f: {  	s28 =	sor.u32 s31, s28;
	v51 =	vmul.f32 v33, v49;
	v60 =	vmul.f32 v33, v10;
	(v2sf) =	vpush v14, $0xD  }
0x140: {  	v58 =	vld [tilespmem:s28+$0x8400];
	v21 =	vadd.f32 v21, v23;
	v62 =	vmul.f32 v52, v5;
	v42 =	vmul.f32 v61, v6  }
0x141: {  	v25 =	vadd.f32 v47, v29;
	v36 =	vmul.f32 v54, v5;
	v26 =	vmul.f32 v54, v7  }
0x142: {  	v39 =	vld [tilespmem:s28+$0x8410];
	v44 =	vmul.f32 v63, v6;
	v47 =	vmul.f32 v61, v8;
	v19 =	vadd.f32 v21, v19  }
0x143: {  	v21 =	vadd.f32 v20, v57;
	v22 =	vadd.f32 v25, v22;
	v38 =	vmul.f32 v56, v62  }
0x144: {  	v37 =	vld [tilespmem:s0+$0x8410];
	s0 =	sor.u32 $0x2800, s25;
	v25 =	vmul.f32 v52, v7;
	v40 =	vmul.f32 v56, v9;
	v19 =	vadd.f32 v19, v50;
	s30 =	spop (v2sf)  }
0x145: {  	v28 =	vmul.f32 v58, v36;
	v22 =	vadd.f32 v22, v51;
	(v2sf) =	vpush v15, $0xE;
	s3 =	sor.u32 s30, s0  }
0x146: {  	s28 =	sor.u32 $0x2C00, s25;
	v27 =	vmul.f32 v58, v9;
	v23 =	vadd.f32 v38, v25;
	v19 =	vadd.f32 v19, v53;
	s31 =	spop (v2sf);
	v41 =	vld [tilespmem:s3+$0x400]  }
0x147: {  	v49 =	vmul.f32 v39, v44;
	(v2sf) =	vpush v15, $0xF;
	v26 =	vadd.f32 v28, v26;
	s26 =	sor.u32 s31, s28;
	v50 =	vld [tilespmem:s3+$0x410]  }
0x148: {  	v54 =	vmul.f32 v39, v10;
	v22 =	vadd.f32 v22, v55;
	s30 =	spop (v2sf);
	(v2sf) =	vpush v14, $0xE;
	v43 =	vld [tilespmem:s26+$0x400]  }
0x149: {  	v51 =	vmul.f32 v63, v8;
	v46 =	vadd.f32 v23, v40;
	v19 =	vadd.f32 v19, v59;
	s0 =	sor.u32 s30, s0;
	v53 =	vld [tilespmem:s26+$0x410]  }
0x14a: {  	v15 =	vmul.f32 v37, v42;
	s31 =	spop (v2sf);
	(v2sf) =	vpush v14, $0xF;
	v26 =	vadd.f32 v26, v27;
	v45 =	vld [tilespmem:s0+$0x8400]  }
0x14b: {  	v20 =	vadd.f32 v22, v60;
	s28 =	sor.u32 s31, s28;
	v22 =	vmul.f32 v37, v10;
	v55 =	vld [tilespmem:s0+$0x8410];
	v52 =	vmul.f32 v41, v5  }
0x14c: {  	s30 =	sor.u32 $0x3000, s25;
	v14 =	vadd.f32 v46, v15;
	s29 =	spop (v2sf);
	v48 =	vld [tilespmem:s28+$0x8400];
	v57 =	vmul.f32 v41, v7;
	v62 =	vmul.f32 v50, v6  }
0x14d: {  	v26 =	vadd.f32 v26, v49;
	v58 =	vld [tilespmem:s28+$0x8410];
	s3 =	sor.u32 s29, s30;
	s31 =	spop (v2sf);
	v34 =	vmul.f32 v43, v5;
	v28 =	vmul.f32 v43, v7  }
0x14e: {  	v14 =	vadd.f32 v14, v47;
	v60 =	vld [tilespmem:s3+$0x400];
	s29 =	spop (v2sf);
	v63 =	vmul.f32 v53, v6;
	v43 =	vmul.f32 v50, v8  }
0x14f: {  	v35 =	vld [tilespmem:s3+$0x410];
	v15 =	vadd.f32 v26, v51;
	v46 =	vmul.f32 v53, v8;
	v56 =	vmul.f32 v45, v52;
	s0 =	sor.u32 s29, s30  }
0x150: {  	v14 =	vadd.f32 v14, v22;
	v61 =	vmul.f32 v45, v9;
	s30 =	sor.u32 $0x3400, s25;
	v40 =	vmul.f32 v55, v62;
	v36 =	vld [tilespmem:s0+$0x8400]  }
0x151: {  	v15 =	vadd.f32 v15, v54;
	v31 =	vmul.f32 v55, v10;
	v59 =	vmul.f32 v48, v34;
	s26 =	sor.u32 s31, s30;
	v27 =	vld [tilespmem:s0+$0x8410]  }
0x152: {  	v25 =	vmul.f32 v48, v9;
	s31 =	spop (v2sf);
	v42 =	vmul.f32 v58, v63;
	v23 =	vadd.f32 v56, v57;
	v41 =	vld [tilespmem:s26+$0x400]  }
0x153: {  	v49 =	vmul.f32 v58, v10;
	s29 =	sor.u32 s31, s30;
	v44 =	vmul.f32 v60, v5;
	v32 =	vld [tilespmem:s26+$0x410];
	v26 =	vadd.f32 v59, v28  }
0x154: {  	v48 =	vmul.f32 v60, v7;
	v53 =	vmul.f32 v35, v6;
	v45 =	vld [tilespmem:s29+$0x8400];
	v39 =	vadd.f32 v23, v61  }
0x155: {  	v60 =	vmul.f32 v35, v8;
	v25 =	vadd.f32 v26, v25;
	v47 =	vmul.f32 v36, v44  }
0x156: {  	s26 =	sor.u32 $0x3800, s25;
	v33 =	vld [tilespmem:s29+$0x8410];
	v22 =	vadd.f32 v39, v40;
	s30 =	spop (v2sf);
	v52 =	vmul.f32 v36, v9;
	v55 =	vmul.f32 v27, v53  }
0x157: {  	v27 =	vmul.f32 v27, v10;
	v25 =	vadd.f32 v25, v42;
	s0 =	sor.u32 s30, s26;
	v50 =	vmul.f32 v41, v5  }
0x158: {  	v24 =	vmul.f32 v41, v7;
	v58 =	vmul.f32 v32, v6;
	v51 =	vld [tilespmem:s0+$0x400];
	v23 =	vadd.f32 v47, v48  }
0x159: {  	v22 =	vadd.f32 v22, v43;
	v57 =	vmul.f32 v45, v9;
	v59 =	vld [tilespmem:s0+$0x410];
	v48 =	vmul.f32 v32, v8  }
0x15a: {  	s29 =	sor.u32 $0x3C00, s25;
	s31 =	spop (v2sf);
	v32 =	vperm.xlane v15, v0;
	v25 =	vadd.f32 v25, v46;
	v23 =	vadd.f32 v23, v52  }
0x15b: {  	s28 =	sor.u32 s31, s29;
	v29 =	vmul.f32 v45, v50;
	v62 =	vmul.f32 v33, v58;
	v22 =	vadd.f32 v22, v31  }
0x15c: {  	s30 =	spop (v2sf);
	v37 =	vld [tilespmem:s28+$0x400];
	v52 =	vmul.f32 v33, v10;
	v23 =	vadd.f32 v23, v55;
	v55 =	vperm.xlane v13, v0  }
0x15d: {  	s25 =	sor.u32 s30, s26;
	v38 =	vld [tilespmem:s28+$0x410];
	v24 =	vadd.f32 v29, v24;
	v36 =	vperm.xlane v22, v0;
	v61 =	vmul.f32 v51, v5  }
0x15e: {  	v54 =	vld [tilespmem:s25+$0x8400];
	v25 =	vadd.f32 v25, v49;
	v34 =	vmul.f32 v51, v7;
	v45 =	vmul.f32 v59, v6  }
0x15f: {  	s31 =	spop (v2sf);
	v63 =	vld [tilespmem:s25+$0x8410];
	v24 =	vadd.f32 v24, v57;
	v50 =	vmul.f32 v59, v8;
	v57 =	vperm.xlane v17, v0  }
0x160: {  	s3 =	sor.u32 s31, s29;
	v59 =	vperm.xlane v16, v0;
	v35 =	vperm.xlane v25, v0  }
0x161: {  	v56 =	vld [tilespmem:s3+$0x8400];
	v39 =	vmul.f32 v37, v5;
	v37 =	vmul.f32 v37, v7  }
0x162: {  	v43 =	vld [tilespmem:s3+$0x8410];
	v46 =	vmul.f32 v38, v6;
	v51 =	vmul.f32 v38, v8  }
0x163: {  	v23 =	vadd.f32 v23, v60;
	v60 =	vperm.xlane v21, v0;
	v42 =	vmul.f32 v54, v61  }
0x164: {  	v24 =	vadd.f32 v24, v62;
	v31 =	vmul.f32 v54, v9;
	v47 =	vmul.f32 v63, v45  }
0x165: {  	v53 =	vmul.f32 v63, v10;
	v16 =	vsel vm3, v16, v57;
	v61 =	vperm.xlane v18, v0  }
0x166: {  	v17 =	vsel vm3, v59, v17;
	v63 =	vperm.xlane v20, v0;
	v44 =	vmul.f32 v56, v39  }
0x167: {  	v28 =	vmul.f32 v56, v9;
	v49 =	vmul.f32 v43, v46;
	v23 =	vadd.f32 v23, v27  }
0x168: {  	v54 =	vmul.f32 v43, v10;
	v56 =	vperm.xlane v12, v0;
	v62 =	vadd.f32 v17, v16  }
0x169: {  	v12 =	vsel vm3, v12, v55;
	v26 =	vadd.f32 v42, v34;
	v24 =	vadd.f32 v24, v48  }
0x16a: {  	v30 =	vsel vm3, v61, v21;
	v16 =	vsel vm3, v19, v63;
	v29 =	vadd.f32 v44, v37  }
0x16b: {  	v34 =	vperm.xlane v14, v0;
	v14 =	vsel vm3, v14, v32;
	v13 =	vsel vm3, v56, v13  }
0x16c: {  	v37 =	vsel vm3, v22, v35;
	v26 =	vadd.f32 v26, v31;
	v28 =	vadd.f32 v29, v28  }
0x16d: {  	v39 =	vperm.xlane v23, v0;
	v24 =	vadd.f32 v24, v52;
	v31 =	vperm.xlane v19, v0  }
0x16e: {  	v15 =	vsel vm3, v34, v15;
	v26 =	vadd.f32 v26, v47;
	v28 =	vadd.f32 v28, v49  }
0x16f: {  	v46 =	vperm.xlane v62, v1;
	v12 =	vadd.f32 v13, v12;
	v14 =	vadd.f32 v15, v14  }
0x170: {  	v33 =	vsel vm3, v31, v20;
	v26 =	vadd.f32 v26, v50;
	v28 =	vadd.f32 v28, v51  }
0x171: {  	v38 =	vperm.xlane v24, v0;
	v44 =	vsel vm3, v39, v24;
	v47 =	vperm.xlane v12, v1  }
0x172: {  	v12 =	vsel vm0, v12, v46;
	v26 =	vadd.f32 v26, v53;
	v58 =	vadd.f32 v28, v54  }
0x173: {  	v16 =	vadd.f32 v33, v16;
	v43 =	vsel vm3, v23, v38;
	v13 =	vsel vm0, v47, v62  }
0x174: {  	v28 =	vsel vm3, v18, v60;
	v42 =	vperm.xlane v26, v0;
	v40 =	vperm.xlane v58, v0  }
0x175: {  	v19 =	vadd.f32 v44, v43;
	v18 =	vsel vm3, v36, v25;
	v17 =	vadd.f32 v30, v28  }
0x176: {  	v41 =	vadd.f32 v18, v37;
	v18 =	vsel vm3, v42, v58;
	v45 =	vsel vm3, v26, v40  }
0x177: {  	v48 =	vperm.xlane v16, v1;
	v51 =	vperm.xlane v14, v1;
	v18 =	vadd.f32 v18, v45  }
0x178: {  	v12 =	vadd.f32 v13, v12;
	v49 =	vperm.xlane v17, v1;
	v50 =	vperm.xlane v41, v1  }
0x179: {  	v53 =	vperm.xlane v19, v1;
	v17 =	vsel vm0, v17, v48;
	v52 =	vperm.xlane v18, v1  }
0x17a: {  	v15 =	vsel vm0, v51, v41;
	v16 =	vsel vm0, v49, v16;
	v14 =	vsel vm0, v14, v50  }
0x17b: {  	v54 =	vadd.f32 v16, v17;
	v56 =	vsel vm0, v53, v18;
	v55 =	vsel vm0, v19, v52  }
0x17c: {  	v14 =	vadd.f32 v15, v14;
	v57 =	vadd.f32 v56, v55  }
0x17d: {  	v59 =	vperm.xlane v12, v2;
	v58 =	vperm.xlane v54, v2  }
0x17e: {  	v61 =	vperm.xlane v14, v2;
	v60 =	vperm.xlane v57, v2  }
0x17f: {  	v13 =	vsel vm1, v59, v54  }
0x180: {  	v12 =	vsel vm1, v12, v58;
	v15 =	vsel vm1, v61, v57;
	v14 =	vsel vm1, v14, v60  }
0x181: {  	v12 =	vadd.f32 v13, v12;
	v62 =	vadd.f32 v15, v14;
	_ =	sdelay $0x1  }
0x182: {  	v63 =	vperm.xlane v12, v3;
	v14 =	vperm.xlane v62, v3;
	_ =	sdelay $0x1  }
0x183: {  	v13 =	vsel vm2, v63, v62;
	v12 =	vsel vm2, v12, v14  }
0x184: {  	s24 =	sadd.s32 $0x1, s24;
	v12 =	vadd.f32 v13, v12  }
0x185: {  	p0 =	sne.s32 s24, $0x20  }
.Ltmp3:
0x186: {  	v12 =	vperm.xlane v12, v4;
	(pc) =	sbr.rel @!p0 .LBB2_8-.Ltmp3, $3  }
0x187: {  	_ = 	snop  }
0x188: {  	v12 =	vadd.f32 v12, v11;
	_ =	sdelay $0x1  }
0x189: {  	s21 =	sadd.s32 $0x10, s21;
	s22 =	sadd.s32 $0x10, s22;
	[tilespmem:s23+$0x0] =	vst v12;
	s23 =	sadd.s32 $0x10, s23  }
.LBB2_2:
0x18a: {  	p0 =	seq.s32 s24, $0x1F  }
.Ltmp4:
0x18b: {  	_ = 	snop;
	(pc) =	sbr.rel @p0 .LBB2_6-.Ltmp4, $2  }
0x18c: {  	_ =	sdelay $0x2  }
0x18d: {  	s25 =	sand.u32 $0x1, s24  }
0x18e: {  	v12 =	vld [tilespmem:s22+$0x0]  }
0x18f: {  	v13 =	vld [tilespmem:s21+$0x0];
	_ =	sdelay $0x3  }
0x190: {  	v12 =	vshra.s32 v12, $0x3  }
0x191: {  	v14 =	vshra.s32 v13, $0x3;
	v13 =	vshll.u32 v12, $0x7  }
0x192: {  	v12 =	vshll.u32 v14, $0x7;
	(v2sf) =	vpush v13, $0x0  }
0x193: {  	(v2sf) =	vpush v12, $0x0  }
0x194: {  	(v2sf) =	vpush v13, $0x1  }
0x195: {  	(v2sf) =	vpush v12, $0x1  }
0x196: {  	(v2sf) =	vpush v13, $0x2  }
0x197: {  	(v2sf) =	vpush v12, $0x2;
	_ =	sdelay $0x9  }
0x198: {  	s0 =	spop (v2sf)  }
0x199: {  	s26 =	spop (v2sf)  }
0x19a: {  	p0 =	seq.s32 s25, $0x1;
	s0 =	sand.u32 $0x1FFFFF80, s0;
	s28 =	spop (v2sf)  }
.Ltmp5:
0x19b: {  	s0 =	sadd.s32 s4, s0;
	s29 =	spop (v2sf);
	(pc) =	sbr.rel @p0 .LBB2_5-.Ltmp5, $4  }
0x19c: {  	s26 =	sand.u32 $0x1FFFFF80, s26;
	s28 =	sand.u32 $0x1FFFFF80, s28;
	s31 =	spop (v2sf)  }
0x19d: {  	s30 =	sadd.s32 s5, s26;
	s28 =	sadd.s32 s4, s28;
	s26 =	spop (v2sf)  }
0x19e: {  	s29 =	sand.u32 $0x1FFFFF80, s29;
	s3 =	sand.u32 $0x1FFFFF80, s31;
	s26 =	sand.u32 $0x1FFFFF80, s26  }
0x19f: {  	s31 =	sadd.s32 s5, s29;
	s29 =	sadd.s32 s4, s3;
	s26 =	sadd.s32 s5, s26  }
0x1a0: {  	(v2sf) =	vpush v13, $0x3;
	_ =	sdelay $0x1  }
0x1a1: {  	(v2sf) =	vpush v12, $0x3;
	_ =	sdelay $0x3  }
0x1a2: {  	(v2sf) =	vpush v13, $0x4;
	_ =	sdelay $0x2  }
0x1a3: {  	s3 =	simm.s32 $0x4400;
	(v2sf) =	vpush v12, $0x4  }
0x1a4: {  	[tilespmem:s3], [sflag:$0x2] =	stream.linear.gather [hbm4b:s0+s2], $0x400, $0x38;
	[tilespmem:$0x10680] =	vst v63  }
0x1a5: {  	s3 =	simm.s32 $0xC400  }
0x1a6: {  	[tilespmem:s3], [sflag:$0x2] =	stream.linear.gather [hbm4b:s30+s2], $0x400, $0x38;
	[tilespmem:$0x10680] =	vst v63  }
0x1a7: {  	s3 =	simm.s32 $0x4800  }
0x1a8: {  	[tilespmem:s3], [sflag:$0x2] =	stream.linear.gather [hbm4b:s28+s2], $0x400, $0x38;
	[tilespmem:$0x10680] =	vst v63  }
0x1a9: {  	s30 =	simm.s32 $0xC800;
	s28 =	spop (v2sf);
	(v2sf) =	vpush v13, $0x5  }
0x1aa: {  	[tilespmem:s30], [sflag:$0x2] =	stream.linear.gather [hbm4b:s31+s2], $0x400, $0x38;
	[tilespmem:$0x10680] =	vst v63  }
0x1ab: {  	s31 =	simm.s32 $0x4C00;
	s30 =	spop (v2sf);
	(v2sf) =	vpush v12, $0x5  }
0x1ac: {  	[tilespmem:s31], [sflag:$0x2] =	stream.linear.gather [hbm4b:s29+s2], $0x400, $0x38;
	[tilespmem:$0x10680] =	vst v63  }
0x1ad: {  	s3 =	simm.s32 $0xCC00  }
0x1ae: {  	[tilespmem:s3], [sflag:$0x2] =	stream.linear.gather [hbm4b:s26+s2], $0x400, $0x38;
	[tilespmem:$0x10680] =	vst v63  }
0x1af: {  	s3 =	spop (v2sf);
	(v2sf) =	vpush v13, $0x6;
	_ =	sdelay $0x2  }
0x1b0: {  	s0 =	sand.u32 $0x1FFFFF80, s28;
	s28 =	spop (v2sf);
	(v2sf) =	vpush v12, $0x6;
	_ =	sdelay $0x2  }
0x1b1: {  	s29 =	simm.s32 $0x5000;
	s0 =	sadd.s32 s4, s0  }
0x1b2: {  	[tilespmem:s29], [sflag:$0x2] =	stream.linear.gather [hbm4b:s0+s2], $0x400, $0x38;
	[tilespmem:$0x10680] =	vst v63  }
0x1b3: {  	s0 =	sand.u32 $0x1FFFFF80, s30  }
0x1b4: {  	s31 =	simm.s32 $0xD000;
	s0 =	sadd.s32 s5, s0;
	s30 =	spop (v2sf);
	(v2sf) =	vpush v13, $0x7  }
0x1b5: {  	[tilespmem:s31], [sflag:$0x2] =	stream.linear.gather [hbm4b:s0+s2], $0x400, $0x38;
	[tilespmem:$0x10680] =	vst v63  }
0x1b6: {  	s0 =	sand.u32 $0x1FFFFF80, s3;
	s3 =	spop (v2sf);
	(v2sf) =	vpush v12, $0x7;
	_ =	sdelay $0x1  }
0x1b7: {  	s26 =	simm.s32 $0x5400;
	s0 =	sadd.s32 s4, s0  }
0x1b8: {  	[tilespmem:s26], [sflag:$0x2] =	stream.linear.gather [hbm4b:s0+s2], $0x400, $0x38;
	[tilespmem:$0x10680] =	vst v63  }
0x1b9: {  	s0 =	sand.u32 $0x1FFFFF80, s28;
	s28 =	spop (v2sf);
	(v2sf) =	vpush v13, $0x8  }
0x1ba: {  	s29 =	simm.s32 $0xD400;
	s0 =	sadd.s32 s5, s0  }
0x1bb: {  	[tilespmem:s29], [sflag:$0x2] =	stream.linear.gather [hbm4b:s0+s2], $0x400, $0x38;
	[tilespmem:$0x10680] =	vst v63  }
0x1bc: {  	s0 =	sand.u32 $0x1FFFFF80, s30;
	s30 =	spop (v2sf);
	(v2sf) =	vpush v12, $0x8;
	_ =	sdelay $0x2  }
0x1bd: {  	s31 =	simm.s32 $0x5800;
	s0 =	sadd.s32 s4, s0  }
0x1be: {  	[tilespmem:s31], [sflag:$0x2] =	stream.linear.gather [hbm4b:s0+s2], $0x400, $0x38;
	[tilespmem:$0x10680] =	vst v63  }
0x1bf: {  	s0 =	sand.u32 $0x1FFFFF80, s3  }
0x1c0: {  	s26 =	simm.s32 $0xD800;
	s0 =	sadd.s32 s5, s0;
	s3 =	spop (v2sf);
	(v2sf) =	vpush v13, $0x9  }
0x1c1: {  	[tilespmem:s26], [sflag:$0x2] =	stream.linear.gather [hbm4b:s0+s2], $0x400, $0x38;
	[tilespmem:$0x10680] =	vst v63  }
0x1c2: {  	s0 =	sand.u32 $0x1FFFFF80, s28;
	s28 =	spop (v2sf);
	(v2sf) =	vpush v12, $0x9;
	_ =	sdelay $0x1  }
0x1c3: {  	s29 =	simm.s32 $0x5C00;
	s0 =	sadd.s32 s4, s0  }
0x1c4: {  	[tilespmem:s29], [sflag:$0x2] =	stream.linear.gather [hbm4b:s0+s2], $0x400, $0x38;
	[tilespmem:$0x10680] =	vst v63  }
0x1c5: {  	s0 =	sand.u32 $0x1FFFFF80, s30;
	s30 =	spop (v2sf);
	(v2sf) =	vpush v13, $0xA  }
0x1c6: {  	s31 =	simm.s32 $0xDC00;
	s0 =	sadd.s32 s5, s0  }
0x1c7: {  	[tilespmem:s31], [sflag:$0x2] =	stream.linear.gather [hbm4b:s0+s2], $0x400, $0x38;
	[tilespmem:$0x10680] =	vst v63  }
0x1c8: {  	s0 =	sand.u32 $0x1FFFFF80, s3;
	s3 =	spop (v2sf);
	(v2sf) =	vpush v12, $0xA;
	_ =	sdelay $0x2  }
0x1c9: {  	s26 =	simm.s32 $0x6000;
	s0 =	sadd.s32 s4, s0  }
0x1ca: {  	[tilespmem:s26], [sflag:$0x2] =	stream.linear.gather [hbm4b:s0+s2], $0x400, $0x38;
	[tilespmem:$0x10680] =	vst v63  }
0x1cb: {  	s0 =	sand.u32 $0x1FFFFF80, s28  }
0x1cc: {  	s29 =	simm.s32 $0xE000;
	s0 =	sadd.s32 s5, s0;
	s28 =	spop (v2sf);
	(v2sf) =	vpush v13, $0xB  }
0x1cd: {  	[tilespmem:s29], [sflag:$0x2] =	stream.linear.gather [hbm4b:s0+s2], $0x400, $0x38;
	[tilespmem:$0x10680] =	vst v63  }
0x1ce: {  	s0 =	sand.u32 $0x1FFFFF80, s30;
	s30 =	spop (v2sf);
	(v2sf) =	vpush v12, $0xB  }
0x1cf: {  	s31 =	simm.s32 $0x6400;
	s0 =	sadd.s32 s4, s0  }
0x1d0: {  	[tilespmem:s31], [sflag:$0x2] =	stream.linear.gather [hbm4b:s0+s2], $0x400, $0x38;
	[tilespmem:$0x10680] =	vst v63  }
0x1d1: {  	s0 =	sand.u32 $0x1FFFFF80, s3  }
0x1d2: {  	s26 =	simm.s32 $0xE400;
	s0 =	sadd.s32 s5, s0;
	s3 =	spop (v2sf);
	(v2sf) =	vpush v13, $0xC  }
0x1d3: {  	[tilespmem:s26], [sflag:$0x2] =	stream.linear.gather [hbm4b:s0+s2], $0x400, $0x38;
	[tilespmem:$0x10680] =	vst v63  }
0x1d4: {  	s0 =	sand.u32 $0x1FFFFF80, s28  }
0x1d5: {  	s29 =	simm.s32 $0x6800;
	s0 =	sadd.s32 s4, s0;
	s28 =	spop (v2sf);
	(v2sf) =	vpush v12, $0xC  }
0x1d6: {  	[tilespmem:s29], [sflag:$0x2] =	stream.linear.gather [hbm4b:s0+s2], $0x400, $0x38;
	[tilespmem:$0x10680] =	vst v63  }
0x1d7: {  	s0 =	sand.u32 $0x1FFFFF80, s30  }
0x1d8: {  	s31 =	simm.s32 $0xE800;
	s0 =	sadd.s32 s5, s0  }
0x1d9: {  	[tilespmem:s31], [sflag:$0x2] =	stream.linear.gather [hbm4b:s0+s2], $0x400, $0x38;
	[tilespmem:$0x10680] =	vst v63  }
0x1da: {  	s0 =	sand.u32 $0x1FFFFF80, s3  }
0x1db: {  	s26 =	simm.s32 $0x6C00;
	s0 =	sadd.s32 s4, s0;
	s30 =	spop (v2sf);
	(v2sf) =	vpush v13, $0xD  }
0x1dc: {  	[tilespmem:s26], [sflag:$0x2] =	stream.linear.gather [hbm4b:s0+s2], $0x400, $0x38;
	[tilespmem:$0x10680] =	vst v63  }
0x1dd: {  	s0 =	sand.u32 $0x1FFFFF80, s28;
	s3 =	spop (v2sf);
	(v2sf) =	vpush v12, $0xD  }
0x1de: {  	s29 =	simm.s32 $0xEC00;
	s0 =	sadd.s32 s5, s0  }
0x1df: {  	[tilespmem:s29], [sflag:$0x2] =	stream.linear.gather [hbm4b:s0+s2], $0x400, $0x38;
	[tilespmem:$0x10680] =	vst v63  }
0x1e0: {  	s0 =	sand.u32 $0x1FFFFF80, s30  }
0x1e1: {  	s31 =	simm.s32 $0x7000;
	s0 =	sadd.s32 s4, s0;
	s28 =	spop (v2sf)  }
0x1e2: {  	(v2sf) =	vpush v13, $0xE;
	[tilespmem:s31], [sflag:$0x2] =	stream.linear.gather [hbm4b:s0+s2], $0x400, $0x38;
	[tilespmem:$0x10680] =	vst v63  }
0x1e3: {  	s0 =	sand.u32 $0x1FFFFF80, s3  }
0x1e4: {  	s26 =	simm.s32 $0xF000;
	s30 =	spop (v2sf);
	s0 =	sadd.s32 s5, s0  }
0x1e5: {  	(v2sf) =	vpush v12, $0xE;
	[tilespmem:s26], [sflag:$0x2] =	stream.linear.gather [hbm4b:s0+s2], $0x400, $0x38;
	[tilespmem:$0x10680] =	vst v63  }
0x1e6: {  	s0 =	sand.u32 $0x1FFFFF80, s28  }
0x1e7: {  	s29 =	simm.s32 $0x7400;
	s0 =	sadd.s32 s4, s0  }
0x1e8: {  	[tilespmem:s29], [sflag:$0x2] =	stream.linear.gather [hbm4b:s0+s2], $0x400, $0x38;
	[tilespmem:$0x10680] =	vst v63  }
0x1e9: {  	s0 =	sand.u32 $0x1FFFFF80, s30  }
0x1ea: {  	s31 =	simm.s32 $0xF400;
	s0 =	sadd.s32 s5, s0;
	s3 =	spop (v2sf);
	(v2sf) =	vpush v13, $0xF  }
0x1eb: {  	[tilespmem:s31], [sflag:$0x2] =	stream.linear.gather [hbm4b:s0+s2], $0x400, $0x38;
	[tilespmem:$0x10680] =	vst v63  }
0x1ec: {  	s28 =	spop (v2sf);
	(v2sf) =	vpush v12, $0xF  }
0x1ed: {  	s0 =	sand.u32 $0x1FFFFF80, s3  }
0x1ee: {  	s26 =	simm.s32 $0x7800;
	s0 =	sadd.s32 s4, s0  }
0x1ef: {  	[tilespmem:s26], [sflag:$0x2] =	stream.linear.gather [hbm4b:s0+s2], $0x400, $0x38;
	[tilespmem:$0x10680] =	vst v63  }
0x1f0: {  	s0 =	sand.u32 $0x1FFFFF80, s28  }
0x1f1: {  	s29 =	simm.s32 $0xF800;
	s30 =	spop (v2sf);
	s0 =	sadd.s32 s5, s0  }
0x1f2: {  	[tilespmem:s29], [sflag:$0x2] =	stream.linear.gather [hbm4b:s0+s2], $0x400, $0x38;
	[tilespmem:$0x10680] =	vst v63  }
0x1f3: {  	s0 =	sand.u32 $0x1FFFFF80, s30  }
0x1f4: {  	s31 =	simm.s32 $0x7C00;
	s3 =	spop (v2sf);
	s0 =	sadd.s32 s4, s0  }
0x1f5: {  	[tilespmem:s31], [sflag:$0x2] =	stream.linear.gather [hbm4b:s0+s2], $0x400, $0x38;
	[tilespmem:$0x10680] =	vst v63  }
0x1f6: {  	s0 =	sand.u32 $0x1FFFFF80, s3  }
0x1f7: {  	s26 =	simm.s32 $0xFC00;
	s0 =	sadd.s32 s5, s0  }
0x1f8: {  	[tilespmem:s26], [sflag:$0x2] =	stream.linear.gather [hbm4b:s0+s2], $0x400, $0x38;
	[tilespmem:$0x10680] =	vst v63  }
0x1f9: {  	s28 =	spop (v2sf)  }
0x1fa: {  	s0 =	sand.u32 $0x1FFFFF80, s28  }
0x1fb: {  	s29 =	simm.s32 $0x8000;
	s30 =	spop (v2sf);
	s0 =	sadd.s32 s4, s0  }
0x1fc: {  	[tilespmem:s29], [sflag:$0x2] =	stream.linear.gather [hbm4b:s0+s2], $0x400, $0x38;
	[tilespmem:$0x10680] =	vst v63  }
0x1fd: {  	s0 =	sand.u32 $0x1FFFFF80, s30  }
0x1fe: {  	s31 =	simm.s32 $0x10000;
	s0 =	sadd.s32 s5, s0  }
0x1ff: {  	[tilespmem:s31], [sflag:$0x2] =	stream.linear.gather [hbm4b:s0+s2], $0x400, $0x38;
	[tilespmem:$0x10680] =	vst v63  }
0x200: {  	p0 =	seq.s32 s25, $0x0;
	_ =	swait.ge [sflag:s19], $0x4000  }
.Ltmp6:
0x201: {  	[sflag:s19] =	ssyncset.done $0x0;
	(pc) =	sbr.rel @p0 .LBB2_7-.Ltmp6, $4  }
.Ltmp7:
0x202: {  	[sflag:s19] =	ssyncadd.s32 $0xFFFFC000;
	(pc) =	sbr.rel @!p0 .LBB2_6-.Ltmp7, $4  }
0x203: {  	_ =	swait.ge [sflag:s19], $0x4000  }
0x204: {  	[sflag:s19] =	ssyncset.done $0x0  }
0x205: {  	[sflag:s19] =	ssyncadd.s32 $0xFFFFC000  }
0x206: {  	_ = 	snop  }
.LBB2_9:
0x207: {  	_ =	sfence.sel $0x180000  }
0x208: {  	[bflag:$0x0] =	sbarrier.arrive $0xFFFF  }
0x209: {  	_ =	strace $0x90000047  }
0x20a: {  	s0 =	stileid.u32;
	[bflag:$0x2] =	sbarrier.arrive $0xFFFF  }
0x20b: {  	p0 =	sne.s32 s0, $0x0;
	s0 =	rddreg [dreg:$0x5]  }
0x20c: {  	s0 =	sadd.s32 @!p0 $0x100000, s0  }
0x20d: {  	[sflag:s0] =	ssyncadd.tile.s32 @!p0 $0x1;
	_ =	shalt  }
.Lfunc_end2:
_tile_overlayer_lowered:
.L_overlay_start_2:
0x20e: {  	(tag) =	ssettag $0x2  }
0x20f: {  	s0 =	rddreg [dreg:$0x0];
	s2 =	stileid.u32  }
0x210: {  	s1 =	rddreg [dreg:$0x1];
	p0 =	sne.s32 s2, $0x0  }
0x211: {  	s3 =	rddreg [dreg:$0x2];
	[bflag:$0x3] =	sbarrier.arrive $0xFFFF;
	s2 =	simm.s32 @!p0 $0x1C03  }
0x212: {  	[timem:s3], [sflag:s2] =	dma.local @!p0 [hbm:s0], s1  }
0x213: {  	s0 =	simm.s32 @!p0 $0x3  }
0x214: {  	_ =	swait.ge @!p0 [sflag:s0], s1  }
0x215: {  	s1 =	ssub.s32 @!p0 $0x0, s1;
	[sflag:s0] =	ssyncset.done @!p0 $0x0  }
0x216: {  	[sflag:s0] =	ssyncadd.s32 @!p0 s1  }
0x217: {  	[bflag:$0x3] =	sbarrier.arrive $0xFFFF  }
0x218: {  	_ =	shalt  }

</sc_bundles>
